<compile_context>
chip_gen: v7x
topology: tpu7x:2x2x1
jax: 0.10.2.dev20260603
libtpu: 0.0.44.dev20260713+nightly
codegen_flags: <defaults>
</compile_context>

<pallas_src>
import jax
import jax.numpy as jnp
from jax import lax
from jax.experimental import pallas as pl
from jax.experimental.pallas import tpu as pltpu
from jax.experimental.pallas import tpu_sc as plsc

N = 10000
E = 320000
D = 128
NC, NS, L = 2, 16, 16
NW = NC * NS
N_PAD = 10240
E_PER_W = 10240
E_PAD = NW * E_PER_W
CHUNK = 128
CH_PER_W = E_PER_W // CHUNK
CH_GRP = 16
N_GRP = CH_PER_W // CH_GRP
ROWS_PER_TILE = N_PAD // NS

_mesh = plsc.VectorSubcoreMesh(
    core_axis_name="c", subcore_axis_name="s", num_cores=NC, num_subcores=NS)
_sc_params = pltpu.CompilerParams(needs_layout_passes=False)


E_REAL_W = E // NW


def _degree_body(src_hbm, dst_hbm, degs_hbm, degd_hbm, idx_s, idx_d, hist_s, hist_d):
    c = lax.axis_index("c")
    s = lax.axis_index("s")
    wid = c * NS + s
    ones = jnp.ones((L,), jnp.float32)

    def zero(i, _):
        hist_s[pl.ds(i * L, L)] = jnp.zeros((L,), jnp.float32)
        hist_d[pl.ds(i * L, L)] = jnp.zeros((L,), jnp.float32)
        return 0
    lax.fori_loop(0, N_PAD // L, zero, 0, unroll=4)

    pltpu.sync_copy(src_hbm.at[pl.ds(wid * E_REAL_W, E_REAL_W)], idx_s)
    pltpu.sync_copy(dst_hbm.at[pl.ds(wid * E_REAL_W, E_REAL_W)], idx_d)

    def hist(j, _):
        vs = idx_s[pl.ds(j * L, L)]
        plsc.addupdate_scatter(hist_s, [vs], ones)
        vd = idx_d[pl.ds(j * L, L)]
        plsc.addupdate_scatter(hist_d, [vd], ones)
        return 0
    lax.fori_loop(0, E_REAL_W // L, hist, 0, unroll=4)

    pltpu.sync_copy(hist_s, degs_hbm.at[wid])
    pltpu.sync_copy(hist_d, degd_hbm.at[wid])


_degree_call = pl.kernel(
    _degree_body,
    out_type=[jax.ShapeDtypeStruct((NW, N_PAD), jnp.float32),
              jax.ShapeDtypeStruct((NW, N_PAD), jnp.float32)],
    mesh=_mesh,
    scratch_types=[pltpu.VMEM((E_REAL_W,), jnp.int32),
                   pltpu.VMEM((E_REAL_W,), jnp.int32),
                   pltpu.VMEM((N_PAD,), jnp.float32),
                   pltpu.VMEM((N_PAD,), jnp.float32)],
    compiler_params=_sc_params,
)


def _scatter_body(xs_hbm, src2_hbm, dst2_hbm, part_hbm,
                  isa0, ida0, isa1, ida1, buf0, buf1, zbuf, shared,
                  sem0, sem1, isem0, isem1, zsem):
    c = lax.axis_index("c")
    s = lax.axis_index("s")
    wid = c * NS + s
    base_ch = wid * CH_PER_W

    for r in range(L):
        for l in range(D // L):
            zbuf[r, pl.ds(l * L, L)] = jnp.zeros((L,), jnp.float32)

    def zfire(i, _):
        pltpu.async_copy(zbuf, shared.at[pl.ds(s * ROWS_PER_TILE + i * L, L)], zsem)
        return 0
    lax.fori_loop(0, ROWS_PER_TILE // L, zfire, 0)

    def load_idx(g, bs, bd, sem):
        pltpu.async_copy(src2_hbm.at[pl.ds(base_ch + g * CH_GRP, CH_GRP)], bs, sem)
        pltpu.async_copy(dst2_hbm.at[pl.ds(base_ch + g * CH_GRP, CH_GRP)], bd, sem)

    def wait_idx(bs, bd, sem):
        pltpu.make_async_copy(src2_hbm.at[pl.ds(0, CH_GRP)], bs, sem).wait()
        pltpu.make_async_copy(src2_hbm.at[pl.ds(0, CH_GRP)], bd, sem).wait()

    load_idx(0, isa0, ida0, isem0)

    def zdrain(i, _):
        pltpu.make_async_copy(xs_hbm.at[pl.ds(0, L)], zbuf, zsem).wait()
        return 0
    lax.fori_loop(0, ROWS_PER_TILE // L, zdrain, 0)
    plsc.subcore_barrier()

    def proc(bs, bd):
        pltpu.async_copy(xs_hbm.at[bs.at[0]], buf0, sem0)

        def edges(j, _):
            pltpu.async_copy(xs_hbm.at[bs.at[2 * j + 1]], buf1, sem1)
            pltpu.make_async_copy(xs_hbm.at[pl.ds(0, CHUNK)], buf0, sem0).wait()
            pltpu.sync_copy(buf0, shared.at[bd.at[2 * j]], add=True)

            @pl.when(j < CH_GRP // 2 - 1)
            def _():
                pltpu.async_copy(xs_hbm.at[bs.at[2 * j + 2]], buf0, sem0)
            pltpu.make_async_copy(xs_hbm.at[pl.ds(0, CHUNK)], buf1, sem1).wait()
            pltpu.sync_copy(buf1, shared.at[bd.at[2 * j + 1]], add=True)
            return 0
        lax.fori_loop(0, CH_GRP // 2, edges, 0)

    def gpair(gp, _):
        load_idx(2 * gp + 1, isa1, ida1, isem1)
        wait_idx(isa0, ida0, isem0)
        proc(isa0, ida0)
        load_idx(2 * gp + 2, isa0, ida0, isem0)
        wait_idx(isa1, ida1, isem1)
        proc(isa1, ida1)
        return 0
    lax.fori_loop(0, (N_GRP - 1) // 2, gpair, 0)
    wait_idx(isa0, ida0, isem0)
    proc(isa0, ida0)
    plsc.subcore_barrier()

    pltpu.sync_copy(shared.at[pl.ds(s * ROWS_PER_TILE, ROWS_PER_TILE)],
                    part_hbm.at[c].at[pl.ds(s * ROWS_PER_TILE, ROWS_PER_TILE)])


_scatter_call = pl.kernel(
    _scatter_body,
    out_type=jax.ShapeDtypeStruct((NC, N_PAD, D), jnp.float32),
    mesh=_mesh,
    scratch_types=[pltpu.VMEM((CH_GRP, CHUNK), jnp.int32),
                   pltpu.VMEM((CH_GRP, CHUNK), jnp.int32),
                   pltpu.VMEM((CH_GRP, CHUNK), jnp.int32),
                   pltpu.VMEM((CH_GRP, CHUNK), jnp.int32),
                   pltpu.VMEM((CHUNK, D), jnp.float32),
                   pltpu.VMEM((CHUNK, D), jnp.float32),
                   pltpu.VMEM((L, D), jnp.float32),
                   pltpu.VMEM_SHARED((N_PAD, D), jnp.float32),
                   pltpu.SemaphoreType.DMA,
                   pltpu.SemaphoreType.DMA,
                   pltpu.SemaphoreType.DMA,
                   pltpu.SemaphoreType.DMA,
                   pltpu.SemaphoreType.DMA],
    compiler_params=_sc_params,
)


def _norms_body(hs_ref, hd_ref, ns_ref, nd_ref):
    ds_ = jnp.sum(hs_ref[...], axis=0)
    dd = jnp.sum(hd_ref[...], axis=0)
    ns_ref[...] = jnp.where(ds_ > 0, lax.rsqrt(jnp.maximum(ds_, 1.0)), 0.0)
    nd_ref[...] = jnp.where(dd > 0, lax.rsqrt(jnp.maximum(dd, 1.0)), 0.0)


_norms_call = pl.pallas_call(
    _norms_body,
    out_shape=[jax.ShapeDtypeStruct((N_PAD,), jnp.float32),
               jax.ShapeDtypeStruct((N_PAD,), jnp.float32)],
)


def _matmul_body(h_ref, w_ref, x_ref):
    x_ref[...] = jnp.dot(h_ref[...], w_ref[...],
                         preferred_element_type=jnp.float32)


_matmul_call = pl.pallas_call(
    _matmul_body,
    out_shape=jax.ShapeDtypeStruct((N, D), jnp.float32),
)


def _scale_body(x_ref, hs_ref, xs_ref):
    ds_ = jnp.sum(hs_ref[...], axis=0)
    ns = jnp.where(ds_ > 0, lax.rsqrt(jnp.maximum(ds_, 1.0)), 0.0)
    ns_col = ns[0:N].reshape(N, 1)
    xs_ref[0:N, :] = x_ref[...] * ns_col
    xs_ref[N:, :] = jnp.zeros((N_PAD - N, D), jnp.float32)


_scale_call = pl.pallas_call(
    _scale_body,
    out_shape=jax.ShapeDtypeStruct((N_PAD, D), jnp.float32),
)


def _post(p_ref, nd_ref, sn_ref, b_ref, g_ref, be_ref, h_prev):
    agg = p_ref[0, 0:N, :] + p_ref[1, 0:N, :]
    x = agg * nd_ref[0:N, :] + b_ref[...]
    x = x * sn_ref[...]
    mean = jnp.mean(x, axis=0)
    var = jnp.mean((x - mean) ** 2, axis=0)
    x = (x - mean) * lax.rsqrt(var + 1e-5) * g_ref[...] + be_ref[...]
    return h_prev + jnp.maximum(x, 0.0)


def _mid_body(p_ref, nd_ref, sn_ref, b_ref, g_ref, be_ref, h0_ref, ns_ref,
              w1_ref, xs1_ref, h1_ref):
    h1 = _post(p_ref, nd_ref, sn_ref, b_ref, g_ref, be_ref, h0_ref[...])
    h1_ref[...] = h1
    x1 = jnp.dot(h1, w1_ref[...], preferred_element_type=jnp.float32)
    xs1_ref[0:N, :] = x1 * ns_ref[0:N, :]
    xs1_ref[N:, :] = jnp.zeros((N_PAD - N, D), jnp.float32)


_mid_call = pl.pallas_call(
    _mid_body,
    out_shape=[jax.ShapeDtypeStruct((N_PAD, D), jnp.float32),
               jax.ShapeDtypeStruct((N, D), jnp.float32)],
)


def _final_body(p_ref, nd_ref, sn_ref, b_ref, g_ref, be_ref, h1_ref, hg_ref):
    h2 = _post(p_ref, nd_ref, sn_ref, b_ref, g_ref, be_ref, h1_ref[...])
    hg_ref[...] = jnp.mean(h2, axis=0, keepdims=True)


_final_call = pl.pallas_call(
    _final_body,
    out_shape=jax.ShapeDtypeStruct((1, D), jnp.float32),
)


def kernel(nodes_feat, edge_index, edges_feat, nodes_num_norm_sqrt,
           edges_num_norm_sqrt, W0, b0, gamma0, beta0, W1, b1, gamma1, beta1):
    del edges_feat, edges_num_norm_sqrt
    src = edge_index[0]
    dst = edge_index[1]
    n_pad_w = E_PER_W - E // NW
    padv = (N + jnp.arange(NW * n_pad_w, dtype=jnp.int32) % (N_PAD - N)
            ).reshape(NW, n_pad_w)
    src2 = jnp.concatenate([src.reshape(NW, E // NW), padv],
                           axis=1).reshape(NW * CH_PER_W, CHUNK)
    dst2 = jnp.concatenate([dst.reshape(NW, E // NW), padv],
                           axis=1).reshape(NW * CH_PER_W, CHUNK)

    degs, degd = _degree_call(src, dst)
    x0 = _matmul_call(nodes_feat, W0)
    ns, nd = _norms_call(degs, degd)
    ns_col = ns.reshape(N_PAD, 1)
    nd_col = nd.reshape(N_PAD, 1)

    xs0 = _scale_call(x0, degs)
    part0 = _scatter_call(xs0, src2, dst2)
    xs1, h1 = _mid_call(part0, nd_col, nodes_num_norm_sqrt, b0, gamma0, beta0,
                        nodes_feat, ns_col, W1)
    part1 = _scatter_call(xs1, src2, dst2)
    return _final_call(part1, nd_col, nodes_num_norm_sqrt, b1, gamma1, beta1, h1)

# --- scband reference (transcript-rebuilt; emitter-appended) ---
"""Pipeline reference for scband-gcnnet1-7129645711574 (READ-ONLY COPY).

The authoritative reference and input builder live on the scoring server;
editing this copy changes nothing except your own understanding.
"""

import jax, jax.numpy as jnp
import numpy as np

N_NODES = 10000
N_EDGES = 320000
IN_DIM = 128
HIDDEN_DIMS = [128, 128]
D_EDGE = 4


def setup_inputs(seed: int = 0) -> dict:
    key = jax.random.key(seed)
    ks = jax.random.split(key, 16)
    inp = {}
    inp["nodes_feat"] = jax.random.normal(ks[0], (N_NODES, IN_DIM), dtype=jnp.float32)
    inp["edge_index"] = jax.random.randint(ks[1], (2, N_EDGES), 0, N_NODES, dtype=jnp.int32)
    inp["edges_feat"] = jax.random.normal(ks[2], (N_EDGES, D_EDGE), dtype=jnp.float32)
    inp["nodes_num_norm_sqrt"] = jax.random.uniform(ks[3], (N_NODES, 1), dtype=jnp.float32)
    inp["edges_num_norm_sqrt"] = jax.random.uniform(ks[4], (N_EDGES, 1), dtype=jnp.float32)
    # learned params: per GCN layer -> W, b (GraphConv) and gamma, beta (BatchNorm)
    d_in = IN_DIM
    for li, d_out in enumerate(HIDDEN_DIMS):
        kw = jax.random.fold_in(key, 100 + li)
        scale = 1.0 / np.sqrt(d_in)
        inp[f"W{li}"] = jax.random.uniform(kw, (d_in, d_out), dtype=jnp.float32, minval=-scale, maxval=scale)
        inp[f"b{li}"] = jnp.zeros((d_out,), dtype=jnp.float32)
        inp[f"gamma{li}"] = jnp.ones((d_out,), dtype=jnp.float32)
        inp[f"beta{li}"] = jnp.zeros((d_out,), dtype=jnp.float32)
        d_in = d_out
    return inp


def _gcn_layer(h, src, dst, snorm_n, W, b, gamma, beta):
    # DGL GraphConv with norm='both': D^{-1/2} A D^{-1/2} X W + b
    n = h.shape[0]
    ones = jnp.ones((src.shape[0],), dtype=h.dtype)
    deg_out = jnp.zeros((n,), dtype=h.dtype).at[src].add(ones)
    deg_in = jnp.zeros((n,), dtype=h.dtype).at[dst].add(ones)
    norm_src = jnp.where(deg_out > 0, jax.lax.rsqrt(jnp.maximum(deg_out, 1.0)), 0.0)[:, None]
    norm_dst = jnp.where(deg_in > 0, jax.lax.rsqrt(jnp.maximum(deg_in, 1.0)), 0.0)[:, None]
    h_in = h
    x = h @ W
    msg = jnp.take(x * norm_src, src, axis=0)           # gather
    agg = jnp.zeros_like(x).at[dst].add(msg)            # scatter-add
    x = agg * norm_dst + b
    # graph norm
    x = x * snorm_n
    # batch norm (batch statistics over nodes, training-mode)
    mean = jnp.mean(x, axis=0)
    var = jnp.var(x, axis=0)
    x = (x - mean) * jax.lax.rsqrt(var + 1e-5) * gamma + beta
    # activation
    x = jax.nn.relu(x)
    # residual (only when dims match, as in benchmarking-gnns GCNLayer)
    if h_in.shape[-1] == x.shape[-1]:
        x = h_in + x
    return x


def reference(nodes_feat, edge_index, edges_feat, nodes_num_norm_sqrt, edges_num_norm_sqrt,
              W0, b0, gamma0, beta0, W1, b1, gamma1, beta1):
    src = edge_index[0]
    dst = edge_index[1]
    h = nodes_feat
    h = _gcn_layer(h, src, dst, nodes_num_norm_sqrt, W0, b0, gamma0, beta0)
    h = _gcn_layer(h, src, dst, nodes_num_norm_sqrt, W1, b1, gamma1, beta1)
    # readout 'mean' over the (single) graph's nodes
    hg = jnp.mean(h, axis=0, keepdims=True)
    return hg

if __name__ == "__main__":
    import jax
    _d = setup_inputs()
    print(jax.jit(kernel)(*tuple(_d.values())))

</pallas_src>

<mosaic_0001>
#map = affine_map<(d0, d1) -> (0)>
#map1 = affine_map<(d0, d1) -> (0, 0)>
module attributes {stable_mosaic.version = 14 : i64} {
  func.func @_degree_body(%arg0: i32, %arg1: i32, %arg2: memref<320000xi32, #tpu.memory_space<hbm>>, %arg3: memref<320000xi32, #tpu.memory_space<hbm>>, %arg4: memref<32x10240xf32, #tpu.memory_space<hbm>>, %arg5: memref<32x10240xf32, #tpu.memory_space<hbm>>, %arg6: memref<10000xi32, #tpu.memory_space<vmem>>, %arg7: memref<10000xi32, #tpu.memory_space<vmem>>, %arg8: memref<10240xf32, #tpu.memory_space<vmem>>, %arg9: memref<10240xf32, #tpu.memory_space<vmem>>) attributes {dimension_semantics = [#tpu.dimension_semantics<core_parallel>, #tpu.dimension_semantics<subcore_parallel>], iteration_bounds = array<i64: 2, 16>, scalar_prefetch = 0 : i64, scratch_operands = 4 : i64, tpu.core_type = #tpu.core_type<sc_vector_subcore>, window_params = [{transform_indices = #map}, {transform_indices = #map}, {transform_indices = #map1}, {transform_indices = #map1}]} {
    %mul3A = arith.constant 16 : i32
    %mul3A_0 = arith.muli %arg0, %mul3A : i32
    %add3A = arith.addi %mul3A_0, %arg1 : i32
    %broadcast_in_dim3A = arith.constant 1.000000e+00 : f32
    %broadcast_in_dim3A_1 = vector.broadcast %broadcast_in_dim3A : f32 to vector<16xf32>
    %scan3A = arith.constant 0 : i32
    %scan3A_2 = arith.constant 0 : i32
    %scan3A_3 = arith.constant 640 : i32
    %scan3A_4 = arith.addi %scan3A_2, %scan3A_3 : i32
    %scan3A_5 = arith.constant 4 : i32
    %scan3A_6 = scf.for %scan3A_29 = %scan3A_2 to %scan3A_4 step %scan3A_5 iter_args(%scan3A_30 = %scan3A) -> (i32)  : i32 {
      %broadcast_in_dim3A_31 = arith.constant 0.000000e+00 : f32
      %broadcast_in_dim3A_32 = vector.broadcast %broadcast_in_dim3A_31 : f32 to vector<16xf32>
      %mul3A_33 = arith.constant 16 : i32
      %mul3A_34 = arith.muli %scan3A_29, %mul3A_33 : i32
      %swap3A = arith.index_cast %mul3A_34 : i32 to index
      %swap3A_35 = tpu.vector_load %arg8[%swap3A] {strides = array<i32>} : memref<10240xf32, #tpu.memory_space<vmem>>, vector<16xf32>,
      tpu.vector_store %arg8[%swap3A], %broadcast_in_dim3A_32 {strides = array<i32>} : memref<10240xf32, #tpu.memory_space<vmem>>, vector<16xf32>,
      %broadcast_in_dim3A_36 = arith.constant 0.000000e+00 : f32
      %broadcast_in_dim3A_37 = vector.broadcast %broadcast_in_dim3A_36 : f32 to vector<16xf32>
      %mul3A_38 = arith.constant 16 : i32
      %mul3A_39 = arith.muli %scan3A_29, %mul3A_38 : i32
      %swap3A_40 = arith.index_cast %mul3A_39 : i32 to index
      %swap3A_41 = tpu.vector_load %arg9[%swap3A_40] {strides = array<i32>} : memref<10240xf32, #tpu.memory_space<vmem>>, vector<16xf32>,
      tpu.vector_store %arg9[%swap3A_40], %broadcast_in_dim3A_37 {strides = array<i32>} : memref<10240xf32, #tpu.memory_space<vmem>>, vector<16xf32>,
      %scan3A_42 = arith.constant 0 : i32
      %scan3A_43 = arith.constant 1 : i32
      %scan3A_44 = arith.addi %scan3A_29, %scan3A_43 : i32
      %broadcast_in_dim3A_45 = arith.constant 0.000000e+00 : f32
      %broadcast_in_dim3A_46 = vector.broadcast %broadcast_in_dim3A_45 : f32 to vector<16xf32>
      %mul3A_47 = arith.constant 16 : i32
      %mul3A_48 = arith.muli %scan3A_44, %mul3A_47 : i32
      %swap3A_49 = arith.index_cast %mul3A_48 : i32 to index
      %swap3A_50 = tpu.vector_load %arg8[%swap3A_49] {strides = array<i32>} : memref<10240xf32, #tpu.memory_space<vmem>>, vector<16xf32>,
      tpu.vector_store %arg8[%swap3A_49], %broadcast_in_dim3A_46 {strides = array<i32>} : memref<10240xf32, #tpu.memory_space<vmem>>, vector<16xf32>,
      %broadcast_in_dim3A_51 = arith.constant 0.000000e+00 : f32
      %broadcast_in_dim3A_52 = vector.broadcast %broadcast_in_dim3A_51 : f32 to vector<16xf32>
      %mul3A_53 = arith.constant 16 : i32
      %mul3A_54 = arith.muli %scan3A_44, %mul3A_53 : i32
      %swap3A_55 = arith.index_cast %mul3A_54 : i32 to index
      %swap3A_56 = tpu.vector_load %arg9[%swap3A_55] {strides = array<i32>} : memref<10240xf32, #tpu.memory_space<vmem>>, vector<16xf32>,
      tpu.vector_store %arg9[%swap3A_55], %broadcast_in_dim3A_52 {strides = array<i32>} : memref<10240xf32, #tpu.memory_space<vmem>>, vector<16xf32>,
      %scan3A_57 = arith.constant 0 : i32
      %scan3A_58 = arith.constant 2 : i32
      %scan3A_59 = arith.addi %scan3A_29, %scan3A_58 : i32
      %broadcast_in_dim3A_60 = arith.constant 0.000000e+00 : f32
      %broadcast_in_dim3A_61 = vector.broadcast %broadcast_in_dim3A_60 : f32 to vector<16xf32>
      %mul3A_62 = arith.constant 16 : i32
      %mul3A_63 = arith.muli %scan3A_59, %mul3A_62 : i32
      %swap3A_64 = arith.index_cast %mul3A_63 : i32 to index
      %swap3A_65 = tpu.vector_load %arg8[%swap3A_64] {strides = array<i32>} : memref<10240xf32, #tpu.memory_space<vmem>>, vector<16xf32>,
      tpu.vector_store %arg8[%swap3A_64], %broadcast_in_dim3A_61 {strides = array<i32>} : memref<10240xf32, #tpu.memory_space<vmem>>, vector<16xf32>,
      %broadcast_in_dim3A_66 = arith.constant 0.000000e+00 : f32
      %broadcast_in_dim3A_67 = vector.broadcast %broadcast_in_dim3A_66 : f32 to vector<16xf32>
      %mul3A_68 = arith.constant 16 : i32
      %mul3A_69 = arith.muli %scan3A_59, %mul3A_68 : i32
      %swap3A_70 = arith.index_cast %mul3A_69 : i32 to index
      %swap3A_71 = tpu.vector_load %arg9[%swap3A_70] {strides = array<i32>} : memref<10240xf32, #tpu.memory_space<vmem>>, vector<16xf32>,
      tpu.vector_store %arg9[%swap3A_70], %broadcast_in_dim3A_67 {strides = array<i32>} : memref<10240xf32, #tpu.memory_space<vmem>>, vector<16xf32>,
      %scan3A_72 = arith.constant 0 : i32
      %scan3A_73 = arith.constant 3 : i32
      %scan3A_74 = arith.addi %scan3A_29, %scan3A_73 : i32
      %broadcast_in_dim3A_75 = arith.constant 0.000000e+00 : f32
      %broadcast_in_dim3A_76 = vector.broadcast %broadcast_in_dim3A_75 : f32 to vector<16xf32>
      %mul3A_77 = arith.constant 16 : i32
      %mul3A_78 = arith.muli %scan3A_74, %mul3A_77 : i32
      %swap3A_79 = arith.index_cast %mul3A_78 : i32 to index
      %swap3A_80 = tpu.vector_load %arg8[%swap3A_79] {strides = array<i32>} : memref<10240xf32, #tpu.memory_space<vmem>>, vector<16xf32>,
      tpu.vector_store %arg8[%swap3A_79], %broadcast_in_dim3A_76 {strides = array<i32>} : memref<10240xf32, #tpu.memory_space<vmem>>, vector<16xf32>,
      %broadcast_in_dim3A_81 = arith.constant 0.000000e+00 : f32
      %broadcast_in_dim3A_82 = vector.broadcast %broadcast_in_dim3A_81 : f32 to vector<16xf32>
      %mul3A_83 = arith.constant 16 : i32
      %mul3A_84 = arith.muli %scan3A_74, %mul3A_83 : i32
      %swap3A_85 = arith.index_cast %mul3A_84 : i32 to index
      %swap3A_86 = tpu.vector_load %arg9[%swap3A_85] {strides = array<i32>} : memref<10240xf32, #tpu.memory_space<vmem>>, vector<16xf32>,
      tpu.vector_store %arg9[%swap3A_85], %broadcast_in_dim3A_82 {strides = array<i32>} : memref<10240xf32, #tpu.memory_space<vmem>>, vector<16xf32>,
      %scan3A_87 = arith.constant 0 : i32
      scf.yield %scan3A_87 : i32
    }
    %scan3A_7 = arith.constant 640 : i32
    %mul3A_8 = arith.constant 10000 : i32
    %mul3A_9 = arith.muli %add3A, %mul3A_8 : i32
    "tpu.region"() ({
      %run_scoped3A = tpu.sem_alloc : memref<!tpu.dma_semaphore, #tpu.memory_space<semaphore_mem>>
      %dma_start3A = tpu.memref_slice %arg2[%mul3A_9] : memref<320000xi32, #tpu.memory_space<hbm>> -> memref<10000xi32, #tpu.memory_space<hbm>>
      %dma_start3A_29 = tpu.memref_slice %arg2[%mul3A_9] : memref<320000xi32, #tpu.memory_space<hbm>> -> memref<10000xi32, #tpu.memory_space<hbm>>
      tpu.enqueue_dma source(%dma_start3A_29 : memref<10000xi32, #tpu.memory_space<hbm>>) target(%arg6 : memref<10000xi32, #tpu.memory_space<vmem>>) target_semaphore(%run_scoped3A : memref<!tpu.dma_semaphore, #tpu.memory_space<semaphore_mem>>)
      %dma_wait3A = tpu.memref_slice %arg2[%mul3A_9] : memref<320000xi32, #tpu.memory_space<hbm>> -> memref<10000xi32, #tpu.memory_space<hbm>>
      %dma_wait3A_30 = tpu.memref_slice %arg2[%mul3A_9] : memref<320000xi32, #tpu.memory_space<hbm>> -> memref<10000xi32, #tpu.memory_space<hbm>>
      tpu.wait_dma2 semaphore(%run_scoped3A : memref<!tpu.dma_semaphore, #tpu.memory_space<semaphore_mem>>) src(%dma_wait3A_30 : memref<10000xi32, #tpu.memory_space<hbm>>) dst(%arg6 : memref<10000xi32, #tpu.memory_space<vmem>>)
      tpu.yield
    }) : () -> ()
    %mul3A_10 = arith.constant 10000 : i32
    %mul3A_11 = arith.muli %add3A, %mul3A_10 : i32
    "tpu.region"() ({
      %run_scoped3A = tpu.sem_alloc : memref<!tpu.dma_semaphore, #tpu.memory_space<semaphore_mem>>
      %dma_start3A = tpu.memref_slice %arg3[%mul3A_11] : memref<320000xi32, #tpu.memory_space<hbm>> -> memref<10000xi32, #tpu.memory_space<hbm>>
      %dma_start3A_29 = tpu.memref_slice %arg3[%mul3A_11] : memref<320000xi32, #tpu.memory_space<hbm>> -> memref<10000xi32, #tpu.memory_space<hbm>>
      tpu.enqueue_dma source(%dma_start3A_29 : memref<10000xi32, #tpu.memory_space<hbm>>) target(%arg7 : memref<10000xi32, #tpu.memory_space<vmem>>) target_semaphore(%run_scoped3A : memref<!tpu.dma_semaphore, #tpu.memory_space<semaphore_mem>>)
      %dma_wait3A = tpu.memref_slice %arg3[%mul3A_11] : memref<320000xi32, #tpu.memory_space<hbm>> -> memref<10000xi32, #tpu.memory_space<hbm>>
      %dma_wait3A_30 = tpu.memref_slice %arg3[%mul3A_11] : memref<320000xi32, #tpu.memory_space<hbm>> -> memref<10000xi32, #tpu.memory_space<hbm>>
      tpu.wait_dma2 semaphore(%run_scoped3A : memref<!tpu.dma_semaphore, #tpu.memory_space<semaphore_mem>>) src(%dma_wait3A_30 : memref<10000xi32, #tpu.memory_space<hbm>>) dst(%arg7 : memref<10000xi32, #tpu.memory_space<vmem>>)
      tpu.yield
    }) : () -> ()
    %scan3A_12 = arith.constant 0 : i32
    %scan3A_13 = arith.constant 0 : i32
    %scan3A_14 = arith.constant 624 : i32
    %scan3A_15 = arith.addi %scan3A_13, %scan3A_14 : i32
    %scan3A_16 = arith.constant 4 : i32
    %scan3A_17 = scf.for %scan3A_29 = %scan3A_13 to %scan3A_15 step %scan3A_16 iter_args(%scan3A_30 = %scan3A_12) -> (i32)  : i32 {
      %mul3A_31 = arith.constant 16 : i32
      %mul3A_32 = arith.muli %scan3A_29, %mul3A_31 : i32
      %get3A_33 = arith.index_cast %mul3A_32 : i32 to index
      %get3A_34 = tpu.vector_load %arg6[%get3A_33] {strides = array<i32>} : memref<10000xi32, #tpu.memory_space<vmem>>, vector<16xi32>,
      tpu.vector_store_idx %arg8[%get3A_34], %broadcast_in_dim3A_1 {add = true} : memref<10240xf32, #tpu.memory_space<vmem>>[vector<16xi32>], vector<16xf32>,
      %mul3A_35 = arith.constant 16 : i32
      %mul3A_36 = arith.muli %scan3A_29, %mul3A_35 : i32
      %get3A_37 = arith.index_cast %mul3A_36 : i32 to index
      %get3A_38 = tpu.vector_load %arg7[%get3A_37] {strides = array<i32>} : memref<10000xi32, #tpu.memory_space<vmem>>, vector<16xi32>,
      tpu.vector_store_idx %arg9[%get3A_38], %broadcast_in_dim3A_1 {add = true} : memref<10240xf32, #tpu.memory_space<vmem>>[vector<16xi32>], vector<16xf32>,
      %scan3A_39 = arith.constant 0 : i32
      %scan3A_40 = arith.constant 1 : i32
      %scan3A_41 = arith.addi %scan3A_29, %scan3A_40 : i32
      %mul3A_42 = arith.constant 16 : i32
      %mul3A_43 = arith.muli %scan3A_41, %mul3A_42 : i32
      %get3A_44 = arith.index_cast %mul3A_43 : i32 to index
      %get3A_45 = tpu.vector_load %arg6[%get3A_44] {strides = array<i32>} : memref<10000xi32, #tpu.memory_space<vmem>>, vector<16xi32>,
      tpu.vector_store_idx %arg8[%get3A_45], %broadcast_in_dim3A_1 {add = true} : memref<10240xf32, #tpu.memory_space<vmem>>[vector<16xi32>], vector<16xf32>,
      %mul3A_46 = arith.constant 16 : i32
      %mul3A_47 = arith.muli %scan3A_41, %mul3A_46 : i32
      %get3A_48 = arith.index_cast %mul3A_47 : i32 to index
      %get3A_49 = tpu.vector_load %arg7[%get3A_48] {strides = array<i32>} : memref<10000xi32, #tpu.memory_space<vmem>>, vector<16xi32>,
      tpu.vector_store_idx %arg9[%get3A_49], %broadcast_in_dim3A_1 {add = true} : memref<10240xf32, #tpu.memory_space<vmem>>[vector<16xi32>], vector<16xf32>,
      %scan3A_50 = arith.constant 0 : i32
      %scan3A_51 = arith.constant 2 : i32
      %scan3A_52 = arith.addi %scan3A_29, %scan3A_51 : i32
      %mul3A_53 = arith.constant 16 : i32
      %mul3A_54 = arith.muli %scan3A_52, %mul3A_53 : i32
      %get3A_55 = arith.index_cast %mul3A_54 : i32 to index
      %get3A_56 = tpu.vector_load %arg6[%get3A_55] {strides = array<i32>} : memref<10000xi32, #tpu.memory_space<vmem>>, vector<16xi32>,
      tpu.vector_store_idx %arg8[%get3A_56], %broadcast_in_dim3A_1 {add = true} : memref<10240xf32, #tpu.memory_space<vmem>>[vector<16xi32>], vector<16xf32>,
      %mul3A_57 = arith.constant 16 : i32
      %mul3A_58 = arith.muli %scan3A_52, %mul3A_57 : i32
      %get3A_59 = arith.index_cast %mul3A_58 : i32 to index
      %get3A_60 = tpu.vector_load %arg7[%get3A_59] {strides = array<i32>} : memref<10000xi32, #tpu.memory_space<vmem>>, vector<16xi32>,
      tpu.vector_store_idx %arg9[%get3A_60], %broadcast_in_dim3A_1 {add = true} : memref<10240xf32, #tpu.memory_space<vmem>>[vector<16xi32>], vector<16xf32>,
      %scan3A_61 = arith.constant 0 : i32
      %scan3A_62 = arith.constant 3 : i32
      %scan3A_63 = arith.addi %scan3A_29, %scan3A_62 : i32
      %mul3A_64 = arith.constant 16 : i32
      %mul3A_65 = arith.muli %scan3A_63, %mul3A_64 : i32
      %get3A_66 = arith.index_cast %mul3A_65 : i32 to index
      %get3A_67 = tpu.vector_load %arg6[%get3A_66] {strides = array<i32>} : memref<10000xi32, #tpu.memory_space<vmem>>, vector<16xi32>,
      tpu.vector_store_idx %arg8[%get3A_67], %broadcast_in_dim3A_1 {add = true} : memref<10240xf32, #tpu.memory_space<vmem>>[vector<16xi32>], vector<16xf32>,
      %mul3A_68 = arith.constant 16 : i32
      %mul3A_69 = arith.muli %scan3A_63, %mul3A_68 : i32
      %get3A_70 = arith.index_cast %mul3A_69 : i32 to index
      %get3A_71 = tpu.vector_load %arg7[%get3A_70] {strides = array<i32>} : memref<10000xi32, #tpu.memory_space<vmem>>, vector<16xi32>,
      tpu.vector_store_idx %arg9[%get3A_71], %broadcast_in_dim3A_1 {add = true} : memref<10240xf32, #tpu.memory_space<vmem>>[vector<16xi32>], vector<16xf32>,
      %scan3A_72 = arith.constant 0 : i32
      scf.yield %scan3A_72 : i32
    }
    %scan3A_18 = arith.constant 624 : i32
    %scan3A_19 = arith.addi %scan3A_13, %scan3A_18 : i32
    %mul3A_20 = arith.constant 16 : i32
    %mul3A_21 = arith.muli %scan3A_19, %mul3A_20 : i32
    %get3A = arith.index_cast %mul3A_21 : i32 to index
    %get3A_22 = tpu.vector_load %arg6[%get3A] {strides = array<i32>} : memref<10000xi32, #tpu.memory_space<vmem>>, vector<16xi32>,
    tpu.vector_store_idx %arg8[%get3A_22], %broadcast_in_dim3A_1 {add = true} : memref<10240xf32, #tpu.memory_space<vmem>>[vector<16xi32>], vector<16xf32>,
    %mul3A_23 = arith.constant 16 : i32
    %mul3A_24 = arith.muli %scan3A_19, %mul3A_23 : i32
    %get3A_25 = arith.index_cast %mul3A_24 : i32 to index
    %get3A_26 = tpu.vector_load %arg7[%get3A_25] {strides = array<i32>} : memref<10000xi32, #tpu.memory_space<vmem>>, vector<16xi32>,
    tpu.vector_store_idx %arg9[%get3A_26], %broadcast_in_dim3A_1 {add = true} : memref<10240xf32, #tpu.memory_space<vmem>>[vector<16xi32>], vector<16xf32>,
    %scan3A_27 = arith.constant 0 : i32
    %scan3A_28 = arith.constant 625 : i32
    "tpu.region"() ({
      %run_scoped3A = tpu.sem_alloc : memref<!tpu.dma_semaphore, #tpu.memory_space<semaphore_mem>>
      %dma_start3A = arith.constant 0 : i32
      %dma_start3A_29 = tpu.memref_slice %arg4[%add3A, %dma_start3A] : memref<32x10240xf32, #tpu.memory_space<hbm>> -> memref<1x10240xf32, #tpu.memory_space<hbm>>
      %dma_start3A_30 = tpu.memref_squeeze %dma_start3A_29 : memref<1x10240xf32, #tpu.memory_space<hbm>> -> memref<10240xf32, #tpu.memory_space<hbm>>
      %dma_start3A_31 = arith.constant 0 : i32
      %dma_start3A_32 = tpu.memref_slice %arg4[%add3A, %dma_start3A_31] : memref<32x10240xf32, #tpu.memory_space<hbm>> -> memref<1x10240xf32, #tpu.memory_space<hbm>>
      %dma_start3A_33 = tpu.memref_squeeze %dma_start3A_32 : memref<1x10240xf32, #tpu.memory_space<hbm>> -> memref<10240xf32, #tpu.memory_space<hbm>>
      tpu.enqueue_dma source(%arg8 : memref<10240xf32, #tpu.memory_space<vmem>>) target(%dma_start3A_33 : memref<10240xf32, #tpu.memory_space<hbm>>) target_semaphore(%run_scoped3A : memref<!tpu.dma_semaphore, #tpu.memory_space<semaphore_mem>>)
      %dma_wait3A = arith.constant 0 : i32
      %dma_wait3A_34 = tpu.memref_slice %arg4[%add3A, %dma_wait3A] : memref<32x10240xf32, #tpu.memory_space<hbm>> -> memref<1x10240xf32, #tpu.memory_space<hbm>>
      %dma_wait3A_35 = tpu.memref_squeeze %dma_wait3A_34 : memref<1x10240xf32, #tpu.memory_space<hbm>> -> memref<10240xf32, #tpu.memory_space<hbm>>
      %dma_wait3A_36 = arith.constant 0 : i32
      %dma_wait3A_37 = tpu.memref_slice %arg4[%add3A, %dma_wait3A_36] : memref<32x10240xf32, #tpu.memory_space<hbm>> -> memref<1x10240xf32, #tpu.memory_space<hbm>>
      %dma_wait3A_38 = tpu.memref_squeeze %dma_wait3A_37 : memref<1x10240xf32, #tpu.memory_space<hbm>> -> memref<10240xf32, #tpu.memory_space<hbm>>
      tpu.wait_dma2 semaphore(%run_scoped3A : memref<!tpu.dma_semaphore, #tpu.memory_space<semaphore_mem>>) src(%arg8 : memref<10240xf32, #tpu.memory_space<vmem>>) dst(%dma_wait3A_38 : memref<10240xf32, #tpu.memory_space<hbm>>)
      tpu.yield
    }) : () -> ()
    "tpu.region"() ({
      %run_scoped3A = tpu.sem_alloc : memref<!tpu.dma_semaphore, #tpu.memory_space<semaphore_mem>>
      %dma_start3A = arith.constant 0 : i32
      %dma_start3A_29 = tpu.memref_slice %arg5[%add3A, %dma_start3A] : memref<32x10240xf32, #tpu.memory_space<hbm>> -> memref<1x10240xf32, #tpu.memory_space<hbm>>
      %dma_start3A_30 = tpu.memref_squeeze %dma_start3A_29 : memref<1x10240xf32, #tpu.memory_space<hbm>> -> memref<10240xf32, #tpu.memory_space<hbm>>
      %dma_start3A_31 = arith.constant 0 : i32
      %dma_start3A_32 = tpu.memref_slice %arg5[%add3A, %dma_start3A_31] : memref<32x10240xf32, #tpu.memory_space<hbm>> -> memref<1x10240xf32, #tpu.memory_space<hbm>>
      %dma_start3A_33 = tpu.memref_squeeze %dma_start3A_32 : memref<1x10240xf32, #tpu.memory_space<hbm>> -> memref<10240xf32, #tpu.memory_space<hbm>>
      tpu.enqueue_dma source(%arg9 : memref<10240xf32, #tpu.memory_space<vmem>>) target(%dma_start3A_33 : memref<10240xf32, #tpu.memory_space<hbm>>) target_semaphore(%run_scoped3A : memref<!tpu.dma_semaphore, #tpu.memory_space<semaphore_mem>>)
      %dma_wait3A = arith.constant 0 : i32
      %dma_wait3A_34 = tpu.memref_slice %arg5[%add3A, %dma_wait3A] : memref<32x10240xf32, #tpu.memory_space<hbm>> -> memref<1x10240xf32, #tpu.memory_space<hbm>>
      %dma_wait3A_35 = tpu.memref_squeeze %dma_wait3A_34 : memref<1x10240xf32, #tpu.memory_space<hbm>> -> memref<10240xf32, #tpu.memory_space<hbm>>
      %dma_wait3A_36 = arith.constant 0 : i32
      %dma_wait3A_37 = tpu.memref_slice %arg5[%add3A, %dma_wait3A_36] : memref<32x10240xf32, #tpu.memory_space<hbm>> -> memref<1x10240xf32, #tpu.memory_space<hbm>>
      %dma_wait3A_38 = tpu.memref_squeeze %dma_wait3A_37 : memref<1x10240xf32, #tpu.memory_space<hbm>> -> memref<10240xf32, #tpu.memory_space<hbm>>
      tpu.wait_dma2 semaphore(%run_scoped3A : memref<!tpu.dma_semaphore, #tpu.memory_space<semaphore_mem>>) src(%arg9 : memref<10240xf32, #tpu.memory_space<vmem>>) dst(%dma_wait3A_38 : memref<10240xf32, #tpu.memory_space<hbm>>)
      tpu.yield
    }) : () -> ()
    return
  }
}

#map = affine_map<(d0, d1) -> (0, 0)>
#map1 = affine_map<(d0, d1) -> (0, 0, 0)>
module attributes {stable_mosaic.version = 14 : i64} {
  func.func @_scatter_body(%arg0: i32, %arg1: i32, %arg2: memref<10240x128xf32, #tpu.memory_space<hbm>>, %arg3: memref<2560x128xi32, #tpu.memory_space<hbm>>, %arg4: memref<2560x128xi32, #tpu.memory_space<hbm>>, %arg5: memref<2x10240x128xf32, #tpu.memory_space<hbm>>, %arg6: memref<16x128xi32, #tpu.memory_space<vmem>>, %arg7: memref<16x128xi32, #tpu.memory_space<vmem>>, %arg8: memref<16x128xi32, #tpu.memory_space<vmem>>, %arg9: memref<16x128xi32, #tpu.memory_space<vmem>>, %arg10: memref<128x128xf32, #tpu.memory_space<vmem>>, %arg11: memref<128x128xf32, #tpu.memory_space<vmem>>, %arg12: memref<16x128xf32, #tpu.memory_space<vmem>>, %arg13: memref<10240x128xf32, #tpu.memory_space<vmem_shared>>, %arg14: memref<!tpu.dma_semaphore, #tpu.memory_space<semaphore_mem>>, %arg15: memref<!tpu.dma_semaphore, #tpu.memory_space<semaphore_mem>>, %arg16: memref<!tpu.dma_semaphore, #tpu.memory_space<semaphore_mem>>, %arg17: memref<!tpu.dma_semaphore, #tpu.memory_space<semaphore_mem>>, %arg18: memref<!tpu.dma_semaphore, #tpu.memory_space<semaphore_mem>>) attributes {dimension_semantics = [#tpu.dimension_semantics<core_parallel>, #tpu.dimension_semantics<subcore_parallel>], iteration_bounds = array<i64: 2, 16>, scalar_prefetch = 0 : i64, scratch_operands = 13 : i64, tpu.core_type = #tpu.core_type<sc_vector_subcore>, window_params = [{transform_indices = #map}, {transform_indices = #map}, {transform_indices = #map}, {transform_indices = #map1}]} {
    %mul3A = arith.constant 16 : i32
    %mul3A_0 = arith.muli %arg0, %mul3A : i32
    %add3A = arith.addi %mul3A_0, %arg1 : i32
    %mul3A_1 = arith.constant 80 : i32
    %mul3A_2 = arith.muli %add3A, %mul3A_1 : i32
    %broadcast_in_dim3A = arith.constant 0.000000e+00 : f32
    %broadcast_in_dim3A_3 = vector.broadcast %broadcast_in_dim3A : f32 to vector<16xf32>
    %swap3A = arith.constant 0 : i32
    %swap3A_4 = arith.index_cast %swap3A : i32 to index
    %swap3A_5 = arith.constant 0 : index
    %swap3A_6 = tpu.vector_load %arg12[%swap3A_4, %swap3A_5] {strides = array<i32>} : memref<16x128xf32, #tpu.memory_space<vmem>>, vector<16xf32>,
    tpu.vector_store %arg12[%swap3A_4, %swap3A_5], %broadcast_in_dim3A_3 {strides = array<i32>} : memref<16x128xf32, #tpu.memory_space<vmem>>, vector<16xf32>,
    %broadcast_in_dim3A_7 = arith.constant 0.000000e+00 : f32
    %broadcast_in_dim3A_8 = vector.broadcast %broadcast_in_dim3A_7 : f32 to vector<16xf32>
    %swap3A_9 = arith.constant 0 : i32
    %swap3A_10 = arith.index_cast %swap3A_9 : i32 to index
    %swap3A_11 = arith.constant 16 : index
    %swap3A_12 = tpu.vector_load %arg12[%swap3A_10, %swap3A_11] {strides = array<i32>} : memref<16x128xf32, #tpu.memory_space<vmem>>, vector<16xf32>,
    tpu.vector_store %arg12[%swap3A_10, %swap3A_11], %broadcast_in_dim3A_8 {strides = array<i32>} : memref<16x128xf32, #tpu.memory_space<vmem>>, vector<16xf32>,
    %broadcast_in_dim3A_13 = arith.constant 0.000000e+00 : f32
    %broadcast_in_dim3A_14 = vector.broadcast %broadcast_in_dim3A_13 : f32 to vector<16xf32>
    %swap3A_15 = arith.constant 0 : i32
    %swap3A_16 = arith.index_cast %swap3A_15 : i32 to index
    %swap3A_17 = arith.constant 32 : index
    %swap3A_18 = tpu.vector_load %arg12[%swap3A_16, %swap3A_17] {strides = array<i32>} : memref<16x128xf32, #tpu.memory_space<vmem>>, vector<16xf32>,
    tpu.vector_store %arg12[%swap3A_16, %swap3A_17], %broadcast_in_dim3A_14 {strides = array<i32>} : memref<16x128xf32, #tpu.memory_space<vmem>>, vector<16xf32>,
    %broadcast_in_dim3A_19 = arith.constant 0.000000e+00 : f32
    %broadcast_in_dim3A_20 = vector.broadcast %broadcast_in_dim3A_19 : f32 to vector<16xf32>
    %swap3A_21 = arith.constant 0 : i32
    %swap3A_22 = arith.index_cast %swap3A_21 : i32 to index
    %swap3A_23 = arith.constant 48 : index
    %swap3A_24 = tpu.vector_load %arg12[%swap3A_22, %swap3A_23] {strides = array<i32>} : memref<16x128xf32, #tpu.memory_space<vmem>>, vector<16xf32>,
    tpu.vector_store %arg12[%swap3A_22, %swap3A_23], %broadcast_in_dim3A_20 {strides = array<i32>} : memref<16x128xf32, #tpu.memory_space<vmem>>, vector<16xf32>,
    %broadcast_in_dim3A_25 = arith.constant 0.000000e+00 : f32
    %broadcast_in_dim3A_26 = vector.broadcast %broadcast_in_dim3A_25 : f32 to vector<16xf32>
    %swap3A_27 = arith.constant 0 : i32
    %swap3A_28 = arith.index_cast %swap3A_27 : i32 to index
    %swap3A_29 = arith.constant 64 : index
    %swap3A_30 = tpu.vector_load %arg12[%swap3A_28, %swap3A_29] {strides = array<i32>} : memref<16x128xf32, #tpu.memory_space<vmem>>, vector<16xf32>,
    tpu.vector_store %arg12[%swap3A_28, %swap3A_29], %broadcast_in_dim3A_26 {strides = array<i32>} : memref<16x128xf32, #tpu.memory_space<vmem>>, vector<16xf32>,
    %broadcast_in_dim3A_31 = arith.constant 0.000000e+00 : f32
    %broadcast_in_dim3A_32 = vector.broadcast %broadcast_in_dim3A_31 : f32 to vector<16xf32>
    %swap3A_33 = arith.constant 0 : i32
    %swap3A_34 = arith.index_cast %swap3A_33 : i32 to index
    %swap3A_35 = arith.constant 80 : index
    %swap3A_36 = tpu.vector_load %arg12[%swap3A_34, %swap3A_35] {strides = array<i32>} : memref<16x128xf32, #tpu.memory_space<vmem>>, vector<16xf32>,
    tpu.vector_store %arg12[%swap3A_34, %swap3A_35], %broadcast_in_dim3A_32 {strides = array<i32>} : memref<16x128xf32, #tpu.memory_space<vmem>>, vector<16xf32>,
    %broadcast_in_dim3A_37 = arith.constant 0.000000e+00 : f32
    %broadcast_in_dim3A_38 = vector.broadcast %broadcast_in_dim3A_37 : f32 to vector<16xf32>
    %swap3A_39 = arith.constant 0 : i32
    %swap3A_40 = arith.index_cast %swap3A_39 : i32 to index
    %swap3A_41 = arith.constant 96 : index
    %swap3A_42 = tpu.vector_load %arg12[%swap3A_40, %swap3A_41] {strides = array<i32>} : memref<16x128xf32, #tpu.memory_space<vmem>>, vector<16xf32>,
    tpu.vector_store %arg12[%swap3A_40, %swap3A_41], %broadcast_in_dim3A_38 {strides = array<i32>} : memref<16x128xf32, #tpu.memory_space<vmem>>, vector<16xf32>,
    %broadcast_in_dim3A_43 = arith.constant 0.000000e+00 : f32
    %broadcast_in_dim3A_44 = vector.broadcast %broadcast_in_dim3A_43 : f32 to vector<16xf32>
    %swap3A_45 = arith.constant 0 : i32
    %swap3A_46 = arith.index_cast %swap3A_45 : i32 to index
    %swap3A_47 = arith.constant 112 : index
    %swap3A_48 = tpu.vector_load %arg12[%swap3A_46, %swap3A_47] {strides = array<i32>} : memref<16x128xf32, #tpu.memory_space<vmem>>, vector<16xf32>,
    tpu.vector_store %arg12[%swap3A_46, %swap3A_47], %broadcast_in_dim3A_44 {strides = array<i32>} : memref<16x128xf32, #tpu.memory_space<vmem>>, vector<16xf32>,
    %broadcast_in_dim3A_49 = arith.constant 0.000000e+00 : f32
    %broadcast_in_dim3A_50 = vector.broadcast %broadcast_in_dim3A_49 : f32 to vector<16xf32>
    %swap3A_51 = arith.constant 1 : i32
    %swap3A_52 = arith.index_cast %swap3A_51 : i32 to index
    %swap3A_53 = arith.constant 0 : index
    %swap3A_54 = tpu.vector_load %arg12[%swap3A_52, %swap3A_53] {strides = array<i32>} : memref<16x128xf32, #tpu.memory_space<vmem>>, vector<16xf32>,
    tpu.vector_store %arg12[%swap3A_52, %swap3A_53], %broadcast_in_dim3A_50 {strides = array<i32>} : memref<16x128xf32, #tpu.memory_space<vmem>>, vector<16xf32>,
    %broadcast_in_dim3A_55 = arith.constant 0.000000e+00 : f32
    %broadcast_in_dim3A_56 = vector.broadcast %broadcast_in_dim3A_55 : f32 to vector<16xf32>
    %swap3A_57 = arith.constant 1 : i32
    %swap3A_58 = arith.index_cast %swap3A_57 : i32 to index
    %swap3A_59 = arith.constant 16 : index
    %swap3A_60 = tpu.vector_load %arg12[%swap3A_58, %swap3A_59] {strides = array<i32>} : memref<16x128xf32, #tpu.memory_space<vmem>>, vector<16xf32>,
    tpu.vector_store %arg12[%swap3A_58, %swap3A_59], %broadcast_in_dim3A_56 {strides = array<i32>} : memref<16x128xf32, #tpu.memory_space<vmem>>, vector<16xf32>,
    %broadcast_in_dim3A_61 = arith.constant 0.000000e+00 : f32
    %broadcast_in_dim3A_62 = vector.broadcast %broadcast_in_dim3A_61 : f32 to vector<16xf32>
    %swap3A_63 = arith.constant 1 : i32
    %swap3A_64 = arith.index_cast %swap3A_63 : i32 to index
    %swap3A_65 = arith.constant 32 : index
    %swap3A_66 = tpu.vector_load %arg12[%swap3A_64, %swap3A_65] {strides = array<i32>} : memref<16x128xf32, #tpu.memory_space<vmem>>, vector<16xf32>,
    tpu.vector_store %arg12[%swap3A_64, %swap3A_65], %broadcast_in_dim3A_62 {strides = array<i32>} : memref<16x128xf32, #tpu.memory_space<vmem>>, vector<16xf32>,
    %broadcast_in_dim3A_67 = arith.constant 0.000000e+00 : f32
    %broadcast_in_dim3A_68 = vector.broadcast %broadcast_in_dim3A_67 : f32 to vector<16xf32>
    %swap3A_69 = arith.constant 1 : i32
    %swap3A_70 = arith.index_cast %swap3A_69 : i32 to index
    %swap3A_71 = arith.constant 48 : index
    %swap3A_72 = tpu.vector_load %arg12[%swap3A_70, %swap3A_71] {strides = array<i32>} : memref<16x128xf32, #tpu.memory_space<vmem>>, vector<16xf32>,
    tpu.vector_store %arg12[%swap3A_70, %swap3A_71], %broadcast_in_dim3A_68 {strides = array<i32>} : memref<16x128xf32, #tpu.memory_space<vmem>>, vector<16xf32>,
    %broadcast_in_dim3A_73 = arith.constant 0.000000e+00 : f32
    %broadcast_in_dim3A_74 = vector.broadcast %broadcast_in_dim3A_73 : f32 to vector<16xf32>
    %swap3A_75 = arith.constant 1 : i32
    %swap3A_76 = arith.index_cast %swap3A_75 : i32 to index
    %swap3A_77 = arith.constant 64 : index
    %swap3A_78 = tpu.vector_load %arg12[%swap3A_76, %swap3A_77] {strides = array<i32>} : memref<16x128xf32, #tpu.memory_space<vmem>>, vector<16xf32>,
    tpu.vector_store %arg12[%swap3A_76, %swap3A_77], %broadcast_in_dim3A_74 {strides = array<i32>} : memref<16x128xf32, #tpu.memory_space<vmem>>, vector<16xf32>,
    %broadcast_in_dim3A_79 = arith.constant 0.000000e+00 : f32
    %broadcast_in_dim3A_80 = vector.broadcast %broadcast_in_dim3A_79 : f32 to vector<16xf32>
    %swap3A_81 = arith.constant 1 : i32
    %swap3A_82 = arith.index_cast %swap3A_81 : i32 to index
    %swap3A_83 = arith.constant 80 : index
    %swap3A_84 = tpu.vector_load %arg12[%swap3A_82, %swap3A_83] {strides = array<i32>} : memref<16x128xf32, #tpu.memory_space<vmem>>, vector<16xf32>,
    tpu.vector_store %arg12[%swap3A_82, %swap3A_83], %broadcast_in_dim3A_80 {strides = array<i32>} : memref<16x128xf32, #tpu.memory_space<vmem>>, vector<16xf32>,
    %broadcast_in_dim3A_85 = arith.constant 0.000000e+00 : f32
    %broadcast_in_dim3A_86 = vector.broadcast %broadcast_in_dim3A_85 : f32 to vector<16xf32>
    %swap3A_87 = arith.constant 1 : i32
    %swap3A_88 = arith.index_cast %swap3A_87 : i32 to index
    %swap3A_89 = arith.constant 96 : index
    %swap3A_90 = tpu.vector_load %arg12[%swap3A_88, %swap3A_89] {strides = array<i32>} : memref<16x128xf32, #tpu.memory_space<vmem>>, vector<16xf32>,
    tpu.vector_store %arg12[%swap3A_88, %swap3A_89], %broadcast_in_dim3A_86 {strides = array<i32>} : memref<16x128xf32, #tpu.memory_space<vmem>>, vector<16xf32>,
    %broadcast_in_dim3A_91 = arith.constant 0.000000e+00 : f32
    %broadcast_in_dim3A_92 = vector.broadcast %broadcast_in_dim3A_91 : f32 to vector<16xf32>
    %swap3A_93 = arith.constant 1 : i32
    %swap3A_94 = arith.index_cast %swap3A_93 : i32 to index
    %swap3A_95 = arith.constant 112 : index
    %swap3A_96 = tpu.vector_load %arg12[%swap3A_94, %swap3A_95] {strides = array<i32>} : memref<16x128xf32, #tpu.memory_space<vmem>>, vector<16xf32>,
    tpu.vector_store %arg12[%swap3A_94, %swap3A_95], %broadcast_in_dim3A_92 {strides = array<i32>} : memref<16x128xf32, #tpu.memory_space<vmem>>, vector<16xf32>,
    %broadcast_in_dim3A_97 = arith.constant 0.000000e+00 : f32
    %broadcast_in_dim3A_98 = vector.broadcast %broadcast_in_dim3A_97 : f32 to vector<16xf32>
    %swap3A_99 = arith.constant 2 : i32
    %swap3A_100 = arith.index_cast %swap3A_99 : i32 to index
    %swap3A_101 = arith.constant 0 : index
    %swap3A_102 = tpu.vector_load %arg12[%swap3A_100, %swap3A_101] {strides = array<i32>} : memref<16x128xf32, #tpu.memory_space<vmem>>, vector<16xf32>,
    tpu.vector_store %arg12[%swap3A_100, %swap3A_101], %broadcast_in_dim3A_98 {strides = array<i32>} : memref<16x128xf32, #tpu.memory_space<vmem>>, vector<16xf32>,
    %broadcast_in_dim3A_103 = arith.constant 0.000000e+00 : f32
    %broadcast_in_dim3A_104 = vector.broadcast %broadcast_in_dim3A_103 : f32 to vector<16xf32>
    %swap3A_105 = arith.constant 2 : i32
    %swap3A_106 = arith.index_cast %swap3A_105 : i32 to index
    %swap3A_107 = arith.constant 16 : index
    %swap3A_108 = tpu.vector_load %arg12[%swap3A_106, %swap3A_107] {strides = array<i32>} : memref<16x128xf32, #tpu.memory_space<vmem>>, vector<16xf32>,
    tpu.vector_store %arg12[%swap3A_106, %swap3A_107], %broadcast_in_dim3A_104 {strides = array<i32>} : memref<16x128xf32, #tpu.memory_space<vmem>>, vector<16xf32>,
    %broadcast_in_dim3A_109 = arith.constant 0.000000e+00 : f32
    %broadcast_in_dim3A_110 = vector.broadcast %broadcast_in_dim3A_109 : f32 to vector<16xf32>
    %swap3A_111 = arith.constant 2 : i32
    %swap3A_112 = arith.index_cast %swap3A_111 : i32 to index
    %swap3A_113 = arith.constant 32 : index
    %swap3A_114 = tpu.vector_load %arg12[%swap3A_112, %swap3A_113] {strides = array<i32>} : memref<16x128xf32, #tpu.memory_space<vmem>>, vector<16xf32>,
    tpu.vector_store %arg12[%swap3A_112, %swap3A_113], %broadcast_in_dim3A_110 {strides = array<i32>} : memref<16x128xf32, #tpu.memory_space<vmem>>, vector<16xf32>,
    %broadcast_in_dim3A_115 = arith.constant 0.000000e+00 : f32
    %broadcast_in_dim3A_116 = vector.broadcast %broadcast_in_dim3A_115 : f32 to vector<16xf32>
    %swap3A_117 = arith.constant 2 : i32
    %swap3A_118 = arith.index_cast %swap3A_117 : i32 to index
    %swap3A_119 = arith.constant 48 : index
    %swap3A_120 = tpu.vector_load %arg12[%swap3A_118, %swap3A_119] {strides = array<i32>} : memref<16x128xf32, #tpu.memory_space<vmem>>, vector<16xf32>,
    tpu.vector_store %arg12[%swap3A_118, %swap3A_119], %broadcast_in_dim3A_116 {strides = array<i32>} : memref<16x128xf32, #tpu.memory_space<vmem>>, vector<16xf32>,
    %broadcast_in_dim3A_121 = arith.constant 0.000000e+00 : f32
    %broadcast_in_dim3A_122 = vector.broadcast %broadcast_in_dim3A_121 : f32 to vector<16xf32>
    %swap3A_123 = arith.constant 2 : i32
    %swap3A_124 = arith.index_cast %swap3A_123 : i32 to index
    %swap3A_125 = arith.constant 64 : index
    %swap3A_126 = tpu.vector_load %arg12[%swap3A_124, %swap3A_125] {strides = array<i32>} : memref<16x128xf32, #tpu.memory_space<vmem>>, vector<16xf32>,
    tpu.vector_store %arg12[%swap3A_124, %swap3A_125], %broadcast_in_dim3A_122 {strides = array<i32>} : memref<16x128xf32, #tpu.memory_space<vmem>>, vector<16xf32>,
    %broadcast_in_dim3A_127 = arith.constant 0.000000e+00 : f32
    %broadcast_in_dim3A_128 = vector.broadcast %broadcast_in_dim3A_127 : f32 to vector<16xf32>
    %swap3A_129 = arith.constant 2 : i32
    %swap3A_130 = arith.index_cast %swap3A_129 : i32 to index
    %swap3A_131 = arith.constant 80 : index
    %swap3A_132 = tpu.vector_load %arg12[%swap3A_130, %swap3A_131] {strides = array<i32>} : memref<16x128xf32, #tpu.memory_space<vmem>>, vector<16xf32>,
    tpu.vector_store %arg12[%swap3A_130, %swap3A_131], %broadcast_in_dim3A_128 {strides = array<i32>} : memref<16x128xf32, #tpu.memory_space<vmem>>, vector<16xf32>,
    %broadcast_in_dim3A_133 = arith.constant 0.000000e+00 : f32
    %broadcast_in_dim3A_134 = vector.broadcast %broadcast_in_dim3A_133 : f32 to vector<16xf32>
    %swap3A_135 = arith.constant 2 : i32
    %swap3A_136 = arith.index_cast %swap3A_135 : i32 to index
    %swap3A_137 = arith.constant 96 : index
    %swap3A_138 = tpu.vector_load %arg12[%swap3A_136, %swap3A_137] {strides = array<i32>} : memref<16x128xf32, #tpu.memory_space<vmem>>, vector<16xf32>,
    tpu.vector_store %arg12[%swap3A_136, %swap3A_137], %broadcast_in_dim3A_134 {strides = array<i32>} : memref<16x128xf32, #tpu.memory_space<vmem>>, vector<16xf32>,
    %broadcast_in_dim3A_139 = arith.constant 0.000000e+00 : f32
    %broadcast_in_dim3A_140 = vector.broadcast %broadcast_in_dim3A_139 : f32 to vector<16xf32>
    %swap3A_141 = arith.constant 2 : i32
    %swap3A_142 = arith.index_cast %swap3A_141 : i32 to index
    %swap3A_143 = arith.constant 112 : index
    %swap3A_144 = tpu.vector_load %arg12[%swap3A_142, %swap3A_143] {strides = array<i32>} : memref<16x128xf32, #tpu.memory_space<vmem>>, vector<16xf32>,
    tpu.vector_store %arg12[%swap3A_142, %swap3A_143], %broadcast_in_dim3A_140 {strides = array<i32>} : memref<16x128xf32, #tpu.memory_space<vmem>>, vector<16xf32>,
    %broadcast_in_dim3A_145 = arith.constant 0.000000e+00 : f32
    %broadcast_in_dim3A_146 = vector.broadcast %broadcast_in_dim3A_145 : f32 to vector<16xf32>
    %swap3A_147 = arith.constant 3 : i32
    %swap3A_148 = arith.index_cast %swap3A_147 : i32 to index
    %swap3A_149 = arith.constant 0 : index
    %swap3A_150 = tpu.vector_load %arg12[%swap3A_148, %swap3A_149] {strides = array<i32>} : memref<16x128xf32, #tpu.memory_space<vmem>>, vector<16xf32>,
    tpu.vector_store %arg12[%swap3A_148, %swap3A_149], %broadcast_in_dim3A_146 {strides = array<i32>} : memref<16x128xf32, #tpu.memory_space<vmem>>, vector<16xf32>,
    %broadcast_in_dim3A_151 = arith.constant 0.000000e+00 : f32
    %broadcast_in_dim3A_152 = vector.broadcast %broadcast_in_dim3A_151 : f32 to vector<16xf32>
    %swap3A_153 = arith.constant 3 : i32
    %swap3A_154 = arith.index_cast %swap3A_153 : i32 to index
    %swap3A_155 = arith.constant 16 : index
    %swap3A_156 = tpu.vector_load %arg12[%swap3A_154, %swap3A_155] {strides = array<i32>} : memref<16x128xf32, #tpu.memory_space<vmem>>, vector<16xf32>,
    tpu.vector_store %arg12[%swap3A_154, %swap3A_155], %broadcast_in_dim3A_152 {strides = array<i32>} : memref<16x128xf32, #tpu.memory_space<vmem>>, vector<16xf32>,
    %broadcast_in_dim3A_157 = arith.constant 0.000000e+00 : f32
    %broadcast_in_dim3A_158 = vector.broadcast %broadcast_in_dim3A_157 : f32 to vector<16xf32>
    %swap3A_159 = arith.constant 3 : i32
    %swap3A_160 = arith.index_cast %swap3A_159 : i32 to index
    %swap3A_161 = arith.constant 32 : index
    %swap3A_162 = tpu.vector_load %arg12[%swap3A_160, %swap3A_161] {strides = array<i32>} : memref<16x128xf32, #tpu.memory_space<vmem>>, vector<16xf32>,
    tpu.vector_store %arg12[%swap3A_160, %swap3A_161], %broadcast_in_dim3A_158 {strides = array<i32>} : memref<16x128xf32, #tpu.memory_space<vmem>>, vector<16xf32>,
    %broadcast_in_dim3A_163 = arith.constant 0.000000e+00 : f32
    %broadcast_in_dim3A_164 = vector.broadcast %broadcast_in_dim3A_163 : f32 to vector<16xf32>
    %swap3A_165 = arith.constant 3 : i32
    %swap3A_166 = arith.index_cast %swap3A_165 : i32 to index
    %swap3A_167 = arith.constant 48 : index
    %swap3A_168 = tpu.vector_load %arg12[%swap3A_166, %swap3A_167] {strides = array<i32>} : memref<16x128xf32, #tpu.memory_space<vmem>>, vector<16xf32>,
    tpu.vector_store %arg12[%swap3A_166, %swap3A_167], %broadcast_in_dim3A_164 {strides = array<i32>} : memref<16x128xf32, #tpu.memory_space<vmem>>, vector<16xf32>,
    %broadcast_in_dim3A_169 = arith.constant 0.000000e+00 : f32
    %broadcast_in_dim3A_170 = vector.broadcast %broadcast_in_dim3A_169 : f32 to vector<16xf32>
    %swap3A_171 = arith.constant 3 : i32
    %swap3A_172 = arith.index_cast %swap3A_171 : i32 to index
    %swap3A_173 = arith.constant 64 : index
    %swap3A_174 = tpu.vector_load %arg12[%swap3A_172, %swap3A_173] {strides = array<i32>} : memref<16x128xf32, #tpu.memory_space<vmem>>, vector<16xf32>,
    tpu.vector_store %arg12[%swap3A_172, %swap3A_173], %broadcast_in_dim3A_170 {strides = array<i32>} : memref<16x128xf32, #tpu.memory_space<vmem>>, vector<16xf32>,
    %broadcast_in_dim3A_175 = arith.constant 0.000000e+00 : f32
    %broadcast_in_dim3A_176 = vector.broadcast %broadcast_in_dim3A_175 : f32 to vector<16xf32>
    %swap3A_177 = arith.constant 3 : i32
    %swap3A_178 = arith.index_cast %swap3A_177 : i32 to index
    %swap3A_179 = arith.constant 80 : index
    %swap3A_180 = tpu.vector_load %arg12[%swap3A_178, %swap3A_179] {strides = array<i32>} : memref<16x128xf32, #tpu.memory_space<vmem>>, vector<16xf32>,
    tpu.vector_store %arg12[%swap3A_178, %swap3A_179], %broadcast_in_dim3A_176 {strides = array<i32>} : memref<16x128xf32, #tpu.memory_space<vmem>>, vector<16xf32>,
    %broadcast_in_dim3A_181 = arith.constant 0.000000e+00 : f32
    %broadcast_in_dim3A_182 = vector.broadcast %broadcast_in_dim3A_181 : f32 to vector<16xf32>
    %swap3A_183 = arith.constant 3 : i32
    %swap3A_184 = arith.index_cast %swap3A_183 : i32 to index
    %swap3A_185 = arith.constant 96 : index
    %swap3A_186 = tpu.vector_load %arg12[%swap3A_184, %swap3A_185] {strides = array<i32>} : memref<16x128xf32, #tpu.memory_space<vmem>>, vector<16xf32>,
    tpu.vector_store %arg12[%swap3A_184, %swap3A_185], %broadcast_in_dim3A_182 {strides = array<i32>} : memref<16x128xf32, #tpu.memory_space<vmem>>, vector<16xf32>,
    %broadcast_in_dim3A_187 = arith.constant 0.000000e+00 : f32
    %broadcast_in_dim3A_188 = vector.broadcast %broadcast_in_dim3A_187 : f32 to vector<16xf32>
    %swap3A_189 = arith.constant 3 : i32
    %swap3A_190 = arith.index_cast %swap3A_189 : i32 to index
    %swap3A_191 = arith.constant 112 : index
    %swap3A_192 = tpu.vector_load %arg12[%swap3A_190, %swap3A_191] {strides = array<i32>} : memref<16x128xf32, #tpu.memory_space<vmem>>, vector<16xf32>,
    tpu.vector_store %arg12[%swap3A_190, %swap3A_191], %broadcast_in_dim3A_188 {strides = array<i32>} : memref<16x128xf32, #tpu.memory_space<vmem>>, vector<16xf32>,
    %broadcast_in_dim3A_193 = arith.constant 0.000000e+00 : f32
    %broadcast_in_dim3A_194 = vector.broadcast %broadcast_in_dim3A_193 : f32 to vector<16xf32>
    %swap3A_195 = arith.constant 4 : i32
    %swap3A_196 = arith.index_cast %swap3A_195 : i32 to index
    %swap3A_197 = arith.constant 0 : index
    %swap3A_198 = tpu.vector_load %arg12[%swap3A_196, %swap3A_197] {strides = array<i32>} : memref<16x128xf32, #tpu.memory_space<vmem>>, vector<16xf32>,
    tpu.vector_store %arg12[%swap3A_196, %swap3A_197], %broadcast_in_dim3A_194 {strides = array<i32>} : memref<16x128xf32, #tpu.memory_space<vmem>>, vector<16xf32>,
    %broadcast_in_dim3A_199 = arith.constant 0.000000e+00 : f32
    %broadcast_in_dim3A_200 = vector.broadcast %broadcast_in_dim3A_199 : f32 to vector<16xf32>
    %swap3A_201 = arith.constant 4 : i32
    %swap3A_202 = arith.index_cast %swap3A_201 : i32 to index
    %swap3A_203 = arith.constant 16 : index
    %swap3A_204 = tpu.vector_load %arg12[%swap3A_202, %swap3A_203] {strides = array<i32>} : memref<16x128xf32, #tpu.memory_space<vmem>>, vector<16xf32>,
    tpu.vector_store %arg12[%swap3A_202, %swap3A_203], %broadcast_in_dim3A_200 {strides = array<i32>} : memref<16x128xf32, #tpu.memory_space<vmem>>, vector<16xf32>,
    %broadcast_in_dim3A_205 = arith.constant 0.000000e+00 : f32
    %broadcast_in_dim3A_206 = vector.broadcast %broadcast_in_dim3A_205 : f32 to vector<16xf32>
    %swap3A_207 = arith.constant 4 : i32
    %swap3A_208 = arith.index_cast %swap3A_207 : i32 to index
    %swap3A_209 = arith.constant 32 : index
    %swap3A_210 = tpu.vector_load %arg12[%swap3A_208, %swap3A_209] {strides = array<i32>} : memref<16x128xf32, #tpu.memory_space<vmem>>, vector<16xf32>,
    tpu.vector_store %arg12[%swap3A_208, %swap3A_209], %broadcast_in_dim3A_206 {strides = array<i32>} : memref<16x128xf32, #tpu.memory_space<vmem>>, vector<16xf32>,
    %broadcast_in_dim3A_211 = arith.constant 0.000000e+00 : f32
    %broadcast_in_dim3A_212 = vector.broadcast %broadcast_in_dim3A_211 : f32 to vector<16xf32>
    %swap3A_213 = arith.constant 4 : i32
    %swap3A_214 = arith.index_cast %swap3A_213 : i32 to index
    %swap3A_215 = arith.constant 48 : index
    %swap3A_216 = tpu.vector_load %arg12[%swap3A_214, %swap3A_215] {strides = array<i32>} : memref<16x128xf32, #tpu.memory_space<vmem>>, vector<16xf32>,
    tpu.vector_store %arg12[%swap3A_214, %swap3A_215], %broadcast_in_dim3A_212 {strides = array<i32>} : memref<16x128xf32, #tpu.memory_space<vmem>>, vector<16xf32>,
    %broadcast_in_dim3A_217 = arith.constant 0.000000e+00 : f32
    %broadcast_in_dim3A_218 = vector.broadcast %broadcast_in_dim3A_217 : f32 to vector<16xf32>
    %swap3A_219 = arith.constant 4 : i32
    %swap3A_220 = arith.index_cast %swap3A_219 : i32 to index
    %swap3A_221 = arith.constant 64 : index
    %swap3A_222 = tpu.vector_load %arg12[%swap3A_220, %swap3A_221] {strides = array<i32>} : memref<16x128xf32, #tpu.memory_space<vmem>>, vector<16xf32>,
    tpu.vector_store %arg12[%swap3A_220, %swap3A_221], %broadcast_in_dim3A_218 {strides = array<i32>} : memref<16x128xf32, #tpu.memory_space<vmem>>, vector<16xf32>,
    %broadcast_in_dim3A_223 = arith.constant 0.000000e+00 : f32
    %broadcast_in_dim3A_224 = vector.broadcast %broadcast_in_dim3A_223 : f32 to vector<16xf32>
    %swap3A_225 = arith.constant 4 : i32
    %swap3A_226 = arith.index_cast %swap3A_225 : i32 to index
    %swap3A_227 = arith.constant 80 : index
    %swap3A_228 = tpu.vector_load %arg12[%swap3A_226, %swap3A_227] {strides = array<i32>} : memref<16x128xf32, #tpu.memory_space<vmem>>, vector<16xf32>,
    tpu.vector_store %arg12[%swap3A_226, %swap3A_227], %broadcast_in_dim3A_224 {strides = array<i32>} : memref<16x128xf32, #tpu.memory_space<vmem>>, vector<16xf32>,
    %broadcast_in_dim3A_229 = arith.constant 0.000000e+00 : f32
    %broadcast_in_dim3A_230 = vector.broadcast %broadcast_in_dim3A_229 : f32 to vector<16xf32>
    %swap3A_231 = arith.constant 4 : i32
    %swap3A_232 = arith.index_cast %swap3A_231 : i32 to index
    %swap3A_233 = arith.constant 96 : index
    %swap3A_234 = tpu.vector_load %arg12[%swap3A_232, %swap3A_233] {strides = array<i32>} : memref<16x128xf32, #tpu.memory_space<vmem>>, vector<16xf32>,
    tpu.vector_store %arg12[%swap3A_232, %swap3A_233], %broadcast_in_dim3A_230 {strides = array<i32>} : memref<16x128xf32, #tpu.memory_space<vmem>>, vector<16xf32>,
    %broadcast_in_dim3A_235 = arith.constant 0.000000e+00 : f32
    %broadcast_in_dim3A_236 = vector.broadcast %broadcast_in_dim3A_235 : f32 to vector<16xf32>
    %swap3A_237 = arith.constant 4 : i32
    %swap3A_238 = arith.index_cast %swap3A_237 : i32 to index
    %swap3A_239 = arith.constant 112 : index
    %swap3A_240 = tpu.vector_load %arg12[%swap3A_238, %swap3A_239] {strides = array<i32>} : memref<16x128xf32, #tpu.memory_space<vmem>>, vector<16xf32>,
    tpu.vector_store %arg12[%swap3A_238, %swap3A_239], %broadcast_in_dim3A_236 {strides = array<i32>} : memref<16x128xf32, #tpu.memory_space<vmem>>, vector<16xf32>,
    %broadcast_in_dim3A_241 = arith.constant 0.000000e+00 : f32
    %broadcast_in_dim3A_242 = vector.broadcast %broadcast_in_dim3A_241 : f32 to vector<16xf32>
    %swap3A_243 = arith.constant 5 : i32
    %swap3A_244 = arith.index_cast %swap3A_243 : i32 to index
    %swap3A_245 = arith.constant 0 : index
    %swap3A_246 = tpu.vector_load %arg12[%swap3A_244, %swap3A_245] {strides = array<i32>} : memref<16x128xf32, #tpu.memory_space<vmem>>, vector<16xf32>,
    tpu.vector_store %arg12[%swap3A_244, %swap3A_245], %broadcast_in_dim3A_242 {strides = array<i32>} : memref<16x128xf32, #tpu.memory_space<vmem>>, vector<16xf32>,
    %broadcast_in_dim3A_247 = arith.constant 0.000000e+00 : f32
    %broadcast_in_dim3A_248 = vector.broadcast %broadcast_in_dim3A_247 : f32 to vector<16xf32>
    %swap3A_249 = arith.constant 5 : i32
    %swap3A_250 = arith.index_cast %swap3A_249 : i32 to index
    %swap3A_251 = arith.constant 16 : index
    %swap3A_252 = tpu.vector_load %arg12[%swap3A_250, %swap3A_251] {strides = array<i32>} : memref<16x128xf32, #tpu.memory_space<vmem>>, vector<16xf32>,
    tpu.vector_store %arg12[%swap3A_250, %swap3A_251], %broadcast_in_dim3A_248 {strides = array<i32>} : memref<16x128xf32, #tpu.memory_space<vmem>>, vector<16xf32>,
    %broadcast_in_dim3A_253 = arith.constant 0.000000e+00 : f32
    %broadcast_in_dim3A_254 = vector.broadcast %broadcast_in_dim3A_253 : f32 to vector<16xf32>
    %swap3A_255 = arith.constant 5 : i32
    %swap3A_256 = arith.index_cast %swap3A_255 : i32 to index
    %swap3A_257 = arith.constant 32 : index
    %swap3A_258 = tpu.vector_load %arg12[%swap3A_256, %swap3A_257] {strides = array<i32>} : memref<16x128xf32, #tpu.memory_space<vmem>>, vector<16xf32>,
    tpu.vector_store %arg12[%swap3A_256, %swap3A_257], %broadcast_in_dim3A_254 {strides = array<i32>} : memref<16x128xf32, #tpu.memory_space<vmem>>, vector<16xf32>,
    %broadcast_in_dim3A_259 = arith.constant 0.000000e+00 : f32
    %broadcast_in_dim3A_260 = vector.broadcast %broadcast_in_dim3A_259 : f32 to vector<16xf32>
    %swap3A_261 = arith.constant 5 : i32
    %swap3A_262 = arith.index_cast %swap3A_261 : i32 to index
    %swap3A_263 = arith.constant 48 : index
    %swap3A_264 = tpu.vector_load %arg12[%swap3A_262, %swap3A_263] {strides = array<i32>} : memref<16x128xf32, #tpu.memory_space<vmem>>, vector<16xf32>,
    tpu.vector_store %arg12[%swap3A_262, %swap3A_263], %broadcast_in_dim3A_260 {strides = array<i32>} : memref<16x128xf32, #tpu.memory_space<vmem>>, vector<16xf32>,
    %broadcast_in_dim3A_265 = arith.constant 0.000000e+00 : f32
    %broadcast_in_dim3A_266 = vector.broadcast %broadcast_in_dim3A_265 : f32 to vector<16xf32>
    %swap3A_267 = arith.constant 5 : i32
    %swap3A_268 = arith.index_cast %swap3A_267 : i32 to index
    %swap3A_269 = arith.constant 64 : index
    %swap3A_270 = tpu.vector_load %arg12[%swap3A_268, %swap3A_269] {strides = array<i32>} : memref<16x128xf32, #tpu.memory_space<vmem>>, vector<16xf32>,
    tpu.vector_store %arg12[%swap3A_268, %swap3A_269], %broadcast_in_dim3A_266 {strides = array<i32>} : memref<16x128xf32, #tpu.memory_space<vmem>>, vector<16xf32>,
    %broadcast_in_dim3A_271 = arith.constant 0.000000e+00 : f32
    %broadcast_in_dim3A_272 = vector.broadcast %broadcast_in_dim3A_271 : f32 to vector<16xf32>
    %swap3A_273 = arith.constant 5 : i32
    %swap3A_274 = arith.index_cast %swap3A_273 : i32 to index
    %swap3A_275 = arith.constant 80 : index
    %swap3A_276 = tpu.vector_load %arg12[%swap3A_274, %swap3A_275] {strides = array<i32>} : memref<16x128xf32, #tpu.memory_space<vmem>>, vector<16xf32>,
    tpu.vector_store %arg12[%swap3A_274, %swap3A_275], %broadcast_in_dim3A_272 {strides = array<i32>} : memref<16x128xf32, #tpu.memory_space<vmem>>, vector<16xf32>,
    %broadcast_in_dim3A_277 = arith.constant 0.000000e+00 : f32
    %broadcast_in_dim3A_278 = vector.broadcast %broadcast_in_dim3A_277 : f32 to vector<16xf32>
    %swap3A_279 = arith.constant 5 : i32
    %swap3A_280 = arith.index_cast %swap3A_279 : i32 to index
    %swap3A_281 = arith.constant 96 : index
    %swap3A_282 = tpu.vector_load %arg12[%swap3A_280, %swap3A_281] {strides = array<i32>} : memref<16x128xf32, #tpu.memory_space<vmem>>, vector<16xf32>,
    tpu.vector_store %arg12[%swap3A_280, %swap3A_281], %broadcast_in_dim3A_278 {strides = array<i32>} : memref<16x128xf32, #tpu.memory_space<vmem>>, vector<16xf32>,
    %broadcast_in_dim3A_283 = arith.constant 0.000000e+00 : f32
    %broadcast_in_dim3A_284 = vector.broadcast %broadcast_in_dim3A_283 : f32 to vector<16xf32>
    %swap3A_285 = arith.constant 5 : i32
    %swap3A_286 = arith.index_cast %swap3A_285 : i32 to index
    %swap3A_287 = arith.constant 112 : index
    %swap3A_288 = tpu.vector_load %arg12[%swap3A_286, %swap3A_287] {strides = array<i32>} : memref<16x128xf32, #tpu.memory_space<vmem>>, vector<16xf32>,
    tpu.vector_store %arg12[%swap3A_286, %swap3A_287], %broadcast_in_dim3A_284 {strides = array<i32>} : memref<16x128xf32, #tpu.memory_space<vmem>>, vector<16xf32>,
    %broadcast_in_dim3A_289 = arith.constant 0.000000e+00 : f32
    %broadcast_in_dim3A_290 = vector.broadcast %broadcast_in_dim3A_289 : f32 to vector<16xf32>
    %swap3A_291 = arith.constant 6 : i32
    %swap3A_292 = arith.index_cast %swap3A_291 : i32 to index
    %swap3A_293 = arith.constant 0 : index
    %swap3A_294 = tpu.vector_load %arg12[%swap3A_292, %swap3A_293] {strides = array<i32>} : memref<16x128xf32, #tpu.memory_space<vmem>>, vector<16xf32>,
    tpu.vector_store %arg12[%swap3A_292, %swap3A_293], %broadcast_in_dim3A_290 {strides = array<i32>} : memref<16x128xf32, #tpu.memory_space<vmem>>, vector<16xf32>,
    %broadcast_in_dim3A_295 = arith.constant 0.000000e+00 : f32
    %broadcast_in_dim3A_296 = vector.broadcast %broadcast_in_dim3A_295 : f32 to vector<16xf32>
    %swap3A_297 = arith.constant 6 : i32
    %swap3A_298 = arith.index_cast %swap3A_297 : i32 to index
    %swap3A_299 = arith.constant 16 : index
    %swap3A_300 = tpu.vector_load %arg12[%swap3A_298, %swap3A_299] {strides = array<i32>} : memref<16x128xf32, #tpu.memory_space<vmem>>, vector<16xf32>,
    tpu.vector_store %arg12[%swap3A_298, %swap3A_299], %broadcast_in_dim3A_296 {strides = array<i32>} : memref<16x128xf32, #tpu.memory_space<vmem>>, vector<16xf32>,
    %broadcast_in_dim3A_301 = arith.constant 0.000000e+00 : f32
    %broadcast_in_dim3A_302 = vector.broadcast %broadcast_in_dim3A_301 : f32 to vector<16xf32>
    %swap3A_303 = arith.constant 6 : i32
    %swap3A_304 = arith.index_cast %swap3A_303 : i32 to index
    %swap3A_305 = arith.constant 32 : index
    %swap3A_306 = tpu.vector_load %arg12[%swap3A_304, %swap3A_305] {strides = array<i32>} : memref<16x128xf32, #tpu.memory_space<vmem>>, vector<16xf32>,
    tpu.vector_store %arg12[%swap3A_304, %swap3A_305], %broadcast_in_dim3A_302 {strides = array<i32>} : memref<16x128xf32, #tpu.memory_space<vmem>>, vector<16xf32>,
    %broadcast_in_dim3A_307 = arith.constant 0.000000e+00 : f32
    %broadcast_in_dim3A_308 = vector.broadcast %broadcast_in_dim3A_307 : f32 to vector<16xf32>
    %swap3A_309 = arith.constant 6 : i32
    %swap3A_310 = arith.index_cast %swap3A_309 : i32 to index
    %swap3A_311 = arith.constant 48 : index
    %swap3A_312 = tpu.vector_load %arg12[%swap3A_310, %swap3A_311] {strides = array<i32>} : memref<16x128xf32, #tpu.memory_space<vmem>>, vector<16xf32>,
    tpu.vector_store %arg12[%swap3A_310, %swap3A_311], %broadcast_in_dim3A_308 {strides = array<i32>} : memref<16x128xf32, #tpu.memory_space<vmem>>, vector<16xf32>,
    %broadcast_in_dim3A_313 = arith.constant 0.000000e+00 : f32
    %broadcast_in_dim3A_314 = vector.broadcast %broadcast_in_dim3A_313 : f32 to vector<16xf32>
    %swap3A_315 = arith.constant 6 : i32
    %swap3A_316 = arith.index_cast %swap3A_315 : i32 to index
    %swap3A_317 = arith.constant 64 : index
    %swap3A_318 = tpu.vector_load %arg12[%swap3A_316, %swap3A_317] {strides = array<i32>} : memref<16x128xf32, #tpu.memory_space<vmem>>, vector<16xf32>,
    tpu.vector_store %arg12[%swap3A_316, %swap3A_317], %broadcast_in_dim3A_314 {strides = array<i32>} : memref<16x128xf32, #tpu.memory_space<vmem>>, vector<16xf32>,
    %broadcast_in_dim3A_319 = arith.constant 0.000000e+00 : f32
    %broadcast_in_dim3A_320 = vector.broadcast %broadcast_in_dim3A_319 : f32 to vector<16xf32>
    %swap3A_321 = arith.constant 6 : i32
    %swap3A_322 = arith.index_cast %swap3A_321 : i32 to index
    %swap3A_323 = arith.constant 80 : index
    %swap3A_324 = tpu.vector_load %arg12[%swap3A_322, %swap3A_323] {strides = array<i32>} : memref<16x128xf32, #tpu.memory_space<vmem>>, vector<16xf32>,
    tpu.vector_store %arg12[%swap3A_322, %swap3A_323], %broadcast_in_dim3A_320 {strides = array<i32>} : memref<16x128xf32, #tpu.memory_space<vmem>>, vector<16xf32>,
    %broadcast_in_dim3A_325 = arith.constant 0.000000e+00 : f32
    %broadcast_in_dim3A_326 = vector.broadcast %broadcast_in_dim3A_325 : f32 to vector<16xf32>
    %swap3A_327 = arith.constant 6 : i32
    %swap3A_328 = arith.index_cast %swap3A_327 : i32 to index
    %swap3A_329 = arith.constant 96 : index
    %swap3A_330 = tpu.vector_load %arg12[%swap3A_328, %swap3A_329] {strides = array<i32>} : memref<16x128xf32, #tpu.memory_space<vmem>>, vector<16xf32>,
    tpu.vector_store %arg12[%swap3A_328, %swap3A_329], %broadcast_in_dim3A_326 {strides = array<i32>} : memref<16x128xf32, #tpu.memory_space<vmem>>, vector<16xf32>,
    %broadcast_in_dim3A_331 = arith.constant 0.000000e+00 : f32
    %broadcast_in_dim3A_332 = vector.broadcast %broadcast_in_dim3A_331 : f32 to vector<16xf32>
    %swap3A_333 = arith.constant 6 : i32
    %swap3A_334 = arith.index_cast %swap3A_333 : i32 to index
    %swap3A_335 = arith.constant 112 : index
    %swap3A_336 = tpu.vector_load %arg12[%swap3A_334, %swap3A_335] {strides = array<i32>} : memref<16x128xf32, #tpu.memory_space<vmem>>, vector<16xf32>,
    tpu.vector_store %arg12[%swap3A_334, %swap3A_335], %broadcast_in_dim3A_332 {strides = array<i32>} : memref<16x128xf32, #tpu.memory_space<vmem>>, vector<16xf32>,
    %broadcast_in_dim3A_337 = arith.constant 0.000000e+00 : f32
    %broadcast_in_dim3A_338 = vector.broadcast %broadcast_in_dim3A_337 : f32 to vector<16xf32>
    %swap3A_339 = arith.constant 7 : i32
    %swap3A_340 = arith.index_cast %swap3A_339 : i32 to index
    %swap3A_341 = arith.constant 0 : index
    %swap3A_342 = tpu.vector_load %arg12[%swap3A_340, %swap3A_341] {strides = array<i32>} : memref<16x128xf32, #tpu.memory_space<vmem>>, vector<16xf32>,
    tpu.vector_store %arg12[%swap3A_340, %swap3A_341], %broadcast_in_dim3A_338 {strides = array<i32>} : memref<16x128xf32, #tpu.memory_space<vmem>>, vector<16xf32>,
    %broadcast_in_dim3A_343 = arith.constant 0.000000e+00 : f32
    %broadcast_in_dim3A_344 = vector.broadcast %broadcast_in_dim3A_343 : f32 to vector<16xf32>
    %swap3A_345 = arith.constant 7 : i32
    %swap3A_346 = arith.index_cast %swap3A_345 : i32 to index
    %swap3A_347 = arith.constant 16 : index
    %swap3A_348 = tpu.vector_load %arg12[%swap3A_346, %swap3A_347] {strides = array<i32>} : memref<16x128xf32, #tpu.memory_space<vmem>>, vector<16xf32>,
    tpu.vector_store %arg12[%swap3A_346, %swap3A_347], %broadcast_in_dim3A_344 {strides = array<i32>} : memref<16x128xf32, #tpu.memory_space<vmem>>, vector<16xf32>,
    %broadcast_in_dim3A_349 = arith.constant 0.000000e+00 : f32
    %broadcast_in_dim3A_350 = vector.broadcast %broadcast_in_dim3A_349 : f32 to vector<16xf32>
    %swap3A_351 = arith.constant 7 : i32
    %swap3A_352 = arith.index_cast %swap3A_351 : i32 to index
    %swap3A_353 = arith.constant 32 : index
    %swap3A_354 = tpu.vector_load %arg12[%swap3A_352, %swap3A_353] {strides = array<i32>} : memref<16x128xf32, #tpu.memory_space<vmem>>, vector<16xf32>,
    tpu.vector_store %arg12[%swap3A_352, %swap3A_353], %broadcast_in_dim3A_350 {strides = array<i32>} : memref<16x128xf32, #tpu.memory_space<vmem>>, vector<16xf32>,
    %broadcast_in_dim3A_355 = arith.constant 0.000000e+00 : f32
    %broadcast_in_dim3A_356 = vector.broadcast %broadcast_in_dim3A_355 : f32 to vector<16xf32>
    %swap3A_357 = arith.constant 7 : i32
    %swap3A_358 = arith.index_cast %swap3A_357 : i32 to index
    %swap3A_359 = arith.constant 48 : index
    %swap3A_360 = tpu.vector_load %arg12[%swap3A_358, %swap3A_359] {strides = array<i32>} : memref<16x128xf32, #tpu.memory_space<vmem>>, vector<16xf32>,
    tpu.vector_store %arg12[%swap3A_358, %swap3A_359], %broadcast_in_dim3A_356 {strides = array<i32>} : memref<16x128xf32, #tpu.memory_space<vmem>>, vector<16xf32>,
    %broadcast_in_dim3A_361 = arith.constant 0.000000e+00 : f32
    %broadcast_in_dim3A_362 = vector.broadcast %broadcast_in_dim3A_361 : f32 to vector<16xf32>
    %swap3A_363 = arith.constant 7 : i32
    %swap3A_364 = arith.index_cast %swap3A_363 : i32 to index
    %swap3A_365 = arith.constant 64 : index
    %swap3A_366 = tpu.vector_load %arg12[%swap3A_364, %swap3A_365] {strides = array<i32>} : memref<16x128xf32, #tpu.memory_space<vmem>>, vector<16xf32>,
    tpu.vector_store %arg12[%swap3A_364, %swap3A_365], %broadcast_in_dim3A_362 {strides = array<i32>} : memref<16x128xf32, #tpu.memory_space<vmem>>, vector<16xf32>,
    %broadcast_in_dim3A_367 = arith.constant 0.000000e+00 : f32
    %broadcast_in_dim3A_368 = vector.broadcast %broadcast_in_dim3A_367 : f32 to vector<16xf32>
    %swap3A_369 = arith.constant 7 : i32
    %swap3A_370 = arith.index_cast %swap3A_369 : i32 to index
    %swap3A_371 = arith.constant 80 : index
    %swap3A_372 = tpu.vector_load %arg12[%swap3A_370, %swap3A_371] {strides = array<i32>} : memref<16x128xf32, #tpu.memory_space<vmem>>, vector<16xf32>,
    tpu.vector_store %arg12[%swap3A_370, %swap3A_371], %broadcast_in_dim3A_368 {strides = array<i32>} : memref<16x128xf32, #tpu.memory_space<vmem>>, vector<16xf32>,
    %broadcast_in_dim3A_373 = arith.constant 0.000000e+00 : f32
    %broadcast_in_dim3A_374 = vector.broadcast %broadcast_in_dim3A_373 : f32 to vector<16xf32>
    %swap3A_375 = arith.constant 7 : i32
    %swap3A_376 = arith.index_cast %swap3A_375 : i32 to index
    %swap3A_377 = arith.constant 96 : index
    %swap3A_378 = tpu.vector_load %arg12[%swap3A_376, %swap3A_377] {strides = array<i32>} : memref<16x128xf32, #tpu.memory_space<vmem>>, vector<16xf32>,
    tpu.vector_store %arg12[%swap3A_376, %swap3A_377], %broadcast_in_dim3A_374 {strides = array<i32>} : memref<16x128xf32, #tpu.memory_space<vmem>>, vector<16xf32>,
    %broadcast_in_dim3A_379 = arith.constant 0.000000e+00 : f32
    %broadcast_in_dim3A_380 = vector.broadcast %broadcast_in_dim3A_379 : f32 to vector<16xf32>
    %swap3A_381 = arith.constant 7 : i32
    %swap3A_382 = arith.index_cast %swap3A_381 : i32 to index
    %swap3A_383 = arith.constant 112 : index
    %swap3A_384 = tpu.vector_load %arg12[%swap3A_382, %swap3A_383] {strides = array<i32>} : memref<16x128xf32, #tpu.memory_space<vmem>>, vector<16xf32>,
    tpu.vector_store %arg12[%swap3A_382, %swap3A_383], %broadcast_in_dim3A_380 {strides = array<i32>} : memref<16x128xf32, #tpu.memory_space<vmem>>, vector<16xf32>,
    %broadcast_in_dim3A_385 = arith.constant 0.000000e+00 : f32
    %broadcast_in_dim3A_386 = vector.broadcast %broadcast_in_dim3A_385 : f32 to vector<16xf32>
    %swap3A_387 = arith.constant 8 : i32
    %swap3A_388 = arith.index_cast %swap3A_387 : i32 to index
    %swap3A_389 = arith.constant 0 : index
    %swap3A_390 = tpu.vector_load %arg12[%swap3A_388, %swap3A_389] {strides = array<i32>} : memref<16x128xf32, #tpu.memory_space<vmem>>, vector<16xf32>,
    tpu.vector_store %arg12[%swap3A_388, %swap3A_389], %broadcast_in_dim3A_386 {strides = array<i32>} : memref<16x128xf32, #tpu.memory_space<vmem>>, vector<16xf32>,
    %broadcast_in_dim3A_391 = arith.constant 0.000000e+00 : f32
    %broadcast_in_dim3A_392 = vector.broadcast %broadcast_in_dim3A_391 : f32 to vector<16xf32>
    %swap3A_393 = arith.constant 8 : i32
    %swap3A_394 = arith.index_cast %swap3A_393 : i32 to index
    %swap3A_395 = arith.constant 16 : index
    %swap3A_396 = tpu.vector_load %arg12[%swap3A_394, %swap3A_395] {strides = array<i32>} : memref<16x128xf32, #tpu.memory_space<vmem>>, vector<16xf32>,
    tpu.vector_store %arg12[%swap3A_394, %swap3A_395], %broadcast_in_dim3A_392 {strides = array<i32>} : memref<16x128xf32, #tpu.memory_space<vmem>>, vector<16xf32>,
    %broadcast_in_dim3A_397 = arith.constant 0.000000e+00 : f32
    %broadcast_in_dim3A_398 = vector.broadcast %broadcast_in_dim3A_397 : f32 to vector<16xf32>
    %swap3A_399 = arith.constant 8 : i32
    %swap3A_400 = arith.index_cast %swap3A_399 : i32 to index
    %swap3A_401 = arith.constant 32 : index
    %swap3A_402 = tpu.vector_load %arg12[%swap3A_400, %swap3A_401] {strides = array<i32>} : memref<16x128xf32, #tpu.memory_space<vmem>>, vector<16xf32>,
    tpu.vector_store %arg12[%swap3A_400, %swap3A_401], %broadcast_in_dim3A_398 {strides = array<i32>} : memref<16x128xf32, #tpu.memory_space<vmem>>, vector<16xf32>,
    %broadcast_in_dim3A_403 = arith.constant 0.000000e+00 : f32
    %broadcast_in_dim3A_404 = vector.broadcast %broadcast_in_dim3A_403 : f32 to vector<16xf32>
    %swap3A_405 = arith.constant 8 : i32
    %swap3A_406 = arith.index_cast %swap3A_405 : i32 to index
    %swap3A_407 = arith.constant 48 : index
    %swap3A_408 = tpu.vector_load %arg12[%swap3A_406, %swap3A_407] {strides = array<i32>} : memref<16x128xf32, #tpu.memory_space<vmem>>, vector<16xf32>,
    tpu.vector_store %arg12[%swap3A_406, %swap3A_407], %broadcast_in_dim3A_404 {strides = array<i32>} : memref<16x128xf32, #tpu.memory_space<vmem>>, vector<16xf32>,
    %broadcast_in_dim3A_409 = arith.constant 0.000000e+00 : f32
    %broadcast_in_dim3A_410 = vector.broadcast %broadcast_in_dim3A_409 : f32 to vector<16xf32>
    %swap3A_411 = arith.constant 8 : i32
    %swap3A_412 = arith.index_cast %swap3A_411 : i32 to index
    %swap3A_413 = arith.constant 64 : index
    %swap3A_414 = tpu.vector_load %arg12[%swap3A_412, %swap3A_413] {strides = array<i32>} : memref<16x128xf32, #tpu.memory_space<vmem>>, vector<16xf32>,
    tpu.vector_store %arg12[%swap3A_412, %swap3A_413], %broadcast_in_dim3A_410 {strides = array<i32>} : memref<16x128xf32, #tpu.memory_space<vmem>>, vector<16xf32>,
    %broadcast_in_dim3A_415 = arith.constant 0.000000e+00 : f32
    %broadcast_in_dim3A_416 = vector.broadcast %broadcast_in_dim3A_415 : f32 to vector<16xf32>
    %swap3A_417 = arith.constant 8 : i32
    %swap3A_418 = arith.index_cast %swap3A_417 : i32 to index
    %swap3A_419 = arith.constant 80 : index
    %swap3A_420 = tpu.vector_load %arg12[%swap3A_418, %swap3A_419] {strides = array<i32>} : memref<16x128xf32, #tpu.memory_space<vmem>>, vector<16xf32>,
    tpu.vector_store %arg12[%swap3A_418, %swap3A_419], %broadcast_in_dim3A_416 {strides = array<i32>} : memref<16x128xf32, #tpu.memory_space<vmem>>, vector<16xf32>,
    %broadcast_in_dim3A_421 = arith.constant 0.000000e+00 : f32
    %broadcast_in_dim3A_422 = vector.broadcast %broadcast_in_dim3A_421 : f32 to vector<16xf32>
    %swap3A_423 = arith.constant 8 : i32
    %swap3A_424 = arith.index_cast %swap3A_423 : i32 to index
    %swap3A_425 = arith.constant 96 : index
    %swap3A_426 = tpu.vector_load %arg12[%swap3A_424, %swap3A_425] {strides = array<i32>} : memref<16x128xf32, #tpu.memory_space<vmem>>, vector<16xf32>,
    tpu.vector_store %arg12[%swap3A_424, %swap3A_425], %broadcast_in_dim3A_422 {strides = array<i32>} : memref<16x128xf32, #tpu.memory_space<vmem>>, vector<16xf32>,
    %broadcast_in_dim3A_427 = arith.constant 0.000000e+00 : f32
    %broadcast_in_dim3A_428 = vector.broadcast %broadcast_in_dim3A_427 : f32 to vector<16xf32>
    %swap3A_429 = arith.constant 8 : i32
    %swap3A_430 = arith.index_cast %swap3A_429 : i32 to index
    %swap3A_431 = arith.constant 112 : index
    %swap3A_432 = tpu.vector_load %arg12[%swap3A_430, %swap3A_431] {strides = array<i32>} : memref<16x128xf32, #tpu.memory_space<vmem>>, vector<16xf32>,
    tpu.vector_store %arg12[%swap3A_430, %swap3A_431], %broadcast_in_dim3A_428 {strides = array<i32>} : memref<16x128xf32, #tpu.memory_space<vmem>>, vector<16xf32>,
    %broadcast_in_dim3A_433 = arith.constant 0.000000e+00 : f32
    %broadcast_in_dim3A_434 = vector.broadcast %broadcast_in_dim3A_433 : f32 to vector<16xf32>
    %swap3A_435 = arith.constant 9 : i32
    %swap3A_436 = arith.index_cast %swap3A_435 : i32 to index
    %swap3A_437 = arith.constant 0 : index
    %swap3A_438 = tpu.vector_load %arg12[%swap3A_436, %swap3A_437] {strides = array<i32>} : memref<16x128xf32, #tpu.memory_space<vmem>>, vector<16xf32>,
    tpu.vector_store %arg12[%swap3A_436, %swap3A_437], %broadcast_in_dim3A_434 {strides = array<i32>} : memref<16x128xf32, #tpu.memory_space<vmem>>, vector<16xf32>,
    %broadcast_in_dim3A_439 = arith.constant 0.000000e+00 : f32
    %broadcast_in_dim3A_440 = vector.broadcast %broadcast_in_dim3A_439 : f32 to vector<16xf32>
    %swap3A_441 = arith.constant 9 : i32
    %swap3A_442 = arith.index_cast %swap3A_441 : i32 to index
    %swap3A_443 = arith.constant 16 : index
    %swap3A_444 = tpu.vector_load %arg12[%swap3A_442, %swap3A_443] {strides = array<i32>} : memref<16x128xf32, #tpu.memory_space<vmem>>, vector<16xf32>,
    tpu.vector_store %arg12[%swap3A_442, %swap3A_443], %broadcast_in_dim3A_440 {strides = array<i32>} : memref<16x128xf32, #tpu.memory_space<vmem>>, vector<16xf32>,
    %broadcast_in_dim3A_445 = arith.constant 0.000000e+00 : f32
    %broadcast_in_dim3A_446 = vector.broadcast %broadcast_in_dim3A_445 : f32 to vector<16xf32>
    %swap3A_447 = arith.constant 9 : i32
    %swap3A_448 = arith.index_cast %swap3A_447 : i32 to index
    %swap3A_449 = arith.constant 32 : index
    %swap3A_450 = tpu.vector_load %arg12[%swap3A_448, %swap3A_449] {strides = array<i32>} : memref<16x128xf32, #tpu.memory_space<vmem>>, vector<16xf32>,
    tpu.vector_store %arg12[%swap3A_448, %swap3A_449], %broadcast_in_dim3A_446 {strides = array<i32>} : memref<16x128xf32, #tpu.memory_space<vmem>>, vector<16xf32>,
    %broadcast_in_dim3A_451 = arith.constant 0.000000e+00 : f32
    %broadcast_in_dim3A_452 = vector.broadcast %broadcast_in_dim3A_451 : f32 to vector<16xf32>
    %swap3A_453 = arith.constant 9 : i32
    %swap3A_454 = arith.index_cast %swap3A_453 : i32 to index
    %swap3A_455 = arith.constant 48 : index
    %swap3A_456 = tpu.vector_load %arg12[%swap3A_454, %swap3A_455] {strides = array<i32>} : memref<16x128xf32, #tpu.memory_space<vmem>>, vector<16xf32>,
    tpu.vector_store %arg12[%swap3A_454, %swap3A_455], %broadcast_in_dim3A_452 {strides = array<i32>} : memref<16x128xf32, #tpu.memory_space<vmem>>, vector<16xf32>,
    %broadcast_in_dim3A_457 = arith.constant 0.000000e+00 : f32
    %broadcast_in_dim3A_458 = vector.broadcast %broadcast_in_dim3A_457 : f32 to vector<16xf32>
    %swap3A_459 = arith.constant 9 : i32
    %swap3A_460 = arith.index_cast %swap3A_459 : i32 to index
    %swap3A_461 = arith.constant 64 : index
    %swap3A_462 = tpu.vector_load %arg12[%swap3A_460, %swap3A_461] {strides = array<i32>} : memref<16x128xf32, #tpu.memory_space<vmem>>, vector<16xf32>,
    tpu.vector_store %arg12[%swap3A_460, %swap3A_461], %broadcast_in_dim3A_458 {strides = array<i32>} : memref<16x128xf32, #tpu.memory_space<vmem>>, vector<16xf32>,
    %broadcast_in_dim3A_463 = arith.constant 0.000000e+00 : f32
    %broadcast_in_dim3A_464 = vector.broadcast %broadcast_in_dim3A_463 : f32 to vector<16xf32>
    %swap3A_465 = arith.constant 9 : i32
    %swap3A_466 = arith.index_cast %swap3A_465 : i32 to index
    %swap3A_467 = arith.constant 80 : index
    %swap3A_468 = tpu.vector_load %arg12[%swap3A_466, %swap3A_467] {strides = array<i32>} : memref<16x128xf32, #tpu.memory_space<vmem>>, vector<16xf32>,
    tpu.vector_store %arg12[%swap3A_466, %swap3A_467], %broadcast_in_dim3A_464 {strides = array<i32>} : memref<16x128xf32, #tpu.memory_space<vmem>>, vector<16xf32>,
    %broadcast_in_dim3A_469 = arith.constant 0.000000e+00 : f32
    %broadcast_in_dim3A_470 = vector.broadcast %broadcast_in_dim3A_469 : f32 to vector<16xf32>
    %swap3A_471 = arith.constant 9 : i32
    %swap3A_472 = arith.index_cast %swap3A_471 : i32 to index
    %swap3A_473 = arith.constant 96 : index
    %swap3A_474 = tpu.vector_load %arg12[%swap3A_472, %swap3A_473] {strides = array<i32>} : memref<16x128xf32, #tpu.memory_space<vmem>>, vector<16xf32>,
    tpu.vector_store %arg12[%swap3A_472, %swap3A_473], %broadcast_in_dim3A_470 {strides = array<i32>} : memref<16x128xf32, #tpu.memory_space<vmem>>, vector<16xf32>,
    %broadcast_in_dim3A_475 = arith.constant 0.000000e+00 : f32
    %broadcast_in_dim3A_476 = vector.broadcast %broadcast_in_dim3A_475 : f32 to vector<16xf32>
    %swap3A_477 = arith.constant 9 : i32
    %swap3A_478 = arith.index_cast %swap3A_477 : i32 to index
    %swap3A_479 = arith.constant 112 : index
    %swap3A_480 = tpu.vector_load %arg12[%swap3A_478, %swap3A_479] {strides = array<i32>} : memref<16x128xf32, #tpu.memory_space<vmem>>, vector<16xf32>,
    tpu.vector_store %arg12[%swap3A_478, %swap3A_479], %broadcast_in_dim3A_476 {strides = array<i32>} : memref<16x128xf32, #tpu.memory_space<vmem>>, vector<16xf32>,
    %broadcast_in_dim3A_481 = arith.constant 0.000000e+00 : f32
    %broadcast_in_dim3A_482 = vector.broadcast %broadcast_in_dim3A_481 : f32 to vector<16xf32>
    %swap3A_483 = arith.constant 10 : i32
    %swap3A_484 = arith.index_cast %swap3A_483 : i32 to index
    %swap3A_485 = arith.constant 0 : index
    %swap3A_486 = tpu.vector_load %arg12[%swap3A_484, %swap3A_485] {strides = array<i32>} : memref<16x128xf32, #tpu.memory_space<vmem>>, vector<16xf32>,
    tpu.vector_store %arg12[%swap3A_484, %swap3A_485], %broadcast_in_dim3A_482 {strides = array<i32>} : memref<16x128xf32, #tpu.memory_space<vmem>>, vector<16xf32>,
    %broadcast_in_dim3A_487 = arith.constant 0.000000e+00 : f32
    %broadcast_in_dim3A_488 = vector.broadcast %broadcast_in_dim3A_487 : f32 to vector<16xf32>
    %swap3A_489 = arith.constant 10 : i32
    %swap3A_490 = arith.index_cast %swap3A_489 : i32 to index
    %swap3A_491 = arith.constant 16 : index
    %swap3A_492 = tpu.vector_load %arg12[%swap3A_490, %swap3A_491] {strides = array<i32>} : memref<16x128xf32, #tpu.memory_space<vmem>>, vector<16xf32>,
    tpu.vector_store %arg12[%swap3A_490, %swap3A_491], %broadcast_in_dim3A_488 {strides = array<i32>} : memref<16x128xf32, #tpu.memory_space<vmem>>, vector<16xf32>,
    %broadcast_in_dim3A_493 = arith.constant 0.000000e+00 : f32
    %broadcast_in_dim3A_494 = vector.broadcast %broadcast_in_dim3A_493 : f32 to vector<16xf32>
    %swap3A_495 = arith.constant 10 : i32
    %swap3A_496 = arith.index_cast %swap3A_495 : i32 to index
    %swap3A_497 = arith.constant 32 : index
    %swap3A_498 = tpu.vector_load %arg12[%swap3A_496, %swap3A_497] {strides = array<i32>} : memref<16x128xf32, #tpu.memory_space<vmem>>, vector<16xf32>,
    tpu.vector_store %arg12[%swap3A_496, %swap3A_497], %broadcast_in_dim3A_494 {strides = array<i32>} : memref<16x128xf32, #tpu.memory_space<vmem>>, vector<16xf32>,
    %broadcast_in_dim3A_499 = arith.constant 0.000000e+00 : f32
    %broadcast_in_dim3A_500 = vector.broadcast %broadcast_in_dim3A_499 : f32 to vector<16xf32>
    %swap3A_501 = arith.constant 10 : i32
    %swap3A_502 = arith.index_cast %swap3A_501 : i32 to index
    %swap3A_503 = arith.constant 48 : index
    %swap3A_504 = tpu.vector_load %arg12[%swap3A_502, %swap3A_503] {strides = array<i32>} : memref<16x128xf32, #tpu.memory_space<vmem>>, vector<16xf32>,
    tpu.vector_store %arg12[%swap3A_502, %swap3A_503], %broadcast_in_dim3A_500 {strides = array<i32>} : memref<16x128xf32, #tpu.memory_space<vmem>>, vector<16xf32>,
    %broadcast_in_dim3A_505 = arith.constant 0.000000e+00 : f32
    %broadcast_in_dim3A_506 = vector.broadcast %broadcast_in_dim3A_505 : f32 to vector<16xf32>
    %swap3A_507 = arith.constant 10 : i32
    %swap3A_508 = arith.index_cast %swap3A_507 : i32 to index
    %swap3A_509 = arith.constant 64 : index
    %swap3A_510 = tpu.vector_load %arg12[%swap3A_508, %swap3A_509] {strides = array<i32>} : memref<16x128xf32, #tpu.memory_space<vmem>>, vector<16xf32>,
    tpu.vector_store %arg12[%swap3A_508, %swap3A_509], %broadcast_in_dim3A_506 {strides = array<i32>} : memref<16x128xf32, #tpu.memory_space<vmem>>, vector<16xf32>,
    %broadcast_in_dim3A_511 = arith.constant 0.000000e+00 : f32
    %broadcast_in_dim3A_512 = vector.broadcast %broadcast_in_dim3A_511 : f32 to vector<16xf32>
    %swap3A_513 = arith.constant 10 : i32
    %swap3A_514 = arith.index_cast %swap3A_513 : i32 to index
    %swap3A_515 = arith.constant 80 : index
    %swap3A_516 = tpu.vector_load %arg12[%swap3A_514, %swap3A_515] {strides = array<i32>} : memref<16x128xf32, #tpu.memory_space<vmem>>, vector<16xf32>,
    tpu.vector_store %arg12[%swap3A_514, %swap3A_515], %broadcast_in_dim3A_512 {strides = array<i32>} : memref<16x128xf32, #tpu.memory_space<vmem>>, vector<16xf32>,
    %broadcast_in_dim3A_517 = arith.constant 0.000000e+00 : f32
    %broadcast_in_dim3A_518 = vector.broadcast %broadcast_in_dim3A_517 : f32 to vector<16xf32>
    %swap3A_519 = arith.constant 10 : i32
    %swap3A_520 = arith.index_cast %swap3A_519 : i32 to index
    %swap3A_521 = arith.constant 96 : index
    %swap3A_522 = tpu.vector_load %arg12[%swap3A_520, %swap3A_521] {strides = array<i32>} : memref<16x128xf32, #tpu.memory_space<vmem>>, vector<16xf32>,
    tpu.vector_store %arg12[%swap3A_520, %swap3A_521], %broadcast_in_dim3A_518 {strides = array<i32>} : memref<16x128xf32, #tpu.memory_space<vmem>>, vector<16xf32>,
    %broadcast_in_dim3A_523 = arith.constant 0.000000e+00 : f32
    %broadcast_in_dim3A_524 = vector.broadcast %broadcast_in_dim3A_523 : f32 to vector<16xf32>
    %swap3A_525 = arith.constant 10 : i32
    %swap3A_526 = arith.index_cast %swap3A_525 : i32 to index
    %swap3A_527 = arith.constant 112 : index
    %swap3A_528 = tpu.vector_load %arg12[%swap3A_526, %swap3A_527] {strides = array<i32>} : memref<16x128xf32, #tpu.memory_space<vmem>>, vector<16xf32>,
    tpu.vector_store %arg12[%swap3A_526, %swap3A_527], %broadcast_in_dim3A_524 {strides = array<i32>} : memref<16x128xf32, #tpu.memory_space<vmem>>, vector<16xf32>,
    %broadcast_in_dim3A_529 = arith.constant 0.000000e+00 : f32
    %broadcast_in_dim3A_530 = vector.broadcast %broadcast_in_dim3A_529 : f32 to vector<16xf32>
    %swap3A_531 = arith.constant 11 : i32
    %swap3A_532 = arith.index_cast %swap3A_531 : i32 to index
    %swap3A_533 = arith.constant 0 : index
    %swap3A_534 = tpu.vector_load %arg12[%swap3A_532, %swap3A_533] {strides = array<i32>} : memref<16x128xf32, #tpu.memory_space<vmem>>, vector<16xf32>,
    tpu.vector_store %arg12[%swap3A_532, %swap3A_533], %broadcast_in_dim3A_530 {strides = array<i32>} : memref<16x128xf32, #tpu.memory_space<vmem>>, vector<16xf32>,
    %broadcast_in_dim3A_535 = arith.constant 0.000000e+00 : f32
    %broadcast_in_dim3A_536 = vector.broadcast %broadcast_in_dim3A_535 : f32 to vector<16xf32>
    %swap3A_537 = arith.constant 11 : i32
    %swap3A_538 = arith.index_cast %swap3A_537 : i32 to index
    %swap3A_539 = arith.constant 16 : index
    %swap3A_540 = tpu.vector_load %arg12[%swap3A_538, %swap3A_539] {strides = array<i32>} : memref<16x128xf32, #tpu.memory_space<vmem>>, vector<16xf32>,
    tpu.vector_store %arg12[%swap3A_538, %swap3A_539], %broadcast_in_dim3A_536 {strides = array<i32>} : memref<16x128xf32, #tpu.memory_space<vmem>>, vector<16xf32>,
    %broadcast_in_dim3A_541 = arith.constant 0.000000e+00 : f32
    %broadcast_in_dim3A_542 = vector.broadcast %broadcast_in_dim3A_541 : f32 to vector<16xf32>
    %swap3A_543 = arith.constant 11 : i32
    %swap3A_544 = arith.index_cast %swap3A_543 : i32 to index
    %swap3A_545 = arith.constant 32 : index
    %swap3A_546 = tpu.vector_load %arg12[%swap3A_544, %swap3A_545] {strides = array<i32>} : memref<16x128xf32, #tpu.memory_space<vmem>>, vector<16xf32>,
    tpu.vector_store %arg12[%swap3A_544, %swap3A_545], %broadcast_in_dim3A_542 {strides = array<i32>} : memref<16x128xf32, #tpu.memory_space<vmem>>, vector<16xf32>,
    %broadcast_in_dim3A_547 = arith.constant 0.000000e+00 : f32
    %broadcast_in_dim3A_548 = vector.broadcast %broadcast_in_dim3A_547 : f32 to vector<16xf32>
    %swap3A_549 = arith.constant 11 : i32
    %swap3A_550 = arith.index_cast %swap3A_549 : i32 to index
    %swap3A_551 = arith.constant 48 : index
    %swap3A_552 = tpu.vector_load %arg12[%swap3A_550, %swap3A_551] {strides = array<i32>} : memref<16x128xf32, #tpu.memory_space<vmem>>, vector<16xf32>,
    tpu.vector_store %arg12[%swap3A_550, %swap3A_551], %broadcast_in_dim3A_548 {strides = array<i32>} : memref<16x128xf32, #tpu.memory_space<vmem>>, vector<16xf32>,
    %broadcast_in_dim3A_553 = arith.constant 0.000000e+00 : f32
    %broadcast_in_dim3A_554 = vector.broadcast %broadcast_in_dim3A_553 : f32 to vector<16xf32>
    %swap3A_555 = arith.constant 11 : i32
    %swap3A_556 = arith.index_cast %swap3A_555 : i32 to index
    %swap3A_557 = arith.constant 64 : index
    %swap3A_558 = tpu.vector_load %arg12[%swap3A_556, %swap3A_557] {strides = array<i32>} : memref<16x128xf32, #tpu.memory_space<vmem>>, vector<16xf32>,
    tpu.vector_store %arg12[%swap3A_556, %swap3A_557], %broadcast_in_dim3A_554 {strides = array<i32>} : memref<16x128xf32, #tpu.memory_space<vmem>>, vector<16xf32>,
    %broadcast_in_dim3A_559 = arith.constant 0.000000e+00 : f32
    %broadcast_in_dim3A_560 = vector.broadcast %broadcast_in_dim3A_559 : f32 to vector<16xf32>
    %swap3A_561 = arith.constant 11 : i32
    %swap3A_562 = arith.index_cast %swap3A_561 : i32 to index
    %swap3A_563 = arith.constant 80 : index
    %swap3A_564 = tpu.vector_load %arg12[%swap3A_562, %swap3A_563] {strides = array<i32>} : memref<16x128xf32, #tpu.memory_space<vmem>>, vector<16xf32>,
    tpu.vector_store %arg12[%swap3A_562, %swap3A_563], %broadcast_in_dim3A_560 {strides = array<i32>} : memref<16x128xf32, #tpu.memory_space<vmem>>, vector<16xf32>,
    %broadcast_in_dim3A_565 = arith.constant 0.000000e+00 : f32
    %broadcast_in_dim3A_566 = vector.broadcast %broadcast_in_dim3A_565 : f32 to vector<16xf32>
    %swap3A_567 = arith.constant 11 : i32
    %swap3A_568 = arith.index_cast %swap3A_567 : i32 to index
    %swap3A_569 = arith.constant 96 : index
    %swap3A_570 = tpu.vector_load %arg12[%swap3A_568, %swap3A_569] {strides = array<i32>} : memref<16x128xf32, #tpu.memory_space<vmem>>, vector<16xf32>,
    tpu.vector_store %arg12[%swap3A_568, %swap3A_569], %broadcast_in_dim3A_566 {strides = array<i32>} : memref<16x128xf32, #tpu.memory_space<vmem>>, vector<16xf32>,
    %broadcast_in_dim3A_571 = arith.constant 0.000000e+00 : f32
    %broadcast_in_dim3A_572 = vector.broadcast %broadcast_in_dim3A_571 : f32 to vector<16xf32>
    %swap3A_573 = arith.constant 11 : i32
    %swap3A_574 = arith.index_cast %swap3A_573 : i32 to index
    %swap3A_575 = arith.constant 112 : index
    %swap3A_576 = tpu.vector_load %arg12[%swap3A_574, %swap3A_575] {strides = array<i32>} : memref<16x128xf32, #tpu.memory_space<vmem>>, vector<16xf32>,
    tpu.vector_store %arg12[%swap3A_574, %swap3A_575], %broadcast_in_dim3A_572 {strides = array<i32>} : memref<16x128xf32, #tpu.memory_space<vmem>>, vector<16xf32>,
    %broadcast_in_dim3A_577 = arith.constant 0.000000e+00 : f32
    %broadcast_in_dim3A_578 = vector.broadcast %broadcast_in_dim3A_577 : f32 to vector<16xf32>
    %swap3A_579 = arith.constant 12 : i32
    %swap3A_580 = arith.index_cast %swap3A_579 : i32 to index
    %swap3A_581 = arith.constant 0 : index
    %swap3A_582 = tpu.vector_load %arg12[%swap3A_580, %swap3A_581] {strides = array<i32>} : memref<16x128xf32, #tpu.memory_space<vmem>>, vector<16xf32>,
    tpu.vector_store %arg12[%swap3A_580, %swap3A_581], %broadcast_in_dim3A_578 {strides = array<i32>} : memref<16x128xf32, #tpu.memory_space<vmem>>, vector<16xf32>,
    %broadcast_in_dim3A_583 = arith.constant 0.000000e+00 : f32
    %broadcast_in_dim3A_584 = vector.broadcast %broadcast_in_dim3A_583 : f32 to vector<16xf32>
    %swap3A_585 = arith.constant 12 : i32
    %swap3A_586 = arith.index_cast %swap3A_585 : i32 to index
    %swap3A_587 = arith.constant 16 : index
    %swap3A_588 = tpu.vector_load %arg12[%swap3A_586, %swap3A_587] {strides = array<i32>} : memref<16x128xf32, #tpu.memory_space<vmem>>, vector<16xf32>,
    tpu.vector_store %arg12[%swap3A_586, %swap3A_587], %broadcast_in_dim3A_584 {strides = array<i32>} : memref<16x128xf32, #tpu.memory_space<vmem>>, vector<16xf32>,
    %broadcast_in_dim3A_589 = arith.constant 0.000000e+00 : f32
    %broadcast_in_dim3A_590 = vector.broadcast %broadcast_in_dim3A_589 : f32 to vector<16xf32>
    %swap3A_591 = arith.constant 12 : i32
    %swap3A_592 = arith.index_cast %swap3A_591 : i32 to index
    %swap3A_593 = arith.constant 32 : index
    %swap3A_594 = tpu.vector_load %arg12[%swap3A_592, %swap3A_593] {strides = array<i32>} : memref<16x128xf32, #tpu.memory_space<vmem>>, vector<16xf32>,
    tpu.vector_store %arg12[%swap3A_592, %swap3A_593], %broadcast_in_dim3A_590 {strides = array<i32>} : memref<16x128xf32, #tpu.memory_space<vmem>>, vector<16xf32>,
    %broadcast_in_dim3A_595 = arith.constant 0.000000e+00 : f32
    %broadcast_in_dim3A_596 = vector.broadcast %broadcast_in_dim3A_595 : f32 to vector<16xf32>
    %swap3A_597 = arith.constant 12 : i32
    %swap3A_598 = arith.index_cast %swap3A_597 : i32 to index
    %swap3A_599 = arith.constant 48 : index
    %swap3A_600 = tpu.vector_load %arg12[%swap3A_598, %swap3A_599] {strides = array<i32>} : memref<16x128xf32, #tpu.memory_space<vmem>>, vector<16xf32>,
    tpu.vector_store %arg12[%swap3A_598, %swap3A_599], %broadcast_in_dim3A_596 {strides = array<i32>} : memref<16x128xf32, #tpu.memory_space<vmem>>, vector<16xf32>,
    %broadcast_in_dim3A_601 = arith.constant 0.000000e+00 : f32
    %broadcast_in_dim3A_602 = vector.broadcast %broadcast_in_dim3A_601 : f32 to vector<16xf32>
    %swap3A_603 = arith.constant 12 : i32
    %swap3A_604 = arith.index_cast %swap3A_603 : i32 to index
    %swap3A_605 = arith.constant 64 : index
    %swap3A_606 = tpu.vector_load %arg12[%swap3A_604, %swap3A_605] {strides = array<i32>} : memref<16x128xf32, #tpu.memory_space<vmem>>, vector<16xf32>,
    tpu.vector_store %arg12[%swap3A_604, %swap3A_605], %broadcast_in_dim3A_602 {strides = array<i32>} : memref<16x128xf32, #tpu.memory_space<vmem>>, vector<16xf32>,
    %broadcast_in_dim3A_607 = arith.constant 0.000000e+00 : f32
    %broadcast_in_dim3A_608 = vector.broadcast %broadcast_in_dim3A_607 : f32 to vector<16xf32>
    %swap3A_609 = arith.constant 12 : i32
    %swap3A_610 = arith.index_cast %swap3A_609 : i32 to index
    %swap3A_611 = arith.constant 80 : index
    %swap3A_612 = tpu.vector_load %arg12[%swap3A_610, %swap3A_611] {strides = array<i32>} : memref<16x128xf32, #tpu.memory_space<vmem>>, vector<16xf32>,
    tpu.vector_store %arg12[%swap3A_610, %swap3A_611], %broadcast_in_dim3A_608 {strides = array<i32>} : memref<16x128xf32, #tpu.memory_space<vmem>>, vector<16xf32>,
    %broadcast_in_dim3A_613 = arith.constant 0.000000e+00 : f32
    %broadcast_in_dim3A_614 = vector.broadcast %broadcast_in_dim3A_613 : f32 to vector<16xf32>
    %swap3A_615 = arith.constant 12 : i32
    %swap3A_616 = arith.index_cast %swap3A_615 : i32 to index
    %swap3A_617 = arith.constant 96 : index
    %swap3A_618 = tpu.vector_load %arg12[%swap3A_616, %swap3A_617] {strides = array<i32>} : memref<16x128xf32, #tpu.memory_space<vmem>>, vector<16xf32>,
    tpu.vector_store %arg12[%swap3A_616, %swap3A_617], %broadcast_in_dim3A_614 {strides = array<i32>} : memref<16x128xf32, #tpu.memory_space<vmem>>, vector<16xf32>,
    %broadcast_in_dim3A_619 = arith.constant 0.000000e+00 : f32
    %broadcast_in_dim3A_620 = vector.broadcast %broadcast_in_dim3A_619 : f32 to vector<16xf32>
    %swap3A_621 = arith.constant 12 : i32
    %swap3A_622 = arith.index_cast %swap3A_621 : i32 to index
    %swap3A_623 = arith.constant 112 : index
    %swap3A_624 = tpu.vector_load %arg12[%swap3A_622, %swap3A_623] {strides = array<i32>} : memref<16x128xf32, #tpu.memory_space<vmem>>, vector<16xf32>,
    tpu.vector_store %arg12[%swap3A_622, %swap3A_623], %broadcast_in_dim3A_620 {strides = array<i32>} : memref<16x128xf32, #tpu.memory_space<vmem>>, vector<16xf32>,
    %broadcast_in_dim3A_625 = arith.constant 0.000000e+00 : f32
    %broadcast_in_dim3A_626 = vector.broadcast %broadcast_in_dim3A_625 : f32 to vector<16xf32>
    %swap3A_627 = arith.constant 13 : i32
    %swap3A_628 = arith.index_cast %swap3A_627 : i32 to index
    %swap3A_629 = arith.constant 0 : index
    %swap3A_630 = tpu.vector_load %arg12[%swap3A_628, %swap3A_629] {strides = array<i32>} : memref<16x128xf32, #tpu.memory_space<vmem>>, vector<16xf32>,
    tpu.vector_store %arg12[%swap3A_628, %swap3A_629], %broadcast_in_dim3A_626 {strides = array<i32>} : memref<16x128xf32, #tpu.memory_space<vmem>>, vector<16xf32>,
    %broadcast_in_dim3A_631 = arith.constant 0.000000e+00 : f32
    %broadcast_in_dim3A_632 = vector.broadcast %broadcast_in_dim3A_631 : f32 to vector<16xf32>
    %swap3A_633 = arith.constant 13 : i32
    %swap3A_634 = arith.index_cast %swap3A_633 : i32 to index
    %swap3A_635 = arith.constant 16 : index
    %swap3A_636 = tpu.vector_load %arg12[%swap3A_634, %swap3A_635] {strides = array<i32>} : memref<16x128xf32, #tpu.memory_space<vmem>>, vector<16xf32>,
    tpu.vector_store %arg12[%swap3A_634, %swap3A_635], %broadcast_in_dim3A_632 {strides = array<i32>} : memref<16x128xf32, #tpu.memory_space<vmem>>, vector<16xf32>,
    %broadcast_in_dim3A_637 = arith.constant 0.000000e+00 : f32
    %broadcast_in_dim3A_638 = vector.broadcast %broadcast_in_dim3A_637 : f32 to vector<16xf32>
    %swap3A_639 = arith.constant 13 : i32
    %swap3A_640 = arith.index_cast %swap3A_639 : i32 to index
    %swap3A_641 = arith.constant 32 : index
    %swap3A_642 = tpu.vector_load %arg12[%swap3A_640, %swap3A_641] {strides = array<i32>} : memref<16x128xf32, #tpu.memory_space<vmem>>, vector<16xf32>,
    tpu.vector_store %arg12[%swap3A_640, %swap3A_641], %broadcast_in_dim3A_638 {strides = array<i32>} : memref<16x128xf32, #tpu.memory_space<vmem>>, vector<16xf32>,
    %broadcast_in_dim3A_643 = arith.constant 0.000000e+00 : f32
    %broadcast_in_dim3A_644 = vector.broadcast %broadcast_in_dim3A_643 : f32 to vector<16xf32>
    %swap3A_645 = arith.constant 13 : i32
    %swap3A_646 = arith.index_cast %swap3A_645 : i32 to index
    %swap3A_647 = arith.constant 48 : index
    %swap3A_648 = tpu.vector_load %arg12[%swap3A_646, %swap3A_647] {strides = array<i32>} : memref<16x128xf32, #tpu.memory_space<vmem>>, vector<16xf32>,
    tpu.vector_store %arg12[%swap3A_646, %swap3A_647], %broadcast_in_dim3A_644 {strides = array<i32>} : memref<16x128xf32, #tpu.memory_space<vmem>>, vector<16xf32>,
    %broadcast_in_dim3A_649 = arith.constant 0.000000e+00 : f32
    %broadcast_in_dim3A_650 = vector.broadcast %broadcast_in_dim3A_649 : f32 to vector<16xf32>
    %swap3A_651 = arith.constant 13 : i32
    %swap3A_652 = arith.index_cast %swap3A_651 : i32 to index
    %swap3A_653 = arith.constant 64 : index
    %swap3A_654 = tpu.vector_load %arg12[%swap3A_652, %swap3A_653] {strides = array<i32>} : memref<16x128xf32, #tpu.memory_space<vmem>>, vector<16xf32>,
    tpu.vector_store %arg12[%swap3A_652, %swap3A_653], %broadcast_in_dim3A_650 {strides = array<i32>} : memref<16x128xf32, #tpu.memory_space<vmem>>, vector<16xf32>,
    %broadcast_in_dim3A_655 = arith.constant 0.000000e+00 : f32
    %broadcast_in_dim3A_656 = vector.broadcast %broadcast_in_dim3A_655 : f32 to vector<16xf32>
    %swap3A_657 = arith.constant 13 : i32
    %swap3A_658 = arith.index_cast %swap3A_657 : i32 to index
    %swap3A_659 = arith.constant 80 : index
    %swap3A_660 = tpu.vector_load %arg12[%swap3A_658, %swap3A_659] {strides = array<i32>} : memref<16x128xf32, #tpu.memory_space<vmem>>, vector<16xf32>,
    tpu.vector_store %arg12[%swap3A_658, %swap3A_659], %broadcast_in_dim3A_656 {strides = array<i32>} : memref<16x128xf32, #tpu.memory_space<vmem>>, vector<16xf32>,
    %broadcast_in_dim3A_661 = arith.constant 0.000000e+00 : f32
    %broadcast_in_dim3A_662 = vector.broadcast %broadcast_in_dim3A_661 : f32 to vector<16xf32>
    %swap3A_663 = arith.constant 13 : i32
    %swap3A_664 = arith.index_cast %swap3A_663 : i32 to index
    %swap3A_665 = arith.constant 96 : index
    %swap3A_666 = tpu.vector_load %arg12[%swap3A_664, %swap3A_665] {strides = array<i32>} : memref<16x128xf32, #tpu.memory_space<vmem>>, vector<16xf32>,
    tpu.vector_store %arg12[%swap3A_664, %swap3A_665], %broadcast_in_dim3A_662 {strides = array<i32>} : memref<16x128xf32, #tpu.memory_space<vmem>>, vector<16xf32>,
    %broadcast_in_dim3A_667 = arith.constant 0.000000e+00 : f32
    %broadcast_in_dim3A_668 = vector.broadcast %broadcast_in_dim3A_667 : f32 to vector<16xf32>
    %swap3A_669 = arith.constant 13 : i32
    %swap3A_670 = arith.index_cast %swap3A_669 : i32 to index
    %swap3A_671 = arith.constant 112 : index
    %swap3A_672 = tpu.vector_load %arg12[%swap3A_670, %swap3A_671] {strides = array<i32>} : memref<16x128xf32, #tpu.memory_space<vmem>>, vector<16xf32>,
    tpu.vector_store %arg12[%swap3A_670, %swap3A_671], %broadcast_in_dim3A_668 {strides = array<i32>} : memref<16x128xf32, #tpu.memory_space<vmem>>, vector<16xf32>,
    %broadcast_in_dim3A_673 = arith.constant 0.000000e+00 : f32
    %broadcast_in_dim3A_674 = vector.broadcast %broadcast_in_dim3A_673 : f32 to vector<16xf32>
    %swap3A_675 = arith.constant 14 : i32
    %swap3A_676 = arith.index_cast %swap3A_675 : i32 to index
    %swap3A_677 = arith.constant 0 : index
    %swap3A_678 = tpu.vector_load %arg12[%swap3A_676, %swap3A_677] {strides = array<i32>} : memref<16x128xf32, #tpu.memory_space<vmem>>, vector<16xf32>,
    tpu.vector_store %arg12[%swap3A_676, %swap3A_677], %broadcast_in_dim3A_674 {strides = array<i32>} : memref<16x128xf32, #tpu.memory_space<vmem>>, vector<16xf32>,
    %broadcast_in_dim3A_679 = arith.constant 0.000000e+00 : f32
    %broadcast_in_dim3A_680 = vector.broadcast %broadcast_in_dim3A_679 : f32 to vector<16xf32>
    %swap3A_681 = arith.constant 14 : i32
    %swap3A_682 = arith.index_cast %swap3A_681 : i32 to index
    %swap3A_683 = arith.constant 16 : index
    %swap3A_684 = tpu.vector_load %arg12[%swap3A_682, %swap3A_683] {strides = array<i32>} : memref<16x128xf32, #tpu.memory_space<vmem>>, vector<16xf32>,
    tpu.vector_store %arg12[%swap3A_682, %swap3A_683], %broadcast_in_dim3A_680 {strides = array<i32>} : memref<16x128xf32, #tpu.memory_space<vmem>>, vector<16xf32>,
    %broadcast_in_dim3A_685 = arith.constant 0.000000e+00 : f32
    %broadcast_in_dim3A_686 = vector.broadcast %broadcast_in_dim3A_685 : f32 to vector<16xf32>
    %swap3A_687 = arith.constant 14 : i32
    %swap3A_688 = arith.index_cast %swap3A_687 : i32 to index
    %swap3A_689 = arith.constant 32 : index
    %swap3A_690 = tpu.vector_load %arg12[%swap3A_688, %swap3A_689] {strides = array<i32>} : memref<16x128xf32, #tpu.memory_space<vmem>>, vector<16xf32>,
    tpu.vector_store %arg12[%swap3A_688, %swap3A_689], %broadcast_in_dim3A_686 {strides = array<i32>} : memref<16x128xf32, #tpu.memory_space<vmem>>, vector<16xf32>,
    %broadcast_in_dim3A_691 = arith.constant 0.000000e+00 : f32
    %broadcast_in_dim3A_692 = vector.broadcast %broadcast_in_dim3A_691 : f32 to vector<16xf32>
    %swap3A_693 = arith.constant 14 : i32
    %swap3A_694 = arith.index_cast %swap3A_693 : i32 to index
    %swap3A_695 = arith.constant 48 : index
    %swap3A_696 = tpu.vector_load %arg12[%swap3A_694, %swap3A_695] {strides = array<i32>} : memref<16x128xf32, #tpu.memory_space<vmem>>, vector<16xf32>,
    tpu.vector_store %arg12[%swap3A_694, %swap3A_695], %broadcast_in_dim3A_692 {strides = array<i32>} : memref<16x128xf32, #tpu.memory_space<vmem>>, vector<16xf32>,
    %broadcast_in_dim3A_697 = arith.constant 0.000000e+00 : f32
    %broadcast_in_dim3A_698 = vector.broadcast %broadcast_in_dim3A_697 : f32 to vector<16xf32>
    %swap3A_699 = arith.constant 14 : i32
    %swap3A_700 = arith.index_cast %swap3A_699 : i32 to index
    %swap3A_701 = arith.constant 64 : index
    %swap3A_702 = tpu.vector_load %arg12[%swap3A_700, %swap3A_701] {strides = array<i32>} : memref<16x128xf32, #tpu.memory_space<vmem>>, vector<16xf32>,
    tpu.vector_store %arg12[%swap3A_700, %swap3A_701], %broadcast_in_dim3A_698 {strides = array<i32>} : memref<16x128xf32, #tpu.memory_space<vmem>>, vector<16xf32>,
    %broadcast_in_dim3A_703 = arith.constant 0.000000e+00 : f32
    %broadcast_in_dim3A_704 = vector.broadcast %broadcast_in_dim3A_703 : f32 to vector<16xf32>
    %swap3A_705 = arith.constant 14 : i32
    %swap3A_706 = arith.index_cast %swap3A_705 : i32 to index
    %swap3A_707 = arith.constant 80 : index
    %swap3A_708 = tpu.vector_load %arg12[%swap3A_706, %swap3A_707] {strides = array<i32>} : memref<16x128xf32, #tpu.memory_space<vmem>>, vector<16xf32>,
    tpu.vector_store %arg12[%swap3A_706, %swap3A_707], %broadcast_in_dim3A_704 {strides = array<i32>} : memref<16x128xf32, #tpu.memory_space<vmem>>, vector<16xf32>,
    %broadcast_in_dim3A_709 = arith.constant 0.000000e+00 : f32
    %broadcast_in_dim3A_710 = vector.broadcast %broadcast_in_dim3A_709 : f32 to vector<16xf32>
    %swap3A_711 = arith.constant 14 : i32
    %swap3A_712 = arith.index_cast %swap3A_711 : i32 to index
    %swap3A_713 = arith.constant 96 : index
    %swap3A_714 = tpu.vector_load %arg12[%swap3A_712, %swap3A_713] {strides = array<i32>} : memref<16x128xf32, #tpu.memory_space<vmem>>, vector<16xf32>,
    tpu.vector_store %arg12[%swap3A_712, %swap3A_713], %broadcast_in_dim3A_710 {strides = array<i32>} : memref<16x128xf32, #tpu.memory_space<vmem>>, vector<16xf32>,
    %broadcast_in_dim3A_715 = arith.constant 0.000000e+00 : f32
    %broadcast_in_dim3A_716 = vector.broadcast %broadcast_in_dim3A_715 : f32 to vector<16xf32>
    %swap3A_717 = arith.constant 14 : i32
    %swap3A_718 = arith.index_cast %swap3A_717 : i32 to index
    %swap3A_719 = arith.constant 112 : index
    %swap3A_720 = tpu.vector_load %arg12[%swap3A_718, %swap3A_719] {strides = array<i32>} : memref<16x128xf32, #tpu.memory_space<vmem>>, vector<16xf32>,
    tpu.vector_store %arg12[%swap3A_718, %swap3A_719], %broadcast_in_dim3A_716 {strides = array<i32>} : memref<16x128xf32, #tpu.memory_space<vmem>>, vector<16xf32>,
    %broadcast_in_dim3A_721 = arith.constant 0.000000e+00 : f32
    %broadcast_in_dim3A_722 = vector.broadcast %broadcast_in_dim3A_721 : f32 to vector<16xf32>
    %swap3A_723 = arith.constant 15 : i32
    %swap3A_724 = arith.index_cast %swap3A_723 : i32 to index
    %swap3A_725 = arith.constant 0 : index
    %swap3A_726 = tpu.vector_load %arg12[%swap3A_724, %swap3A_725] {strides = array<i32>} : memref<16x128xf32, #tpu.memory_space<vmem>>, vector<16xf32>,
    tpu.vector_store %arg12[%swap3A_724, %swap3A_725], %broadcast_in_dim3A_722 {strides = array<i32>} : memref<16x128xf32, #tpu.memory_space<vmem>>, vector<16xf32>,
    %broadcast_in_dim3A_727 = arith.constant 0.000000e+00 : f32
    %broadcast_in_dim3A_728 = vector.broadcast %broadcast_in_dim3A_727 : f32 to vector<16xf32>
    %swap3A_729 = arith.constant 15 : i32
    %swap3A_730 = arith.index_cast %swap3A_729 : i32 to index
    %swap3A_731 = arith.constant 16 : index
    %swap3A_732 = tpu.vector_load %arg12[%swap3A_730, %swap3A_731] {strides = array<i32>} : memref<16x128xf32, #tpu.memory_space<vmem>>, vector<16xf32>,
    tpu.vector_store %arg12[%swap3A_730, %swap3A_731], %broadcast_in_dim3A_728 {strides = array<i32>} : memref<16x128xf32, #tpu.memory_space<vmem>>, vector<16xf32>,
    %broadcast_in_dim3A_733 = arith.constant 0.000000e+00 : f32
    %broadcast_in_dim3A_734 = vector.broadcast %broadcast_in_dim3A_733 : f32 to vector<16xf32>
    %swap3A_735 = arith.constant 15 : i32
    %swap3A_736 = arith.index_cast %swap3A_735 : i32 to index
    %swap3A_737 = arith.constant 32 : index
    %swap3A_738 = tpu.vector_load %arg12[%swap3A_736, %swap3A_737] {strides = array<i32>} : memref<16x128xf32, #tpu.memory_space<vmem>>, vector<16xf32>,
    tpu.vector_store %arg12[%swap3A_736, %swap3A_737], %broadcast_in_dim3A_734 {strides = array<i32>} : memref<16x128xf32, #tpu.memory_space<vmem>>, vector<16xf32>,
    %broadcast_in_dim3A_739 = arith.constant 0.000000e+00 : f32
    %broadcast_in_dim3A_740 = vector.broadcast %broadcast_in_dim3A_739 : f32 to vector<16xf32>
    %swap3A_741 = arith.constant 15 : i32
    %swap3A_742 = arith.index_cast %swap3A_741 : i32 to index
    %swap3A_743 = arith.constant 48 : index
    %swap3A_744 = tpu.vector_load %arg12[%swap3A_742, %swap3A_743] {strides = array<i32>} : memref<16x128xf32, #tpu.memory_space<vmem>>, vector<16xf32>,
    tpu.vector_store %arg12[%swap3A_742, %swap3A_743], %broadcast_in_dim3A_740 {strides = array<i32>} : memref<16x128xf32, #tpu.memory_space<vmem>>, vector<16xf32>,
    %broadcast_in_dim3A_745 = arith.constant 0.000000e+00 : f32
    %broadcast_in_dim3A_746 = vector.broadcast %broadcast_in_dim3A_745 : f32 to vector<16xf32>
    %swap3A_747 = arith.constant 15 : i32
    %swap3A_748 = arith.index_cast %swap3A_747 : i32 to index
    %swap3A_749 = arith.constant 64 : index
    %swap3A_750 = tpu.vector_load %arg12[%swap3A_748, %swap3A_749] {strides = array<i32>} : memref<16x128xf32, #tpu.memory_space<vmem>>, vector<16xf32>,
    tpu.vector_store %arg12[%swap3A_748, %swap3A_749], %broadcast_in_dim3A_746 {strides = array<i32>} : memref<16x128xf32, #tpu.memory_space<vmem>>, vector<16xf32>,
    %broadcast_in_dim3A_751 = arith.constant 0.000000e+00 : f32
    %broadcast_in_dim3A_752 = vector.broadcast %broadcast_in_dim3A_751 : f32 to vector<16xf32>
    %swap3A_753 = arith.constant 15 : i32
    %swap3A_754 = arith.index_cast %swap3A_753 : i32 to index
    %swap3A_755 = arith.constant 80 : index
    %swap3A_756 = tpu.vector_load %arg12[%swap3A_754, %swap3A_755] {strides = array<i32>} : memref<16x128xf32, #tpu.memory_space<vmem>>, vector<16xf32>,
    tpu.vector_store %arg12[%swap3A_754, %swap3A_755], %broadcast_in_dim3A_752 {strides = array<i32>} : memref<16x128xf32, #tpu.memory_space<vmem>>, vector<16xf32>,
    %broadcast_in_dim3A_757 = arith.constant 0.000000e+00 : f32
    %broadcast_in_dim3A_758 = vector.broadcast %broadcast_in_dim3A_757 : f32 to vector<16xf32>
    %swap3A_759 = arith.constant 15 : i32
    %swap3A_760 = arith.index_cast %swap3A_759 : i32 to index
    %swap3A_761 = arith.constant 96 : index
    %swap3A_762 = tpu.vector_load %arg12[%swap3A_760, %swap3A_761] {strides = array<i32>} : memref<16x128xf32, #tpu.memory_space<vmem>>, vector<16xf32>,
    tpu.vector_store %arg12[%swap3A_760, %swap3A_761], %broadcast_in_dim3A_758 {strides = array<i32>} : memref<16x128xf32, #tpu.memory_space<vmem>>, vector<16xf32>,
    %broadcast_in_dim3A_763 = arith.constant 0.000000e+00 : f32
    %broadcast_in_dim3A_764 = vector.broadcast %broadcast_in_dim3A_763 : f32 to vector<16xf32>
    %swap3A_765 = arith.constant 15 : i32
    %swap3A_766 = arith.index_cast %swap3A_765 : i32 to index
    %swap3A_767 = arith.constant 112 : index
    %swap3A_768 = tpu.vector_load %arg12[%swap3A_766, %swap3A_767] {strides = array<i32>} : memref<16x128xf32, #tpu.memory_space<vmem>>, vector<16xf32>,
    tpu.vector_store %arg12[%swap3A_766, %swap3A_767], %broadcast_in_dim3A_764 {strides = array<i32>} : memref<16x128xf32, #tpu.memory_space<vmem>>, vector<16xf32>,
    %scan3A = arith.constant 0 : i32
    %scan3A_769 = arith.constant 0 : i32
    %scan3A_770 = arith.constant 40 : i32
    %scan3A_771 = arith.addi %scan3A_769, %scan3A_770 : i32
    %scan3A_772 = arith.constant 1 : i32
    %scan3A_773 = scf.for %scan3A_830 = %scan3A_769 to %scan3A_771 step %scan3A_772 iter_args(%scan3A_831 = %scan3A) -> (i32)  : i32 {
      %mul3A_832 = arith.constant 640 : i32
      %mul3A_833 = arith.muli %arg1, %mul3A_832 : i32
      %mul3A_834 = arith.constant 16 : i32
      %mul3A_835 = arith.muli %scan3A_830, %mul3A_834 : i32
      %add3A_836 = arith.addi %mul3A_833, %mul3A_835 : i32
      %dma_start3A_837 = arith.constant 0 : i32
      %dma_start3A_838 = tpu.memref_slice %arg13[%add3A_836, %dma_start3A_837] : memref<10240x128xf32, #tpu.memory_space<vmem_shared>> -> memref<16x128xf32, #tpu.memory_space<vmem_shared>>
      %dma_start3A_839 = arith.constant 0 : i32
      %dma_start3A_840 = tpu.memref_slice %arg13[%add3A_836, %dma_start3A_839] : memref<10240x128xf32, #tpu.memory_space<vmem_shared>> -> memref<16x128xf32, #tpu.memory_space<vmem_shared>>
      tpu.enqueue_dma source(%arg12 : memref<16x128xf32, #tpu.memory_space<vmem>>) target(%dma_start3A_840 : memref<16x128xf32, #tpu.memory_space<vmem_shared>>) target_semaphore(%arg18 : memref<!tpu.dma_semaphore, #tpu.memory_space<semaphore_mem>>)
      %scan3A_841 = arith.constant 0 : i32
      scf.yield %scan3A_841 : i32
    }
    %scan3A_774 = arith.constant 40 : i32
    %add3A_775 = arith.constant 0 : i32
    %add3A_776 = arith.addi %mul3A_2, %add3A_775 : i32
    %dma_start3A = arith.constant 0 : i32
    %dma_start3A_777 = tpu.memref_slice %arg3[%add3A_776, %dma_start3A] : memref<2560x128xi32, #tpu.memory_space<hbm>> -> memref<16x128xi32, #tpu.memory_space<hbm>>
    %dma_start3A_778 = arith.constant 0 : i32
    %dma_start3A_779 = tpu.memref_slice %arg3[%add3A_776, %dma_start3A_778] : memref<2560x128xi32, #tpu.memory_space<hbm>> -> memref<16x128xi32, #tpu.memory_space<hbm>>
    tpu.enqueue_dma source(%dma_start3A_779 : memref<16x128xi32, #tpu.memory_space<hbm>>) target(%arg6 : memref<16x128xi32, #tpu.memory_space<vmem>>) target_semaphore(%arg16 : memref<!tpu.dma_semaphore, #tpu.memory_space<semaphore_mem>>)
    %add3A_780 = arith.constant 0 : i32
    %add3A_781 = arith.addi %mul3A_2, %add3A_780 : i32
    %dma_start3A_782 = arith.constant 0 : i32
    %dma_start3A_783 = tpu.memref_slice %arg4[%add3A_781, %dma_start3A_782] : memref<2560x128xi32, #tpu.memory_space<hbm>> -> memref<16x128xi32, #tpu.memory_space<hbm>>
    %dma_start3A_784 = arith.constant 0 : i32
    %dma_start3A_785 = tpu.memref_slice %arg4[%add3A_781, %dma_start3A_784] : memref<2560x128xi32, #tpu.memory_space<hbm>> -> memref<16x128xi32, #tpu.memory_space<hbm>>
    tpu.enqueue_dma source(%dma_start3A_785 : memref<16x128xi32, #tpu.memory_space<hbm>>) target(%arg7 : memref<16x128xi32, #tpu.memory_space<vmem>>) target_semaphore(%arg16 : memref<!tpu.dma_semaphore, #tpu.memory_space<semaphore_mem>>)
    %scan3A_786 = arith.constant 0 : i32
    %scan3A_787 = arith.constant 0 : i32
    %scan3A_788 = arith.constant 40 : i32
    %scan3A_789 = arith.addi %scan3A_787, %scan3A_788 : i32
    %scan3A_790 = arith.constant 1 : i32
    %scan3A_791 = scf.for %scan3A_830 = %scan3A_787 to %scan3A_789 step %scan3A_790 iter_args(%scan3A_831 = %scan3A_786) -> (i32)  : i32 {
      %dma_wait3A_832 = arith.constant 0 : i32
      %dma_wait3A_833 = arith.constant 0 : i32
      %dma_wait3A_834 = tpu.memref_slice %arg2[%dma_wait3A_832, %dma_wait3A_833] : memref<10240x128xf32, #tpu.memory_space<hbm>> -> memref<16x128xf32, #tpu.memory_space<hbm>>
      %dma_wait3A_835 = arith.constant 0 : i32
      %dma_wait3A_836 = arith.constant 0 : i32
      %dma_wait3A_837 = tpu.memref_slice %arg2[%dma_wait3A_835, %dma_wait3A_836] : memref<10240x128xf32, #tpu.memory_space<hbm>> -> memref<16x128xf32, #tpu.memory_space<hbm>>
      tpu.wait_dma2 semaphore(%arg18 : memref<!tpu.dma_semaphore, #tpu.memory_space<semaphore_mem>>) src(%dma_wait3A_837 : memref<16x128xf32, #tpu.memory_space<hbm>>) dst(%arg12 : memref<16x128xf32, #tpu.memory_space<vmem>>)
      %scan3A_838 = arith.constant 0 : i32
      scf.yield %scan3A_838 : i32
    }
    %scan3A_792 = arith.constant 40 : i32
    %barrier3A = arith.constant 0 : index
    tpu.barrier barrier_id(%barrier3A)
    %scan3A_793 = arith.constant 0 : i32
    %scan3A_794 = arith.constant 0 : i32
    %scan3A_795 = arith.constant 2 : i32
    %scan3A_796 = arith.addi %scan3A_794, %scan3A_795 : i32
    %scan3A_797 = arith.constant 1 : i32
    %scan3A_798 = scf.for %scan3A_830 = %scan3A_794 to %scan3A_796 step %scan3A_797 iter_args(%scan3A_831 = %scan3A_793) -> (i32)  : i32 {
      %mul3A_832 = arith.constant 2 : i32
      %mul3A_833 = arith.muli %mul3A_832, %scan3A_830 : i32
      %add3A_834 = arith.constant 1 : i32
      %add3A_835 = arith.addi %mul3A_833, %add3A_834 : i32
      %mul3A_836 = arith.constant 16 : i32
      %mul3A_837 = arith.muli %add3A_835, %mul3A_836 : i32
      %add3A_838 = arith.addi %mul3A_2, %mul3A_837 : i32
      %dma_start3A_839 = arith.constant 0 : i32
      %dma_start3A_840 = tpu.memref_slice %arg3[%add3A_838, %dma_start3A_839] : memref<2560x128xi32, #tpu.memory_space<hbm>> -> memref<16x128xi32, #tpu.memory_space<hbm>>
      %dma_start3A_841 = arith.constant 0 : i32
      %dma_start3A_842 = tpu.memref_slice %arg3[%add3A_838, %dma_start3A_841] : memref<2560x128xi32, #tpu.memory_space<hbm>> -> memref<16x128xi32, #tpu.memory_space<hbm>>
      tpu.enqueue_dma source(%dma_start3A_842 : memref<16x128xi32, #tpu.memory_space<hbm>>) target(%arg8 : memref<16x128xi32, #tpu.memory_space<vmem>>) target_semaphore(%arg17 : memref<!tpu.dma_semaphore, #tpu.memory_space<semaphore_mem>>)
      %mul3A_843 = arith.constant 16 : i32
      %mul3A_844 = arith.muli %add3A_835, %mul3A_843 : i32
      %add3A_845 = arith.addi %mul3A_2, %mul3A_844 : i32
      %dma_start3A_846 = arith.constant 0 : i32
      %dma_start3A_847 = tpu.memref_slice %arg4[%add3A_845, %dma_start3A_846] : memref<2560x128xi32, #tpu.memory_space<hbm>> -> memref<16x128xi32, #tpu.memory_space<hbm>>
      %dma_start3A_848 = arith.constant 0 : i32
      %dma_start3A_849 = tpu.memref_slice %arg4[%add3A_845, %dma_start3A_848] : memref<2560x128xi32, #tpu.memory_space<hbm>> -> memref<16x128xi32, #tpu.memory_space<hbm>>
      tpu.enqueue_dma source(%dma_start3A_849 : memref<16x128xi32, #tpu.memory_space<hbm>>) target(%arg9 : memref<16x128xi32, #tpu.memory_space<vmem>>) target_semaphore(%arg17 : memref<!tpu.dma_semaphore, #tpu.memory_space<semaphore_mem>>)
      %dma_wait3A_850 = arith.constant 0 : i32
      %dma_wait3A_851 = arith.constant 0 : i32
      %dma_wait3A_852 = tpu.memref_slice %arg3[%dma_wait3A_850, %dma_wait3A_851] : memref<2560x128xi32, #tpu.memory_space<hbm>> -> memref<16x128xi32, #tpu.memory_space<hbm>>
      %dma_wait3A_853 = arith.constant 0 : i32
      %dma_wait3A_854 = arith.constant 0 : i32
      %dma_wait3A_855 = tpu.memref_slice %arg3[%dma_wait3A_853, %dma_wait3A_854] : memref<2560x128xi32, #tpu.memory_space<hbm>> -> memref<16x128xi32, #tpu.memory_space<hbm>>
      tpu.wait_dma2 semaphore(%arg16 : memref<!tpu.dma_semaphore, #tpu.memory_space<semaphore_mem>>) src(%dma_wait3A_855 : memref<16x128xi32, #tpu.memory_space<hbm>>) dst(%arg6 : memref<16x128xi32, #tpu.memory_space<vmem>>)
      %dma_wait3A_856 = arith.constant 0 : i32
      %dma_wait3A_857 = arith.constant 0 : i32
      %dma_wait3A_858 = tpu.memref_slice %arg3[%dma_wait3A_856, %dma_wait3A_857] : memref<2560x128xi32, #tpu.memory_space<hbm>> -> memref<16x128xi32, #tpu.memory_space<hbm>>
      %dma_wait3A_859 = arith.constant 0 : i32
      %dma_wait3A_860 = arith.constant 0 : i32
      %dma_wait3A_861 = tpu.memref_slice %arg3[%dma_wait3A_859, %dma_wait3A_860] : memref<2560x128xi32, #tpu.memory_space<hbm>> -> memref<16x128xi32, #tpu.memory_space<hbm>>
      tpu.wait_dma2 semaphore(%arg16 : memref<!tpu.dma_semaphore, #tpu.memory_space<semaphore_mem>>) src(%dma_wait3A_861 : memref<16x128xi32, #tpu.memory_space<hbm>>) dst(%arg7 : memref<16x128xi32, #tpu.memory_space<vmem>>)
      %dma_start3A_862 = arith.constant 0 : i32
      %dma_start3A_863 = arith.constant 0 : i32
      %dma_start3A_864 = tpu.memref_slice %arg6[%dma_start3A_862, %dma_start3A_863] : memref<16x128xi32, #tpu.memory_space<vmem>> -> memref<1x128xi32, #tpu.memory_space<vmem>>
      %dma_start3A_865 = tpu.memref_squeeze %dma_start3A_864 : memref<1x128xi32, #tpu.memory_space<vmem>> -> memref<128xi32, #tpu.memory_space<vmem>>
      %dma_start3A_866 = arith.constant 0 : i32
      %dma_start3A_867 = arith.constant 0 : i32
      %dma_start3A_868 = tpu.memref_slice %arg2[%dma_start3A_866, %dma_start3A_867] : memref<10240x128xf32, #tpu.memory_space<hbm>> -> memref<10240x128xf32, #tpu.memory_space<hbm>>
      tpu.enqueue_indirect_dma source(%dma_start3A_868 : memref<10240x128xf32, #tpu.memory_space<hbm>>) target(%arg10 : memref<128x128xf32, #tpu.memory_space<vmem>>) offsets(%dma_start3A_865 : memref<128xi32, #tpu.memory_space<vmem>>) semaphore(%arg14 : memref<!tpu.dma_semaphore, #tpu.memory_space<semaphore_mem>>)
      %scan3A_869 = arith.constant 0 : i32
      %scan3A_870 = arith.constant 0 : i32
      %scan3A_871 = arith.constant 8 : i32
      %scan3A_872 = arith.addi %scan3A_870, %scan3A_871 : i32
      %scan3A_873 = arith.constant 1 : i32
      %scan3A_874 = scf.for %scan3A_921 = %scan3A_870 to %scan3A_872 step %scan3A_873 iter_args(%scan3A_922 = %scan3A_869) -> (i32)  : i32 {
        %mul3A_923 = arith.constant 2 : i32
        %mul3A_924 = arith.muli %mul3A_923, %scan3A_921 : i32
        %add3A_925 = arith.constant 1 : i32
        %add3A_926 = arith.addi %mul3A_924, %add3A_925 : i32
        %dma_start3A_927 = arith.constant 0 : i32
        %dma_start3A_928 = tpu.memref_slice %arg6[%add3A_926, %dma_start3A_927] : memref<16x128xi32, #tpu.memory_space<vmem>> -> memref<1x128xi32, #tpu.memory_space<vmem>>
        %dma_start3A_929 = tpu.memref_squeeze %dma_start3A_928 : memref<1x128xi32, #tpu.memory_space<vmem>> -> memref<128xi32, #tpu.memory_space<vmem>>
        %dma_start3A_930 = arith.constant 0 : i32
        %dma_start3A_931 = arith.constant 0 : i32
        %dma_start3A_932 = tpu.memref_slice %arg2[%dma_start3A_930, %dma_start3A_931] : memref<10240x128xf32, #tpu.memory_space<hbm>> -> memref<10240x128xf32, #tpu.memory_space<hbm>>
        tpu.enqueue_indirect_dma source(%dma_start3A_932 : memref<10240x128xf32, #tpu.memory_space<hbm>>) target(%arg11 : memref<128x128xf32, #tpu.memory_space<vmem>>) offsets(%dma_start3A_929 : memref<128xi32, #tpu.memory_space<vmem>>) semaphore(%arg15 : memref<!tpu.dma_semaphore, #tpu.memory_space<semaphore_mem>>)
        %dma_wait3A_933 = arith.constant 0 : i32
        %dma_wait3A_934 = arith.constant 0 : i32
        %dma_wait3A_935 = tpu.memref_slice %arg2[%dma_wait3A_933, %dma_wait3A_934] : memref<10240x128xf32, #tpu.memory_space<hbm>> -> memref<128x128xf32, #tpu.memory_space<hbm>>
        %dma_wait3A_936 = arith.constant 0 : i32
        %dma_wait3A_937 = arith.constant 0 : i32
        %dma_wait3A_938 = tpu.memref_slice %arg2[%dma_wait3A_936, %dma_wait3A_937] : memref<10240x128xf32, #tpu.memory_space<hbm>> -> memref<128x128xf32, #tpu.memory_space<hbm>>
        tpu.wait_dma2 semaphore(%arg14 : memref<!tpu.dma_semaphore, #tpu.memory_space<semaphore_mem>>) src(%dma_wait3A_938 : memref<128x128xf32, #tpu.memory_space<hbm>>) dst(%arg10 : memref<128x128xf32, #tpu.memory_space<vmem>>)
        %mul3A_939 = arith.constant 2 : i32
        %mul3A_940 = arith.muli %mul3A_939, %scan3A_921 : i32
        "tpu.region"() ({
          %run_scoped3A = tpu.sem_alloc : memref<!tpu.dma_semaphore, #tpu.memory_space<semaphore_mem>>
          %dma_start3A_954 = arith.constant 0 : i32
          %dma_start3A_955 = tpu.memref_slice %arg7[%mul3A_940, %dma_start3A_954] : memref<16x128xi32, #tpu.memory_space<vmem>> -> memref<1x128xi32, #tpu.memory_space<vmem>>
          %dma_start3A_956 = tpu.memref_squeeze %dma_start3A_955 : memref<1x128xi32, #tpu.memory_space<vmem>> -> memref<128xi32, #tpu.memory_space<vmem>>
          %dma_start3A_957 = arith.constant 0 : i32
          %dma_start3A_958 = arith.constant 0 : i32
          %dma_start3A_959 = tpu.memref_slice %arg13[%dma_start3A_957, %dma_start3A_958] : memref<10240x128xf32, #tpu.memory_space<vmem_shared>> -> memref<10240x128xf32, #tpu.memory_space<vmem_shared>>
          tpu.enqueue_indirect_dma source(%arg10 : memref<128x128xf32, #tpu.memory_space<vmem>>) target(%dma_start3A_959 : memref<10240x128xf32, #tpu.memory_space<vmem_shared>>) offsets(%dma_start3A_956 : memref<128xi32, #tpu.memory_space<vmem>>) semaphore(%run_scoped3A : memref<!tpu.dma_semaphore, #tpu.memory_space<semaphore_mem>>) {add = true}
          %dma_wait3A_960 = arith.constant 0 : i32
          %dma_wait3A_961 = tpu.memref_slice %arg7[%mul3A_940, %dma_wait3A_960] : memref<16x128xi32, #tpu.memory_space<vmem>> -> memref<1x128xi32, #tpu.memory_space<vmem>>
          %dma_wait3A_962 = tpu.memref_squeeze %dma_wait3A_961 : memref<1x128xi32, #tpu.memory_space<vmem>> -> memref<128xi32, #tpu.memory_space<vmem>>
          %dma_wait3A_963 = arith.constant 0 : i32
          %dma_wait3A_964 = arith.constant 0 : i32
          %dma_wait3A_965 = tpu.memref_slice %arg13[%dma_wait3A_963, %dma_wait3A_964] : memref<10240x128xf32, #tpu.memory_space<vmem_shared>> -> memref<10240x128xf32, #tpu.memory_space<vmem_shared>>
          tpu.wait_indirect_dma semaphore(%run_scoped3A : memref<!tpu.dma_semaphore, #tpu.memory_space<semaphore_mem>>) src(%arg10 : memref<128x128xf32, #tpu.memory_space<vmem>>) dst(%dma_wait3A_965 : memref<10240x128xf32, #tpu.memory_space<vmem_shared>>)
          tpu.yield
        }) : () -> ()
        %lt3A = arith.constant 7 : i32
        %lt3A_941 = arith.cmpi slt, %scan3A_921, %lt3A : i32
        %convert_element_type3A = arith.extui %lt3A_941 : i1 to i32
        %cond3A = arith.constant 0 : i32
        %cond3A_942 = arith.cmpi ne, %convert_element_type3A, %cond3A : i32
        scf.if %cond3A_942 {
          %mul3A_954 = arith.constant 2 : i32
          %mul3A_955 = arith.muli %mul3A_954, %scan3A_921 : i32
          %add3A_956 = arith.constant 2 : i32
          %add3A_957 = arith.addi %mul3A_955, %add3A_956 : i32
          %dma_start3A_958 = arith.constant 0 : i32
          %dma_start3A_959 = tpu.memref_slice %arg6[%add3A_957, %dma_start3A_958] : memref<16x128xi32, #tpu.memory_space<vmem>> -> memref<1x128xi32, #tpu.memory_space<vmem>>
          %dma_start3A_960 = tpu.memref_squeeze %dma_start3A_959 : memref<1x128xi32, #tpu.memory_space<vmem>> -> memref<128xi32, #tpu.memory_space<vmem>>
          %dma_start3A_961 = arith.constant 0 : i32
          %dma_start3A_962 = arith.constant 0 : i32
          %dma_start3A_963 = tpu.memref_slice %arg2[%dma_start3A_961, %dma_start3A_962] : memref<10240x128xf32, #tpu.memory_space<hbm>> -> memref<10240x128xf32, #tpu.memory_space<hbm>>
          tpu.enqueue_indirect_dma source(%dma_start3A_963 : memref<10240x128xf32, #tpu.memory_space<hbm>>) target(%arg10 : memref<128x128xf32, #tpu.memory_space<vmem>>) offsets(%dma_start3A_960 : memref<128xi32, #tpu.memory_space<vmem>>) semaphore(%arg14 : memref<!tpu.dma_semaphore, #tpu.memory_space<semaphore_mem>>)
        } else {
        }
        %dma_wait3A_943 = arith.constant 0 : i32
        %dma_wait3A_944 = arith.constant 0 : i32
        %dma_wait3A_945 = tpu.memref_slice %arg2[%dma_wait3A_943, %dma_wait3A_944] : memref<10240x128xf32, #tpu.memory_space<hbm>> -> memref<128x128xf32, #tpu.memory_space<hbm>>
        %dma_wait3A_946 = arith.constant 0 : i32
        %dma_wait3A_947 = arith.constant 0 : i32
        %dma_wait3A_948 = tpu.memref_slice %arg2[%dma_wait3A_946, %dma_wait3A_947] : memref<10240x128xf32, #tpu.memory_space<hbm>> -> memref<128x128xf32, #tpu.memory_space<hbm>>
        tpu.wait_dma2 semaphore(%arg15 : memref<!tpu.dma_semaphore, #tpu.memory_space<semaphore_mem>>) src(%dma_wait3A_948 : memref<128x128xf32, #tpu.memory_space<hbm>>) dst(%arg11 : memref<128x128xf32, #tpu.memory_space<vmem>>)
        %mul3A_949 = arith.constant 2 : i32
        %mul3A_950 = arith.muli %mul3A_949, %scan3A_921 : i32
        %add3A_951 = arith.constant 1 : i32
        %add3A_952 = arith.addi %mul3A_950, %add3A_951 : i32
        "tpu.region"() ({
          %run_scoped3A = tpu.sem_alloc : memref<!tpu.dma_semaphore, #tpu.memory_space<semaphore_mem>>
          %dma_start3A_954 = arith.constant 0 : i32
          %dma_start3A_955 = tpu.memref_slice %arg7[%add3A_952, %dma_start3A_954] : memref<16x128xi32, #tpu.memory_space<vmem>> -> memref<1x128xi32, #tpu.memory_space<vmem>>
          %dma_start3A_956 = tpu.memref_squeeze %dma_start3A_955 : memref<1x128xi32, #tpu.memory_space<vmem>> -> memref<128xi32, #tpu.memory_space<vmem>>
          %dma_start3A_957 = arith.constant 0 : i32
          %dma_start3A_958 = arith.constant 0 : i32
          %dma_start3A_959 = tpu.memref_slice %arg13[%dma_start3A_957, %dma_start3A_958] : memref<10240x128xf32, #tpu.memory_space<vmem_shared>> -> memref<10240x128xf32, #tpu.memory_space<vmem_shared>>
          tpu.enqueue_indirect_dma source(%arg11 : memref<128x128xf32, #tpu.memory_space<vmem>>) target(%dma_start3A_959 : memref<10240x128xf32, #tpu.memory_space<vmem_shared>>) offsets(%dma_start3A_956 : memref<128xi32, #tpu.memory_space<vmem>>) semaphore(%run_scoped3A : memref<!tpu.dma_semaphore, #tpu.memory_space<semaphore_mem>>) {add = true}
          %dma_wait3A_960 = arith.constant 0 : i32
          %dma_wait3A_961 = tpu.memref_slice %arg7[%add3A_952, %dma_wait3A_960] : memref<16x128xi32, #tpu.memory_space<vmem>> -> memref<1x128xi32, #tpu.memory_space<vmem>>
          %dma_wait3A_962 = tpu.memref_squeeze %dma_wait3A_961 : memref<1x128xi32, #tpu.memory_space<vmem>> -> memref<128xi32, #tpu.memory_space<vmem>>
          %dma_wait3A_963 = arith.constant 0 : i32
          %dma_wait3A_964 = arith.constant 0 : i32
          %dma_wait3A_965 = tpu.memref_slice %arg13[%dma_wait3A_963, %dma_wait3A_964] : memref<10240x128xf32, #tpu.memory_space<vmem_shared>> -> memref<10240x128xf32, #tpu.memory_space<vmem_shared>>
          tpu.wait_indirect_dma semaphore(%run_scoped3A : memref<!tpu.dma_semaphore, #tpu.memory_space<semaphore_mem>>) src(%arg11 : memref<128x128xf32, #tpu.memory_space<vmem>>) dst(%dma_wait3A_965 : memref<10240x128xf32, #tpu.memory_space<vmem_shared>>)
          tpu.yield
        }) : () -> ()
        %scan3A_953 = arith.constant 0 : i32
        scf.yield %scan3A_953 : i32
      }
      %scan3A_875 = arith.constant 8 : i32
      %mul3A_876 = arith.constant 2 : i32
      %mul3A_877 = arith.muli %mul3A_876, %scan3A_830 : i32
      %add3A_878 = arith.constant 2 : i32
      %add3A_879 = arith.addi %mul3A_877, %add3A_878 : i32
      %mul3A_880 = arith.constant 16 : i32
      %mul3A_881 = arith.muli %add3A_879, %mul3A_880 : i32
      %add3A_882 = arith.addi %mul3A_2, %mul3A_881 : i32
      %dma_start3A_883 = arith.constant 0 : i32
      %dma_start3A_884 = tpu.memref_slice %arg3[%add3A_882, %dma_start3A_883] : memref<2560x128xi32, #tpu.memory_space<hbm>> -> memref<16x128xi32, #tpu.memory_space<hbm>>
      %dma_start3A_885 = arith.constant 0 : i32
      %dma_start3A_886 = tpu.memref_slice %arg3[%add3A_882, %dma_start3A_885] : memref<2560x128xi32, #tpu.memory_space<hbm>> -> memref<16x128xi32, #tpu.memory_space<hbm>>
      tpu.enqueue_dma source(%dma_start3A_886 : memref<16x128xi32, #tpu.memory_space<hbm>>) target(%arg6 : memref<16x128xi32, #tpu.memory_space<vmem>>) target_semaphore(%arg16 : memref<!tpu.dma_semaphore, #tpu.memory_space<semaphore_mem>>)
      %mul3A_887 = arith.constant 16 : i32
      %mul3A_888 = arith.muli %add3A_879, %mul3A_887 : i32
      %add3A_889 = arith.addi %mul3A_2, %mul3A_888 : i32
      %dma_start3A_890 = arith.constant 0 : i32
      %dma_start3A_891 = tpu.memref_slice %arg4[%add3A_889, %dma_start3A_890] : memref<2560x128xi32, #tpu.memory_space<hbm>> -> memref<16x128xi32, #tpu.memory_space<hbm>>
      %dma_start3A_892 = arith.constant 0 : i32
      %dma_start3A_893 = tpu.memref_slice %arg4[%add3A_889, %dma_start3A_892] : memref<2560x128xi32, #tpu.memory_space<hbm>> -> memref<16x128xi32, #tpu.memory_space<hbm>>
      tpu.enqueue_dma source(%dma_start3A_893 : memref<16x128xi32, #tpu.memory_space<hbm>>) target(%arg7 : memref<16x128xi32, #tpu.memory_space<vmem>>) target_semaphore(%arg16 : memref<!tpu.dma_semaphore, #tpu.memory_space<semaphore_mem>>)
      %dma_wait3A_894 = arith.constant 0 : i32
      %dma_wait3A_895 = arith.constant 0 : i32
      %dma_wait3A_896 = tpu.memref_slice %arg3[%dma_wait3A_894, %dma_wait3A_895] : memref<2560x128xi32, #tpu.memory_space<hbm>> -> memref<16x128xi32, #tpu.memory_space<hbm>>
      %dma_wait3A_897 = arith.constant 0 : i32
      %dma_wait3A_898 = arith.constant 0 : i32
      %dma_wait3A_899 = tpu.memref_slice %arg3[%dma_wait3A_897, %dma_wait3A_898] : memref<2560x128xi32, #tpu.memory_space<hbm>> -> memref<16x128xi32, #tpu.memory_space<hbm>>
      tpu.wait_dma2 semaphore(%arg17 : memref<!tpu.dma_semaphore, #tpu.memory_space<semaphore_mem>>) src(%dma_wait3A_899 : memref<16x128xi32, #tpu.memory_space<hbm>>) dst(%arg8 : memref<16x128xi32, #tpu.memory_space<vmem>>)
      %dma_wait3A_900 = arith.constant 0 : i32
      %dma_wait3A_901 = arith.constant 0 : i32
      %dma_wait3A_902 = tpu.memref_slice %arg3[%dma_wait3A_900, %dma_wait3A_901] : memref<2560x128xi32, #tpu.memory_space<hbm>> -> memref<16x128xi32, #tpu.memory_space<hbm>>
      %dma_wait3A_903 = arith.constant 0 : i32
      %dma_wait3A_904 = arith.constant 0 : i32
      %dma_wait3A_905 = tpu.memref_slice %arg3[%dma_wait3A_903, %dma_wait3A_904] : memref<2560x128xi32, #tpu.memory_space<hbm>> -> memref<16x128xi32, #tpu.memory_space<hbm>>
      tpu.wait_dma2 semaphore(%arg17 : memref<!tpu.dma_semaphore, #tpu.memory_space<semaphore_mem>>) src(%dma_wait3A_905 : memref<16x128xi32, #tpu.memory_space<hbm>>) dst(%arg9 : memref<16x128xi32, #tpu.memory_space<vmem>>)
      %dma_start3A_906 = arith.constant 0 : i32
      %dma_start3A_907 = arith.constant 0 : i32
      %dma_start3A_908 = tpu.memref_slice %arg8[%dma_start3A_906, %dma_start3A_907] : memref<16x128xi32, #tpu.memory_space<vmem>> -> memref<1x128xi32, #tpu.memory_space<vmem>>
      %dma_start3A_909 = tpu.memref_squeeze %dma_start3A_908 : memref<1x128xi32, #tpu.memory_space<vmem>> -> memref<128xi32, #tpu.memory_space<vmem>>
      %dma_start3A_910 = arith.constant 0 : i32
      %dma_start3A_911 = arith.constant 0 : i32
      %dma_start3A_912 = tpu.memref_slice %arg2[%dma_start3A_910, %dma_start3A_911] : memref<10240x128xf32, #tpu.memory_space<hbm>> -> memref<10240x128xf32, #tpu.memory_space<hbm>>
      tpu.enqueue_indirect_dma source(%dma_start3A_912 : memref<10240x128xf32, #tpu.memory_space<hbm>>) target(%arg10 : memref<128x128xf32, #tpu.memory_space<vmem>>) offsets(%dma_start3A_909 : memref<128xi32, #tpu.memory_space<vmem>>) semaphore(%arg14 : memref<!tpu.dma_semaphore, #tpu.memory_space<semaphore_mem>>)
      %scan3A_913 = arith.constant 0 : i32
      %scan3A_914 = arith.constant 0 : i32
      %scan3A_915 = arith.constant 8 : i32
      %scan3A_916 = arith.addi %scan3A_914, %scan3A_915 : i32
      %scan3A_917 = arith.constant 1 : i32
      %scan3A_918 = scf.for %scan3A_921 = %scan3A_914 to %scan3A_916 step %scan3A_917 iter_args(%scan3A_922 = %scan3A_913) -> (i32)  : i32 {
        %mul3A_923 = arith.constant 2 : i32
        %mul3A_924 = arith.muli %mul3A_923, %scan3A_921 : i32
        %add3A_925 = arith.constant 1 : i32
        %add3A_926 = arith.addi %mul3A_924, %add3A_925 : i32
        %dma_start3A_927 = arith.constant 0 : i32
        %dma_start3A_928 = tpu.memref_slice %arg8[%add3A_926, %dma_start3A_927] : memref<16x128xi32, #tpu.memory_space<vmem>> -> memref<1x128xi32, #tpu.memory_space<vmem>>
        %dma_start3A_929 = tpu.memref_squeeze %dma_start3A_928 : memref<1x128xi32, #tpu.memory_space<vmem>> -> memref<128xi32, #tpu.memory_space<vmem>>
        %dma_start3A_930 = arith.constant 0 : i32
        %dma_start3A_931 = arith.constant 0 : i32
        %dma_start3A_932 = tpu.memref_slice %arg2[%dma_start3A_930, %dma_start3A_931] : memref<10240x128xf32, #tpu.memory_space<hbm>> -> memref<10240x128xf32, #tpu.memory_space<hbm>>
        tpu.enqueue_indirect_dma source(%dma_start3A_932 : memref<10240x128xf32, #tpu.memory_space<hbm>>) target(%arg11 : memref<128x128xf32, #tpu.memory_space<vmem>>) offsets(%dma_start3A_929 : memref<128xi32, #tpu.memory_space<vmem>>) semaphore(%arg15 : memref<!tpu.dma_semaphore, #tpu.memory_space<semaphore_mem>>)
        %dma_wait3A_933 = arith.constant 0 : i32
        %dma_wait3A_934 = arith.constant 0 : i32
        %dma_wait3A_935 = tpu.memref_slice %arg2[%dma_wait3A_933, %dma_wait3A_934] : memref<10240x128xf32, #tpu.memory_space<hbm>> -> memref<128x128xf32, #tpu.memory_space<hbm>>
        %dma_wait3A_936 = arith.constant 0 : i32
        %dma_wait3A_937 = arith.constant 0 : i32
        %dma_wait3A_938 = tpu.memref_slice %arg2[%dma_wait3A_936, %dma_wait3A_937] : memref<10240x128xf32, #tpu.memory_space<hbm>> -> memref<128x128xf32, #tpu.memory_space<hbm>>
        tpu.wait_dma2 semaphore(%arg14 : memref<!tpu.dma_semaphore, #tpu.memory_space<semaphore_mem>>) src(%dma_wait3A_938 : memref<128x128xf32, #tpu.memory_space<hbm>>) dst(%arg10 : memref<128x128xf32, #tpu.memory_space<vmem>>)
        %mul3A_939 = arith.constant 2 : i32
        %mul3A_940 = arith.muli %mul3A_939, %scan3A_921 : i32
        "tpu.region"() ({
          %run_scoped3A = tpu.sem_alloc : memref<!tpu.dma_semaphore, #tpu.memory_space<semaphore_mem>>
          %dma_start3A_954 = arith.constant 0 : i32
          %dma_start3A_955 = tpu.memref_slice %arg9[%mul3A_940, %dma_start3A_954] : memref<16x128xi32, #tpu.memory_space<vmem>> -> memref<1x128xi32, #tpu.memory_space<vmem>>
          %dma_start3A_956 = tpu.memref_squeeze %dma_start3A_955 : memref<1x128xi32, #tpu.memory_space<vmem>> -> memref<128xi32, #tpu.memory_space<vmem>>
          %dma_start3A_957 = arith.constant 0 : i32
          %dma_start3A_958 = arith.constant 0 : i32
          %dma_start3A_959 = tpu.memref_slice %arg13[%dma_start3A_957, %dma_start3A_958] : memref<10240x128xf32, #tpu.memory_space<vmem_shared>> -> memref<10240x128xf32, #tpu.memory_space<vmem_shared>>
          tpu.enqueue_indirect_dma source(%arg10 : memref<128x128xf32, #tpu.memory_space<vmem>>) target(%dma_start3A_959 : memref<10240x128xf32, #tpu.memory_space<vmem_shared>>) offsets(%dma_start3A_956 : memref<128xi32, #tpu.memory_space<vmem>>) semaphore(%run_scoped3A : memref<!tpu.dma_semaphore, #tpu.memory_space<semaphore_mem>>) {add = true}
          %dma_wait3A_960 = arith.constant 0 : i32
          %dma_wait3A_961 = tpu.memref_slice %arg9[%mul3A_940, %dma_wait3A_960] : memref<16x128xi32, #tpu.memory_space<vmem>> -> memref<1x128xi32, #tpu.memory_space<vmem>>
          %dma_wait3A_962 = tpu.memref_squeeze %dma_wait3A_961 : memref<1x128xi32, #tpu.memory_space<vmem>> -> memref<128xi32, #tpu.memory_space<vmem>>
          %dma_wait3A_963 = arith.constant 0 : i32
          %dma_wait3A_964 = arith.constant 0 : i32
          %dma_wait3A_965 = tpu.memref_slice %arg13[%dma_wait3A_963, %dma_wait3A_964] : memref<10240x128xf32, #tpu.memory_space<vmem_shared>> -> memref<10240x128xf32, #tpu.memory_space<vmem_shared>>
          tpu.wait_indirect_dma semaphore(%run_scoped3A : memref<!tpu.dma_semaphore, #tpu.memory_space<semaphore_mem>>) src(%arg10 : memref<128x128xf32, #tpu.memory_space<vmem>>) dst(%dma_wait3A_965 : memref<10240x128xf32, #tpu.memory_space<vmem_shared>>)
          tpu.yield
        }) : () -> ()
        %lt3A = arith.constant 7 : i32
        %lt3A_941 = arith.cmpi slt, %scan3A_921, %lt3A : i32
        %convert_element_type3A = arith.extui %lt3A_941 : i1 to i32
        %cond3A = arith.constant 0 : i32
        %cond3A_942 = arith.cmpi ne, %convert_element_type3A, %cond3A : i32
        scf.if %cond3A_942 {
          %mul3A_954 = arith.constant 2 : i32
          %mul3A_955 = arith.muli %mul3A_954, %scan3A_921 : i32
          %add3A_956 = arith.constant 2 : i32
          %add3A_957 = arith.addi %mul3A_955, %add3A_956 : i32
          %dma_start3A_958 = arith.constant 0 : i32
          %dma_start3A_959 = tpu.memref_slice %arg8[%add3A_957, %dma_start3A_958] : memref<16x128xi32, #tpu.memory_space<vmem>> -> memref<1x128xi32, #tpu.memory_space<vmem>>
          %dma_start3A_960 = tpu.memref_squeeze %dma_start3A_959 : memref<1x128xi32, #tpu.memory_space<vmem>> -> memref<128xi32, #tpu.memory_space<vmem>>
          %dma_start3A_961 = arith.constant 0 : i32
          %dma_start3A_962 = arith.constant 0 : i32
          %dma_start3A_963 = tpu.memref_slice %arg2[%dma_start3A_961, %dma_start3A_962] : memref<10240x128xf32, #tpu.memory_space<hbm>> -> memref<10240x128xf32, #tpu.memory_space<hbm>>
          tpu.enqueue_indirect_dma source(%dma_start3A_963 : memref<10240x128xf32, #tpu.memory_space<hbm>>) target(%arg10 : memref<128x128xf32, #tpu.memory_space<vmem>>) offsets(%dma_start3A_960 : memref<128xi32, #tpu.memory_space<vmem>>) semaphore(%arg14 : memref<!tpu.dma_semaphore, #tpu.memory_space<semaphore_mem>>)
        } else {
        }
        %dma_wait3A_943 = arith.constant 0 : i32
        %dma_wait3A_944 = arith.constant 0 : i32
        %dma_wait3A_945 = tpu.memref_slice %arg2[%dma_wait3A_943, %dma_wait3A_944] : memref<10240x128xf32, #tpu.memory_space<hbm>> -> memref<128x128xf32, #tpu.memory_space<hbm>>
        %dma_wait3A_946 = arith.constant 0 : i32
        %dma_wait3A_947 = arith.constant 0 : i32
        %dma_wait3A_948 = tpu.memref_slice %arg2[%dma_wait3A_946, %dma_wait3A_947] : memref<10240x128xf32, #tpu.memory_space<hbm>> -> memref<128x128xf32, #tpu.memory_space<hbm>>
        tpu.wait_dma2 semaphore(%arg15 : memref<!tpu.dma_semaphore, #tpu.memory_space<semaphore_mem>>) src(%dma_wait3A_948 : memref<128x128xf32, #tpu.memory_space<hbm>>) dst(%arg11 : memref<128x128xf32, #tpu.memory_space<vmem>>)
        %mul3A_949 = arith.constant 2 : i32
        %mul3A_950 = arith.muli %mul3A_949, %scan3A_921 : i32
        %add3A_951 = arith.constant 1 : i32
        %add3A_952 = arith.addi %mul3A_950, %add3A_951 : i32
        "tpu.region"() ({
          %run_scoped3A = tpu.sem_alloc : memref<!tpu.dma_semaphore, #tpu.memory_space<semaphore_mem>>
          %dma_start3A_954 = arith.constant 0 : i32
          %dma_start3A_955 = tpu.memref_slice %arg9[%add3A_952, %dma_start3A_954] : memref<16x128xi32, #tpu.memory_space<vmem>> -> memref<1x128xi32, #tpu.memory_space<vmem>>
          %dma_start3A_956 = tpu.memref_squeeze %dma_start3A_955 : memref<1x128xi32, #tpu.memory_space<vmem>> -> memref<128xi32, #tpu.memory_space<vmem>>
          %dma_start3A_957 = arith.constant 0 : i32
          %dma_start3A_958 = arith.constant 0 : i32
          %dma_start3A_959 = tpu.memref_slice %arg13[%dma_start3A_957, %dma_start3A_958] : memref<10240x128xf32, #tpu.memory_space<vmem_shared>> -> memref<10240x128xf32, #tpu.memory_space<vmem_shared>>
          tpu.enqueue_indirect_dma source(%arg11 : memref<128x128xf32, #tpu.memory_space<vmem>>) target(%dma_start3A_959 : memref<10240x128xf32, #tpu.memory_space<vmem_shared>>) offsets(%dma_start3A_956 : memref<128xi32, #tpu.memory_space<vmem>>) semaphore(%run_scoped3A : memref<!tpu.dma_semaphore, #tpu.memory_space<semaphore_mem>>) {add = true}
          %dma_wait3A_960 = arith.constant 0 : i32
          %dma_wait3A_961 = tpu.memref_slice %arg9[%add3A_952, %dma_wait3A_960] : memref<16x128xi32, #tpu.memory_space<vmem>> -> memref<1x128xi32, #tpu.memory_space<vmem>>
          %dma_wait3A_962 = tpu.memref_squeeze %dma_wait3A_961 : memref<1x128xi32, #tpu.memory_space<vmem>> -> memref<128xi32, #tpu.memory_space<vmem>>
          %dma_wait3A_963 = arith.constant 0 : i32
          %dma_wait3A_964 = arith.constant 0 : i32
          %dma_wait3A_965 = tpu.memref_slice %arg13[%dma_wait3A_963, %dma_wait3A_964] : memref<10240x128xf32, #tpu.memory_space<vmem_shared>> -> memref<10240x128xf32, #tpu.memory_space<vmem_shared>>
          tpu.wait_indirect_dma semaphore(%run_scoped3A : memref<!tpu.dma_semaphore, #tpu.memory_space<semaphore_mem>>) src(%arg11 : memref<128x128xf32, #tpu.memory_space<vmem>>) dst(%dma_wait3A_965 : memref<10240x128xf32, #tpu.memory_space<vmem_shared>>)
          tpu.yield
        }) : () -> ()
        %scan3A_953 = arith.constant 0 : i32
        scf.yield %scan3A_953 : i32
      }
      %scan3A_919 = arith.constant 8 : i32
      %scan3A_920 = arith.constant 0 : i32
      scf.yield %scan3A_920 : i32
    }
    %scan3A_799 = arith.constant 2 : i32
    %dma_wait3A = arith.constant 0 : i32
    %dma_wait3A_800 = arith.constant 0 : i32
    %dma_wait3A_801 = tpu.memref_slice %arg3[%dma_wait3A, %dma_wait3A_800] : memref<2560x128xi32, #tpu.memory_space<hbm>> -> memref<16x128xi32, #tpu.memory_space<hbm>>
    %dma_wait3A_802 = arith.constant 0 : i32
    %dma_wait3A_803 = arith.constant 0 : i32
    %dma_wait3A_804 = tpu.memref_slice %arg3[%dma_wait3A_802, %dma_wait3A_803] : memref<2560x128xi32, #tpu.memory_space<hbm>> -> memref<16x128xi32, #tpu.memory_space<hbm>>
    tpu.wait_dma2 semaphore(%arg16 : memref<!tpu.dma_semaphore, #tpu.memory_space<semaphore_mem>>) src(%dma_wait3A_804 : memref<16x128xi32, #tpu.memory_space<hbm>>) dst(%arg6 : memref<16x128xi32, #tpu.memory_space<vmem>>)
    %dma_wait3A_805 = arith.constant 0 : i32
    %dma_wait3A_806 = arith.constant 0 : i32
    %dma_wait3A_807 = tpu.memref_slice %arg3[%dma_wait3A_805, %dma_wait3A_806] : memref<2560x128xi32, #tpu.memory_space<hbm>> -> memref<16x128xi32, #tpu.memory_space<hbm>>
    %dma_wait3A_808 = arith.constant 0 : i32
    %dma_wait3A_809 = arith.constant 0 : i32
    %dma_wait3A_810 = tpu.memref_slice %arg3[%dma_wait3A_808, %dma_wait3A_809] : memref<2560x128xi32, #tpu.memory_space<hbm>> -> memref<16x128xi32, #tpu.memory_space<hbm>>
    tpu.wait_dma2 semaphore(%arg16 : memref<!tpu.dma_semaphore, #tpu.memory_space<semaphore_mem>>) src(%dma_wait3A_810 : memref<16x128xi32, #tpu.memory_space<hbm>>) dst(%arg7 : memref<16x128xi32, #tpu.memory_space<vmem>>)
    %dma_start3A_811 = arith.constant 0 : i32
    %dma_start3A_812 = arith.constant 0 : i32
    %dma_start3A_813 = tpu.memref_slice %arg6[%dma_start3A_811, %dma_start3A_812] : memref<16x128xi32, #tpu.memory_space<vmem>> -> memref<1x128xi32, #tpu.memory_space<vmem>>
    %dma_start3A_814 = tpu.memref_squeeze %dma_start3A_813 : memref<1x128xi32, #tpu.memory_space<vmem>> -> memref<128xi32, #tpu.memory_space<vmem>>
    %dma_start3A_815 = arith.constant 0 : i32
    %dma_start3A_816 = arith.constant 0 : i32
    %dma_start3A_817 = tpu.memref_slice %arg2[%dma_start3A_815, %dma_start3A_816] : memref<10240x128xf32, #tpu.memory_space<hbm>> -> memref<10240x128xf32, #tpu.memory_space<hbm>>
    tpu.enqueue_indirect_dma source(%dma_start3A_817 : memref<10240x128xf32, #tpu.memory_space<hbm>>) target(%arg10 : memref<128x128xf32, #tpu.memory_space<vmem>>) offsets(%dma_start3A_814 : memref<128xi32, #tpu.memory_space<vmem>>) semaphore(%arg14 : memref<!tpu.dma_semaphore, #tpu.memory_space<semaphore_mem>>)
    %scan3A_818 = arith.constant 0 : i32
    %scan3A_819 = arith.constant 0 : i32
    %scan3A_820 = arith.constant 8 : i32
    %scan3A_821 = arith.addi %scan3A_819, %scan3A_820 : i32
    %scan3A_822 = arith.constant 1 : i32
    %scan3A_823 = scf.for %scan3A_830 = %scan3A_819 to %scan3A_821 step %scan3A_822 iter_args(%scan3A_831 = %scan3A_818) -> (i32)  : i32 {
      %mul3A_832 = arith.constant 2 : i32
      %mul3A_833 = arith.muli %mul3A_832, %scan3A_830 : i32
      %add3A_834 = arith.constant 1 : i32
      %add3A_835 = arith.addi %mul3A_833, %add3A_834 : i32
      %dma_start3A_836 = arith.constant 0 : i32
      %dma_start3A_837 = tpu.memref_slice %arg6[%add3A_835, %dma_start3A_836] : memref<16x128xi32, #tpu.memory_space<vmem>> -> memref<1x128xi32, #tpu.memory_space<vmem>>
      %dma_start3A_838 = tpu.memref_squeeze %dma_start3A_837 : memref<1x128xi32, #tpu.memory_space<vmem>> -> memref<128xi32, #tpu.memory_space<vmem>>
      %dma_start3A_839 = arith.constant 0 : i32
      %dma_start3A_840 = arith.constant 0 : i32
      %dma_start3A_841 = tpu.memref_slice %arg2[%dma_start3A_839, %dma_start3A_840] : memref<10240x128xf32, #tpu.memory_space<hbm>> -> memref<10240x128xf32, #tpu.memory_space<hbm>>
      tpu.enqueue_indirect_dma source(%dma_start3A_841 : memref<10240x128xf32, #tpu.memory_space<hbm>>) target(%arg11 : memref<128x128xf32, #tpu.memory_space<vmem>>) offsets(%dma_start3A_838 : memref<128xi32, #tpu.memory_space<vmem>>) semaphore(%arg15 : memref<!tpu.dma_semaphore, #tpu.memory_space<semaphore_mem>>)
      %dma_wait3A_842 = arith.constant 0 : i32
      %dma_wait3A_843 = arith.constant 0 : i32
      %dma_wait3A_844 = tpu.memref_slice %arg2[%dma_wait3A_842, %dma_wait3A_843] : memref<10240x128xf32, #tpu.memory_space<hbm>> -> memref<128x128xf32, #tpu.memory_space<hbm>>
      %dma_wait3A_845 = arith.constant 0 : i32
      %dma_wait3A_846 = arith.constant 0 : i32
      %dma_wait3A_847 = tpu.memref_slice %arg2[%dma_wait3A_845, %dma_wait3A_846] : memref<10240x128xf32, #tpu.memory_space<hbm>> -> memref<128x128xf32, #tpu.memory_space<hbm>>
      tpu.wait_dma2 semaphore(%arg14 : memref<!tpu.dma_semaphore, #tpu.memory_space<semaphore_mem>>) src(%dma_wait3A_847 : memref<128x128xf32, #tpu.memory_space<hbm>>) dst(%arg10 : memref<128x128xf32, #tpu.memory_space<vmem>>)
      %mul3A_848 = arith.constant 2 : i32
      %mul3A_849 = arith.muli %mul3A_848, %scan3A_830 : i32
      "tpu.region"() ({
        %run_scoped3A = tpu.sem_alloc : memref<!tpu.dma_semaphore, #tpu.memory_space<semaphore_mem>>
        %dma_start3A_863 = arith.constant 0 : i32
        %dma_start3A_864 = tpu.memref_slice %arg7[%mul3A_849, %dma_start3A_863] : memref<16x128xi32, #tpu.memory_space<vmem>> -> memref<1x128xi32, #tpu.memory_space<vmem>>
        %dma_start3A_865 = tpu.memref_squeeze %dma_start3A_864 : memref<1x128xi32, #tpu.memory_space<vmem>> -> memref<128xi32, #tpu.memory_space<vmem>>
        %dma_start3A_866 = arith.constant 0 : i32
        %dma_start3A_867 = arith.constant 0 : i32
        %dma_start3A_868 = tpu.memref_slice %arg13[%dma_start3A_866, %dma_start3A_867] : memref<10240x128xf32, #tpu.memory_space<vmem_shared>> -> memref<10240x128xf32, #tpu.memory_space<vmem_shared>>
        tpu.enqueue_indirect_dma source(%arg10 : memref<128x128xf32, #tpu.memory_space<vmem>>) target(%dma_start3A_868 : memref<10240x128xf32, #tpu.memory_space<vmem_shared>>) offsets(%dma_start3A_865 : memref<128xi32, #tpu.memory_space<vmem>>) semaphore(%run_scoped3A : memref<!tpu.dma_semaphore, #tpu.memory_space<semaphore_mem>>) {add = true}
        %dma_wait3A_869 = arith.constant 0 : i32
        %dma_wait3A_870 = tpu.memref_slice %arg7[%mul3A_849, %dma_wait3A_869] : memref<16x128xi32, #tpu.memory_space<vmem>> -> memref<1x128xi32, #tpu.memory_space<vmem>>
        %dma_wait3A_871 = tpu.memref_squeeze %dma_wait3A_870 : memref<1x128xi32, #tpu.memory_space<vmem>> -> memref<128xi32, #tpu.memory_space<vmem>>
        %dma_wait3A_872 = arith.constant 0 : i32
        %dma_wait3A_873 = arith.constant 0 : i32
        %dma_wait3A_874 = tpu.memref_slice %arg13[%dma_wait3A_872, %dma_wait3A_873] : memref<10240x128xf32, #tpu.memory_space<vmem_shared>> -> memref<10240x128xf32, #tpu.memory_space<vmem_shared>>
        tpu.wait_indirect_dma semaphore(%run_scoped3A : memref<!tpu.dma_semaphore, #tpu.memory_space<semaphore_mem>>) src(%arg10 : memref<128x128xf32, #tpu.memory_space<vmem>>) dst(%dma_wait3A_874 : memref<10240x128xf32, #tpu.memory_space<vmem_shared>>)
        tpu.yield
      }) : () -> ()
      %lt3A = arith.constant 7 : i32
      %lt3A_850 = arith.cmpi slt, %scan3A_830, %lt3A : i32
      %convert_element_type3A = arith.extui %lt3A_850 : i1 to i32
      %cond3A = arith.constant 0 : i32
      %cond3A_851 = arith.cmpi ne, %convert_element_type3A, %cond3A : i32
      scf.if %cond3A_851 {
        %mul3A_863 = arith.constant 2 : i32
        %mul3A_864 = arith.muli %mul3A_863, %scan3A_830 : i32
        %add3A_865 = arith.constant 2 : i32
        %add3A_866 = arith.addi %mul3A_864, %add3A_865 : i32
        %dma_start3A_867 = arith.constant 0 : i32
        %dma_start3A_868 = tpu.memref_slice %arg6[%add3A_866, %dma_start3A_867] : memref<16x128xi32, #tpu.memory_space<vmem>> -> memref<1x128xi32, #tpu.memory_space<vmem>>
        %dma_start3A_869 = tpu.memref_squeeze %dma_start3A_868 : memref<1x128xi32, #tpu.memory_space<vmem>> -> memref<128xi32, #tpu.memory_space<vmem>>
        %dma_start3A_870 = arith.constant 0 : i32
        %dma_start3A_871 = arith.constant 0 : i32
        %dma_start3A_872 = tpu.memref_slice %arg2[%dma_start3A_870, %dma_start3A_871] : memref<10240x128xf32, #tpu.memory_space<hbm>> -> memref<10240x128xf32, #tpu.memory_space<hbm>>
        tpu.enqueue_indirect_dma source(%dma_start3A_872 : memref<10240x128xf32, #tpu.memory_space<hbm>>) target(%arg10 : memref<128x128xf32, #tpu.memory_space<vmem>>) offsets(%dma_start3A_869 : memref<128xi32, #tpu.memory_space<vmem>>) semaphore(%arg14 : memref<!tpu.dma_semaphore, #tpu.memory_space<semaphore_mem>>)
      } else {
      }
      %dma_wait3A_852 = arith.constant 0 : i32
      %dma_wait3A_853 = arith.constant 0 : i32
      %dma_wait3A_854 = tpu.memref_slice %arg2[%dma_wait3A_852, %dma_wait3A_853] : memref<10240x128xf32, #tpu.memory_space<hbm>> -> memref<128x128xf32, #tpu.memory_space<hbm>>
      %dma_wait3A_855 = arith.constant 0 : i32
      %dma_wait3A_856 = arith.constant 0 : i32
      %dma_wait3A_857 = tpu.memref_slice %arg2[%dma_wait3A_855, %dma_wait3A_856] : memref<10240x128xf32, #tpu.memory_space<hbm>> -> memref<128x128xf32, #tpu.memory_space<hbm>>
      tpu.wait_dma2 semaphore(%arg15 : memref<!tpu.dma_semaphore, #tpu.memory_space<semaphore_mem>>) src(%dma_wait3A_857 : memref<128x128xf32, #tpu.memory_space<hbm>>) dst(%arg11 : memref<128x128xf32, #tpu.memory_space<vmem>>)
      %mul3A_858 = arith.constant 2 : i32
      %mul3A_859 = arith.muli %mul3A_858, %scan3A_830 : i32
      %add3A_860 = arith.constant 1 : i32
      %add3A_861 = arith.addi %mul3A_859, %add3A_860 : i32
      "tpu.region"() ({
        %run_scoped3A = tpu.sem_alloc : memref<!tpu.dma_semaphore, #tpu.memory_space<semaphore_mem>>
        %dma_start3A_863 = arith.constant 0 : i32
        %dma_start3A_864 = tpu.memref_slice %arg7[%add3A_861, %dma_start3A_863] : memref<16x128xi32, #tpu.memory_space<vmem>> -> memref<1x128xi32, #tpu.memory_space<vmem>>
        %dma_start3A_865 = tpu.memref_squeeze %dma_start3A_864 : memref<1x128xi32, #tpu.memory_space<vmem>> -> memref<128xi32, #tpu.memory_space<vmem>>
        %dma_start3A_866 = arith.constant 0 : i32
        %dma_start3A_867 = arith.constant 0 : i32
        %dma_start3A_868 = tpu.memref_slice %arg13[%dma_start3A_866, %dma_start3A_867] : memref<10240x128xf32, #tpu.memory_space<vmem_shared>> -> memref<10240x128xf32, #tpu.memory_space<vmem_shared>>
        tpu.enqueue_indirect_dma source(%arg11 : memref<128x128xf32, #tpu.memory_space<vmem>>) target(%dma_start3A_868 : memref<10240x128xf32, #tpu.memory_space<vmem_shared>>) offsets(%dma_start3A_865 : memref<128xi32, #tpu.memory_space<vmem>>) semaphore(%run_scoped3A : memref<!tpu.dma_semaphore, #tpu.memory_space<semaphore_mem>>) {add = true}
        %dma_wait3A_869 = arith.constant 0 : i32
        %dma_wait3A_870 = tpu.memref_slice %arg7[%add3A_861, %dma_wait3A_869] : memref<16x128xi32, #tpu.memory_space<vmem>> -> memref<1x128xi32, #tpu.memory_space<vmem>>
        %dma_wait3A_871 = tpu.memref_squeeze %dma_wait3A_870 : memref<1x128xi32, #tpu.memory_space<vmem>> -> memref<128xi32, #tpu.memory_space<vmem>>
        %dma_wait3A_872 = arith.constant 0 : i32
        %dma_wait3A_873 = arith.constant 0 : i32
        %dma_wait3A_874 = tpu.memref_slice %arg13[%dma_wait3A_872, %dma_wait3A_873] : memref<10240x128xf32, #tpu.memory_space<vmem_shared>> -> memref<10240x128xf32, #tpu.memory_space<vmem_shared>>
        tpu.wait_indirect_dma semaphore(%run_scoped3A : memref<!tpu.dma_semaphore, #tpu.memory_space<semaphore_mem>>) src(%arg11 : memref<128x128xf32, #tpu.memory_space<vmem>>) dst(%dma_wait3A_874 : memref<10240x128xf32, #tpu.memory_space<vmem_shared>>)
        tpu.yield
      }) : () -> ()
      %scan3A_862 = arith.constant 0 : i32
      scf.yield %scan3A_862 : i32
    }
    %scan3A_824 = arith.constant 8 : i32
    %barrier3A_825 = arith.constant 0 : index
    tpu.barrier barrier_id(%barrier3A_825)
    %mul3A_826 = arith.constant 640 : i32
    %mul3A_827 = arith.muli %arg1, %mul3A_826 : i32
    %mul3A_828 = arith.constant 640 : i32
    %mul3A_829 = arith.muli %arg1, %mul3A_828 : i32
    "tpu.region"() ({
      %run_scoped3A = tpu.sem_alloc : memref<!tpu.dma_semaphore, #tpu.memory_space<semaphore_mem>>
      %dma_start3A_830 = arith.constant 0 : i32
      %dma_start3A_831 = arith.constant 0 : i32
      %dma_start3A_832 = tpu.memref_slice %arg5[%arg0, %dma_start3A_830, %dma_start3A_831] : memref<2x10240x128xf32, #tpu.memory_space<hbm>> -> memref<1x10240x128xf32, #tpu.memory_space<hbm>>
      %dma_start3A_833 = tpu.memref_squeeze %dma_start3A_832 : memref<1x10240x128xf32, #tpu.memory_space<hbm>> -> memref<10240x128xf32, #tpu.memory_space<hbm>>
      %dma_start3A_834 = arith.constant 0 : i32
      %dma_start3A_835 = tpu.memref_slice %dma_start3A_833[%mul3A_829, %dma_start3A_834] : memref<10240x128xf32, #tpu.memory_space<hbm>> -> memref<640x128xf32, #tpu.memory_space<hbm>>
      %dma_start3A_836 = arith.constant 0 : i32
      %dma_start3A_837 = tpu.memref_slice %arg13[%mul3A_827, %dma_start3A_836] : memref<10240x128xf32, #tpu.memory_space<vmem_shared>> -> memref<640x128xf32, #tpu.memory_space<vmem_shared>>
      tpu.enqueue_dma source(%dma_start3A_837 : memref<640x128xf32, #tpu.memory_space<vmem_shared>>) target(%dma_start3A_835 : memref<640x128xf32, #tpu.memory_space<hbm>>) target_semaphore(%run_scoped3A : memref<!tpu.dma_semaphore, #tpu.memory_space<semaphore_mem>>)
      %dma_wait3A_838 = arith.constant 0 : i32
      %dma_wait3A_839 = arith.constant 0 : i32
      %dma_wait3A_840 = tpu.memref_slice %arg5[%arg0, %dma_wait3A_838, %dma_wait3A_839] : memref<2x10240x128xf32, #tpu.memory_space<hbm>> -> memref<1x10240x128xf32, #tpu.memory_space<hbm>>
      %dma_wait3A_841 = tpu.memref_squeeze %dma_wait3A_840 : memref<1x10240x128xf32, #tpu.memory_space<hbm>> -> memref<10240x128xf32, #tpu.memory_space<hbm>>
      %dma_wait3A_842 = arith.constant 0 : i32
      %dma_wait3A_843 = tpu.memref_slice %dma_wait3A_841[%mul3A_829, %dma_wait3A_842] : memref<10240x128xf32, #tpu.memory_space<hbm>> -> memref<640x128xf32, #tpu.memory_space<hbm>>
      %dma_wait3A_844 = arith.constant 0 : i32
      %dma_wait3A_845 = tpu.memref_slice %arg13[%mul3A_827, %dma_wait3A_844] : memref<10240x128xf32, #tpu.memory_space<vmem_shared>> -> memref<640x128xf32, #tpu.memory_space<vmem_shared>>
      tpu.wait_dma2 semaphore(%run_scoped3A : memref<!tpu.dma_semaphore, #tpu.memory_space<semaphore_mem>>) src(%dma_wait3A_845 : memref<640x128xf32, #tpu.memory_space<vmem_shared>>) dst(%dma_wait3A_843 : memref<640x128xf32, #tpu.memory_space<hbm>>)
      tpu.yield
    }) : () -> ()
    return
  }
}

#map = affine_map<(d0, d1) -> (0, 0)>
#map1 = affine_map<(d0, d1) -> (0, 0, 0)>
module attributes {stable_mosaic.version = 14 : i64} {
  func.func @_scatter_body(%arg0: i32, %arg1: i32, %arg2: memref<10240x128xf32, #tpu.memory_space<hbm>>, %arg3: memref<2560x128xi32, #tpu.memory_space<hbm>>, %arg4: memref<2560x128xi32, #tpu.memory_space<hbm>>, %arg5: memref<2x10240x128xf32, #tpu.memory_space<hbm>>, %arg6: memref<16x128xi32, #tpu.memory_space<vmem>>, %arg7: memref<16x128xi32, #tpu.memory_space<vmem>>, %arg8: memref<16x128xi32, #tpu.memory_space<vmem>>, %arg9: memref<16x128xi32, #tpu.memory_space<vmem>>, %arg10: memref<128x128xf32, #tpu.memory_space<vmem>>, %arg11: memref<128x128xf32, #tpu.memory_space<vmem>>, %arg12: memref<16x128xf32, #tpu.memory_space<vmem>>, %arg13: memref<10240x128xf32, #tpu.memory_space<vmem_shared>>, %arg14: memref<!tpu.dma_semaphore, #tpu.memory_space<semaphore_mem>>, %arg15: memref<!tpu.dma_semaphore, #tpu.memory_space<semaphore_mem>>, %arg16: memref<!tpu.dma_semaphore, #tpu.memory_space<semaphore_mem>>, %arg17: memref<!tpu.dma_semaphore, #tpu.memory_space<semaphore_mem>>, %arg18: memref<!tpu.dma_semaphore, #tpu.memory_space<semaphore_mem>>) attributes {dimension_semantics = [#tpu.dimension_semantics<core_parallel>, #tpu.dimension_semantics<subcore_parallel>], iteration_bounds = array<i64: 2, 16>, scalar_prefetch = 0 : i64, scratch_operands = 13 : i64, tpu.core_type = #tpu.core_type<sc_vector_subcore>, window_params = [{transform_indices = #map}, {transform_indices = #map}, {transform_indices = #map}, {transform_indices = #map1}]} {
    %mul3A = arith.constant 16 : i32
    %mul3A_0 = arith.muli %arg0, %mul3A : i32
    %add3A = arith.addi %mul3A_0, %arg1 : i32
    %mul3A_1 = arith.constant 80 : i32
    %mul3A_2 = arith.muli %add3A, %mul3A_1 : i32
    %broadcast_in_dim3A = arith.constant 0.000000e+00 : f32
    %broadcast_in_dim3A_3 = vector.broadcast %broadcast_in_dim3A : f32 to vector<16xf32>
    %swap3A = arith.constant 0 : i32
    %swap3A_4 = arith.index_cast %swap3A : i32 to index
    %swap3A_5 = arith.constant 0 : index
    %swap3A_6 = tpu.vector_load %arg12[%swap3A_4, %swap3A_5] {strides = array<i32>} : memref<16x128xf32, #tpu.memory_space<vmem>>, vector<16xf32>,
    tpu.vector_store %arg12[%swap3A_4, %swap3A_5], %broadcast_in_dim3A_3 {strides = array<i32>} : memref<16x128xf32, #tpu.memory_space<vmem>>, vector<16xf32>,
    %broadcast_in_dim3A_7 = arith.constant 0.000000e+00 : f32
    %broadcast_in_dim3A_8 = vector.broadcast %broadcast_in_dim3A_7 : f32 to vector<16xf32>
    %swap3A_9 = arith.constant 0 : i32
    %swap3A_10 = arith.index_cast %swap3A_9 : i32 to index
    %swap3A_11 = arith.constant 16 : index
    %swap3A_12 = tpu.vector_load %arg12[%swap3A_10, %swap3A_11] {strides = array<i32>} : memref<16x128xf32, #tpu.memory_space<vmem>>, vector<16xf32>,
    tpu.vector_store %arg12[%swap3A_10, %swap3A_11], %broadcast_in_dim3A_8 {strides = array<i32>} : memref<16x128xf32, #tpu.memory_space<vmem>>, vector<16xf32>,
    %broadcast_in_dim3A_13 = arith.constant 0.000000e+00 : f32
    %broadcast_in_dim3A_14 = vector.broadcast %broadcast_in_dim3A_13 : f32 to vector<16xf32>
    %swap3A_15 = arith.constant 0 : i32
    %swap3A_16 = arith.index_cast %swap3A_15 : i32 to index
    %swap3A_17 = arith.constant 32 : index
    %swap3A_18 = tpu.vector_load %arg12[%swap3A_16, %swap3A_17] {strides = array<i32>} : memref<16x128xf32, #tpu.memory_space<vmem>>, vector<16xf32>,
    tpu.vector_store %arg12[%swap3A_16, %swap3A_17], %broadcast_in_dim3A_14 {strides = array<i32>} : memref<16x128xf32, #tpu.memory_space<vmem>>, vector<16xf32>,
    %broadcast_in_dim3A_19 = arith.constant 0.000000e+00 : f32
    %broadcast_in_dim3A_20 = vector.broadcast %broadcast_in_dim3A_19 : f32 to vector<16xf32>
    %swap3A_21 = arith.constant 0 : i32
    %swap3A_22 = arith.index_cast %swap3A_21 : i32 to index
    %swap3A_23 = arith.constant 48 : index
    %swap3A_24 = tpu.vector_load %arg12[%swap3A_22, %swap3A_23] {strides = array<i32>} : memref<16x128xf32, #tpu.memory_space<vmem>>, vector<16xf32>,
    tpu.vector_store %arg12[%swap3A_22, %swap3A_23], %broadcast_in_dim3A_20 {strides = array<i32>} : memref<16x128xf32, #tpu.memory_space<vmem>>, vector<16xf32>,
    %broadcast_in_dim3A_25 = arith.constant 0.000000e+00 : f32
    %broadcast_in_dim3A_26 = vector.broadcast %broadcast_in_dim3A_25 : f32 to vector<16xf32>
    %swap3A_27 = arith.constant 0 : i32
    %swap3A_28 = arith.index_cast %swap3A_27 : i32 to index
    %swap3A_29 = arith.constant 64 : index
    %swap3A_30 = tpu.vector_load %arg12[%swap3A_28, %swap3A_29] {strides = array<i32>} : memref<16x128xf32, #tpu.memory_space<vmem>>, vector<16xf32>,
    tpu.vector_store %arg12[%swap3A_28, %swap3A_29], %broadcast_in_dim3A_26 {strides = array<i32>} : memref<16x128xf32, #tpu.memory_space<vmem>>, vector<16xf32>,
    %broadcast_in_dim3A_31 = arith.constant 0.000000e+00 : f32
    %broadcast_in_dim3A_32 = vector.broadcast %broadcast_in_dim3A_31 : f32 to vector<16xf32>
    %swap3A_33 = arith.constant 0 : i32
    %swap3A_34 = arith.index_cast %swap3A_33 : i32 to index
    %swap3A_35 = arith.constant 80 : index
    %swap3A_36 = tpu.vector_load %arg12[%swap3A_34, %swap3A_35] {strides = array<i32>} : memref<16x128xf32, #tpu.memory_space<vmem>>, vector<16xf32>,
    tpu.vector_store %arg12[%swap3A_34, %swap3A_35], %broadcast_in_dim3A_32 {strides = array<i32>} : memref<16x128xf32, #tpu.memory_space<vmem>>, vector<16xf32>,
    %broadcast_in_dim3A_37 = arith.constant 0.000000e+00 : f32
    %broadcast_in_dim3A_38 = vector.broadcast %broadcast_in_dim3A_37 : f32 to vector<16xf32>
    %swap3A_39 = arith.constant 0 : i32
    %swap3A_40 = arith.index_cast %swap3A_39 : i32 to index
    %swap3A_41 = arith.constant 96 : index
    %swap3A_42 = tpu.vector_load %arg12[%swap3A_40, %swap3A_41] {strides = array<i32>} : memref<16x128xf32, #tpu.memory_space<vmem>>, vector<16xf32>,
    tpu.vector_store %arg12[%swap3A_40, %swap3A_41], %broadcast_in_dim3A_38 {strides = array<i32>} : memref<16x128xf32, #tpu.memory_space<vmem>>, vector<16xf32>,
    %broadcast_in_dim3A_43 = arith.constant 0.000000e+00 : f32
    %broadcast_in_dim3A_44 = vector.broadcast %broadcast_in_dim3A_43 : f32 to vector<16xf32>
    %swap3A_45 = arith.constant 0 : i32
    %swap3A_46 = arith.index_cast %swap3A_45 : i32 to index
    %swap3A_47 = arith.constant 112 : index
    %swap3A_48 = tpu.vector_load %arg12[%swap3A_46, %swap3A_47] {strides = array<i32>} : memref<16x128xf32, #tpu.memory_space<vmem>>, vector<16xf32>,
    tpu.vector_store %arg12[%swap3A_46, %swap3A_47], %broadcast_in_dim3A_44 {strides = array<i32>} : memref<16x128xf32, #tpu.memory_space<vmem>>, vector<16xf32>,
    %broadcast_in_dim3A_49 = arith.constant 0.000000e+00 : f32
    %broadcast_in_dim3A_50 = vector.broadcast %broadcast_in_dim3A_49 : f32 to vector<16xf32>
    %swap3A_51 = arith.constant 1 : i32
    %swap3A_52 = arith.index_cast %swap3A_51 : i32 to index
    %swap3A_53 = arith.constant 0 : index
    %swap3A_54 = tpu.vector_load %arg12[%swap3A_52, %swap3A_53] {strides = array<i32>} : memref<16x128xf32, #tpu.memory_space<vmem>>, vector<16xf32>,
    tpu.vector_store %arg12[%swap3A_52, %swap3A_53], %broadcast_in_dim3A_50 {strides = array<i32>} : memref<16x128xf32, #tpu.memory_space<vmem>>, vector<16xf32>,
    %broadcast_in_dim3A_55 = arith.constant 0.000000e+00 : f32
    %broadcast_in_dim3A_56 = vector.broadcast %broadcast_in_dim3A_55 : f32 to vector<16xf32>
    %swap3A_57 = arith.constant 1 : i32
    %swap3A_58 = arith.index_cast %swap3A_57 : i32 to index
    %swap3A_59 = arith.constant 16 : index
    %swap3A_60 = tpu.vector_load %arg12[%swap3A_58, %swap3A_59] {strides = array<i32>} : memref<16x128xf32, #tpu.memory_space<vmem>>, vector<16xf32>,
    tpu.vector_store %arg12[%swap3A_58, %swap3A_59], %broadcast_in_dim3A_56 {strides = array<i32>} : memref<16x128xf32, #tpu.memory_space<vmem>>, vector<16xf32>,
    %broadcast_in_dim3A_61 = arith.constant 0.000000e+00 : f32
    %broadcast_in_dim3A_62 = vector.broadcast %broadcast_in_dim3A_61 : f32 to vector<16xf32>
    %swap3A_63 = arith.constant 1 : i32
    %swap3A_64 = arith.index_cast %swap3A_63 : i32 to index
    %swap3A_65 = arith.constant 32 : index
    %swap3A_66 = tpu.vector_load %arg12[%swap3A_64, %swap3A_65] {strides = array<i32>} : memref<16x128xf32, #tpu.memory_space<vmem>>, vector<16xf32>,
    tpu.vector_store %arg12[%swap3A_64, %swap3A_65], %broadcast_in_dim3A_62 {strides = array<i32>} : memref<16x128xf32, #tpu.memory_space<vmem>>, vector<16xf32>,
    %broadcast_in_dim3A_67 = arith.constant 0.000000e+00 : f32
    %broadcast_in_dim3A_68 = vector.broadcast %broadcast_in_dim3A_67 : f32 to vector<16xf32>
    %swap3A_69 = arith.constant 1 : i32
    %swap3A_70 = arith.index_cast %swap3A_69 : i32 to index
    %swap3A_71 = arith.constant 48 : index
    %swap3A_72 = tpu.vector_load %arg12[%swap3A_70, %swap3A_71] {strides = array<i32>} : memref<16x128xf32, #tpu.memory_space<vmem>>, vector<16xf32>,
    tpu.vector_store %arg12[%swap3A_70, %swap3A_71], %broadcast_in_dim3A_68 {strides = array<i32>} : memref<16x128xf32, #tpu.memory_space<vmem>>, vector<16xf32>,
    %broadcast_in_dim3A_73 = arith.constant 0.000000e+00 : f32
    %broadcast_in_dim3A_74 = vector.broadcast %broadcast_in_dim3A_73 : f32 to vector<16xf32>
    %swap3A_75 = arith.constant 1 : i32
    %swap3A_76 = arith.index_cast %swap3A_75 : i32 to index
    %swap3A_77 = arith.constant 64 : index
    %swap3A_78 = tpu.vector_load %arg12[%swap3A_76, %swap3A_77] {strides = array<i32>} : memref<16x128xf32, #tpu.memory_space<vmem>>, vector<16xf32>,
    tpu.vector_store %arg12[%swap3A_76, %swap3A_77], %broadcast_in_dim3A_74 {strides = array<i32>} : memref<16x128xf32, #tpu.memory_space<vmem>>, vector<16xf32>,
    %broadcast_in_dim3A_79 = arith.constant 0.000000e+00 : f32
    %broadcast_in_dim3A_80 = vector.broadcast %broadcast_in_dim3A_79 : f32 to vector<16xf32>
    %swap3A_81 = arith.constant 1 : i32
    %swap3A_82 = arith.index_cast %swap3A_81 : i32 to index
    %swap3A_83 = arith.constant 80 : index
    %swap3A_84 = tpu.vector_load %arg12[%swap3A_82, %swap3A_83] {strides = array<i32>} : memref<16x128xf32, #tpu.memory_space<vmem>>, vector<16xf32>,
    tpu.vector_store %arg12[%swap3A_82, %swap3A_83], %broadcast_in_dim3A_80 {strides = array<i32>} : memref<16x128xf32, #tpu.memory_space<vmem>>, vector<16xf32>,
    %broadcast_in_dim3A_85 = arith.constant 0.000000e+00 : f32
    %broadcast_in_dim3A_86 = vector.broadcast %broadcast_in_dim3A_85 : f32 to vector<16xf32>
    %swap3A_87 = arith.constant 1 : i32
    %swap3A_88 = arith.index_cast %swap3A_87 : i32 to index
    %swap3A_89 = arith.constant 96 : index
    %swap3A_90 = tpu.vector_load %arg12[%swap3A_88, %swap3A_89] {strides = array<i32>} : memref<16x128xf32, #tpu.memory_space<vmem>>, vector<16xf32>,
    tpu.vector_store %arg12[%swap3A_88, %swap3A_89], %broadcast_in_dim3A_86 {strides = array<i32>} : memref<16x128xf32, #tpu.memory_space<vmem>>, vector<16xf32>,
    %broadcast_in_dim3A_91 = arith.constant 0.000000e+00 : f32
    %broadcast_in_dim3A_92 = vector.broadcast %broadcast_in_dim3A_91 : f32 to vector<16xf32>
    %swap3A_93 = arith.constant 1 : i32
    %swap3A_94 = arith.index_cast %swap3A_93 : i32 to index
    %swap3A_95 = arith.constant 112 : index
    %swap3A_96 = tpu.vector_load %arg12[%swap3A_94, %swap3A_95] {strides = array<i32>} : memref<16x128xf32, #tpu.memory_space<vmem>>, vector<16xf32>,
    tpu.vector_store %arg12[%swap3A_94, %swap3A_95], %broadcast_in_dim3A_92 {strides = array<i32>} : memref<16x128xf32, #tpu.memory_space<vmem>>, vector<16xf32>,
    %broadcast_in_dim3A_97 = arith.constant 0.000000e+00 : f32
    %broadcast_in_dim3A_98 = vector.broadcast %broadcast_in_dim3A_97 : f32 to vector<16xf32>
    %swap3A_99 = arith.constant 2 : i32
    %swap3A_100 = arith.index_cast %swap3A_99 : i32 to index
    %swap3A_101 = arith.constant 0 : index
    %swap3A_102 = tpu.vector_load %arg12[%swap3A_100, %swap3A_101] {strides = array<i32>} : memref<16x128xf32, #tpu.memory_space<vmem>>, vector<16xf32>,
    tpu.vector_store %arg12[%swap3A_100, %swap3A_101], %broadcast_in_dim3A_98 {strides = array<i32>} : memref<16x128xf32, #tpu.memory_space<vmem>>, vector<16xf32>,
    %broadcast_in_dim3A_103 = arith.constant 0.000000e+00 : f32
    %broadcast_in_dim3A_104 = vector.broadcast %broadcast_in_dim3A_103 : f32 to vector<16xf32>
    %swap3A_105 = arith.constant 2 : i32
    %swap3A_106 = arith.index_cast %swap3A_105 : i32 to index
    %swap3A_107 = arith.constant 16 : index
    %swap3A_108 = tpu.vector_load %arg12[%swap3A_106, %swap3A_107] {strides = array<i32>} : memref<16x128xf32, #tpu.memory_space<vmem>>, vector<16xf32>,
    tpu.vector_store %arg12[%swap3A_106, %swap3A_107], %broadcast_in_dim3A_104 {strides = array<i32>} : memref<16x128xf32, #tpu.memory_space<vmem>>, vector<16xf32>,
    %broadcast_in_dim3A_109 = arith.constant 0.000000e+00 : f32
    %broadcast_in_dim3A_110 = vector.broadcast %broadcast_in_dim3A_109 : f32 to vector<16xf32>
    %swap3A_111 = arith.constant 2 : i32
    %swap3A_112 = arith.index_cast %swap3A_111 : i32 to index
    %swap3A_113 = arith.constant 32 : index
    %swap3A_114 = tpu.vector_load %arg12[%swap3A_112, %swap3A_113] {strides = array<i32>} : memref<16x128xf32, #tpu.memory_space<vmem>>, vector<16xf32>,
    tpu.vector_store %arg12[%swap3A_112, %swap3A_113], %broadcast_in_dim3A_110 {strides = array<i32>} : memref<16x128xf32, #tpu.memory_space<vmem>>, vector<16xf32>,
    %broadcast_in_dim3A_115 = arith.constant 0.000000e+00 : f32
    %broadcast_in_dim3A_116 = vector.broadcast %broadcast_in_dim3A_115 : f32 to vector<16xf32>
    %swap3A_117 = arith.constant 2 : i32
    %swap3A_118 = arith.index_cast %swap3A_117 : i32 to index
    %swap3A_119 = arith.constant 48 : index
    %swap3A_120 = tpu.vector_load %arg12[%swap3A_118, %swap3A_119] {strides = array<i32>} : memref<16x128xf32, #tpu.memory_space<vmem>>, vector<16xf32>,
    tpu.vector_store %arg12[%swap3A_118, %swap3A_119], %broadcast_in_dim3A_116 {strides = array<i32>} : memref<16x128xf32, #tpu.memory_space<vmem>>, vector<16xf32>,
    %broadcast_in_dim3A_121 = arith.constant 0.000000e+00 : f32
    %broadcast_in_dim3A_122 = vector.broadcast %broadcast_in_dim3A_121 : f32 to vector<16xf32>
    %swap3A_123 = arith.constant 2 : i32
    %swap3A_124 = arith.index_cast %swap3A_123 : i32 to index
    %swap3A_125 = arith.constant 64 : index
    %swap3A_126 = tpu.vector_load %arg12[%swap3A_124, %swap3A_125] {strides = array<i32>} : memref<16x128xf32, #tpu.memory_space<vmem>>, vector<16xf32>,
    tpu.vector_store %arg12[%swap3A_124, %swap3A_125], %broadcast_in_dim3A_122 {strides = array<i32>} : memref<16x128xf32, #tpu.memory_space<vmem>>, vector<16xf32>,
    %broadcast_in_dim3A_127 = arith.constant 0.000000e+00 : f32
    %broadcast_in_dim3A_128 = vector.broadcast %broadcast_in_dim3A_127 : f32 to vector<16xf32>
    %swap3A_129 = arith.constant 2 : i32
    %swap3A_130 = arith.index_cast %swap3A_129 : i32 to index
    %swap3A_131 = arith.constant 80 : index
    %swap3A_132 = tpu.vector_load %arg12[%swap3A_130, %swap3A_131] {strides = array<i32>} : memref<16x128xf32, #tpu.memory_space<vmem>>, vector<16xf32>,
    tpu.vector_store %arg12[%swap3A_130, %swap3A_131], %broadcast_in_dim3A_128 {strides = array<i32>} : memref<16x128xf32, #tpu.memory_space<vmem>>, vector<16xf32>,
    %broadcast_in_dim3A_133 = arith.constant 0.000000e+00 : f32
    %broadcast_in_dim3A_134 = vector.broadcast %broadcast_in_dim3A_133 : f32 to vector<16xf32>
    %swap3A_135 = arith.constant 2 : i32
    %swap3A_136 = arith.index_cast %swap3A_135 : i32 to index
    %swap3A_137 = arith.constant 96 : index
    %swap3A_138 = tpu.vector_load %arg12[%swap3A_136, %swap3A_137] {strides = array<i32>} : memref<16x128xf32, #tpu.memory_space<vmem>>, vector<16xf32>,
    tpu.vector_store %arg12[%swap3A_136, %swap3A_137], %broadcast_in_dim3A_134 {strides = array<i32>} : memref<16x128xf32, #tpu.memory_space<vmem>>, vector<16xf32>,
    %broadcast_in_dim3A_139 = arith.constant 0.000000e+00 : f32
    %broadcast_in_dim3A_140 = vector.broadcast %broadcast_in_dim3A_139 : f32 to vector<16xf32>
    %swap3A_141 = arith.constant 2 : i32
    %swap3A_142 = arith.index_cast %swap3A_141 : i32 to index
    %swap3A_143 = arith.constant 112 : index
    %swap3A_144 = tpu.vector_load %arg12[%swap3A_142, %swap3A_143] {strides = array<i32>} : memref<16x128xf32, #tpu.memory_space<vmem>>, vector<16xf32>,
    tpu.vector_store %arg12[%swap3A_142, %swap3A_143], %broadcast_in_dim3A_140 {strides = array<i32>} : memref<16x128xf32, #tpu.memory_space<vmem>>, vector<16xf32>,
    %broadcast_in_dim3A_145 = arith.constant 0.000000e+00 : f32
    %broadcast_in_dim3A_146 = vector.broadcast %broadcast_in_dim3A_145 : f32 to vector<16xf32>
    %swap3A_147 = arith.constant 3 : i32
    %swap3A_148 = arith.index_cast %swap3A_147 : i32 to index
    %swap3A_149 = arith.constant 0 : index
    %swap3A_150 = tpu.vector_load %arg12[%swap3A_148, %swap3A_149] {strides = array<i32>} : memref<16x128xf32, #tpu.memory_space<vmem>>, vector<16xf32>,
    tpu.vector_store %arg12[%swap3A_148, %swap3A_149], %broadcast_in_dim3A_146 {strides = array<i32>} : memref<16x128xf32, #tpu.memory_space<vmem>>, vector<16xf32>,
    %broadcast_in_dim3A_151 = arith.constant 0.000000e+00 : f32
    %broadcast_in_dim3A_152 = vector.broadcast %broadcast_in_dim3A_151 : f32 to vector<16xf32>
    %swap3A_153 = arith.constant 3 : i32
    %swap3A_154 = arith.index_cast %swap3A_153 : i32 to index
    %swap3A_155 = arith.constant 16 : index
    %swap3A_156 = tpu.vector_load %arg12[%swap3A_154, %swap3A_155] {strides = array<i32>} : memref<16x128xf32, #tpu.memory_space<vmem>>, vector<16xf32>,
    tpu.vector_store %arg12[%swap3A_154, %swap3A_155], %broadcast_in_dim3A_152 {strides = array<i32>} : memref<16x128xf32, #tpu.memory_space<vmem>>, vector<16xf32>,
    %broadcast_in_dim3A_157 = arith.constant 0.000000e+00 : f32
    %broadcast_in_dim3A_158 = vector.broadcast %broadcast_in_dim3A_157 : f32 to vector<16xf32>
    %swap3A_159 = arith.constant 3 : i32
    %swap3A_160 = arith.index_cast %swap3A_159 : i32 to index
    %swap3A_161 = arith.constant 32 : index
    %swap3A_162 = tpu.vector_load %arg12[%swap3A_160, %swap3A_161] {strides = array<i32>} : memref<16x128xf32, #tpu.memory_space<vmem>>, vector<16xf32>,
    tpu.vector_store %arg12[%swap3A_160, %swap3A_161], %broadcast_in_dim3A_158 {strides = array<i32>} : memref<16x128xf32, #tpu.memory_space<vmem>>, vector<16xf32>,
    %broadcast_in_dim3A_163 = arith.constant 0.000000e+00 : f32
    %broadcast_in_dim3A_164 = vector.broadcast %broadcast_in_dim3A_163 : f32 to vector<16xf32>
    %swap3A_165 = arith.constant 3 : i32
    %swap3A_166 = arith.index_cast %swap3A_165 : i32 to index
    %swap3A_167 = arith.constant 48 : index
    %swap3A_168 = tpu.vector_load %arg12[%swap3A_166, %swap3A_167] {strides = array<i32>} : memref<16x128xf32, #tpu.memory_space<vmem>>, vector<16xf32>,
    tpu.vector_store %arg12[%swap3A_166, %swap3A_167], %broadcast_in_dim3A_164 {strides = array<i32>} : memref<16x128xf32, #tpu.memory_space<vmem>>, vector<16xf32>,
    %broadcast_in_dim3A_169 = arith.constant 0.000000e+00 : f32
    %broadcast_in_dim3A_170 = vector.broadcast %broadcast_in_dim3A_169 : f32 to vector<16xf32>
    %swap3A_171 = arith.constant 3 : i32
    %swap3A_172 = arith.index_cast %swap3A_171 : i32 to index
    %swap3A_173 = arith.constant 64 : index
    %swap3A_174 = tpu.vector_load %arg12[%swap3A_172, %swap3A_173] {strides = array<i32>} : memref<16x128xf32, #tpu.memory_space<vmem>>, vector<16xf32>,
    tpu.vector_store %arg12[%swap3A_172, %swap3A_173], %broadcast_in_dim3A_170 {strides = array<i32>} : memref<16x128xf32, #tpu.memory_space<vmem>>, vector<16xf32>,
    %broadcast_in_dim3A_175 = arith.constant 0.000000e+00 : f32
    %broadcast_in_dim3A_176 = vector.broadcast %broadcast_in_dim3A_175 : f32 to vector<16xf32>
    %swap3A_177 = arith.constant 3 : i32
    %swap3A_178 = arith.index_cast %swap3A_177 : i32 to index
    %swap3A_179 = arith.constant 80 : index
    %swap3A_180 = tpu.vector_load %arg12[%swap3A_178, %swap3A_179] {strides = array<i32>} : memref<16x128xf32, #tpu.memory_space<vmem>>, vector<16xf32>,
    tpu.vector_store %arg12[%swap3A_178, %swap3A_179], %broadcast_in_dim3A_176 {strides = array<i32>} : memref<16x128xf32, #tpu.memory_space<vmem>>, vector<16xf32>,
    %broadcast_in_dim3A_181 = arith.constant 0.000000e+00 : f32
    %broadcast_in_dim3A_182 = vector.broadcast %broadcast_in_dim3A_181 : f32 to vector<16xf32>
    %swap3A_183 = arith.constant 3 : i32
    %swap3A_184 = arith.index_cast %swap3A_183 : i32 to index
    %swap3A_185 = arith.constant 96 : index
    %swap3A_186 = tpu.vector_load %arg12[%swap3A_184, %swap3A_185] {strides = array<i32>} : memref<16x128xf32, #tpu.memory_space<vmem>>, vector<16xf32>,
    tpu.vector_store %arg12[%swap3A_184, %swap3A_185], %broadcast_in_dim3A_182 {strides = array<i32>} : memref<16x128xf32, #tpu.memory_space<vmem>>, vector<16xf32>,
    %broadcast_in_dim3A_187 = arith.constant 0.000000e+00 : f32
    %broadcast_in_dim3A_188 = vector.broadcast %broadcast_in_dim3A_187 : f32 to vector<16xf32>
    %swap3A_189 = arith.constant 3 : i32
    %swap3A_190 = arith.index_cast %swap3A_189 : i32 to index
    %swap3A_191 = arith.constant 112 : index
    %swap3A_192 = tpu.vector_load %arg12[%swap3A_190, %swap3A_191] {strides = array<i32>} : memref<16x128xf32, #tpu.memory_space<vmem>>, vector<16xf32>,
    tpu.vector_store %arg12[%swap3A_190, %swap3A_191], %broadcast_in_dim3A_188 {strides = array<i32>} : memref<16x128xf32, #tpu.memory_space<vmem>>, vector<16xf32>,
    %broadcast_in_dim3A_193 = arith.constant 0.000000e+00 : f32
    %broadcast_in_dim3A_194 = vector.broadcast %broadcast_in_dim3A_193 : f32 to vector<16xf32>
    %swap3A_195 = arith.constant 4 : i32
    %swap3A_196 = arith.index_cast %swap3A_195 : i32 to index
    %swap3A_197 = arith.constant 0 : index
    %swap3A_198 = tpu.vector_load %arg12[%swap3A_196, %swap3A_197] {strides = array<i32>} : memref<16x128xf32, #tpu.memory_space<vmem>>, vector<16xf32>,
    tpu.vector_store %arg12[%swap3A_196, %swap3A_197], %broadcast_in_dim3A_194 {strides = array<i32>} : memref<16x128xf32, #tpu.memory_space<vmem>>, vector<16xf32>,
    %broadcast_in_dim3A_199 = arith.constant 0.000000e+00 : f32
    %broadcast_in_dim3A_200 = vector.broadcast %broadcast_in_dim3A_199 : f32 to vector<16xf32>
    %swap3A_201 = arith.constant 4 : i32
    %swap3A_202 = arith.index_cast %swap3A_201 : i32 to index
    %swap3A_203 = arith.constant 16 : index
    %swap3A_204 = tpu.vector_load %arg12[%swap3A_202, %swap3A_203] {strides = array<i32>} : memref<16x128xf32, #tpu.memory_space<vmem>>, vector<16xf32>,
    tpu.vector_store %arg12[%swap3A_202, %swap3A_203], %broadcast_in_dim3A_200 {strides = array<i32>} : memref<16x128xf32, #tpu.memory_space<vmem>>, vector<16xf32>,
    %broadcast_in_dim3A_205 = arith.constant 0.000000e+00 : f32
    %broadcast_in_dim3A_206 = vector.broadcast %broadcast_in_dim3A_205 : f32 to vector<16xf32>
    %swap3A_207 = arith.constant 4 : i32
    %swap3A_208 = arith.index_cast %swap3A_207 : i32 to index
    %swap3A_209 = arith.constant 32 : index
    %swap3A_210 = tpu.vector_load %arg12[%swap3A_208, %swap3A_209] {strides = array<i32>} : memref<16x128xf32, #tpu.memory_space<vmem>>, vector<16xf32>,
    tpu.vector_store %arg12[%swap3A_208, %swap3A_209], %broadcast_in_dim3A_206 {strides = array<i32>} : memref<16x128xf32, #tpu.memory_space<vmem>>, vector<16xf32>,
    %broadcast_in_dim3A_211 = arith.constant 0.000000e+00 : f32
    %broadcast_in_dim3A_212 = vector.broadcast %broadcast_in_dim3A_211 : f32 to vector<16xf32>
    %swap3A_213 = arith.constant 4 : i32
    %swap3A_214 = arith.index_cast %swap3A_213 : i32 to index
    %swap3A_215 = arith.constant 48 : index
    %swap3A_216 = tpu.vector_load %arg12[%swap3A_214, %swap3A_215] {strides = array<i32>} : memref<16x128xf32, #tpu.memory_space<vmem>>, vector<16xf32>,
    tpu.vector_store %arg12[%swap3A_214, %swap3A_215], %broadcast_in_dim3A_212 {strides = array<i32>} : memref<16x128xf32, #tpu.memory_space<vmem>>, vector<16xf32>,
    %broadcast_in_dim3A_217 = arith.constant 0.000000e+00 : f32
    %broadcast_in_dim3A_218 = vector.broadcast %broadcast_in_dim3A_217 : f32 to vector<16xf32>
    %swap3A_219 = arith.constant 4 : i32
    %swap3A_220 = arith.index_cast %swap3A_219 : i32 to index
    %swap3A_221 = arith.constant 64 : index
    %swap3A_222 = tpu.vector_load %arg12[%swap3A_220, %swap3A_221] {strides = array<i32>} : memref<16x128xf32, #tpu.memory_space<vmem>>, vector<16xf32>,
    tpu.vector_store %arg12[%swap3A_220, %swap3A_221], %broadcast_in_dim3A_218 {strides = array<i32>} : memref<16x128xf32, #tpu.memory_space<vmem>>, vector<16xf32>,
    %broadcast_in_dim3A_223 = arith.constant 0.000000e+00 : f32
    %broadcast_in_dim3A_224 = vector.broadcast %broadcast_in_dim3A_223 : f32 to vector<16xf32>
    %swap3A_225 = arith.constant 4 : i32
    %swap3A_226 = arith.index_cast %swap3A_225 : i32 to index
    %swap3A_227 = arith.constant 80 : index
    %swap3A_228 = tpu.vector_load %arg12[%swap3A_226, %swap3A_227] {strides = array<i32>} : memref<16x128xf32, #tpu.memory_space<vmem>>, vector<16xf32>,
    tpu.vector_store %arg12[%swap3A_226, %swap3A_227], %broadcast_in_dim3A_224 {strides = array<i32>} : memref<16x128xf32, #tpu.memory_space<vmem>>, vector<16xf32>,
    %broadcast_in_dim3A_229 = arith.constant 0.000000e+00 : f32
    %broadcast_in_dim3A_230 = vector.broadcast %broadcast_in_dim3A_229 : f32 to vector<16xf32>
    %swap3A_231 = arith.constant 4 : i32
    %swap3A_232 = arith.index_cast %swap3A_231 : i32 to index
    %swap3A_233 = arith.constant 96 : index
    %swap3A_234 = tpu.vector_load %arg12[%swap3A_232, %swap3A_233] {strides = array<i32>} : memref<16x128xf32, #tpu.memory_space<vmem>>, vector<16xf32>,
    tpu.vector_store %arg12[%swap3A_232, %swap3A_233], %broadcast_in_dim3A_230 {strides = array<i32>} : memref<16x128xf32, #tpu.memory_space<vmem>>, vector<16xf32>,
    %broadcast_in_dim3A_235 = arith.constant 0.000000e+00 : f32
    %broadcast_in_dim3A_236 = vector.broadcast %broadcast_in_dim3A_235 : f32 to vector<16xf32>
    %swap3A_237 = arith.constant 4 : i32
    %swap3A_238 = arith.index_cast %swap3A_237 : i32 to index
    %swap3A_239 = arith.constant 112 : index
    %swap3A_240 = tpu.vector_load %arg12[%swap3A_238, %swap3A_239] {strides = array<i32>} : memref<16x128xf32, #tpu.memory_space<vmem>>, vector<16xf32>,
    tpu.vector_store %arg12[%swap3A_238, %swap3A_239], %broadcast_in_dim3A_236 {strides = array<i32>} : memref<16x128xf32, #tpu.memory_space<vmem>>, vector<16xf32>,
    %broadcast_in_dim3A_241 = arith.constant 0.000000e+00 : f32
    %broadcast_in_dim3A_242 = vector.broadcast %broadcast_in_dim3A_241 : f32 to vector<16xf32>
    %swap3A_243 = arith.constant 5 : i32
    %swap3A_244 = arith.index_cast %swap3A_243 : i32 to index
    %swap3A_245 = arith.constant 0 : index
    %swap3A_246 = tpu.vector_load %arg12[%swap3A_244, %swap3A_245] {strides = array<i32>} : memref<16x128xf32, #tpu.memory_space<vmem>>, vector<16xf32>,
    tpu.vector_store %arg12[%swap3A_244, %swap3A_245], %broadcast_in_dim3A_242 {strides = array<i32>} : memref<16x128xf32, #tpu.memory_space<vmem>>, vector<16xf32>,
    %broadcast_in_dim3A_247 = arith.constant 0.000000e+00 : f32
    %broadcast_in_dim3A_248 = vector.broadcast %broadcast_in_dim3A_247 : f32 to vector<16xf32>
    %swap3A_249 = arith.constant 5 : i32
    %swap3A_250 = arith.index_cast %swap3A_249 : i32 to index
    %swap3A_251 = arith.constant 16 : index
    %swap3A_252 = tpu.vector_load %arg12[%swap3A_250, %swap3A_251] {strides = array<i32>} : memref<16x128xf32, #tpu.memory_space<vmem>>, vector<16xf32>,
    tpu.vector_store %arg12[%swap3A_250, %swap3A_251], %broadcast_in_dim3A_248 {strides = array<i32>} : memref<16x128xf32, #tpu.memory_space<vmem>>, vector<16xf32>,
    %broadcast_in_dim3A_253 = arith.constant 0.000000e+00 : f32
    %broadcast_in_dim3A_254 = vector.broadcast %broadcast_in_dim3A_253 : f32 to vector<16xf32>
    %swap3A_255 = arith.constant 5 : i32
    %swap3A_256 = arith.index_cast %swap3A_255 : i32 to index
    %swap3A_257 = arith.constant 32 : index
    %swap3A_258 = tpu.vector_load %arg12[%swap3A_256, %swap3A_257] {strides = array<i32>} : memref<16x128xf32, #tpu.memory_space<vmem>>, vector<16xf32>,
    tpu.vector_store %arg12[%swap3A_256, %swap3A_257], %broadcast_in_dim3A_254 {strides = array<i32>} : memref<16x128xf32, #tpu.memory_space<vmem>>, vector<16xf32>,
    %broadcast_in_dim3A_259 = arith.constant 0.000000e+00 : f32
    %broadcast_in_dim3A_260 = vector.broadcast %broadcast_in_dim3A_259 : f32 to vector<16xf32>
    %swap3A_261 = arith.constant 5 : i32
    %swap3A_262 = arith.index_cast %swap3A_261 : i32 to index
    %swap3A_263 = arith.constant 48 : index
    %swap3A_264 = tpu.vector_load %arg12[%swap3A_262, %swap3A_263] {strides = array<i32>} : memref<16x128xf32, #tpu.memory_space<vmem>>, vector<16xf32>,
    tpu.vector_store %arg12[%swap3A_262, %swap3A_263], %broadcast_in_dim3A_260 {strides = array<i32>} : memref<16x128xf32, #tpu.memory_space<vmem>>, vector<16xf32>,
    %broadcast_in_dim3A_265 = arith.constant 0.000000e+00 : f32
    %broadcast_in_dim3A_266 = vector.broadcast %broadcast_in_dim3A_265 : f32 to vector<16xf32>
    %swap3A_267 = arith.constant 5 : i32
    %swap3A_268 = arith.index_cast %swap3A_267 : i32 to index
    %swap3A_269 = arith.constant 64 : index
    %swap3A_270 = tpu.vector_load %arg12[%swap3A_268, %swap3A_269] {strides = array<i32>} : memref<16x128xf32, #tpu.memory_space<vmem>>, vector<16xf32>,
    tpu.vector_store %arg12[%swap3A_268, %swap3A_269], %broadcast_in_dim3A_266 {strides = array<i32>} : memref<16x128xf32, #tpu.memory_space<vmem>>, vector<16xf32>,
    %broadcast_in_dim3A_271 = arith.constant 0.000000e+00 : f32
    %broadcast_in_dim3A_272 = vector.broadcast %broadcast_in_dim3A_271 : f32 to vector<16xf32>
    %swap3A_273 = arith.constant 5 : i32
    %swap3A_274 = arith.index_cast %swap3A_273 : i32 to index
    %swap3A_275 = arith.constant 80 : index
    %swap3A_276 = tpu.vector_load %arg12[%swap3A_274, %swap3A_275] {strides = array<i32>} : memref<16x128xf32, #tpu.memory_space<vmem>>, vector<16xf32>,
    tpu.vector_store %arg12[%swap3A_274, %swap3A_275], %broadcast_in_dim3A_272 {strides = array<i32>} : memref<16x128xf32, #tpu.memory_space<vmem>>, vector<16xf32>,
    %broadcast_in_dim3A_277 = arith.constant 0.000000e+00 : f32
    %broadcast_in_dim3A_278 = vector.broadcast %broadcast_in_dim3A_277 : f32 to vector<16xf32>
    %swap3A_279 = arith.constant 5 : i32
    %swap3A_280 = arith.index_cast %swap3A_279 : i32 to index
    %swap3A_281 = arith.constant 96 : index
    %swap3A_282 = tpu.vector_load %arg12[%swap3A_280, %swap3A_281] {strides = array<i32>} : memref<16x128xf32, #tpu.memory_space<vmem>>, vector<16xf32>,
    tpu.vector_store %arg12[%swap3A_280, %swap3A_281], %broadcast_in_dim3A_278 {strides = array<i32>} : memref<16x128xf32, #tpu.memory_space<vmem>>, vector<16xf32>,
    %broadcast_in_dim3A_283 = arith.constant 0.000000e+00 : f32
    %broadcast_in_dim3A_284 = vector.broadcast %broadcast_in_dim3A_283 : f32 to vector<16xf32>
    %swap3A_285 = arith.constant 5 : i32
    %swap3A_286 = arith.index_cast %swap3A_285 : i32 to index
    %swap3A_287 = arith.constant 112 : index
    %swap3A_288 = tpu.vector_load %arg12[%swap3A_286, %swap3A_287] {strides = array<i32>} : memref<16x128xf32, #tpu.memory_space<vmem>>, vector<16xf32>,
    tpu.vector_store %arg12[%swap3A_286, %swap3A_287], %broadcast_in_dim3A_284 {strides = array<i32>} : memref<16x128xf32, #tpu.memory_space<vmem>>, vector<16xf32>,
    %broadcast_in_dim3A_289 = arith.constant 0.000000e+00 : f32
    %broadcast_in_dim3A_290 = vector.broadcast %broadcast_in_dim3A_289 : f32 to vector<16xf32>
    %swap3A_291 = arith.constant 6 : i32
    %swap3A_292 = arith.index_cast %swap3A_291 : i32 to index
    %swap3A_293 = arith.constant 0 : index
    %swap3A_294 = tpu.vector_load %arg12[%swap3A_292, %swap3A_293] {strides = array<i32>} : memref<16x128xf32, #tpu.memory_space<vmem>>, vector<16xf32>,
    tpu.vector_store %arg12[%swap3A_292, %swap3A_293], %broadcast_in_dim3A_290 {strides = array<i32>} : memref<16x128xf32, #tpu.memory_space<vmem>>, vector<16xf32>,
    %broadcast_in_dim3A_295 = arith.constant 0.000000e+00 : f32
    %broadcast_in_dim3A_296 = vector.broadcast %broadcast_in_dim3A_295 : f32 to vector<16xf32>
    %swap3A_297 = arith.constant 6 : i32
    %swap3A_298 = arith.index_cast %swap3A_297 : i32 to index
    %swap3A_299 = arith.constant 16 : index
    %swap3A_300 = tpu.vector_load %arg12[%swap3A_298, %swap3A_299] {strides = array<i32>} : memref<16x128xf32, #tpu.memory_space<vmem>>, vector<16xf32>,
    tpu.vector_store %arg12[%swap3A_298, %swap3A_299], %broadcast_in_dim3A_296 {strides = array<i32>} : memref<16x128xf32, #tpu.memory_space<vmem>>, vector<16xf32>,
    %broadcast_in_dim3A_301 = arith.constant 0.000000e+00 : f32
    %broadcast_in_dim3A_302 = vector.broadcast %broadcast_in_dim3A_301 : f32 to vector<16xf32>
    %swap3A_303 = arith.constant 6 : i32
    %swap3A_304 = arith.index_cast %swap3A_303 : i32 to index
    %swap3A_305 = arith.constant 32 : index
    %swap3A_306 = tpu.vector_load %arg12[%swap3A_304, %swap3A_305] {strides = array<i32>} : memref<16x128xf32, #tpu.memory_space<vmem>>, vector<16xf32>,
    tpu.vector_store %arg12[%swap3A_304, %swap3A_305], %broadcast_in_dim3A_302 {strides = array<i32>} : memref<16x128xf32, #tpu.memory_space<vmem>>, vector<16xf32>,
    %broadcast_in_dim3A_307 = arith.constant 0.000000e+00 : f32
    %broadcast_in_dim3A_308 = vector.broadcast %broadcast_in_dim3A_307 : f32 to vector<16xf32>
    %swap3A_309 = arith.constant 6 : i32
    %swap3A_310 = arith.index_cast %swap3A_309 : i32 to index
    %swap3A_311 = arith.constant 48 : index
    %swap3A_312 = tpu.vector_load %arg12[%swap3A_310, %swap3A_311] {strides = array<i32>} : memref<16x128xf32, #tpu.memory_space<vmem>>, vector<16xf32>,
    tpu.vector_store %arg12[%swap3A_310, %swap3A_311], %broadcast_in_dim3A_308 {strides = array<i32>} : memref<16x128xf32, #tpu.memory_space<vmem>>, vector<16xf32>,
    %broadcast_in_dim3A_313 = arith.constant 0.000000e+00 : f32
    %broadcast_in_dim3A_314 = vector.broadcast %broadcast_in_dim3A_313 : f32 to vector<16xf32>
    %swap3A_315 = arith.constant 6 : i32
    %swap3A_316 = arith.index_cast %swap3A_315 : i32 to index
    %swap3A_317 = arith.constant 64 : index
    %swap3A_318 = tpu.vector_load %arg12[%swap3A_316, %swap3A_317] {strides = array<i32>} : memref<16x128xf32, #tpu.memory_space<vmem>>, vector<16xf32>,
    tpu.vector_store %arg12[%swap3A_316, %swap3A_317], %broadcast_in_dim3A_314 {strides = array<i32>} : memref<16x128xf32, #tpu.memory_space<vmem>>, vector<16xf32>,
    %broadcast_in_dim3A_319 = arith.constant 0.000000e+00 : f32
    %broadcast_in_dim3A_320 = vector.broadcast %broadcast_in_dim3A_319 : f32 to vector<16xf32>
    %swap3A_321 = arith.constant 6 : i32
    %swap3A_322 = arith.index_cast %swap3A_321 : i32 to index
    %swap3A_323 = arith.constant 80 : index
    %swap3A_324 = tpu.vector_load %arg12[%swap3A_322, %swap3A_323] {strides = array<i32>} : memref<16x128xf32, #tpu.memory_space<vmem>>, vector<16xf32>,
    tpu.vector_store %arg12[%swap3A_322, %swap3A_323], %broadcast_in_dim3A_320 {strides = array<i32>} : memref<16x128xf32, #tpu.memory_space<vmem>>, vector<16xf32>,
    %broadcast_in_dim3A_325 = arith.constant 0.000000e+00 : f32
    %broadcast_in_dim3A_326 = vector.broadcast %broadcast_in_dim3A_325 : f32 to vector<16xf32>
    %swap3A_327 = arith.constant 6 : i32
    %swap3A_328 = arith.index_cast %swap3A_327 : i32 to index
    %swap3A_329 = arith.constant 96 : index
    %swap3A_330 = tpu.vector_load %arg12[%swap3A_328, %swap3A_329] {strides = array<i32>} : memref<16x128xf32, #tpu.memory_space<vmem>>, vector<16xf32>,
    tpu.vector_store %arg12[%swap3A_328, %swap3A_329], %broadcast_in_dim3A_326 {strides = array<i32>} : memref<16x128xf32, #tpu.memory_space<vmem>>, vector<16xf32>,
    %broadcast_in_dim3A_331 = arith.constant 0.000000e+00 : f32
    %broadcast_in_dim3A_332 = vector.broadcast %broadcast_in_dim3A_331 : f32 to vector<16xf32>
    %swap3A_333 = arith.constant 6 : i32
    %swap3A_334 = arith.index_cast %swap3A_333 : i32 to index
    %swap3A_335 = arith.constant 112 : index
    %swap3A_336 = tpu.vector_load %arg12[%swap3A_334, %swap3A_335] {strides = array<i32>} : memref<16x128xf32, #tpu.memory_space<vmem>>, vector<16xf32>,
    tpu.vector_store %arg12[%swap3A_334, %swap3A_335], %broadcast_in_dim3A_332 {strides = array<i32>} : memref<16x128xf32, #tpu.memory_space<vmem>>, vector<16xf32>,
    %broadcast_in_dim3A_337 = arith.constant 0.000000e+00 : f32
    %broadcast_in_dim3A_338 = vector.broadcast %broadcast_in_dim3A_337 : f32 to vector<16xf32>
    %swap3A_339 = arith.constant 7 : i32
    %swap3A_340 = arith.index_cast %swap3A_339 : i32 to index
    %swap3A_341 = arith.constant 0 : index
    %swap3A_342 = tpu.vector_load %arg12[%swap3A_340, %swap3A_341] {strides = array<i32>} : memref<16x128xf32, #tpu.memory_space<vmem>>, vector<16xf32>,
    tpu.vector_store %arg12[%swap3A_340, %swap3A_341], %broadcast_in_dim3A_338 {strides = array<i32>} : memref<16x128xf32, #tpu.memory_space<vmem>>, vector<16xf32>,
    %broadcast_in_dim3A_343 = arith.constant 0.000000e+00 : f32
    %broadcast_in_dim3A_344 = vector.broadcast %broadcast_in_dim3A_343 : f32 to vector<16xf32>
    %swap3A_345 = arith.constant 7 : i32
    %swap3A_346 = arith.index_cast %swap3A_345 : i32 to index
    %swap3A_347 = arith.constant 16 : index
    %swap3A_348 = tpu.vector_load %arg12[%swap3A_346, %swap3A_347] {strides = array<i32>} : memref<16x128xf32, #tpu.memory_space<vmem>>, vector<16xf32>,
    tpu.vector_store %arg12[%swap3A_346, %swap3A_347], %broadcast_in_dim3A_344 {strides = array<i32>} : memref<16x128xf32, #tpu.memory_space<vmem>>, vector<16xf32>,
    %broadcast_in_dim3A_349 = arith.constant 0.000000e+00 : f32
    %broadcast_in_dim3A_350 = vector.broadcast %broadcast_in_dim3A_349 : f32 to vector<16xf32>
    %swap3A_351 = arith.constant 7 : i32
    %swap3A_352 = arith.index_cast %swap3A_351 : i32 to index
    %swap3A_353 = arith.constant 32 : index
    %swap3A_354 = tpu.vector_load %arg12[%swap3A_352, %swap3A_353] {strides = array<i32>} : memref<16x128xf32, #tpu.memory_space<vmem>>, vector<16xf32>,
    tpu.vector_store %arg12[%swap3A_352, %swap3A_353], %broadcast_in_dim3A_350 {strides = array<i32>} : memref<16x128xf32, #tpu.memory_space<vmem>>, vector<16xf32>,
    %broadcast_in_dim3A_355 = arith.constant 0.000000e+00 : f32
    %broadcast_in_dim3A_356 = vector.broadcast %broadcast_in_dim3A_355 : f32 to vector<16xf32>
    %swap3A_357 = arith.constant 7 : i32
    %swap3A_358 = arith.index_cast %swap3A_357 : i32 to index
    %swap3A_359 = arith.constant 48 : index
    %swap3A_360 = tpu.vector_load %arg12[%swap3A_358, %swap3A_359] {strides = array<i32>} : memref<16x128xf32, #tpu.memory_space<vmem>>, vector<16xf32>,
    tpu.vector_store %arg12[%swap3A_358, %swap3A_359], %broadcast_in_dim3A_356 {strides = array<i32>} : memref<16x128xf32, #tpu.memory_space<vmem>>, vector<16xf32>,
    %broadcast_in_dim3A_361 = arith.constant 0.000000e+00 : f32
    %broadcast_in_dim3A_362 = vector.broadcast %broadcast_in_dim3A_361 : f32 to vector<16xf32>
    %swap3A_363 = arith.constant 7 : i32
    %swap3A_364 = arith.index_cast %swap3A_363 : i32 to index
    %swap3A_365 = arith.constant 64 : index
    %swap3A_366 = tpu.vector_load %arg12[%swap3A_364, %swap3A_365] {strides = array<i32>} : memref<16x128xf32, #tpu.memory_space<vmem>>, vector<16xf32>,
    tpu.vector_store %arg12[%swap3A_364, %swap3A_365], %broadcast_in_dim3A_362 {strides = array<i32>} : memref<16x128xf32, #tpu.memory_space<vmem>>, vector<16xf32>,
    %broadcast_in_dim3A_367 = arith.constant 0.000000e+00 : f32
    %broadcast_in_dim3A_368 = vector.broadcast %broadcast_in_dim3A_367 : f32 to vector<16xf32>
    %swap3A_369 = arith.constant 7 : i32
    %swap3A_370 = arith.index_cast %swap3A_369 : i32 to index
    %swap3A_371 = arith.constant 80 : index
    %swap3A_372 = tpu.vector_load %arg12[%swap3A_370, %swap3A_371] {strides = array<i32>} : memref<16x128xf32, #tpu.memory_space<vmem>>, vector<16xf32>,
    tpu.vector_store %arg12[%swap3A_370, %swap3A_371], %broadcast_in_dim3A_368 {strides = array<i32>} : memref<16x128xf32, #tpu.memory_space<vmem>>, vector<16xf32>,
    %broadcast_in_dim3A_373 = arith.constant 0.000000e+00 : f32
    %broadcast_in_dim3A_374 = vector.broadcast %broadcast_in_dim3A_373 : f32 to vector<16xf32>
    %swap3A_375 = arith.constant 7 : i32
    %swap3A_376 = arith.index_cast %swap3A_375 : i32 to index
    %swap3A_377 = arith.constant 96 : index
    %swap3A_378 = tpu.vector_load %arg12[%swap3A_376, %swap3A_377] {strides = array<i32>} : memref<16x128xf32, #tpu.memory_space<vmem>>, vector<16xf32>,
    tpu.vector_store %arg12[%swap3A_376, %swap3A_377], %broadcast_in_dim3A_374 {strides = array<i32>} : memref<16x128xf32, #tpu.memory_space<vmem>>, vector<16xf32>,
    %broadcast_in_dim3A_379 = arith.constant 0.000000e+00 : f32
    %broadcast_in_dim3A_380 = vector.broadcast %broadcast_in_dim3A_379 : f32 to vector<16xf32>
    %swap3A_381 = arith.constant 7 : i32
    %swap3A_382 = arith.index_cast %swap3A_381 : i32 to index
    %swap3A_383 = arith.constant 112 : index
    %swap3A_384 = tpu.vector_load %arg12[%swap3A_382, %swap3A_383] {strides = array<i32>} : memref<16x128xf32, #tpu.memory_space<vmem>>, vector<16xf32>,
    tpu.vector_store %arg12[%swap3A_382, %swap3A_383], %broadcast_in_dim3A_380 {strides = array<i32>} : memref<16x128xf32, #tpu.memory_space<vmem>>, vector<16xf32>,
    %broadcast_in_dim3A_385 = arith.constant 0.000000e+00 : f32
    %broadcast_in_dim3A_386 = vector.broadcast %broadcast_in_dim3A_385 : f32 to vector<16xf32>
    %swap3A_387 = arith.constant 8 : i32
    %swap3A_388 = arith.index_cast %swap3A_387 : i32 to index
    %swap3A_389 = arith.constant 0 : index
    %swap3A_390 = tpu.vector_load %arg12[%swap3A_388, %swap3A_389] {strides = array<i32>} : memref<16x128xf32, #tpu.memory_space<vmem>>, vector<16xf32>,
    tpu.vector_store %arg12[%swap3A_388, %swap3A_389], %broadcast_in_dim3A_386 {strides = array<i32>} : memref<16x128xf32, #tpu.memory_space<vmem>>, vector<16xf32>,
    %broadcast_in_dim3A_391 = arith.constant 0.000000e+00 : f32
    %broadcast_in_dim3A_392 = vector.broadcast %broadcast_in_dim3A_391 : f32 to vector<16xf32>
    %swap3A_393 = arith.constant 8 : i32
    %swap3A_394 = arith.index_cast %swap3A_393 : i32 to index
    %swap3A_395 = arith.constant 16 : index
    %swap3A_396 = tpu.vector_load %arg12[%swap3A_394, %swap3A_395] {strides = array<i32>} : memref<16x128xf32, #tpu.memory_space<vmem>>, vector<16xf32>,
    tpu.vector_store %arg12[%swap3A_394, %swap3A_395], %broadcast_in_dim3A_392 {strides = array<i32>} : memref<16x128xf32, #tpu.memory_space<vmem>>, vector<16xf32>,
    %broadcast_in_dim3A_397 = arith.constant 0.000000e+00 : f32
    %broadcast_in_dim3A_398 = vector.broadcast %broadcast_in_dim3A_397 : f32 to vector<16xf32>
    %swap3A_399 = arith.constant 8 : i32
    %swap3A_400 = arith.index_cast %swap3A_399 : i32 to index
    %swap3A_401 = arith.constant 32 : index
    %swap3A_402 = tpu.vector_load %arg12[%swap3A_400, %swap3A_401] {strides = array<i32>} : memref<16x128xf32, #tpu.memory_space<vmem>>, vector<16xf32>,
    tpu.vector_store %arg12[%swap3A_400, %swap3A_401], %broadcast_in_dim3A_398 {strides = array<i32>} : memref<16x128xf32, #tpu.memory_space<vmem>>, vector<16xf32>,
    %broadcast_in_dim3A_403 = arith.constant 0.000000e+00 : f32
    %broadcast_in_dim3A_404 = vector.broadcast %broadcast_in_dim3A_403 : f32 to vector<16xf32>
    %swap3A_405 = arith.constant 8 : i32
    %swap3A_406 = arith.index_cast %swap3A_405 : i32 to index
    %swap3A_407 = arith.constant 48 : index
    %swap3A_408 = tpu.vector_load %arg12[%swap3A_406, %swap3A_407] {strides = array<i32>} : memref<16x128xf32, #tpu.memory_space<vmem>>, vector<16xf32>,
    tpu.vector_store %arg12[%swap3A_406, %swap3A_407], %broadcast_in_dim3A_404 {strides = array<i32>} : memref<16x128xf32, #tpu.memory_space<vmem>>, vector<16xf32>,
    %broadcast_in_dim3A_409 = arith.constant 0.000000e+00 : f32
    %broadcast_in_dim3A_410 = vector.broadcast %broadcast_in_dim3A_409 : f32 to vector<16xf32>
    %swap3A_411 = arith.constant 8 : i32
    %swap3A_412 = arith.index_cast %swap3A_411 : i32 to index
    %swap3A_413 = arith.constant 64 : index
    %swap3A_414 = tpu.vector_load %arg12[%swap3A_412, %swap3A_413] {strides = array<i32>} : memref<16x128xf32, #tpu.memory_space<vmem>>, vector<16xf32>,
    tpu.vector_store %arg12[%swap3A_412, %swap3A_413], %broadcast_in_dim3A_410 {strides = array<i32>} : memref<16x128xf32, #tpu.memory_space<vmem>>, vector<16xf32>,
    %broadcast_in_dim3A_415 = arith.constant 0.000000e+00 : f32
    %broadcast_in_dim3A_416 = vector.broadcast %broadcast_in_dim3A_415 : f32 to vector<16xf32>
    %swap3A_417 = arith.constant 8 : i32
    %swap3A_418 = arith.index_cast %swap3A_417 : i32 to index
    %swap3A_419 = arith.constant 80 : index
    %swap3A_420 = tpu.vector_load %arg12[%swap3A_418, %swap3A_419] {strides = array<i32>} : memref<16x128xf32, #tpu.memory_space<vmem>>, vector<16xf32>,
    tpu.vector_store %arg12[%swap3A_418, %swap3A_419], %broadcast_in_dim3A_416 {strides = array<i32>} : memref<16x128xf32, #tpu.memory_space<vmem>>, vector<16xf32>,
    %broadcast_in_dim3A_421 = arith.constant 0.000000e+00 : f32
    %broadcast_in_dim3A_422 = vector.broadcast %broadcast_in_dim3A_421 : f32 to vector<16xf32>
    %swap3A_423 = arith.constant 8 : i32
    %swap3A_424 = arith.index_cast %swap3A_423 : i32 to index
    %swap3A_425 = arith.constant 96 : index
    %swap3A_426 = tpu.vector_load %arg12[%swap3A_424, %swap3A_425] {strides = array<i32>} : memref<16x128xf32, #tpu.memory_space<vmem>>, vector<16xf32>,
    tpu.vector_store %arg12[%swap3A_424, %swap3A_425], %broadcast_in_dim3A_422 {strides = array<i32>} : memref<16x128xf32, #tpu.memory_space<vmem>>, vector<16xf32>,
    %broadcast_in_dim3A_427 = arith.constant 0.000000e+00 : f32
    %broadcast_in_dim3A_428 = vector.broadcast %broadcast_in_dim3A_427 : f32 to vector<16xf32>
    %swap3A_429 = arith.constant 8 : i32
    %swap3A_430 = arith.index_cast %swap3A_429 : i32 to index
    %swap3A_431 = arith.constant 112 : index
    %swap3A_432 = tpu.vector_load %arg12[%swap3A_430, %swap3A_431] {strides = array<i32>} : memref<16x128xf32, #tpu.memory_space<vmem>>, vector<16xf32>,
    tpu.vector_store %arg12[%swap3A_430, %swap3A_431], %broadcast_in_dim3A_428 {strides = array<i32>} : memref<16x128xf32, #tpu.memory_space<vmem>>, vector<16xf32>,
    %broadcast_in_dim3A_433 = arith.constant 0.000000e+00 : f32
    %broadcast_in_dim3A_434 = vector.broadcast %broadcast_in_dim3A_433 : f32 to vector<16xf32>
    %swap3A_435 = arith.constant 9 : i32
    %swap3A_436 = arith.index_cast %swap3A_435 : i32 to index
    %swap3A_437 = arith.constant 0 : index
    %swap3A_438 = tpu.vector_load %arg12[%swap3A_436, %swap3A_437] {strides = array<i32>} : memref<16x128xf32, #tpu.memory_space<vmem>>, vector<16xf32>,
    tpu.vector_store %arg12[%swap3A_436, %swap3A_437], %broadcast_in_dim3A_434 {strides = array<i32>} : memref<16x128xf32, #tpu.memory_space<vmem>>, vector<16xf32>,
    %broadcast_in_dim3A_439 = arith.constant 0.000000e+00 : f32
    %broadcast_in_dim3A_440 = vector.broadcast %broadcast_in_dim3A_439 : f32 to vector<16xf32>
    %swap3A_441 = arith.constant 9 : i32
    %swap3A_442 = arith.index_cast %swap3A_441 : i32 to index
    %swap3A_443 = arith.constant 16 : index
    %swap3A_444 = tpu.vector_load %arg12[%swap3A_442, %swap3A_443] {strides = array<i32>} : memref<16x128xf32, #tpu.memory_space<vmem>>, vector<16xf32>,
    tpu.vector_store %arg12[%swap3A_442, %swap3A_443], %broadcast_in_dim3A_440 {strides = array<i32>} : memref<16x128xf32, #tpu.memory_space<vmem>>, vector<16xf32>,
    %broadcast_in_dim3A_445 = arith.constant 0.000000e+00 : f32
    %broadcast_in_dim3A_446 = vector.broadcast %broadcast_in_dim3A_445 : f32 to vector<16xf32>
    %swap3A_447 = arith.constant 9 : i32
    %swap3A_448 = arith.index_cast %swap3A_447 : i32 to index
    %swap3A_449 = arith.constant 32 : index
    %swap3A_450 = tpu.vector_load %arg12[%swap3A_448, %swap3A_449] {strides = array<i32>} : memref<16x128xf32, #tpu.memory_space<vmem>>, vector<16xf32>,
    tpu.vector_store %arg12[%swap3A_448, %swap3A_449], %broadcast_in_dim3A_446 {strides = array<i32>} : memref<16x128xf32, #tpu.memory_space<vmem>>, vector<16xf32>,
    %broadcast_in_dim3A_451 = arith.constant 0.000000e+00 : f32
    %broadcast_in_dim3A_452 = vector.broadcast %broadcast_in_dim3A_451 : f32 to vector<16xf32>
    %swap3A_453 = arith.constant 9 : i32
    %swap3A_454 = arith.index_cast %swap3A_453 : i32 to index
    %swap3A_455 = arith.constant 48 : index
    %swap3A_456 = tpu.vector_load %arg12[%swap3A_454, %swap3A_455] {strides = array<i32>} : memref<16x128xf32, #tpu.memory_space<vmem>>, vector<16xf32>,
    tpu.vector_store %arg12[%swap3A_454, %swap3A_455], %broadcast_in_dim3A_452 {strides = array<i32>} : memref<16x128xf32, #tpu.memory_space<vmem>>, vector<16xf32>,
    %broadcast_in_dim3A_457 = arith.constant 0.000000e+00 : f32
    %broadcast_in_dim3A_458 = vector.broadcast %broadcast_in_dim3A_457 : f32 to vector<16xf32>
    %swap3A_459 = arith.constant 9 : i32
    %swap3A_460 = arith.index_cast %swap3A_459 : i32 to index
    %swap3A_461 = arith.constant 64 : index
    %swap3A_462 = tpu.vector_load %arg12[%swap3A_460, %swap3A_461] {strides = array<i32>} : memref<16x128xf32, #tpu.memory_space<vmem>>, vector<16xf32>,
    tpu.vector_store %arg12[%swap3A_460, %swap3A_461], %broadcast_in_dim3A_458 {strides = array<i32>} : memref<16x128xf32, #tpu.memory_space<vmem>>, vector<16xf32>,
    %broadcast_in_dim3A_463 = arith.constant 0.000000e+00 : f32
    %broadcast_in_dim3A_464 = vector.broadcast %broadcast_in_dim3A_463 : f32 to vector<16xf32>
    %swap3A_465 = arith.constant 9 : i32
    %swap3A_466 = arith.index_cast %swap3A_465 : i32 to index
    %swap3A_467 = arith.constant 80 : index
    %swap3A_468 = tpu.vector_load %arg12[%swap3A_466, %swap3A_467] {strides = array<i32>} : memref<16x128xf32, #tpu.memory_space<vmem>>, vector<16xf32>,
    tpu.vector_store %arg12[%swap3A_466, %swap3A_467], %broadcast_in_dim3A_464 {strides = array<i32>} : memref<16x128xf32, #tpu.memory_space<vmem>>, vector<16xf32>,
    %broadcast_in_dim3A_469 = arith.constant 0.000000e+00 : f32
    %broadcast_in_dim3A_470 = vector.broadcast %broadcast_in_dim3A_469 : f32 to vector<16xf32>
    %swap3A_471 = arith.constant 9 : i32
    %swap3A_472 = arith.index_cast %swap3A_471 : i32 to index
    %swap3A_473 = arith.constant 96 : index
    %swap3A_474 = tpu.vector_load %arg12[%swap3A_472, %swap3A_473] {strides = array<i32>} : memref<16x128xf32, #tpu.memory_space<vmem>>, vector<16xf32>,
    tpu.vector_store %arg12[%swap3A_472, %swap3A_473], %broadcast_in_dim3A_470 {strides = array<i32>} : memref<16x128xf32, #tpu.memory_space<vmem>>, vector<16xf32>,
    %broadcast_in_dim3A_475 = arith.constant 0.000000e+00 : f32
    %broadcast_in_dim3A_476 = vector.broadcast %broadcast_in_dim3A_475 : f32 to vector<16xf32>
    %swap3A_477 = arith.constant 9 : i32
    %swap3A_478 = arith.index_cast %swap3A_477 : i32 to index
    %swap3A_479 = arith.constant 112 : index
    %swap3A_480 = tpu.vector_load %arg12[%swap3A_478, %swap3A_479] {strides = array<i32>} : memref<16x128xf32, #tpu.memory_space<vmem>>, vector<16xf32>,
    tpu.vector_store %arg12[%swap3A_478, %swap3A_479], %broadcast_in_dim3A_476 {strides = array<i32>} : memref<16x128xf32, #tpu.memory_space<vmem>>, vector<16xf32>,
    %broadcast_in_dim3A_481 = arith.constant 0.000000e+00 : f32
    %broadcast_in_dim3A_482 = vector.broadcast %broadcast_in_dim3A_481 : f32 to vector<16xf32>
    %swap3A_483 = arith.constant 10 : i32
    %swap3A_484 = arith.index_cast %swap3A_483 : i32 to index
    %swap3A_485 = arith.constant 0 : index
    %swap3A_486 = tpu.vector_load %arg12[%swap3A_484, %swap3A_485] {strides = array<i32>} : memref<16x128xf32, #tpu.memory_space<vmem>>, vector<16xf32>,
    tpu.vector_store %arg12[%swap3A_484, %swap3A_485], %broadcast_in_dim3A_482 {strides = array<i32>} : memref<16x128xf32, #tpu.memory_space<vmem>>, vector<16xf32>,
    %broadcast_in_dim3A_487 = arith.constant 0.000000e+00 : f32
    %broadcast_in_dim3A_488 = vector.broadcast %broadcast_in_dim3A_487 : f32 to vector<16xf32>
    %swap3A_489 = arith.constant 10 : i32
    %swap3A_490 = arith.index_cast %swap3A_489 : i32 to index
    %swap3A_491 = arith.constant 16 : index
    %swap3A_492 = tpu.vector_load %arg12[%swap3A_490, %swap3A_491] {strides = array<i32>} : memref<16x128xf32, #tpu.memory_space<vmem>>, vector<16xf32>,
    tpu.vector_store %arg12[%swap3A_490, %swap3A_491], %broadcast_in_dim3A_488 {strides = array<i32>} : memref<16x128xf32, #tpu.memory_space<vmem>>, vector<16xf32>,
    %broadcast_in_dim3A_493 = arith.constant 0.000000e+00 : f32
    %broadcast_in_dim3A_494 = vector.broadcast %broadcast_in_dim3A_493 : f32 to vector<16xf32>
    %swap3A_495 = arith.constant 10 : i32
    %swap3A_496 = arith.index_cast %swap3A_495 : i32 to index
    %swap3A_497 = arith.constant 32 : index
    %swap3A_498 = tpu.vector_load %arg12[%swap3A_496, %swap3A_497] {strides = array<i32>} : memref<16x128xf32, #tpu.memory_space<vmem>>, vector<16xf32>,
    tpu.vector_store %arg12[%swap3A_496, %swap3A_497], %broadcast_in_dim3A_494 {strides = array<i32>} : memref<16x128xf32, #tpu.memory_space<vmem>>, vector<16xf32>,
    %broadcast_in_dim3A_499 = arith.constant 0.000000e+00 : f32
    %broadcast_in_dim3A_500 = vector.broadcast %broadcast_in_dim3A_499 : f32 to vector<16xf32>
    %swap3A_501 = arith.constant 10 : i32
    %swap3A_502 = arith.index_cast %swap3A_501 : i32 to index
    %swap3A_503 = arith.constant 48 : index
    %swap3A_504 = tpu.vector_load %arg12[%swap3A_502, %swap3A_503] {strides = array<i32>} : memref<16x128xf32, #tpu.memory_space<vmem>>, vector<16xf32>,
    tpu.vector_store %arg12[%swap3A_502, %swap3A_503], %broadcast_in_dim3A_500 {strides = array<i32>} : memref<16x128xf32, #tpu.memory_space<vmem>>, vector<16xf32>,
    %broadcast_in_dim3A_505 = arith.constant 0.000000e+00 : f32
    %broadcast_in_dim3A_506 = vector.broadcast %broadcast_in_dim3A_505 : f32 to vector<16xf32>
    %swap3A_507 = arith.constant 10 : i32
    %swap3A_508 = arith.index_cast %swap3A_507 : i32 to index
    %swap3A_509 = arith.constant 64 : index
    %swap3A_510 = tpu.vector_load %arg12[%swap3A_508, %swap3A_509] {strides = array<i32>} : memref<16x128xf32, #tpu.memory_space<vmem>>, vector<16xf32>,
    tpu.vector_store %arg12[%swap3A_508, %swap3A_509], %broadcast_in_dim3A_506 {strides = array<i32>} : memref<16x128xf32, #tpu.memory_space<vmem>>, vector<16xf32>,
    %broadcast_in_dim3A_511 = arith.constant 0.000000e+00 : f32
    %broadcast_in_dim3A_512 = vector.broadcast %broadcast_in_dim3A_511 : f32 to vector<16xf32>
    %swap3A_513 = arith.constant 10 : i32
    %swap3A_514 = arith.index_cast %swap3A_513 : i32 to index
    %swap3A_515 = arith.constant 80 : index
    %swap3A_516 = tpu.vector_load %arg12[%swap3A_514, %swap3A_515] {strides = array<i32>} : memref<16x128xf32, #tpu.memory_space<vmem>>, vector<16xf32>,
    tpu.vector_store %arg12[%swap3A_514, %swap3A_515], %broadcast_in_dim3A_512 {strides = array<i32>} : memref<16x128xf32, #tpu.memory_space<vmem>>, vector<16xf32>,
    %broadcast_in_dim3A_517 = arith.constant 0.000000e+00 : f32
    %broadcast_in_dim3A_518 = vector.broadcast %broadcast_in_dim3A_517 : f32 to vector<16xf32>
    %swap3A_519 = arith.constant 10 : i32
    %swap3A_520 = arith.index_cast %swap3A_519 : i32 to index
    %swap3A_521 = arith.constant 96 : index
    %swap3A_522 = tpu.vector_load %arg12[%swap3A_520, %swap3A_521] {strides = array<i32>} : memref<16x128xf32, #tpu.memory_space<vmem>>, vector<16xf32>,
    tpu.vector_store %arg12[%swap3A_520, %swap3A_521], %broadcast_in_dim3A_518 {strides = array<i32>} : memref<16x128xf32, #tpu.memory_space<vmem>>, vector<16xf32>,
    %broadcast_in_dim3A_523 = arith.constant 0.000000e+00 : f32
    %broadcast_in_dim3A_524 = vector.broadcast %broadcast_in_dim3A_523 : f32 to vector<16xf32>
    %swap3A_525 = arith.constant 10 : i32
    %swap3A_526 = arith.index_cast %swap3A_525 : i32 to index
    %swap3A_527 = arith.constant 112 : index
    %swap3A_528 = tpu.vector_load %arg12[%swap3A_526, %swap3A_527] {strides = array<i32>} : memref<16x128xf32, #tpu.memory_space<vmem>>, vector<16xf32>,
    tpu.vector_store %arg12[%swap3A_526, %swap3A_527], %broadcast_in_dim3A_524 {strides = array<i32>} : memref<16x128xf32, #tpu.memory_space<vmem>>, vector<16xf32>,
    %broadcast_in_dim3A_529 = arith.constant 0.000000e+00 : f32
    %broadcast_in_dim3A_530 = vector.broadcast %broadcast_in_dim3A_529 : f32 to vector<16xf32>
    %swap3A_531 = arith.constant 11 : i32
    %swap3A_532 = arith.index_cast %swap3A_531 : i32 to index
    %swap3A_533 = arith.constant 0 : index
    %swap3A_534 = tpu.vector_load %arg12[%swap3A_532, %swap3A_533] {strides = array<i32>} : memref<16x128xf32, #tpu.memory_space<vmem>>, vector<16xf32>,
    tpu.vector_store %arg12[%swap3A_532, %swap3A_533], %broadcast_in_dim3A_530 {strides = array<i32>} : memref<16x128xf32, #tpu.memory_space<vmem>>, vector<16xf32>,
    %broadcast_in_dim3A_535 = arith.constant 0.000000e+00 : f32
    %broadcast_in_dim3A_536 = vector.broadcast %broadcast_in_dim3A_535 : f32 to vector<16xf32>
    %swap3A_537 = arith.constant 11 : i32
    %swap3A_538 = arith.index_cast %swap3A_537 : i32 to index
    %swap3A_539 = arith.constant 16 : index
    %swap3A_540 = tpu.vector_load %arg12[%swap3A_538, %swap3A_539] {strides = array<i32>} : memref<16x128xf32, #tpu.memory_space<vmem>>, vector<16xf32>,
    tpu.vector_store %arg12[%swap3A_538, %swap3A_539], %broadcast_in_dim3A_536 {strides = array<i32>} : memref<16x128xf32, #tpu.memory_space<vmem>>, vector<16xf32>,
    %broadcast_in_dim3A_541 = arith.constant 0.000000e+00 : f32
    %broadcast_in_dim3A_542 = vector.broadcast %broadcast_in_dim3A_541 : f32 to vector<16xf32>
    %swap3A_543 = arith.constant 11 : i32
    %swap3A_544 = arith.index_cast %swap3A_543 : i32 to index
    %swap3A_545 = arith.constant 32 : index
    %swap3A_546 = tpu.vector_load %arg12[%swap3A_544, %swap3A_545] {strides = array<i32>} : memref<16x128xf32, #tpu.memory_space<vmem>>, vector<16xf32>,
    tpu.vector_store %arg12[%swap3A_544, %swap3A_545], %broadcast_in_dim3A_542 {strides = array<i32>} : memref<16x128xf32, #tpu.memory_space<vmem>>, vector<16xf32>,
    %broadcast_in_dim3A_547 = arith.constant 0.000000e+00 : f32
    %broadcast_in_dim3A_548 = vector.broadcast %broadcast_in_dim3A_547 : f32 to vector<16xf32>
    %swap3A_549 = arith.constant 11 : i32
    %swap3A_550 = arith.index_cast %swap3A_549 : i32 to index
    %swap3A_551 = arith.constant 48 : index
    %swap3A_552 = tpu.vector_load %arg12[%swap3A_550, %swap3A_551] {strides = array<i32>} : memref<16x128xf32, #tpu.memory_space<vmem>>, vector<16xf32>,
    tpu.vector_store %arg12[%swap3A_550, %swap3A_551], %broadcast_in_dim3A_548 {strides = array<i32>} : memref<16x128xf32, #tpu.memory_space<vmem>>, vector<16xf32>,
    %broadcast_in_dim3A_553 = arith.constant 0.000000e+00 : f32
    %broadcast_in_dim3A_554 = vector.broadcast %broadcast_in_dim3A_553 : f32 to vector<16xf32>
    %swap3A_555 = arith.constant 11 : i32
    %swap3A_556 = arith.index_cast %swap3A_555 : i32 to index
    %swap3A_557 = arith.constant 64 : index
    %swap3A_558 = tpu.vector_load %arg12[%swap3A_556, %swap3A_557] {strides = array<i32>} : memref<16x128xf32, #tpu.memory_space<vmem>>, vector<16xf32>,
    tpu.vector_store %arg12[%swap3A_556, %swap3A_557], %broadcast_in_dim3A_554 {strides = array<i32>} : memref<16x128xf32, #tpu.memory_space<vmem>>, vector<16xf32>,
    %broadcast_in_dim3A_559 = arith.constant 0.000000e+00 : f32
    %broadcast_in_dim3A_560 = vector.broadcast %broadcast_in_dim3A_559 : f32 to vector<16xf32>
    %swap3A_561 = arith.constant 11 : i32
    %swap3A_562 = arith.index_cast %swap3A_561 : i32 to index
    %swap3A_563 = arith.constant 80 : index
    %swap3A_564 = tpu.vector_load %arg12[%swap3A_562, %swap3A_563] {strides = array<i32>} : memref<16x128xf32, #tpu.memory_space<vmem>>, vector<16xf32>,
    tpu.vector_store %arg12[%swap3A_562, %swap3A_563], %broadcast_in_dim3A_560 {strides = array<i32>} : memref<16x128xf32, #tpu.memory_space<vmem>>, vector<16xf32>,
    %broadcast_in_dim3A_565 = arith.constant 0.000000e+00 : f32
    %broadcast_in_dim3A_566 = vector.broadcast %broadcast_in_dim3A_565 : f32 to vector<16xf32>
    %swap3A_567 = arith.constant 11 : i32
    %swap3A_568 = arith.index_cast %swap3A_567 : i32 to index
    %swap3A_569 = arith.constant 96 : index
    %swap3A_570 = tpu.vector_load %arg12[%swap3A_568, %swap3A_569] {strides = array<i32>} : memref<16x128xf32, #tpu.memory_space<vmem>>, vector<16xf32>,
    tpu.vector_store %arg12[%swap3A_568, %swap3A_569], %broadcast_in_dim3A_566 {strides = array<i32>} : memref<16x128xf32, #tpu.memory_space<vmem>>, vector<16xf32>,
    %broadcast_in_dim3A_571 = arith.constant 0.000000e+00 : f32
    %broadcast_in_dim3A_572 = vector.broadcast %broadcast_in_dim3A_571 : f32 to vector<16xf32>
    %swap3A_573 = arith.constant 11 : i32
    %swap3A_574 = arith.index_cast %swap3A_573 : i32 to index
    %swap3A_575 = arith.constant 112 : index
    %swap3A_576 = tpu.vector_load %arg12[%swap3A_574, %swap3A_575] {strides = array<i32>} : memref<16x128xf32, #tpu.memory_space<vmem>>, vector<16xf32>,
    tpu.vector_store %arg12[%swap3A_574, %swap3A_575], %broadcast_in_dim3A_572 {strides = array<i32>} : memref<16x128xf32, #tpu.memory_space<vmem>>, vector<16xf32>,
    %broadcast_in_dim3A_577 = arith.constant 0.000000e+00 : f32
    %broadcast_in_dim3A_578 = vector.broadcast %broadcast_in_dim3A_577 : f32 to vector<16xf32>
    %swap3A_579 = arith.constant 12 : i32
    %swap3A_580 = arith.index_cast %swap3A_579 : i32 to index
    %swap3A_581 = arith.constant 0 : index
    %swap3A_582 = tpu.vector_load %arg12[%swap3A_580, %swap3A_581] {strides = array<i32>} : memref<16x128xf32, #tpu.memory_space<vmem>>, vector<16xf32>,
    tpu.vector_store %arg12[%swap3A_580, %swap3A_581], %broadcast_in_dim3A_578 {strides = array<i32>} : memref<16x128xf32, #tpu.memory_space<vmem>>, vector<16xf32>,
    %broadcast_in_dim3A_583 = arith.constant 0.000000e+00 : f32
    %broadcast_in_dim3A_584 = vector.broadcast %broadcast_in_dim3A_583 : f32 to vector<16xf32>
    %swap3A_585 = arith.constant 12 : i32
    %swap3A_586 = arith.index_cast %swap3A_585 : i32 to index
    %swap3A_587 = arith.constant 16 : index
    %swap3A_588 = tpu.vector_load %arg12[%swap3A_586, %swap3A_587] {strides = array<i32>} : memref<16x128xf32, #tpu.memory_space<vmem>>, vector<16xf32>,
    tpu.vector_store %arg12[%swap3A_586, %swap3A_587], %broadcast_in_dim3A_584 {strides = array<i32>} : memref<16x128xf32, #tpu.memory_space<vmem>>, vector<16xf32>,
    %broadcast_in_dim3A_589 = arith.constant 0.000000e+00 : f32
    %broadcast_in_dim3A_590 = vector.broadcast %broadcast_in_dim3A_589 : f32 to vector<16xf32>
    %swap3A_591 = arith.constant 12 : i32
    %swap3A_592 = arith.index_cast %swap3A_591 : i32 to index
    %swap3A_593 = arith.constant 32 : index
    %swap3A_594 = tpu.vector_load %arg12[%swap3A_592, %swap3A_593] {strides = array<i32>} : memref<16x128xf32, #tpu.memory_space<vmem>>, vector<16xf32>,
    tpu.vector_store %arg12[%swap3A_592, %swap3A_593], %broadcast_in_dim3A_590 {strides = array<i32>} : memref<16x128xf32, #tpu.memory_space<vmem>>, vector<16xf32>,
    %broadcast_in_dim3A_595 = arith.constant 0.000000e+00 : f32
    %broadcast_in_dim3A_596 = vector.broadcast %broadcast_in_dim3A_595 : f32 to vector<16xf32>
    %swap3A_597 = arith.constant 12 : i32
    %swap3A_598 = arith.index_cast %swap3A_597 : i32 to index
    %swap3A_599 = arith.constant 48 : index
    %swap3A_600 = tpu.vector_load %arg12[%swap3A_598, %swap3A_599] {strides = array<i32>} : memref<16x128xf32, #tpu.memory_space<vmem>>, vector<16xf32>,
    tpu.vector_store %arg12[%swap3A_598, %swap3A_599], %broadcast_in_dim3A_596 {strides = array<i32>} : memref<16x128xf32, #tpu.memory_space<vmem>>, vector<16xf32>,
    %broadcast_in_dim3A_601 = arith.constant 0.000000e+00 : f32
    %broadcast_in_dim3A_602 = vector.broadcast %broadcast_in_dim3A_601 : f32 to vector<16xf32>
    %swap3A_603 = arith.constant 12 : i32
    %swap3A_604 = arith.index_cast %swap3A_603 : i32 to index
    %swap3A_605 = arith.constant 64 : index
    %swap3A_606 = tpu.vector_load %arg12[%swap3A_604, %swap3A_605] {strides = array<i32>} : memref<16x128xf32, #tpu.memory_space<vmem>>, vector<16xf32>,
    tpu.vector_store %arg12[%swap3A_604, %swap3A_605], %broadcast_in_dim3A_602 {strides = array<i32>} : memref<16x128xf32, #tpu.memory_space<vmem>>, vector<16xf32>,
    %broadcast_in_dim3A_607 = arith.constant 0.000000e+00 : f32
    %broadcast_in_dim3A_608 = vector.broadcast %broadcast_in_dim3A_607 : f32 to vector<16xf32>
    %swap3A_609 = arith.constant 12 : i32
    %swap3A_610 = arith.index_cast %swap3A_609 : i32 to index
    %swap3A_611 = arith.constant 80 : index
    %swap3A_612 = tpu.vector_load %arg12[%swap3A_610, %swap3A_611] {strides = array<i32>} : memref<16x128xf32, #tpu.memory_space<vmem>>, vector<16xf32>,
    tpu.vector_store %arg12[%swap3A_610, %swap3A_611], %broadcast_in_dim3A_608 {strides = array<i32>} : memref<16x128xf32, #tpu.memory_space<vmem>>, vector<16xf32>,
    %broadcast_in_dim3A_613 = arith.constant 0.000000e+00 : f32
    %broadcast_in_dim3A_614 = vector.broadcast %broadcast_in_dim3A_613 : f32 to vector<16xf32>
    %swap3A_615 = arith.constant 12 : i32
    %swap3A_616 = arith.index_cast %swap3A_615 : i32 to index
    %swap3A_617 = arith.constant 96 : index
    %swap3A_618 = tpu.vector_load %arg12[%swap3A_616, %swap3A_617] {strides = array<i32>} : memref<16x128xf32, #tpu.memory_space<vmem>>, vector<16xf32>,
    tpu.vector_store %arg12[%swap3A_616, %swap3A_617], %broadcast_in_dim3A_614 {strides = array<i32>} : memref<16x128xf32, #tpu.memory_space<vmem>>, vector<16xf32>,
    %broadcast_in_dim3A_619 = arith.constant 0.000000e+00 : f32
    %broadcast_in_dim3A_620 = vector.broadcast %broadcast_in_dim3A_619 : f32 to vector<16xf32>
    %swap3A_621 = arith.constant 12 : i32
    %swap3A_622 = arith.index_cast %swap3A_621 : i32 to index
    %swap3A_623 = arith.constant 112 : index
    %swap3A_624 = tpu.vector_load %arg12[%swap3A_622, %swap3A_623] {strides = array<i32>} : memref<16x128xf32, #tpu.memory_space<vmem>>, vector<16xf32>,
    tpu.vector_store %arg12[%swap3A_622, %swap3A_623], %broadcast_in_dim3A_620 {strides = array<i32>} : memref<16x128xf32, #tpu.memory_space<vmem>>, vector<16xf32>,
    %broadcast_in_dim3A_625 = arith.constant 0.000000e+00 : f32
    %broadcast_in_dim3A_626 = vector.broadcast %broadcast_in_dim3A_625 : f32 to vector<16xf32>
    %swap3A_627 = arith.constant 13 : i32
    %swap3A_628 = arith.index_cast %swap3A_627 : i32 to index
    %swap3A_629 = arith.constant 0 : index
    %swap3A_630 = tpu.vector_load %arg12[%swap3A_628, %swap3A_629] {strides = array<i32>} : memref<16x128xf32, #tpu.memory_space<vmem>>, vector<16xf32>,
    tpu.vector_store %arg12[%swap3A_628, %swap3A_629], %broadcast_in_dim3A_626 {strides = array<i32>} : memref<16x128xf32, #tpu.memory_space<vmem>>, vector<16xf32>,
    %broadcast_in_dim3A_631 = arith.constant 0.000000e+00 : f32
    %broadcast_in_dim3A_632 = vector.broadcast %broadcast_in_dim3A_631 : f32 to vector<16xf32>
    %swap3A_633 = arith.constant 13 : i32
    %swap3A_634 = arith.index_cast %swap3A_633 : i32 to index
    %swap3A_635 = arith.constant 16 : index
    %swap3A_636 = tpu.vector_load %arg12[%swap3A_634, %swap3A_635] {strides = array<i32>} : memref<16x128xf32, #tpu.memory_space<vmem>>, vector<16xf32>,
    tpu.vector_store %arg12[%swap3A_634, %swap3A_635], %broadcast_in_dim3A_632 {strides = array<i32>} : memref<16x128xf32, #tpu.memory_space<vmem>>, vector<16xf32>,
    %broadcast_in_dim3A_637 = arith.constant 0.000000e+00 : f32
    %broadcast_in_dim3A_638 = vector.broadcast %broadcast_in_dim3A_637 : f32 to vector<16xf32>
    %swap3A_639 = arith.constant 13 : i32
    %swap3A_640 = arith.index_cast %swap3A_639 : i32 to index
    %swap3A_641 = arith.constant 32 : index
    %swap3A_642 = tpu.vector_load %arg12[%swap3A_640, %swap3A_641] {strides = array<i32>} : memref<16x128xf32, #tpu.memory_space<vmem>>, vector<16xf32>,
    tpu.vector_store %arg12[%swap3A_640, %swap3A_641], %broadcast_in_dim3A_638 {strides = array<i32>} : memref<16x128xf32, #tpu.memory_space<vmem>>, vector<16xf32>,
    %broadcast_in_dim3A_643 = arith.constant 0.000000e+00 : f32
    %broadcast_in_dim3A_644 = vector.broadcast %broadcast_in_dim3A_643 : f32 to vector<16xf32>
    %swap3A_645 = arith.constant 13 : i32
    %swap3A_646 = arith.index_cast %swap3A_645 : i32 to index
    %swap3A_647 = arith.constant 48 : index
    %swap3A_648 = tpu.vector_load %arg12[%swap3A_646, %swap3A_647] {strides = array<i32>} : memref<16x128xf32, #tpu.memory_space<vmem>>, vector<16xf32>,
    tpu.vector_store %arg12[%swap3A_646, %swap3A_647], %broadcast_in_dim3A_644 {strides = array<i32>} : memref<16x128xf32, #tpu.memory_space<vmem>>, vector<16xf32>,
    %broadcast_in_dim3A_649 = arith.constant 0.000000e+00 : f32
    %broadcast_in_dim3A_650 = vector.broadcast %broadcast_in_dim3A_649 : f32 to vector<16xf32>
    %swap3A_651 = arith.constant 13 : i32
    %swap3A_652 = arith.index_cast %swap3A_651 : i32 to index
    %swap3A_653 = arith.constant 64 : index
    %swap3A_654 = tpu.vector_load %arg12[%swap3A_652, %swap3A_653] {strides = array<i32>} : memref<16x128xf32, #tpu.memory_space<vmem>>, vector<16xf32>,
    tpu.vector_store %arg12[%swap3A_652, %swap3A_653], %broadcast_in_dim3A_650 {strides = array<i32>} : memref<16x128xf32, #tpu.memory_space<vmem>>, vector<16xf32>,
    %broadcast_in_dim3A_655 = arith.constant 0.000000e+00 : f32
    %broadcast_in_dim3A_656 = vector.broadcast %broadcast_in_dim3A_655 : f32 to vector<16xf32>
    %swap3A_657 = arith.constant 13 : i32
    %swap3A_658 = arith.index_cast %swap3A_657 : i32 to index
    %swap3A_659 = arith.constant 80 : index
    %swap3A_660 = tpu.vector_load %arg12[%swap3A_658, %swap3A_659] {strides = array<i32>} : memref<16x128xf32, #tpu.memory_space<vmem>>, vector<16xf32>,
    tpu.vector_store %arg12[%swap3A_658, %swap3A_659], %broadcast_in_dim3A_656 {strides = array<i32>} : memref<16x128xf32, #tpu.memory_space<vmem>>, vector<16xf32>,
    %broadcast_in_dim3A_661 = arith.constant 0.000000e+00 : f32
    %broadcast_in_dim3A_662 = vector.broadcast %broadcast_in_dim3A_661 : f32 to vector<16xf32>
    %swap3A_663 = arith.constant 13 : i32
    %swap3A_664 = arith.index_cast %swap3A_663 : i32 to index
    %swap3A_665 = arith.constant 96 : index
    %swap3A_666 = tpu.vector_load %arg12[%swap3A_664, %swap3A_665] {strides = array<i32>} : memref<16x128xf32, #tpu.memory_space<vmem>>, vector<16xf32>,
    tpu.vector_store %arg12[%swap3A_664, %swap3A_665], %broadcast_in_dim3A_662 {strides = array<i32>} : memref<16x128xf32, #tpu.memory_space<vmem>>, vector<16xf32>,
    %broadcast_in_dim3A_667 = arith.constant 0.000000e+00 : f32
    %broadcast_in_dim3A_668 = vector.broadcast %broadcast_in_dim3A_667 : f32 to vector<16xf32>
    %swap3A_669 = arith.constant 13 : i32
    %swap3A_670 = arith.index_cast %swap3A_669 : i32 to index
    %swap3A_671 = arith.constant 112 : index
    %swap3A_672 = tpu.vector_load %arg12[%swap3A_670, %swap3A_671] {strides = array<i32>} : memref<16x128xf32, #tpu.memory_space<vmem>>, vector<16xf32>,
    tpu.vector_store %arg12[%swap3A_670, %swap3A_671], %broadcast_in_dim3A_668 {strides = array<i32>} : memref<16x128xf32, #tpu.memory_space<vmem>>, vector<16xf32>,
    %broadcast_in_dim3A_673 = arith.constant 0.000000e+00 : f32
    %broadcast_in_dim3A_674 = vector.broadcast %broadcast_in_dim3A_673 : f32 to vector<16xf32>
    %swap3A_675 = arith.constant 14 : i32
    %swap3A_676 = arith.index_cast %swap3A_675 : i32 to index
    %swap3A_677 = arith.constant 0 : index
    %swap3A_678 = tpu.vector_load %arg12[%swap3A_676, %swap3A_677] {strides = array<i32>} : memref<16x128xf32, #tpu.memory_space<vmem>>, vector<16xf32>,
    tpu.vector_store %arg12[%swap3A_676, %swap3A_677], %broadcast_in_dim3A_674 {strides = array<i32>} : memref<16x128xf32, #tpu.memory_space<vmem>>, vector<16xf32>,
    %broadcast_in_dim3A_679 = arith.constant 0.000000e+00 : f32
    %broadcast_in_dim3A_680 = vector.broadcast %broadcast_in_dim3A_679 : f32 to vector<16xf32>
    %swap3A_681 = arith.constant 14 : i32
    %swap3A_682 = arith.index_cast %swap3A_681 : i32 to index
    %swap3A_683 = arith.constant 16 : index
    %swap3A_684 = tpu.vector_load %arg12[%swap3A_682, %swap3A_683] {strides = array<i32>} : memref<16x128xf32, #tpu.memory_space<vmem>>, vector<16xf32>,
    tpu.vector_store %arg12[%swap3A_682, %swap3A_683], %broadcast_in_dim3A_680 {strides = array<i32>} : memref<16x128xf32, #tpu.memory_space<vmem>>, vector<16xf32>,
    %broadcast_in_dim3A_685 = arith.constant 0.000000e+00 : f32
    %broadcast_in_dim3A_686 = vector.broadcast %broadcast_in_dim3A_685 : f32 to vector<16xf32>
    %swap3A_687 = arith.constant 14 : i32
    %swap3A_688 = arith.index_cast %swap3A_687 : i32 to index
    %swap3A_689 = arith.constant 32 : index
    %swap3A_690 = tpu.vector_load %arg12[%swap3A_688, %swap3A_689] {strides = array<i32>} : memref<16x128xf32, #tpu.memory_space<vmem>>, vector<16xf32>,
    tpu.vector_store %arg12[%swap3A_688, %swap3A_689], %broadcast_in_dim3A_686 {strides = array<i32>} : memref<16x128xf32, #tpu.memory_space<vmem>>, vector<16xf32>,
    %broadcast_in_dim3A_691 = arith.constant 0.000000e+00 : f32
    %broadcast_in_dim3A_692 = vector.broadcast %broadcast_in_dim3A_691 : f32 to vector<16xf32>
    %swap3A_693 = arith.constant 14 : i32
    %swap3A_694 = arith.index_cast %swap3A_693 : i32 to index
    %swap3A_695 = arith.constant 48 : index
    %swap3A_696 = tpu.vector_load %arg12[%swap3A_694, %swap3A_695] {strides = array<i32>} : memref<16x128xf32, #tpu.memory_space<vmem>>, vector<16xf32>,
    tpu.vector_store %arg12[%swap3A_694, %swap3A_695], %broadcast_in_dim3A_692 {strides = array<i32>} : memref<16x128xf32, #tpu.memory_space<vmem>>, vector<16xf32>,
    %broadcast_in_dim3A_697 = arith.constant 0.000000e+00 : f32
    %broadcast_in_dim3A_698 = vector.broadcast %broadcast_in_dim3A_697 : f32 to vector<16xf32>
    %swap3A_699 = arith.constant 14 : i32
    %swap3A_700 = arith.index_cast %swap3A_699 : i32 to index
    %swap3A_701 = arith.constant 64 : index
    %swap3A_702 = tpu.vector_load %arg12[%swap3A_700, %swap3A_701] {strides = array<i32>} : memref<16x128xf32, #tpu.memory_space<vmem>>, vector<16xf32>,
    tpu.vector_store %arg12[%swap3A_700, %swap3A_701], %broadcast_in_dim3A_698 {strides = array<i32>} : memref<16x128xf32, #tpu.memory_space<vmem>>, vector<16xf32>,
    %broadcast_in_dim3A_703 = arith.constant 0.000000e+00 : f32
    %broadcast_in_dim3A_704 = vector.broadcast %broadcast_in_dim3A_703 : f32 to vector<16xf32>
    %swap3A_705 = arith.constant 14 : i32
    %swap3A_706 = arith.index_cast %swap3A_705 : i32 to index
    %swap3A_707 = arith.constant 80 : index
    %swap3A_708 = tpu.vector_load %arg12[%swap3A_706, %swap3A_707] {strides = array<i32>} : memref<16x128xf32, #tpu.memory_space<vmem>>, vector<16xf32>,
    tpu.vector_store %arg12[%swap3A_706, %swap3A_707], %broadcast_in_dim3A_704 {strides = array<i32>} : memref<16x128xf32, #tpu.memory_space<vmem>>, vector<16xf32>,
    %broadcast_in_dim3A_709 = arith.constant 0.000000e+00 : f32
    %broadcast_in_dim3A_710 = vector.broadcast %broadcast_in_dim3A_709 : f32 to vector<16xf32>
    %swap3A_711 = arith.constant 14 : i32
    %swap3A_712 = arith.index_cast %swap3A_711 : i32 to index
    %swap3A_713 = arith.constant 96 : index
    %swap3A_714 = tpu.vector_load %arg12[%swap3A_712, %swap3A_713] {strides = array<i32>} : memref<16x128xf32, #tpu.memory_space<vmem>>, vector<16xf32>,
    tpu.vector_store %arg12[%swap3A_712, %swap3A_713], %broadcast_in_dim3A_710 {strides = array<i32>} : memref<16x128xf32, #tpu.memory_space<vmem>>, vector<16xf32>,
    %broadcast_in_dim3A_715 = arith.constant 0.000000e+00 : f32
    %broadcast_in_dim3A_716 = vector.broadcast %broadcast_in_dim3A_715 : f32 to vector<16xf32>
    %swap3A_717 = arith.constant 14 : i32
    %swap3A_718 = arith.index_cast %swap3A_717 : i32 to index
    %swap3A_719 = arith.constant 112 : index
    %swap3A_720 = tpu.vector_load %arg12[%swap3A_718, %swap3A_719] {strides = array<i32>} : memref<16x128xf32, #tpu.memory_space<vmem>>, vector<16xf32>,
    tpu.vector_store %arg12[%swap3A_718, %swap3A_719], %broadcast_in_dim3A_716 {strides = array<i32>} : memref<16x128xf32, #tpu.memory_space<vmem>>, vector<16xf32>,
    %broadcast_in_dim3A_721 = arith.constant 0.000000e+00 : f32
    %broadcast_in_dim3A_722 = vector.broadcast %broadcast_in_dim3A_721 : f32 to vector<16xf32>
    %swap3A_723 = arith.constant 15 : i32
    %swap3A_724 = arith.index_cast %swap3A_723 : i32 to index
    %swap3A_725 = arith.constant 0 : index
    %swap3A_726 = tpu.vector_load %arg12[%swap3A_724, %swap3A_725] {strides = array<i32>} : memref<16x128xf32, #tpu.memory_space<vmem>>, vector<16xf32>,
    tpu.vector_store %arg12[%swap3A_724, %swap3A_725], %broadcast_in_dim3A_722 {strides = array<i32>} : memref<16x128xf32, #tpu.memory_space<vmem>>, vector<16xf32>,
    %broadcast_in_dim3A_727 = arith.constant 0.000000e+00 : f32
    %broadcast_in_dim3A_728 = vector.broadcast %broadcast_in_dim3A_727 : f32 to vector<16xf32>
    %swap3A_729 = arith.constant 15 : i32
    %swap3A_730 = arith.index_cast %swap3A_729 : i32 to index
    %swap3A_731 = arith.constant 16 : index
    %swap3A_732 = tpu.vector_load %arg12[%swap3A_730, %swap3A_731] {strides = array<i32>} : memref<16x128xf32, #tpu.memory_space<vmem>>, vector<16xf32>,
    tpu.vector_store %arg12[%swap3A_730, %swap3A_731], %broadcast_in_dim3A_728 {strides = array<i32>} : memref<16x128xf32, #tpu.memory_space<vmem>>, vector<16xf32>,
    %broadcast_in_dim3A_733 = arith.constant 0.000000e+00 : f32
    %broadcast_in_dim3A_734 = vector.broadcast %broadcast_in_dim3A_733 : f32 to vector<16xf32>
    %swap3A_735 = arith.constant 15 : i32
    %swap3A_736 = arith.index_cast %swap3A_735 : i32 to index
    %swap3A_737 = arith.constant 32 : index
    %swap3A_738 = tpu.vector_load %arg12[%swap3A_736, %swap3A_737] {strides = array<i32>} : memref<16x128xf32, #tpu.memory_space<vmem>>, vector<16xf32>,
    tpu.vector_store %arg12[%swap3A_736, %swap3A_737], %broadcast_in_dim3A_734 {strides = array<i32>} : memref<16x128xf32, #tpu.memory_space<vmem>>, vector<16xf32>,
    %broadcast_in_dim3A_739 = arith.constant 0.000000e+00 : f32
    %broadcast_in_dim3A_740 = vector.broadcast %broadcast_in_dim3A_739 : f32 to vector<16xf32>
    %swap3A_741 = arith.constant 15 : i32
    %swap3A_742 = arith.index_cast %swap3A_741 : i32 to index
    %swap3A_743 = arith.constant 48 : index
    %swap3A_744 = tpu.vector_load %arg12[%swap3A_742, %swap3A_743] {strides = array<i32>} : memref<16x128xf32, #tpu.memory_space<vmem>>, vector<16xf32>,
    tpu.vector_store %arg12[%swap3A_742, %swap3A_743], %broadcast_in_dim3A_740 {strides = array<i32>} : memref<16x128xf32, #tpu.memory_space<vmem>>, vector<16xf32>,
    %broadcast_in_dim3A_745 = arith.constant 0.000000e+00 : f32
    %broadcast_in_dim3A_746 = vector.broadcast %broadcast_in_dim3A_745 : f32 to vector<16xf32>
    %swap3A_747 = arith.constant 15 : i32
    %swap3A_748 = arith.index_cast %swap3A_747 : i32 to index
    %swap3A_749 = arith.constant 64 : index
    %swap3A_750 = tpu.vector_load %arg12[%swap3A_748, %swap3A_749] {strides = array<i32>} : memref<16x128xf32, #tpu.memory_space<vmem>>, vector<16xf32>,
    tpu.vector_store %arg12[%swap3A_748, %swap3A_749], %broadcast_in_dim3A_746 {strides = array<i32>} : memref<16x128xf32, #tpu.memory_space<vmem>>, vector<16xf32>,
    %broadcast_in_dim3A_751 = arith.constant 0.000000e+00 : f32
    %broadcast_in_dim3A_752 = vector.broadcast %broadcast_in_dim3A_751 : f32 to vector<16xf32>
    %swap3A_753 = arith.constant 15 : i32
    %swap3A_754 = arith.index_cast %swap3A_753 : i32 to index
    %swap3A_755 = arith.constant 80 : index
    %swap3A_756 = tpu.vector_load %arg12[%swap3A_754, %swap3A_755] {strides = array<i32>} : memref<16x128xf32, #tpu.memory_space<vmem>>, vector<16xf32>,
    tpu.vector_store %arg12[%swap3A_754, %swap3A_755], %broadcast_in_dim3A_752 {strides = array<i32>} : memref<16x128xf32, #tpu.memory_space<vmem>>, vector<16xf32>,
    %broadcast_in_dim3A_757 = arith.constant 0.000000e+00 : f32
    %broadcast_in_dim3A_758 = vector.broadcast %broadcast_in_dim3A_757 : f32 to vector<16xf32>
    %swap3A_759 = arith.constant 15 : i32
    %swap3A_760 = arith.index_cast %swap3A_759 : i32 to index
    %swap3A_761 = arith.constant 96 : index
    %swap3A_762 = tpu.vector_load %arg12[%swap3A_760, %swap3A_761] {strides = array<i32>} : memref<16x128xf32, #tpu.memory_space<vmem>>, vector<16xf32>,
    tpu.vector_store %arg12[%swap3A_760, %swap3A_761], %broadcast_in_dim3A_758 {strides = array<i32>} : memref<16x128xf32, #tpu.memory_space<vmem>>, vector<16xf32>,
    %broadcast_in_dim3A_763 = arith.constant 0.000000e+00 : f32
    %broadcast_in_dim3A_764 = vector.broadcast %broadcast_in_dim3A_763 : f32 to vector<16xf32>
    %swap3A_765 = arith.constant 15 : i32
    %swap3A_766 = arith.index_cast %swap3A_765 : i32 to index
    %swap3A_767 = arith.constant 112 : index
    %swap3A_768 = tpu.vector_load %arg12[%swap3A_766, %swap3A_767] {strides = array<i32>} : memref<16x128xf32, #tpu.memory_space<vmem>>, vector<16xf32>,
    tpu.vector_store %arg12[%swap3A_766, %swap3A_767], %broadcast_in_dim3A_764 {strides = array<i32>} : memref<16x128xf32, #tpu.memory_space<vmem>>, vector<16xf32>,
    %scan3A = arith.constant 0 : i32
    %scan3A_769 = arith.constant 0 : i32
    %scan3A_770 = arith.constant 40 : i32
    %scan3A_771 = arith.addi %scan3A_769, %scan3A_770 : i32
    %scan3A_772 = arith.constant 1 : i32
    %scan3A_773 = scf.for %scan3A_830 = %scan3A_769 to %scan3A_771 step %scan3A_772 iter_args(%scan3A_831 = %scan3A) -> (i32)  : i32 {
      %mul3A_832 = arith.constant 640 : i32
      %mul3A_833 = arith.muli %arg1, %mul3A_832 : i32
      %mul3A_834 = arith.constant 16 : i32
      %mul3A_835 = arith.muli %scan3A_830, %mul3A_834 : i32
      %add3A_836 = arith.addi %mul3A_833, %mul3A_835 : i32
      %dma_start3A_837 = arith.constant 0 : i32
      %dma_start3A_838 = tpu.memref_slice %arg13[%add3A_836, %dma_start3A_837] : memref<10240x128xf32, #tpu.memory_space<vmem_shared>> -> memref<16x128xf32, #tpu.memory_space<vmem_shared>>
      %dma_start3A_839 = arith.constant 0 : i32
      %dma_start3A_840 = tpu.memref_slice %arg13[%add3A_836, %dma_start3A_839] : memref<10240x128xf32, #tpu.memory_space<vmem_shared>> -> memref<16x128xf32, #tpu.memory_space<vmem_shared>>
      tpu.enqueue_dma source(%arg12 : memref<16x128xf32, #tpu.memory_space<vmem>>) target(%dma_start3A_840 : memref<16x128xf32, #tpu.memory_space<vmem_shared>>) target_semaphore(%arg18 : memref<!tpu.dma_semaphore, #tpu.memory_space<semaphore_mem>>)
      %scan3A_841 = arith.constant 0 : i32
      scf.yield %scan3A_841 : i32
    }
    %scan3A_774 = arith.constant 40 : i32
    %add3A_775 = arith.constant 0 : i32
    %add3A_776 = arith.addi %mul3A_2, %add3A_775 : i32
    %dma_start3A = arith.constant 0 : i32
    %dma_start3A_777 = tpu.memref_slice %arg3[%add3A_776, %dma_start3A] : memref<2560x128xi32, #tpu.memory_space<hbm>> -> memref<16x128xi32, #tpu.memory_space<hbm>>
    %dma_start3A_778 = arith.constant 0 : i32
    %dma_start3A_779 = tpu.memref_slice %arg3[%add3A_776, %dma_start3A_778] : memref<2560x128xi32, #tpu.memory_space<hbm>> -> memref<16x128xi32, #tpu.memory_space<hbm>>
    tpu.enqueue_dma source(%dma_start3A_779 : memref<16x128xi32, #tpu.memory_space<hbm>>) target(%arg6 : memref<16x128xi32, #tpu.memory_space<vmem>>) target_semaphore(%arg16 : memref<!tpu.dma_semaphore, #tpu.memory_space<semaphore_mem>>)
    %add3A_780 = arith.constant 0 : i32
    %add3A_781 = arith.addi %mul3A_2, %add3A_780 : i32
    %dma_start3A_782 = arith.constant 0 : i32
    %dma_start3A_783 = tpu.memref_slice %arg4[%add3A_781, %dma_start3A_782] : memref<2560x128xi32, #tpu.memory_space<hbm>> -> memref<16x128xi32, #tpu.memory_space<hbm>>
    %dma_start3A_784 = arith.constant 0 : i32
    %dma_start3A_785 = tpu.memref_slice %arg4[%add3A_781, %dma_start3A_784] : memref<2560x128xi32, #tpu.memory_space<hbm>> -> memref<16x128xi32, #tpu.memory_space<hbm>>
    tpu.enqueue_dma source(%dma_start3A_785 : memref<16x128xi32, #tpu.memory_space<hbm>>) target(%arg7 : memref<16x128xi32, #tpu.memory_space<vmem>>) target_semaphore(%arg16 : memref<!tpu.dma_semaphore, #tpu.memory_space<semaphore_mem>>)
    %scan3A_786 = arith.constant 0 : i32
    %scan3A_787 = arith.constant 0 : i32
    %scan3A_788 = arith.constant 40 : i32
    %scan3A_789 = arith.addi %scan3A_787, %scan3A_788 : i32
    %scan3A_790 = arith.constant 1 : i32
    %scan3A_791 = scf.for %scan3A_830 = %scan3A_787 to %scan3A_789 step %scan3A_790 iter_args(%scan3A_831 = %scan3A_786) -> (i32)  : i32 {
      %dma_wait3A_832 = arith.constant 0 : i32
      %dma_wait3A_833 = arith.constant 0 : i32
      %dma_wait3A_834 = tpu.memref_slice %arg2[%dma_wait3A_832, %dma_wait3A_833] : memref<10240x128xf32, #tpu.memory_space<hbm>> -> memref<16x128xf32, #tpu.memory_space<hbm>>
      %dma_wait3A_835 = arith.constant 0 : i32
      %dma_wait3A_836 = arith.constant 0 : i32
      %dma_wait3A_837 = tpu.memref_slice %arg2[%dma_wait3A_835, %dma_wait3A_836] : memref<10240x128xf32, #tpu.memory_space<hbm>> -> memref<16x128xf32, #tpu.memory_space<hbm>>
      tpu.wait_dma2 semaphore(%arg18 : memref<!tpu.dma_semaphore, #tpu.memory_space<semaphore_mem>>) src(%dma_wait3A_837 : memref<16x128xf32, #tpu.memory_space<hbm>>) dst(%arg12 : memref<16x128xf32, #tpu.memory_space<vmem>>)
      %scan3A_838 = arith.constant 0 : i32
      scf.yield %scan3A_838 : i32
    }
    %scan3A_792 = arith.constant 40 : i32
    %barrier3A = arith.constant 0 : index
    tpu.barrier barrier_id(%barrier3A)
    %scan3A_793 = arith.constant 0 : i32
    %scan3A_794 = arith.constant 0 : i32
    %scan3A_795 = arith.constant 2 : i32
    %scan3A_796 = arith.addi %scan3A_794, %scan3A_795 : i32
    %scan3A_797 = arith.constant 1 : i32
    %scan3A_798 = scf.for %scan3A_830 = %scan3A_794 to %scan3A_796 step %scan3A_797 iter_args(%scan3A_831 = %scan3A_793) -> (i32)  : i32 {
      %mul3A_832 = arith.constant 2 : i32
      %mul3A_833 = arith.muli %mul3A_832, %scan3A_830 : i32
      %add3A_834 = arith.constant 1 : i32
      %add3A_835 = arith.addi %mul3A_833, %add3A_834 : i32
      %mul3A_836 = arith.constant 16 : i32
      %mul3A_837 = arith.muli %add3A_835, %mul3A_836 : i32
      %add3A_838 = arith.addi %mul3A_2, %mul3A_837 : i32
      %dma_start3A_839 = arith.constant 0 : i32
      %dma_start3A_840 = tpu.memref_slice %arg3[%add3A_838, %dma_start3A_839] : memref<2560x128xi32, #tpu.memory_space<hbm>> -> memref<16x128xi32, #tpu.memory_space<hbm>>
      %dma_start3A_841 = arith.constant 0 : i32
      %dma_start3A_842 = tpu.memref_slice %arg3[%add3A_838, %dma_start3A_841] : memref<2560x128xi32, #tpu.memory_space<hbm>> -> memref<16x128xi32, #tpu.memory_space<hbm>>
      tpu.enqueue_dma source(%dma_start3A_842 : memref<16x128xi32, #tpu.memory_space<hbm>>) target(%arg8 : memref<16x128xi32, #tpu.memory_space<vmem>>) target_semaphore(%arg17 : memref<!tpu.dma_semaphore, #tpu.memory_space<semaphore_mem>>)
      %mul3A_843 = arith.constant 16 : i32
      %mul3A_844 = arith.muli %add3A_835, %mul3A_843 : i32
      %add3A_845 = arith.addi %mul3A_2, %mul3A_844 : i32
      %dma_start3A_846 = arith.constant 0 : i32
      %dma_start3A_847 = tpu.memref_slice %arg4[%add3A_845, %dma_start3A_846] : memref<2560x128xi32, #tpu.memory_space<hbm>> -> memref<16x128xi32, #tpu.memory_space<hbm>>
      %dma_start3A_848 = arith.constant 0 : i32
      %dma_start3A_849 = tpu.memref_slice %arg4[%add3A_845, %dma_start3A_848] : memref<2560x128xi32, #tpu.memory_space<hbm>> -> memref<16x128xi32, #tpu.memory_space<hbm>>
      tpu.enqueue_dma source(%dma_start3A_849 : memref<16x128xi32, #tpu.memory_space<hbm>>) target(%arg9 : memref<16x128xi32, #tpu.memory_space<vmem>>) target_semaphore(%arg17 : memref<!tpu.dma_semaphore, #tpu.memory_space<semaphore_mem>>)
      %dma_wait3A_850 = arith.constant 0 : i32
      %dma_wait3A_851 = arith.constant 0 : i32
      %dma_wait3A_852 = tpu.memref_slice %arg3[%dma_wait3A_850, %dma_wait3A_851] : memref<2560x128xi32, #tpu.memory_space<hbm>> -> memref<16x128xi32, #tpu.memory_space<hbm>>
      %dma_wait3A_853 = arith.constant 0 : i32
      %dma_wait3A_854 = arith.constant 0 : i32
      %dma_wait3A_855 = tpu.memref_slice %arg3[%dma_wait3A_853, %dma_wait3A_854] : memref<2560x128xi32, #tpu.memory_space<hbm>> -> memref<16x128xi32, #tpu.memory_space<hbm>>
      tpu.wait_dma2 semaphore(%arg16 : memref<!tpu.dma_semaphore, #tpu.memory_space<semaphore_mem>>) src(%dma_wait3A_855 : memref<16x128xi32, #tpu.memory_space<hbm>>) dst(%arg6 : memref<16x128xi32, #tpu.memory_space<vmem>>)
      %dma_wait3A_856 = arith.constant 0 : i32
      %dma_wait3A_857 = arith.constant 0 : i32
      %dma_wait3A_858 = tpu.memref_slice %arg3[%dma_wait3A_856, %dma_wait3A_857] : memref<2560x128xi32, #tpu.memory_space<hbm>> -> memref<16x128xi32, #tpu.memory_space<hbm>>
      %dma_wait3A_859 = arith.constant 0 : i32
      %dma_wait3A_860 = arith.constant 0 : i32
      %dma_wait3A_861 = tpu.memref_slice %arg3[%dma_wait3A_859, %dma_wait3A_860] : memref<2560x128xi32, #tpu.memory_space<hbm>> -> memref<16x128xi32, #tpu.memory_space<hbm>>
      tpu.wait_dma2 semaphore(%arg16 : memref<!tpu.dma_semaphore, #tpu.memory_space<semaphore_mem>>) src(%dma_wait3A_861 : memref<16x128xi32, #tpu.memory_space<hbm>>) dst(%arg7 : memref<16x128xi32, #tpu.memory_space<vmem>>)
      %dma_start3A_862 = arith.constant 0 : i32
      %dma_start3A_863 = arith.constant 0 : i32
      %dma_start3A_864 = tpu.memref_slice %arg6[%dma_start3A_862, %dma_start3A_863] : memref<16x128xi32, #tpu.memory_space<vmem>> -> memref<1x128xi32, #tpu.memory_space<vmem>>
      %dma_start3A_865 = tpu.memref_squeeze %dma_start3A_864 : memref<1x128xi32, #tpu.memory_space<vmem>> -> memref<128xi32, #tpu.memory_space<vmem>>
      %dma_start3A_866 = arith.constant 0 : i32
      %dma_start3A_867 = arith.constant 0 : i32
      %dma_start3A_868 = tpu.memref_slice %arg2[%dma_start3A_866, %dma_start3A_867] : memref<10240x128xf32, #tpu.memory_space<hbm>> -> memref<10240x128xf32, #tpu.memory_space<hbm>>
      tpu.enqueue_indirect_dma source(%dma_start3A_868 : memref<10240x128xf32, #tpu.memory_space<hbm>>) target(%arg10 : memref<128x128xf32, #tpu.memory_space<vmem>>) offsets(%dma_start3A_865 : memref<128xi32, #tpu.memory_space<vmem>>) semaphore(%arg14 : memref<!tpu.dma_semaphore, #tpu.memory_space<semaphore_mem>>)
      %scan3A_869 = arith.constant 0 : i32
      %scan3A_870 = arith.constant 0 : i32
      %scan3A_871 = arith.constant 8 : i32
      %scan3A_872 = arith.addi %scan3A_870, %scan3A_871 : i32
      %scan3A_873 = arith.constant 1 : i32
      %scan3A_874 = scf.for %scan3A_921 = %scan3A_870 to %scan3A_872 step %scan3A_873 iter_args(%scan3A_922 = %scan3A_869) -> (i32)  : i32 {
        %mul3A_923 = arith.constant 2 : i32
        %mul3A_924 = arith.muli %mul3A_923, %scan3A_921 : i32
        %add3A_925 = arith.constant 1 : i32
        %add3A_926 = arith.addi %mul3A_924, %add3A_925 : i32
        %dma_start3A_927 = arith.constant 0 : i32
        %dma_start3A_928 = tpu.memref_slice %arg6[%add3A_926, %dma_start3A_927] : memref<16x128xi32, #tpu.memory_space<vmem>> -> memref<1x128xi32, #tpu.memory_space<vmem>>
        %dma_start3A_929 = tpu.memref_squeeze %dma_start3A_928 : memref<1x128xi32, #tpu.memory_space<vmem>> -> memref<128xi32, #tpu.memory_space<vmem>>
        %dma_start3A_930 = arith.constant 0 : i32
        %dma_start3A_931 = arith.constant 0 : i32
        %dma_start3A_932 = tpu.memref_slice %arg2[%dma_start3A_930, %dma_start3A_931] : memref<10240x128xf32, #tpu.memory_space<hbm>> -> memref<10240x128xf32, #tpu.memory_space<hbm>>
        tpu.enqueue_indirect_dma source(%dma_start3A_932 : memref<10240x128xf32, #tpu.memory_space<hbm>>) target(%arg11 : memref<128x128xf32, #tpu.memory_space<vmem>>) offsets(%dma_start3A_929 : memref<128xi32, #tpu.memory_space<vmem>>) semaphore(%arg15 : memref<!tpu.dma_semaphore, #tpu.memory_space<semaphore_mem>>)
        %dma_wait3A_933 = arith.constant 0 : i32
        %dma_wait3A_934 = arith.constant 0 : i32
        %dma_wait3A_935 = tpu.memref_slice %arg2[%dma_wait3A_933, %dma_wait3A_934] : memref<10240x128xf32, #tpu.memory_space<hbm>> -> memref<128x128xf32, #tpu.memory_space<hbm>>
        %dma_wait3A_936 = arith.constant 0 : i32
        %dma_wait3A_937 = arith.constant 0 : i32
        %dma_wait3A_938 = tpu.memref_slice %arg2[%dma_wait3A_936, %dma_wait3A_937] : memref<10240x128xf32, #tpu.memory_space<hbm>> -> memref<128x128xf32, #tpu.memory_space<hbm>>
        tpu.wait_dma2 semaphore(%arg14 : memref<!tpu.dma_semaphore, #tpu.memory_space<semaphore_mem>>) src(%dma_wait3A_938 : memref<128x128xf32, #tpu.memory_space<hbm>>) dst(%arg10 : memref<128x128xf32, #tpu.memory_space<vmem>>)
        %mul3A_939 = arith.constant 2 : i32
        %mul3A_940 = arith.muli %mul3A_939, %scan3A_921 : i32
        "tpu.region"() ({
          %run_scoped3A = tpu.sem_alloc : memref<!tpu.dma_semaphore, #tpu.memory_space<semaphore_mem>>
          %dma_start3A_954 = arith.constant 0 : i32
          %dma_start3A_955 = tpu.memref_slice %arg7[%mul3A_940, %dma_start3A_954] : memref<16x128xi32, #tpu.memory_space<vmem>> -> memref<1x128xi32, #tpu.memory_space<vmem>>
          %dma_start3A_956 = tpu.memref_squeeze %dma_start3A_955 : memref<1x128xi32, #tpu.memory_space<vmem>> -> memref<128xi32, #tpu.memory_space<vmem>>
          %dma_start3A_957 = arith.constant 0 : i32
          %dma_start3A_958 = arith.constant 0 : i32
          %dma_start3A_959 = tpu.memref_slice %arg13[%dma_start3A_957, %dma_start3A_958] : memref<10240x128xf32, #tpu.memory_space<vmem_shared>> -> memref<10240x128xf32, #tpu.memory_space<vmem_shared>>
          tpu.enqueue_indirect_dma source(%arg10 : memref<128x128xf32, #tpu.memory_space<vmem>>) target(%dma_start3A_959 : memref<10240x128xf32, #tpu.memory_space<vmem_shared>>) offsets(%dma_start3A_956 : memref<128xi32, #tpu.memory_space<vmem>>) semaphore(%run_scoped3A : memref<!tpu.dma_semaphore, #tpu.memory_space<semaphore_mem>>) {add = true}
          %dma_wait3A_960 = arith.constant 0 : i32
          %dma_wait3A_961 = tpu.memref_slice %arg7[%mul3A_940, %dma_wait3A_960] : memref<16x128xi32, #tpu.memory_space<vmem>> -> memref<1x128xi32, #tpu.memory_space<vmem>>
          %dma_wait3A_962 = tpu.memref_squeeze %dma_wait3A_961 : memref<1x128xi32, #tpu.memory_space<vmem>> -> memref<128xi32, #tpu.memory_space<vmem>>
          %dma_wait3A_963 = arith.constant 0 : i32
          %dma_wait3A_964 = arith.constant 0 : i32
          %dma_wait3A_965 = tpu.memref_slice %arg13[%dma_wait3A_963, %dma_wait3A_964] : memref<10240x128xf32, #tpu.memory_space<vmem_shared>> -> memref<10240x128xf32, #tpu.memory_space<vmem_shared>>
          tpu.wait_indirect_dma semaphore(%run_scoped3A : memref<!tpu.dma_semaphore, #tpu.memory_space<semaphore_mem>>) src(%arg10 : memref<128x128xf32, #tpu.memory_space<vmem>>) dst(%dma_wait3A_965 : memref<10240x128xf32, #tpu.memory_space<vmem_shared>>)
          tpu.yield
        }) : () -> ()
        %lt3A = arith.constant 7 : i32
        %lt3A_941 = arith.cmpi slt, %scan3A_921, %lt3A : i32
        %convert_element_type3A = arith.extui %lt3A_941 : i1 to i32
        %cond3A = arith.constant 0 : i32
        %cond3A_942 = arith.cmpi ne, %convert_element_type3A, %cond3A : i32
        scf.if %cond3A_942 {
          %mul3A_954 = arith.constant 2 : i32
          %mul3A_955 = arith.muli %mul3A_954, %scan3A_921 : i32
          %add3A_956 = arith.constant 2 : i32
          %add3A_957 = arith.addi %mul3A_955, %add3A_956 : i32
          %dma_start3A_958 = arith.constant 0 : i32
          %dma_start3A_959 = tpu.memref_slice %arg6[%add3A_957, %dma_start3A_958] : memref<16x128xi32, #tpu.memory_space<vmem>> -> memref<1x128xi32, #tpu.memory_space<vmem>>
          %dma_start3A_960 = tpu.memref_squeeze %dma_start3A_959 : memref<1x128xi32, #tpu.memory_space<vmem>> -> memref<128xi32, #tpu.memory_space<vmem>>
          %dma_start3A_961 = arith.constant 0 : i32
          %dma_start3A_962 = arith.constant 0 : i32
          %dma_start3A_963 = tpu.memref_slice %arg2[%dma_start3A_961, %dma_start3A_962] : memref<10240x128xf32, #tpu.memory_space<hbm>> -> memref<10240x128xf32, #tpu.memory_space<hbm>>
          tpu.enqueue_indirect_dma source(%dma_start3A_963 : memref<10240x128xf32, #tpu.memory_space<hbm>>) target(%arg10 : memref<128x128xf32, #tpu.memory_space<vmem>>) offsets(%dma_start3A_960 : memref<128xi32, #tpu.memory_space<vmem>>) semaphore(%arg14 : memref<!tpu.dma_semaphore, #tpu.memory_space<semaphore_mem>>)
        } else {
        }
        %dma_wait3A_943 = arith.constant 0 : i32
        %dma_wait3A_944 = arith.constant 0 : i32
        %dma_wait3A_945 = tpu.memref_slice %arg2[%dma_wait3A_943, %dma_wait3A_944] : memref<10240x128xf32, #tpu.memory_space<hbm>> -> memref<128x128xf32, #tpu.memory_space<hbm>>
        %dma_wait3A_946 = arith.constant 0 : i32
        %dma_wait3A_947 = arith.constant 0 : i32
        %dma_wait3A_948 = tpu.memref_slice %arg2[%dma_wait3A_946, %dma_wait3A_947] : memref<10240x128xf32, #tpu.memory_space<hbm>> -> memref<128x128xf32, #tpu.memory_space<hbm>>
        tpu.wait_dma2 semaphore(%arg15 : memref<!tpu.dma_semaphore, #tpu.memory_space<semaphore_mem>>) src(%dma_wait3A_948 : memref<128x128xf32, #tpu.memory_space<hbm>>) dst(%arg11 : memref<128x128xf32, #tpu.memory_space<vmem>>)
        %mul3A_949 = arith.constant 2 : i32
        %mul3A_950 = arith.muli %mul3A_949, %scan3A_921 : i32
        %add3A_951 = arith.constant 1 : i32
        %add3A_952 = arith.addi %mul3A_950, %add3A_951 : i32
        "tpu.region"() ({
          %run_scoped3A = tpu.sem_alloc : memref<!tpu.dma_semaphore, #tpu.memory_space<semaphore_mem>>
          %dma_start3A_954 = arith.constant 0 : i32
          %dma_start3A_955 = tpu.memref_slice %arg7[%add3A_952, %dma_start3A_954] : memref<16x128xi32, #tpu.memory_space<vmem>> -> memref<1x128xi32, #tpu.memory_space<vmem>>
          %dma_start3A_956 = tpu.memref_squeeze %dma_start3A_955 : memref<1x128xi32, #tpu.memory_space<vmem>> -> memref<128xi32, #tpu.memory_space<vmem>>
          %dma_start3A_957 = arith.constant 0 : i32
          %dma_start3A_958 = arith.constant 0 : i32
          %dma_start3A_959 = tpu.memref_slice %arg13[%dma_start3A_957, %dma_start3A_958] : memref<10240x128xf32, #tpu.memory_space<vmem_shared>> -> memref<10240x128xf32, #tpu.memory_space<vmem_shared>>
          tpu.enqueue_indirect_dma source(%arg11 : memref<128x128xf32, #tpu.memory_space<vmem>>) target(%dma_start3A_959 : memref<10240x128xf32, #tpu.memory_space<vmem_shared>>) offsets(%dma_start3A_956 : memref<128xi32, #tpu.memory_space<vmem>>) semaphore(%run_scoped3A : memref<!tpu.dma_semaphore, #tpu.memory_space<semaphore_mem>>) {add = true}
          %dma_wait3A_960 = arith.constant 0 : i32
          %dma_wait3A_961 = tpu.memref_slice %arg7[%add3A_952, %dma_wait3A_960] : memref<16x128xi32, #tpu.memory_space<vmem>> -> memref<1x128xi32, #tpu.memory_space<vmem>>
          %dma_wait3A_962 = tpu.memref_squeeze %dma_wait3A_961 : memref<1x128xi32, #tpu.memory_space<vmem>> -> memref<128xi32, #tpu.memory_space<vmem>>
          %dma_wait3A_963 = arith.constant 0 : i32
          %dma_wait3A_964 = arith.constant 0 : i32
          %dma_wait3A_965 = tpu.memref_slice %arg13[%dma_wait3A_963, %dma_wait3A_964] : memref<10240x128xf32, #tpu.memory_space<vmem_shared>> -> memref<10240x128xf32, #tpu.memory_space<vmem_shared>>
          tpu.wait_indirect_dma semaphore(%run_scoped3A : memref<!tpu.dma_semaphore, #tpu.memory_space<semaphore_mem>>) src(%arg11 : memref<128x128xf32, #tpu.memory_space<vmem>>) dst(%dma_wait3A_965 : memref<10240x128xf32, #tpu.memory_space<vmem_shared>>)
          tpu.yield
        }) : () -> ()
        %scan3A_953 = arith.constant 0 : i32
        scf.yield %scan3A_953 : i32
      }
      %scan3A_875 = arith.constant 8 : i32
      %mul3A_876 = arith.constant 2 : i32
      %mul3A_877 = arith.muli %mul3A_876, %scan3A_830 : i32
      %add3A_878 = arith.constant 2 : i32
      %add3A_879 = arith.addi %mul3A_877, %add3A_878 : i32
      %mul3A_880 = arith.constant 16 : i32
      %mul3A_881 = arith.muli %add3A_879, %mul3A_880 : i32
      %add3A_882 = arith.addi %mul3A_2, %mul3A_881 : i32
      %dma_start3A_883 = arith.constant 0 : i32
      %dma_start3A_884 = tpu.memref_slice %arg3[%add3A_882, %dma_start3A_883] : memref<2560x128xi32, #tpu.memory_space<hbm>> -> memref<16x128xi32, #tpu.memory_space<hbm>>
      %dma_start3A_885 = arith.constant 0 : i32
      %dma_start3A_886 = tpu.memref_slice %arg3[%add3A_882, %dma_start3A_885] : memref<2560x128xi32, #tpu.memory_space<hbm>> -> memref<16x128xi32, #tpu.memory_space<hbm>>
      tpu.enqueue_dma source(%dma_start3A_886 : memref<16x128xi32, #tpu.memory_space<hbm>>) target(%arg6 : memref<16x128xi32, #tpu.memory_space<vmem>>) target_semaphore(%arg16 : memref<!tpu.dma_semaphore, #tpu.memory_space<semaphore_mem>>)
      %mul3A_887 = arith.constant 16 : i32
      %mul3A_888 = arith.muli %add3A_879, %mul3A_887 : i32
      %add3A_889 = arith.addi %mul3A_2, %mul3A_888 : i32
      %dma_start3A_890 = arith.constant 0 : i32
      %dma_start3A_891 = tpu.memref_slice %arg4[%add3A_889, %dma_start3A_890] : memref<2560x128xi32, #tpu.memory_space<hbm>> -> memref<16x128xi32, #tpu.memory_space<hbm>>
      %dma_start3A_892 = arith.constant 0 : i32
      %dma_start3A_893 = tpu.memref_slice %arg4[%add3A_889, %dma_start3A_892] : memref<2560x128xi32, #tpu.memory_space<hbm>> -> memref<16x128xi32, #tpu.memory_space<hbm>>
      tpu.enqueue_dma source(%dma_start3A_893 : memref<16x128xi32, #tpu.memory_space<hbm>>) target(%arg7 : memref<16x128xi32, #tpu.memory_space<vmem>>) target_semaphore(%arg16 : memref<!tpu.dma_semaphore, #tpu.memory_space<semaphore_mem>>)
      %dma_wait3A_894 = arith.constant 0 : i32
      %dma_wait3A_895 = arith.constant 0 : i32
      %dma_wait3A_896 = tpu.memref_slice %arg3[%dma_wait3A_894, %dma_wait3A_895] : memref<2560x128xi32, #tpu.memory_space<hbm>> -> memref<16x128xi32, #tpu.memory_space<hbm>>
      %dma_wait3A_897 = arith.constant 0 : i32
      %dma_wait3A_898 = arith.constant 0 : i32
      %dma_wait3A_899 = tpu.memref_slice %arg3[%dma_wait3A_897, %dma_wait3A_898] : memref<2560x128xi32, #tpu.memory_space<hbm>> -> memref<16x128xi32, #tpu.memory_space<hbm>>
      tpu.wait_dma2 semaphore(%arg17 : memref<!tpu.dma_semaphore, #tpu.memory_space<semaphore_mem>>) src(%dma_wait3A_899 : memref<16x128xi32, #tpu.memory_space<hbm>>) dst(%arg8 : memref<16x128xi32, #tpu.memory_space<vmem>>)
      %dma_wait3A_900 = arith.constant 0 : i32
      %dma_wait3A_901 = arith.constant 0 : i32
      %dma_wait3A_902 = tpu.memref_slice %arg3[%dma_wait3A_900, %dma_wait3A_901] : memref<2560x128xi32, #tpu.memory_space<hbm>> -> memref<16x128xi32, #tpu.memory_space<hbm>>
      %dma_wait3A_903 = arith.constant 0 : i32
      %dma_wait3A_904 = arith.constant 0 : i32
      %dma_wait3A_905 = tpu.memref_slice %arg3[%dma_wait3A_903, %dma_wait3A_904] : memref<2560x128xi32, #tpu.memory_space<hbm>> -> memref<16x128xi32, #tpu.memory_space<hbm>>
      tpu.wait_dma2 semaphore(%arg17 : memref<!tpu.dma_semaphore, #tpu.memory_space<semaphore_mem>>) src(%dma_wait3A_905 : memref<16x128xi32, #tpu.memory_space<hbm>>) dst(%arg9 : memref<16x128xi32, #tpu.memory_space<vmem>>)
      %dma_start3A_906 = arith.constant 0 : i32
      %dma_start3A_907 = arith.constant 0 : i32
      %dma_start3A_908 = tpu.memref_slice %arg8[%dma_start3A_906, %dma_start3A_907] : memref<16x128xi32, #tpu.memory_space<vmem>> -> memref<1x128xi32, #tpu.memory_space<vmem>>
      %dma_start3A_909 = tpu.memref_squeeze %dma_start3A_908 : memref<1x128xi32, #tpu.memory_space<vmem>> -> memref<128xi32, #tpu.memory_space<vmem>>
      %dma_start3A_910 = arith.constant 0 : i32
      %dma_start3A_911 = arith.constant 0 : i32
      %dma_start3A_912 = tpu.memref_slice %arg2[%dma_start3A_910, %dma_start3A_911] : memref<10240x128xf32, #tpu.memory_space<hbm>> -> memref<10240x128xf32, #tpu.memory_space<hbm>>
      tpu.enqueue_indirect_dma source(%dma_start3A_912 : memref<10240x128xf32, #tpu.memory_space<hbm>>) target(%arg10 : memref<128x128xf32, #tpu.memory_space<vmem>>) offsets(%dma_start3A_909 : memref<128xi32, #tpu.memory_space<vmem>>) semaphore(%arg14 : memref<!tpu.dma_semaphore, #tpu.memory_space<semaphore_mem>>)
      %scan3A_913 = arith.constant 0 : i32
      %scan3A_914 = arith.constant 0 : i32
      %scan3A_915 = arith.constant 8 : i32
      %scan3A_916 = arith.addi %scan3A_914, %scan3A_915 : i32
      %scan3A_917 = arith.constant 1 : i32
      %scan3A_918 = scf.for %scan3A_921 = %scan3A_914 to %scan3A_916 step %scan3A_917 iter_args(%scan3A_922 = %scan3A_913) -> (i32)  : i32 {
        %mul3A_923 = arith.constant 2 : i32
        %mul3A_924 = arith.muli %mul3A_923, %scan3A_921 : i32
        %add3A_925 = arith.constant 1 : i32
        %add3A_926 = arith.addi %mul3A_924, %add3A_925 : i32
        %dma_start3A_927 = arith.constant 0 : i32
        %dma_start3A_928 = tpu.memref_slice %arg8[%add3A_926, %dma_start3A_927] : memref<16x128xi32, #tpu.memory_space<vmem>> -> memref<1x128xi32, #tpu.memory_space<vmem>>
        %dma_start3A_929 = tpu.memref_squeeze %dma_start3A_928 : memref<1x128xi32, #tpu.memory_space<vmem>> -> memref<128xi32, #tpu.memory_space<vmem>>
        %dma_start3A_930 = arith.constant 0 : i32
        %dma_start3A_931 = arith.constant 0 : i32
        %dma_start3A_932 = tpu.memref_slice %arg2[%dma_start3A_930, %dma_start3A_931] : memref<10240x128xf32, #tpu.memory_space<hbm>> -> memref<10240x128xf32, #tpu.memory_space<hbm>>
        tpu.enqueue_indirect_dma source(%dma_start3A_932 : memref<10240x128xf32, #tpu.memory_space<hbm>>) target(%arg11 : memref<128x128xf32, #tpu.memory_space<vmem>>) offsets(%dma_start3A_929 : memref<128xi32, #tpu.memory_space<vmem>>) semaphore(%arg15 : memref<!tpu.dma_semaphore, #tpu.memory_space<semaphore_mem>>)
        %dma_wait3A_933 = arith.constant 0 : i32
        %dma_wait3A_934 = arith.constant 0 : i32
        %dma_wait3A_935 = tpu.memref_slice %arg2[%dma_wait3A_933, %dma_wait3A_934] : memref<10240x128xf32, #tpu.memory_space<hbm>> -> memref<128x128xf32, #tpu.memory_space<hbm>>
        %dma_wait3A_936 = arith.constant 0 : i32
        %dma_wait3A_937 = arith.constant 0 : i32
        %dma_wait3A_938 = tpu.memref_slice %arg2[%dma_wait3A_936, %dma_wait3A_937] : memref<10240x128xf32, #tpu.memory_space<hbm>> -> memref<128x128xf32, #tpu.memory_space<hbm>>
        tpu.wait_dma2 semaphore(%arg14 : memref<!tpu.dma_semaphore, #tpu.memory_space<semaphore_mem>>) src(%dma_wait3A_938 : memref<128x128xf32, #tpu.memory_space<hbm>>) dst(%arg10 : memref<128x128xf32, #tpu.memory_space<vmem>>)
        %mul3A_939 = arith.constant 2 : i32
        %mul3A_940 = arith.muli %mul3A_939, %scan3A_921 : i32
        "tpu.region"() ({
          %run_scoped3A = tpu.sem_alloc : memref<!tpu.dma_semaphore, #tpu.memory_space<semaphore_mem>>
          %dma_start3A_954 = arith.constant 0 : i32
          %dma_start3A_955 = tpu.memref_slice %arg9[%mul3A_940, %dma_start3A_954] : memref<16x128xi32, #tpu.memory_space<vmem>> -> memref<1x128xi32, #tpu.memory_space<vmem>>
          %dma_start3A_956 = tpu.memref_squeeze %dma_start3A_955 : memref<1x128xi32, #tpu.memory_space<vmem>> -> memref<128xi32, #tpu.memory_space<vmem>>
          %dma_start3A_957 = arith.constant 0 : i32
          %dma_start3A_958 = arith.constant 0 : i32
          %dma_start3A_959 = tpu.memref_slice %arg13[%dma_start3A_957, %dma_start3A_958] : memref<10240x128xf32, #tpu.memory_space<vmem_shared>> -> memref<10240x128xf32, #tpu.memory_space<vmem_shared>>
          tpu.enqueue_indirect_dma source(%arg10 : memref<128x128xf32, #tpu.memory_space<vmem>>) target(%dma_start3A_959 : memref<10240x128xf32, #tpu.memory_space<vmem_shared>>) offsets(%dma_start3A_956 : memref<128xi32, #tpu.memory_space<vmem>>) semaphore(%run_scoped3A : memref<!tpu.dma_semaphore, #tpu.memory_space<semaphore_mem>>) {add = true}
          %dma_wait3A_960 = arith.constant 0 : i32
          %dma_wait3A_961 = tpu.memref_slice %arg9[%mul3A_940, %dma_wait3A_960] : memref<16x128xi32, #tpu.memory_space<vmem>> -> memref<1x128xi32, #tpu.memory_space<vmem>>
          %dma_wait3A_962 = tpu.memref_squeeze %dma_wait3A_961 : memref<1x128xi32, #tpu.memory_space<vmem>> -> memref<128xi32, #tpu.memory_space<vmem>>
          %dma_wait3A_963 = arith.constant 0 : i32
          %dma_wait3A_964 = arith.constant 0 : i32
          %dma_wait3A_965 = tpu.memref_slice %arg13[%dma_wait3A_963, %dma_wait3A_964] : memref<10240x128xf32, #tpu.memory_space<vmem_shared>> -> memref<10240x128xf32, #tpu.memory_space<vmem_shared>>
          tpu.wait_indirect_dma semaphore(%run_scoped3A : memref<!tpu.dma_semaphore, #tpu.memory_space<semaphore_mem>>) src(%arg10 : memref<128x128xf32, #tpu.memory_space<vmem>>) dst(%dma_wait3A_965 : memref<10240x128xf32, #tpu.memory_space<vmem_shared>>)
          tpu.yield
        }) : () -> ()
        %lt3A = arith.constant 7 : i32
        %lt3A_941 = arith.cmpi slt, %scan3A_921, %lt3A : i32
        %convert_element_type3A = arith.extui %lt3A_941 : i1 to i32
        %cond3A = arith.constant 0 : i32
        %cond3A_942 = arith.cmpi ne, %convert_element_type3A, %cond3A : i32
        scf.if %cond3A_942 {
          %mul3A_954 = arith.constant 2 : i32
          %mul3A_955 = arith.muli %mul3A_954, %scan3A_921 : i32
          %add3A_956 = arith.constant 2 : i32
          %add3A_957 = arith.addi %mul3A_955, %add3A_956 : i32
          %dma_start3A_958 = arith.constant 0 : i32
          %dma_start3A_959 = tpu.memref_slice %arg8[%add3A_957, %dma_start3A_958] : memref<16x128xi32, #tpu.memory_space<vmem>> -> memref<1x128xi32, #tpu.memory_space<vmem>>
          %dma_start3A_960 = tpu.memref_squeeze %dma_start3A_959 : memref<1x128xi32, #tpu.memory_space<vmem>> -> memref<128xi32, #tpu.memory_space<vmem>>
          %dma_start3A_961 = arith.constant 0 : i32
          %dma_start3A_962 = arith.constant 0 : i32
          %dma_start3A_963 = tpu.memref_slice %arg2[%dma_start3A_961, %dma_start3A_962] : memref<10240x128xf32, #tpu.memory_space<hbm>> -> memref<10240x128xf32, #tpu.memory_space<hbm>>
          tpu.enqueue_indirect_dma source(%dma_start3A_963 : memref<10240x128xf32, #tpu.memory_space<hbm>>) target(%arg10 : memref<128x128xf32, #tpu.memory_space<vmem>>) offsets(%dma_start3A_960 : memref<128xi32, #tpu.memory_space<vmem>>) semaphore(%arg14 : memref<!tpu.dma_semaphore, #tpu.memory_space<semaphore_mem>>)
        } else {
        }
        %dma_wait3A_943 = arith.constant 0 : i32
        %dma_wait3A_944 = arith.constant 0 : i32
        %dma_wait3A_945 = tpu.memref_slice %arg2[%dma_wait3A_943, %dma_wait3A_944] : memref<10240x128xf32, #tpu.memory_space<hbm>> -> memref<128x128xf32, #tpu.memory_space<hbm>>
        %dma_wait3A_946 = arith.constant 0 : i32
        %dma_wait3A_947 = arith.constant 0 : i32
        %dma_wait3A_948 = tpu.memref_slice %arg2[%dma_wait3A_946, %dma_wait3A_947] : memref<10240x128xf32, #tpu.memory_space<hbm>> -> memref<128x128xf32, #tpu.memory_space<hbm>>
        tpu.wait_dma2 semaphore(%arg15 : memref<!tpu.dma_semaphore, #tpu.memory_space<semaphore_mem>>) src(%dma_wait3A_948 : memref<128x128xf32, #tpu.memory_space<hbm>>) dst(%arg11 : memref<128x128xf32, #tpu.memory_space<vmem>>)
        %mul3A_949 = arith.constant 2 : i32
        %mul3A_950 = arith.muli %mul3A_949, %scan3A_921 : i32
        %add3A_951 = arith.constant 1 : i32
        %add3A_952 = arith.addi %mul3A_950, %add3A_951 : i32
        "tpu.region"() ({
          %run_scoped3A = tpu.sem_alloc : memref<!tpu.dma_semaphore, #tpu.memory_space<semaphore_mem>>
          %dma_start3A_954 = arith.constant 0 : i32
          %dma_start3A_955 = tpu.memref_slice %arg9[%add3A_952, %dma_start3A_954] : memref<16x128xi32, #tpu.memory_space<vmem>> -> memref<1x128xi32, #tpu.memory_space<vmem>>
          %dma_start3A_956 = tpu.memref_squeeze %dma_start3A_955 : memref<1x128xi32, #tpu.memory_space<vmem>> -> memref<128xi32, #tpu.memory_space<vmem>>
          %dma_start3A_957 = arith.constant 0 : i32
          %dma_start3A_958 = arith.constant 0 : i32
          %dma_start3A_959 = tpu.memref_slice %arg13[%dma_start3A_957, %dma_start3A_958] : memref<10240x128xf32, #tpu.memory_space<vmem_shared>> -> memref<10240x128xf32, #tpu.memory_space<vmem_shared>>
          tpu.enqueue_indirect_dma source(%arg11 : memref<128x128xf32, #tpu.memory_space<vmem>>) target(%dma_start3A_959 : memref<10240x128xf32, #tpu.memory_space<vmem_shared>>) offsets(%dma_start3A_956 : memref<128xi32, #tpu.memory_space<vmem>>) semaphore(%run_scoped3A : memref<!tpu.dma_semaphore, #tpu.memory_space<semaphore_mem>>) {add = true}
          %dma_wait3A_960 = arith.constant 0 : i32
          %dma_wait3A_961 = tpu.memref_slice %arg9[%add3A_952, %dma_wait3A_960] : memref<16x128xi32, #tpu.memory_space<vmem>> -> memref<1x128xi32, #tpu.memory_space<vmem>>
          %dma_wait3A_962 = tpu.memref_squeeze %dma_wait3A_961 : memref<1x128xi32, #tpu.memory_space<vmem>> -> memref<128xi32, #tpu.memory_space<vmem>>
          %dma_wait3A_963 = arith.constant 0 : i32
          %dma_wait3A_964 = arith.constant 0 : i32
          %dma_wait3A_965 = tpu.memref_slice %arg13[%dma_wait3A_963, %dma_wait3A_964] : memref<10240x128xf32, #tpu.memory_space<vmem_shared>> -> memref<10240x128xf32, #tpu.memory_space<vmem_shared>>
          tpu.wait_indirect_dma semaphore(%run_scoped3A : memref<!tpu.dma_semaphore, #tpu.memory_space<semaphore_mem>>) src(%arg11 : memref<128x128xf32, #tpu.memory_space<vmem>>) dst(%dma_wait3A_965 : memref<10240x128xf32, #tpu.memory_space<vmem_shared>>)
          tpu.yield
        }) : () -> ()
        %scan3A_953 = arith.constant 0 : i32
        scf.yield %scan3A_953 : i32
      }
      %scan3A_919 = arith.constant 8 : i32
      %scan3A_920 = arith.constant 0 : i32
      scf.yield %scan3A_920 : i32
    }
    %scan3A_799 = arith.constant 2 : i32
    %dma_wait3A = arith.constant 0 : i32
    %dma_wait3A_800 = arith.constant 0 : i32
    %dma_wait3A_801 = tpu.memref_slice %arg3[%dma_wait3A, %dma_wait3A_800] : memref<2560x128xi32, #tpu.memory_space<hbm>> -> memref<16x128xi32, #tpu.memory_space<hbm>>
    %dma_wait3A_802 = arith.constant 0 : i32
    %dma_wait3A_803 = arith.constant 0 : i32
    %dma_wait3A_804 = tpu.memref_slice %arg3[%dma_wait3A_802, %dma_wait3A_803] : memref<2560x128xi32, #tpu.memory_space<hbm>> -> memref<16x128xi32, #tpu.memory_space<hbm>>
    tpu.wait_dma2 semaphore(%arg16 : memref<!tpu.dma_semaphore, #tpu.memory_space<semaphore_mem>>) src(%dma_wait3A_804 : memref<16x128xi32, #tpu.memory_space<hbm>>) dst(%arg6 : memref<16x128xi32, #tpu.memory_space<vmem>>)
    %dma_wait3A_805 = arith.constant 0 : i32
    %dma_wait3A_806 = arith.constant 0 : i32
    %dma_wait3A_807 = tpu.memref_slice %arg3[%dma_wait3A_805, %dma_wait3A_806] : memref<2560x128xi32, #tpu.memory_space<hbm>> -> memref<16x128xi32, #tpu.memory_space<hbm>>
    %dma_wait3A_808 = arith.constant 0 : i32
    %dma_wait3A_809 = arith.constant 0 : i32
    %dma_wait3A_810 = tpu.memref_slice %arg3[%dma_wait3A_808, %dma_wait3A_809] : memref<2560x128xi32, #tpu.memory_space<hbm>> -> memref<16x128xi32, #tpu.memory_space<hbm>>
    tpu.wait_dma2 semaphore(%arg16 : memref<!tpu.dma_semaphore, #tpu.memory_space<semaphore_mem>>) src(%dma_wait3A_810 : memref<16x128xi32, #tpu.memory_space<hbm>>) dst(%arg7 : memref<16x128xi32, #tpu.memory_space<vmem>>)
    %dma_start3A_811 = arith.constant 0 : i32
    %dma_start3A_812 = arith.constant 0 : i32
    %dma_start3A_813 = tpu.memref_slice %arg6[%dma_start3A_811, %dma_start3A_812] : memref<16x128xi32, #tpu.memory_space<vmem>> -> memref<1x128xi32, #tpu.memory_space<vmem>>
    %dma_start3A_814 = tpu.memref_squeeze %dma_start3A_813 : memref<1x128xi32, #tpu.memory_space<vmem>> -> memref<128xi32, #tpu.memory_space<vmem>>
    %dma_start3A_815 = arith.constant 0 : i32
    %dma_start3A_816 = arith.constant 0 : i32
    %dma_start3A_817 = tpu.memref_slice %arg2[%dma_start3A_815, %dma_start3A_816] : memref<10240x128xf32, #tpu.memory_space<hbm>> -> memref<10240x128xf32, #tpu.memory_space<hbm>>
    tpu.enqueue_indirect_dma source(%dma_start3A_817 : memref<10240x128xf32, #tpu.memory_space<hbm>>) target(%arg10 : memref<128x128xf32, #tpu.memory_space<vmem>>) offsets(%dma_start3A_814 : memref<128xi32, #tpu.memory_space<vmem>>) semaphore(%arg14 : memref<!tpu.dma_semaphore, #tpu.memory_space<semaphore_mem>>)
    %scan3A_818 = arith.constant 0 : i32
    %scan3A_819 = arith.constant 0 : i32
    %scan3A_820 = arith.constant 8 : i32
    %scan3A_821 = arith.addi %scan3A_819, %scan3A_820 : i32
    %scan3A_822 = arith.constant 1 : i32
    %scan3A_823 = scf.for %scan3A_830 = %scan3A_819 to %scan3A_821 step %scan3A_822 iter_args(%scan3A_831 = %scan3A_818) -> (i32)  : i32 {
      %mul3A_832 = arith.constant 2 : i32
      %mul3A_833 = arith.muli %mul3A_832, %scan3A_830 : i32
      %add3A_834 = arith.constant 1 : i32
      %add3A_835 = arith.addi %mul3A_833, %add3A_834 : i32
      %dma_start3A_836 = arith.constant 0 : i32
      %dma_start3A_837 = tpu.memref_slice %arg6[%add3A_835, %dma_start3A_836] : memref<16x128xi32, #tpu.memory_space<vmem>> -> memref<1x128xi32, #tpu.memory_space<vmem>>
      %dma_start3A_838 = tpu.memref_squeeze %dma_start3A_837 : memref<1x128xi32, #tpu.memory_space<vmem>> -> memref<128xi32, #tpu.memory_space<vmem>>
      %dma_start3A_839 = arith.constant 0 : i32
      %dma_start3A_840 = arith.constant 0 : i32
      %dma_start3A_841 = tpu.memref_slice %arg2[%dma_start3A_839, %dma_start3A_840] : memref<10240x128xf32, #tpu.memory_space<hbm>> -> memref<10240x128xf32, #tpu.memory_space<hbm>>
      tpu.enqueue_indirect_dma source(%dma_start3A_841 : memref<10240x128xf32, #tpu.memory_space<hbm>>) target(%arg11 : memref<128x128xf32, #tpu.memory_space<vmem>>) offsets(%dma_start3A_838 : memref<128xi32, #tpu.memory_space<vmem>>) semaphore(%arg15 : memref<!tpu.dma_semaphore, #tpu.memory_space<semaphore_mem>>)
      %dma_wait3A_842 = arith.constant 0 : i32
      %dma_wait3A_843 = arith.constant 0 : i32
      %dma_wait3A_844 = tpu.memref_slice %arg2[%dma_wait3A_842, %dma_wait3A_843] : memref<10240x128xf32, #tpu.memory_space<hbm>> -> memref<128x128xf32, #tpu.memory_space<hbm>>
      %dma_wait3A_845 = arith.constant 0 : i32
      %dma_wait3A_846 = arith.constant 0 : i32
      %dma_wait3A_847 = tpu.memref_slice %arg2[%dma_wait3A_845, %dma_wait3A_846] : memref<10240x128xf32, #tpu.memory_space<hbm>> -> memref<128x128xf32, #tpu.memory_space<hbm>>
      tpu.wait_dma2 semaphore(%arg14 : memref<!tpu.dma_semaphore, #tpu.memory_space<semaphore_mem>>) src(%dma_wait3A_847 : memref<128x128xf32, #tpu.memory_space<hbm>>) dst(%arg10 : memref<128x128xf32, #tpu.memory_space<vmem>>)
      %mul3A_848 = arith.constant 2 : i32
      %mul3A_849 = arith.muli %mul3A_848, %scan3A_830 : i32
      "tpu.region"() ({
        %run_scoped3A = tpu.sem_alloc : memref<!tpu.dma_semaphore, #tpu.memory_space<semaphore_mem>>
        %dma_start3A_863 = arith.constant 0 : i32
        %dma_start3A_864 = tpu.memref_slice %arg7[%mul3A_849, %dma_start3A_863] : memref<16x128xi32, #tpu.memory_space<vmem>> -> memref<1x128xi32, #tpu.memory_space<vmem>>
        %dma_start3A_865 = tpu.memref_squeeze %dma_start3A_864 : memref<1x128xi32, #tpu.memory_space<vmem>> -> memref<128xi32, #tpu.memory_space<vmem>>
        %dma_start3A_866 = arith.constant 0 : i32
        %dma_start3A_867 = arith.constant 0 : i32
        %dma_start3A_868 = tpu.memref_slice %arg13[%dma_start3A_866, %dma_start3A_867] : memref<10240x128xf32, #tpu.memory_space<vmem_shared>> -> memref<10240x128xf32, #tpu.memory_space<vmem_shared>>
        tpu.enqueue_indirect_dma source(%arg10 : memref<128x128xf32, #tpu.memory_space<vmem>>) target(%dma_start3A_868 : memref<10240x128xf32, #tpu.memory_space<vmem_shared>>) offsets(%dma_start3A_865 : memref<128xi32, #tpu.memory_space<vmem>>) semaphore(%run_scoped3A : memref<!tpu.dma_semaphore, #tpu.memory_space<semaphore_mem>>) {add = true}
        %dma_wait3A_869 = arith.constant 0 : i32
        %dma_wait3A_870 = tpu.memref_slice %arg7[%mul3A_849, %dma_wait3A_869] : memref<16x128xi32, #tpu.memory_space<vmem>> -> memref<1x128xi32, #tpu.memory_space<vmem>>
        %dma_wait3A_871 = tpu.memref_squeeze %dma_wait3A_870 : memref<1x128xi32, #tpu.memory_space<vmem>> -> memref<128xi32, #tpu.memory_space<vmem>>
        %dma_wait3A_872 = arith.constant 0 : i32
        %dma_wait3A_873 = arith.constant 0 : i32
        %dma_wait3A_874 = tpu.memref_slice %arg13[%dma_wait3A_872, %dma_wait3A_873] : memref<10240x128xf32, #tpu.memory_space<vmem_shared>> -> memref<10240x128xf32, #tpu.memory_space<vmem_shared>>
        tpu.wait_indirect_dma semaphore(%run_scoped3A : memref<!tpu.dma_semaphore, #tpu.memory_space<semaphore_mem>>) src(%arg10 : memref<128x128xf32, #tpu.memory_space<vmem>>) dst(%dma_wait3A_874 : memref<10240x128xf32, #tpu.memory_space<vmem_shared>>)
        tpu.yield
      }) : () -> ()
      %lt3A = arith.constant 7 : i32
      %lt3A_850 = arith.cmpi slt, %scan3A_830, %lt3A : i32
      %convert_element_type3A = arith.extui %lt3A_850 : i1 to i32
      %cond3A = arith.constant 0 : i32
      %cond3A_851 = arith.cmpi ne, %convert_element_type3A, %cond3A : i32
      scf.if %cond3A_851 {
        %mul3A_863 = arith.constant 2 : i32
        %mul3A_864 = arith.muli %mul3A_863, %scan3A_830 : i32
        %add3A_865 = arith.constant 2 : i32
        %add3A_866 = arith.addi %mul3A_864, %add3A_865 : i32
        %dma_start3A_867 = arith.constant 0 : i32
        %dma_start3A_868 = tpu.memref_slice %arg6[%add3A_866, %dma_start3A_867] : memref<16x128xi32, #tpu.memory_space<vmem>> -> memref<1x128xi32, #tpu.memory_space<vmem>>
        %dma_start3A_869 = tpu.memref_squeeze %dma_start3A_868 : memref<1x128xi32, #tpu.memory_space<vmem>> -> memref<128xi32, #tpu.memory_space<vmem>>
        %dma_start3A_870 = arith.constant 0 : i32
        %dma_start3A_871 = arith.constant 0 : i32
        %dma_start3A_872 = tpu.memref_slice %arg2[%dma_start3A_870, %dma_start3A_871] : memref<10240x128xf32, #tpu.memory_space<hbm>> -> memref<10240x128xf32, #tpu.memory_space<hbm>>
        tpu.enqueue_indirect_dma source(%dma_start3A_872 : memref<10240x128xf32, #tpu.memory_space<hbm>>) target(%arg10 : memref<128x128xf32, #tpu.memory_space<vmem>>) offsets(%dma_start3A_869 : memref<128xi32, #tpu.memory_space<vmem>>) semaphore(%arg14 : memref<!tpu.dma_semaphore, #tpu.memory_space<semaphore_mem>>)
      } else {
      }
      %dma_wait3A_852 = arith.constant 0 : i32
      %dma_wait3A_853 = arith.constant 0 : i32
      %dma_wait3A_854 = tpu.memref_slice %arg2[%dma_wait3A_852, %dma_wait3A_853] : memref<10240x128xf32, #tpu.memory_space<hbm>> -> memref<128x128xf32, #tpu.memory_space<hbm>>
      %dma_wait3A_855 = arith.constant 0 : i32
      %dma_wait3A_856 = arith.constant 0 : i32
      %dma_wait3A_857 = tpu.memref_slice %arg2[%dma_wait3A_855, %dma_wait3A_856] : memref<10240x128xf32, #tpu.memory_space<hbm>> -> memref<128x128xf32, #tpu.memory_space<hbm>>
      tpu.wait_dma2 semaphore(%arg15 : memref<!tpu.dma_semaphore, #tpu.memory_space<semaphore_mem>>) src(%dma_wait3A_857 : memref<128x128xf32, #tpu.memory_space<hbm>>) dst(%arg11 : memref<128x128xf32, #tpu.memory_space<vmem>>)
      %mul3A_858 = arith.constant 2 : i32
      %mul3A_859 = arith.muli %mul3A_858, %scan3A_830 : i32
      %add3A_860 = arith.constant 1 : i32
      %add3A_861 = arith.addi %mul3A_859, %add3A_860 : i32
      "tpu.region"() ({
        %run_scoped3A = tpu.sem_alloc : memref<!tpu.dma_semaphore, #tpu.memory_space<semaphore_mem>>
        %dma_start3A_863 = arith.constant 0 : i32
        %dma_start3A_864 = tpu.memref_slice %arg7[%add3A_861, %dma_start3A_863] : memref<16x128xi32, #tpu.memory_space<vmem>> -> memref<1x128xi32, #tpu.memory_space<vmem>>
        %dma_start3A_865 = tpu.memref_squeeze %dma_start3A_864 : memref<1x128xi32, #tpu.memory_space<vmem>> -> memref<128xi32, #tpu.memory_space<vmem>>
        %dma_start3A_866 = arith.constant 0 : i32
        %dma_start3A_867 = arith.constant 0 : i32
        %dma_start3A_868 = tpu.memref_slice %arg13[%dma_start3A_866, %dma_start3A_867] : memref<10240x128xf32, #tpu.memory_space<vmem_shared>> -> memref<10240x128xf32, #tpu.memory_space<vmem_shared>>
        tpu.enqueue_indirect_dma source(%arg11 : memref<128x128xf32, #tpu.memory_space<vmem>>) target(%dma_start3A_868 : memref<10240x128xf32, #tpu.memory_space<vmem_shared>>) offsets(%dma_start3A_865 : memref<128xi32, #tpu.memory_space<vmem>>) semaphore(%run_scoped3A : memref<!tpu.dma_semaphore, #tpu.memory_space<semaphore_mem>>) {add = true}
        %dma_wait3A_869 = arith.constant 0 : i32
        %dma_wait3A_870 = tpu.memref_slice %arg7[%add3A_861, %dma_wait3A_869] : memref<16x128xi32, #tpu.memory_space<vmem>> -> memref<1x128xi32, #tpu.memory_space<vmem>>
        %dma_wait3A_871 = tpu.memref_squeeze %dma_wait3A_870 : memref<1x128xi32, #tpu.memory_space<vmem>> -> memref<128xi32, #tpu.memory_space<vmem>>
        %dma_wait3A_872 = arith.constant 0 : i32
        %dma_wait3A_873 = arith.constant 0 : i32
        %dma_wait3A_874 = tpu.memref_slice %arg13[%dma_wait3A_872, %dma_wait3A_873] : memref<10240x128xf32, #tpu.memory_space<vmem_shared>> -> memref<10240x128xf32, #tpu.memory_space<vmem_shared>>
        tpu.wait_indirect_dma semaphore(%run_scoped3A : memref<!tpu.dma_semaphore, #tpu.memory_space<semaphore_mem>>) src(%arg11 : memref<128x128xf32, #tpu.memory_space<vmem>>) dst(%dma_wait3A_874 : memref<10240x128xf32, #tpu.memory_space<vmem_shared>>)
        tpu.yield
      }) : () -> ()
      %scan3A_862 = arith.constant 0 : i32
      scf.yield %scan3A_862 : i32
    }
    %scan3A_824 = arith.constant 8 : i32
    %barrier3A_825 = arith.constant 0 : index
    tpu.barrier barrier_id(%barrier3A_825)
    %mul3A_826 = arith.constant 640 : i32
    %mul3A_827 = arith.muli %arg1, %mul3A_826 : i32
    %mul3A_828 = arith.constant 640 : i32
    %mul3A_829 = arith.muli %arg1, %mul3A_828 : i32
    "tpu.region"() ({
      %run_scoped3A = tpu.sem_alloc : memref<!tpu.dma_semaphore, #tpu.memory_space<semaphore_mem>>
      %dma_start3A_830 = arith.constant 0 : i32
      %dma_start3A_831 = arith.constant 0 : i32
      %dma_start3A_832 = tpu.memref_slice %arg5[%arg0, %dma_start3A_830, %dma_start3A_831] : memref<2x10240x128xf32, #tpu.memory_space<hbm>> -> memref<1x10240x128xf32, #tpu.memory_space<hbm>>
      %dma_start3A_833 = tpu.memref_squeeze %dma_start3A_832 : memref<1x10240x128xf32, #tpu.memory_space<hbm>> -> memref<10240x128xf32, #tpu.memory_space<hbm>>
      %dma_start3A_834 = arith.constant 0 : i32
      %dma_start3A_835 = tpu.memref_slice %dma_start3A_833[%mul3A_829, %dma_start3A_834] : memref<10240x128xf32, #tpu.memory_space<hbm>> -> memref<640x128xf32, #tpu.memory_space<hbm>>
      %dma_start3A_836 = arith.constant 0 : i32
      %dma_start3A_837 = tpu.memref_slice %arg13[%mul3A_827, %dma_start3A_836] : memref<10240x128xf32, #tpu.memory_space<vmem_shared>> -> memref<640x128xf32, #tpu.memory_space<vmem_shared>>
      tpu.enqueue_dma source(%dma_start3A_837 : memref<640x128xf32, #tpu.memory_space<vmem_shared>>) target(%dma_start3A_835 : memref<640x128xf32, #tpu.memory_space<hbm>>) target_semaphore(%run_scoped3A : memref<!tpu.dma_semaphore, #tpu.memory_space<semaphore_mem>>)
      %dma_wait3A_838 = arith.constant 0 : i32
      %dma_wait3A_839 = arith.constant 0 : i32
      %dma_wait3A_840 = tpu.memref_slice %arg5[%arg0, %dma_wait3A_838, %dma_wait3A_839] : memref<2x10240x128xf32, #tpu.memory_space<hbm>> -> memref<1x10240x128xf32, #tpu.memory_space<hbm>>
      %dma_wait3A_841 = tpu.memref_squeeze %dma_wait3A_840 : memref<1x10240x128xf32, #tpu.memory_space<hbm>> -> memref<10240x128xf32, #tpu.memory_space<hbm>>
      %dma_wait3A_842 = arith.constant 0 : i32
      %dma_wait3A_843 = tpu.memref_slice %dma_wait3A_841[%mul3A_829, %dma_wait3A_842] : memref<10240x128xf32, #tpu.memory_space<hbm>> -> memref<640x128xf32, #tpu.memory_space<hbm>>
      %dma_wait3A_844 = arith.constant 0 : i32
      %dma_wait3A_845 = tpu.memref_slice %arg13[%mul3A_827, %dma_wait3A_844] : memref<10240x128xf32, #tpu.memory_space<vmem_shared>> -> memref<640x128xf32, #tpu.memory_space<vmem_shared>>
      tpu.wait_dma2 semaphore(%run_scoped3A : memref<!tpu.dma_semaphore, #tpu.memory_space<semaphore_mem>>) src(%dma_wait3A_845 : memref<640x128xf32, #tpu.memory_space<vmem_shared>>) dst(%dma_wait3A_843 : memref<640x128xf32, #tpu.memory_space<hbm>>)
      tpu.yield
    }) : () -> ()
    return
  }
}

module attributes {stable_mosaic.version = 14 : i64} {
  func.func @_matmul_body(%arg0: memref<10000x128xf32, #tpu.memory_space<vmem>>, %arg1: memref<128x128xf32, #tpu.memory_space<vmem>>, %arg2: memref<10000x128xf32, #tpu.memory_space<vmem>>) attributes {dimension_semantics = [], scalar_prefetch = 0 : i64, scratch_operands = 0 : i64, tpu.core_type = #tpu.core_type<tc>} {
    %get3A = arith.constant 0 : index
    %get3A_0 = arith.constant 0 : index
    %get3A_1 = vector.load %arg0[%get3A, %get3A_0] : memref<10000x128xf32, #tpu.memory_space<vmem>>, vector<10000x128xf32>
    %get3A_2 = arith.constant 0 : index
    %get3A_3 = arith.constant 0 : index
    %get3A_4 = vector.load %arg1[%get3A_2, %get3A_3] : memref<128x128xf32, #tpu.memory_space<vmem>>, vector<128x128xf32>
    %dot_general3A = arith.constant dense<0.000000e+00> : vector<10000x128xf32>
    %dot_general3A_5 = tpu.matmul %get3A_1, %get3A_4, %dot_general3A {dimension_numbers = #tpu.dot_dimension_numbers<[1], [0], [0], [1], [0, 0, 1, 1], [], []>, transpose_lhs_hint = false} : vector<10000x128xf32>, vector<128x128xf32>, vector<10000x128xf32> -> vector<10000x128xf32>
    %swap3A = arith.constant 0 : index
    %swap3A_6 = arith.constant 0 : index
    %swap3A_7 = vector.load %arg2[%swap3A, %swap3A_6] : memref<10000x128xf32, #tpu.memory_space<vmem>>, vector<10000x128xf32>
    tpu.vector_store %arg2[%swap3A, %swap3A_6], %dot_general3A_5 {strides = array<i32>} : memref<10000x128xf32, #tpu.memory_space<vmem>>, vector<10000x128xf32>,
    return
  }
}

module attributes {stable_mosaic.version = 14 : i64} {
  func.func @_scale_body(%arg0: memref<10000x128xf32, #tpu.memory_space<vmem>>, %arg1: memref<32x10240xf32, #tpu.memory_space<vmem>>, %arg2: memref<10240x128xf32, #tpu.memory_space<vmem>>) attributes {dimension_semantics = [], scalar_prefetch = 0 : i64, scratch_operands = 0 : i64, tpu.core_type = #tpu.core_type<tc>} {
    %get3A = arith.constant 0 : index
    %get3A_0 = arith.constant 0 : index
    %get3A_1 = vector.load %arg1[%get3A, %get3A_0] : memref<32x10240xf32, #tpu.memory_space<vmem>>, vector<32x10240xf32>
    %reduce_sum3A = arith.constant dense<0.000000e+00> : vector<10240xf32>
    %reduce_sum3A_2 = vector.multi_reduction <add>, %get3A_1, %reduce_sum3A [0] : vector<32x10240xf32> to vector<10240xf32>
    %gt3A = arith.constant 0.000000e+00 : f32
    %gt3A_3 = vector.broadcast %gt3A : f32 to vector<10240xf32>
    %gt3A_4 = arith.cmpf ogt, %reduce_sum3A_2, %gt3A_3 : vector<10240xf32>
    %max3A = arith.constant 1.000000e+00 : f32
    %max3A_5 = vector.broadcast %max3A : f32 to vector<10240xf32>
    %max3A_6 = arith.maximumf %reduce_sum3A_2, %max3A_5 : vector<10240xf32>
    %rsqrt3A = math.rsqrt %max3A_6 : vector<10240xf32>
    %jit3A = arith.constant 0.000000e+00 : f32
    %broadcast_in_dim3A = vector.broadcast %jit3A : f32 to vector<10240xf32>
    %select_n3A = arith.select %gt3A_4, %rsqrt3A, %broadcast_in_dim3A : vector<10240xi1>, vector<10240xf32>
    %slice3A = vector.extract_strided_slice %select_n3A {offsets = [0], sizes = [10000], strides = [1]} : vector<10240xf32> to vector<10000xf32>
    %reshape3A = vector.shape_cast %slice3A : vector<10000xf32> to vector<10000x1xf32>
    %get3A_7 = arith.constant 0 : index
    %get3A_8 = arith.constant 0 : index
    %get3A_9 = vector.load %arg0[%get3A_7, %get3A_8] : memref<10000x128xf32, #tpu.memory_space<vmem>>, vector<10000x128xf32>
    %mul3A = vector.broadcast %reshape3A : vector<10000x1xf32> to vector<10000x128xf32>
    %mul3A_10 = arith.mulf %get3A_9, %mul3A : vector<10000x128xf32>
    %swap3A = arith.constant 0 : index
    %swap3A_11 = arith.constant 0 : index
    %swap3A_12 = vector.load %arg2[%swap3A, %swap3A_11] : memref<10240x128xf32, #tpu.memory_space<vmem>>, vector<10000x128xf32>
    tpu.vector_store %arg2[%swap3A, %swap3A_11], %mul3A_10 {strides = array<i32>} : memref<10240x128xf32, #tpu.memory_space<vmem>>, vector<10000x128xf32>,
    %broadcast_in_dim3A_13 = arith.constant 0.000000e+00 : f32
    %broadcast_in_dim3A_14 = vector.broadcast %broadcast_in_dim3A_13 : f32 to vector<240x128xf32>
    %swap3A_15 = arith.constant 10000 : index
    %swap3A_16 = arith.constant 0 : index
    %swap3A_17 = vector.load %arg2[%swap3A_15, %swap3A_16] : memref<10240x128xf32, #tpu.memory_space<vmem>>, vector<240x128xf32>
    tpu.vector_store %arg2[%swap3A_15, %swap3A_16], %broadcast_in_dim3A_14 {strides = array<i32>} : memref<10240x128xf32, #tpu.memory_space<vmem>>, vector<240x128xf32>,
    return
  }
}

module attributes {stable_mosaic.version = 14 : i64} {
  func.func @_norms_body(%arg0: memref<32x10240xf32, #tpu.memory_space<vmem>>, %arg1: memref<32x10240xf32, #tpu.memory_space<vmem>>, %arg2: memref<10240xf32, #tpu.memory_space<vmem>>, %arg3: memref<10240xf32, #tpu.memory_space<vmem>>) attributes {dimension_semantics = [], scalar_prefetch = 0 : i64, scratch_operands = 0 : i64, tpu.core_type = #tpu.core_type<tc>} {
    %get3A = arith.constant 0 : index
    %get3A_0 = arith.constant 0 : index
    %get3A_1 = vector.load %arg0[%get3A, %get3A_0] : memref<32x10240xf32, #tpu.memory_space<vmem>>, vector<32x10240xf32>
    %reduce_sum3A = arith.constant dense<0.000000e+00> : vector<10240xf32>
    %reduce_sum3A_2 = vector.multi_reduction <add>, %get3A_1, %reduce_sum3A [0] : vector<32x10240xf32> to vector<10240xf32>
    %get3A_3 = arith.constant 0 : index
    %get3A_4 = arith.constant 0 : index
    %get3A_5 = vector.load %arg1[%get3A_3, %get3A_4] : memref<32x10240xf32, #tpu.memory_space<vmem>>, vector<32x10240xf32>
    %reduce_sum3A_6 = arith.constant dense<0.000000e+00> : vector<10240xf32>
    %reduce_sum3A_7 = vector.multi_reduction <add>, %get3A_5, %reduce_sum3A_6 [0] : vector<32x10240xf32> to vector<10240xf32>
    %gt3A = arith.constant 0.000000e+00 : f32
    %gt3A_8 = vector.broadcast %gt3A : f32 to vector<10240xf32>
    %gt3A_9 = arith.cmpf ogt, %reduce_sum3A_2, %gt3A_8 : vector<10240xf32>
    %max3A = arith.constant 1.000000e+00 : f32
    %max3A_10 = vector.broadcast %max3A : f32 to vector<10240xf32>
    %max3A_11 = arith.maximumf %reduce_sum3A_2, %max3A_10 : vector<10240xf32>
    %rsqrt3A = math.rsqrt %max3A_11 : vector<10240xf32>
    %jit3A = arith.constant 0.000000e+00 : f32
    %broadcast_in_dim3A = vector.broadcast %jit3A : f32 to vector<10240xf32>
    %select_n3A = arith.select %gt3A_9, %rsqrt3A, %broadcast_in_dim3A : vector<10240xi1>, vector<10240xf32>
    %swap3A = arith.constant 0 : index
    %swap3A_12 = vector.load %arg2[%swap3A] : memref<10240xf32, #tpu.memory_space<vmem>>, vector<10240xf32>
    tpu.vector_store %arg2[%swap3A], %select_n3A {strides = array<i32>} : memref<10240xf32, #tpu.memory_space<vmem>>, vector<10240xf32>,
    %gt3A_13 = arith.constant 0.000000e+00 : f32
    %gt3A_14 = vector.broadcast %gt3A_13 : f32 to vector<10240xf32>
    %gt3A_15 = arith.cmpf ogt, %reduce_sum3A_7, %gt3A_14 : vector<10240xf32>
    %max3A_16 = arith.constant 1.000000e+00 : f32
    %max3A_17 = vector.broadcast %max3A_16 : f32 to vector<10240xf32>
    %max3A_18 = arith.maximumf %reduce_sum3A_7, %max3A_17 : vector<10240xf32>
    %rsqrt3A_19 = math.rsqrt %max3A_18 : vector<10240xf32>
    %jit3A_20 = arith.constant 0.000000e+00 : f32
    %broadcast_in_dim3A_21 = vector.broadcast %jit3A_20 : f32 to vector<10240xf32>
    %select_n3A_22 = arith.select %gt3A_15, %rsqrt3A_19, %broadcast_in_dim3A_21 : vector<10240xi1>, vector<10240xf32>
    %swap3A_23 = arith.constant 0 : index
    %swap3A_24 = vector.load %arg3[%swap3A_23] : memref<10240xf32, #tpu.memory_space<vmem>>, vector<10240xf32>
    tpu.vector_store %arg3[%swap3A_23], %select_n3A_22 {strides = array<i32>} : memref<10240xf32, #tpu.memory_space<vmem>>, vector<10240xf32>,
    return
  }
}

module attributes {stable_mosaic.version = 14 : i64} {
  func.func @_mid_body(%arg0: memref<2x10240x128xf32, #tpu.memory_space<vmem>>, %arg1: memref<10240x1xf32, #tpu.memory_space<vmem>>, %arg2: memref<10000x1xf32, #tpu.memory_space<vmem>>, %arg3: memref<128xf32, #tpu.memory_space<vmem>>, %arg4: memref<128xf32, #tpu.memory_space<vmem>>, %arg5: memref<128xf32, #tpu.memory_space<vmem>>, %arg6: memref<10000x128xf32, #tpu.memory_space<vmem>>, %arg7: memref<10240x1xf32, #tpu.memory_space<vmem>>, %arg8: memref<128x128xf32, #tpu.memory_space<vmem>>, %arg9: memref<10240x128xf32, #tpu.memory_space<vmem>>, %arg10: memref<10000x128xf32, #tpu.memory_space<vmem>>) attributes {dimension_semantics = [], scalar_prefetch = 0 : i64, scratch_operands = 0 : i64, tpu.core_type = #tpu.core_type<tc>} {
    %get3A = arith.constant 0 : index
    %get3A_0 = arith.constant 0 : index
    %get3A_1 = vector.load %arg6[%get3A, %get3A_0] : memref<10000x128xf32, #tpu.memory_space<vmem>>, vector<10000x128xf32>
    %get3A_2 = arith.constant 0 : index
    %get3A_3 = arith.constant 0 : index
    %get3A_4 = arith.constant 0 : index
    %get3A_5 = vector.load %arg0[%get3A_2, %get3A_3, %get3A_4] : memref<2x10240x128xf32, #tpu.memory_space<vmem>>, vector<1x10000x128xf32>
    %get3A_6 = vector.shape_cast %get3A_5 : vector<1x10000x128xf32> to vector<10000x128xf32>
    %get3A_7 = arith.constant 1 : index
    %get3A_8 = arith.constant 0 : index
    %get3A_9 = arith.constant 0 : index
    %get3A_10 = vector.load %arg0[%get3A_7, %get3A_8, %get3A_9] : memref<2x10240x128xf32, #tpu.memory_space<vmem>>, vector<1x10000x128xf32>
    %get3A_11 = vector.shape_cast %get3A_10 : vector<1x10000x128xf32> to vector<10000x128xf32>
    %add3A = arith.addf %get3A_6, %get3A_11 : vector<10000x128xf32>
    %get3A_12 = arith.constant 0 : index
    %get3A_13 = arith.constant 0 : index
    %get3A_14 = vector.load %arg1[%get3A_12, %get3A_13] : memref<10240x1xf32, #tpu.memory_space<vmem>>, vector<10000x1xf32>
    %mul3A = vector.broadcast %get3A_14 : vector<10000x1xf32> to vector<10000x128xf32>
    %mul3A_15 = arith.mulf %add3A, %mul3A : vector<10000x128xf32>
    %get3A_16 = arith.constant 0 : index
    %get3A_17 = vector.load %arg3[%get3A_16] : memref<128xf32, #tpu.memory_space<vmem>>, vector<128xf32>
    %broadcast_in_dim3A = vector.shape_cast %get3A_17 : vector<128xf32> to vector<1x128xf32>
    %add3A_18 = vector.broadcast %broadcast_in_dim3A : vector<1x128xf32> to vector<10000x128xf32>
    %add3A_19 = arith.addf %mul3A_15, %add3A_18 : vector<10000x128xf32>
    %get3A_20 = arith.constant 0 : index
    %get3A_21 = arith.constant 0 : index
    %get3A_22 = vector.load %arg2[%get3A_20, %get3A_21] : memref<10000x1xf32, #tpu.memory_space<vmem>>, vector<10000x1xf32>
    %mul3A_23 = vector.broadcast %get3A_22 : vector<10000x1xf32> to vector<10000x128xf32>
    %mul3A_24 = arith.mulf %add3A_19, %mul3A_23 : vector<10000x128xf32>
    %reduce_sum3A = arith.constant dense<0.000000e+00> : vector<128xf32>
    %reduce_sum3A_25 = vector.multi_reduction <add>, %mul3A_24, %reduce_sum3A [0] : vector<10000x128xf32> to vector<128xf32>
    %div3A = arith.constant 1.000000e+04 : f32
    %div3A_26 = vector.broadcast %div3A : f32 to vector<128xf32>
    %div3A_27 = arith.divf %reduce_sum3A_25, %div3A_26 : vector<128xf32>
    %broadcast_in_dim3A_28 = vector.shape_cast %div3A_27 : vector<128xf32> to vector<1x128xf32>
    %sub3A = vector.broadcast %broadcast_in_dim3A_28 : vector<1x128xf32> to vector<10000x128xf32>
    %sub3A_29 = arith.subf %mul3A_24, %sub3A : vector<10000x128xf32>
    %integer_pow3A = arith.mulf %sub3A_29, %sub3A_29 : vector<10000x128xf32>
    %reduce_sum3A_30 = arith.constant dense<0.000000e+00> : vector<128xf32>
    %reduce_sum3A_31 = vector.multi_reduction <add>, %integer_pow3A, %reduce_sum3A_30 [0] : vector<10000x128xf32> to vector<128xf32>
    %div3A_32 = arith.constant 1.000000e+04 : f32
    %div3A_33 = vector.broadcast %div3A_32 : f32 to vector<128xf32>
    %div3A_34 = arith.divf %reduce_sum3A_31, %div3A_33 : vector<128xf32>
    %broadcast_in_dim3A_35 = vector.shape_cast %div3A_27 : vector<128xf32> to vector<1x128xf32>
    %sub3A_36 = vector.broadcast %broadcast_in_dim3A_35 : vector<1x128xf32> to vector<10000x128xf32>
    %sub3A_37 = arith.subf %mul3A_24, %sub3A_36 : vector<10000x128xf32>
    %add3A_38 = arith.constant 9.99999974E-6 : f32
    %add3A_39 = vector.broadcast %add3A_38 : f32 to vector<128xf32>
    %add3A_40 = arith.addf %div3A_34, %add3A_39 : vector<128xf32>
    %rsqrt3A = math.rsqrt %add3A_40 : vector<128xf32>
    %broadcast_in_dim3A_41 = vector.shape_cast %rsqrt3A : vector<128xf32> to vector<1x128xf32>
    %mul3A_42 = vector.broadcast %broadcast_in_dim3A_41 : vector<1x128xf32> to vector<10000x128xf32>
    %mul3A_43 = arith.mulf %sub3A_37, %mul3A_42 : vector<10000x128xf32>
    %get3A_44 = arith.constant 0 : index
    %get3A_45 = vector.load %arg4[%get3A_44] : memref<128xf32, #tpu.memory_space<vmem>>, vector<128xf32>
    %broadcast_in_dim3A_46 = vector.shape_cast %get3A_45 : vector<128xf32> to vector<1x128xf32>
    %mul3A_47 = vector.broadcast %broadcast_in_dim3A_46 : vector<1x128xf32> to vector<10000x128xf32>
    %mul3A_48 = arith.mulf %mul3A_43, %mul3A_47 : vector<10000x128xf32>
    %get3A_49 = arith.constant 0 : index
    %get3A_50 = vector.load %arg5[%get3A_49] : memref<128xf32, #tpu.memory_space<vmem>>, vector<128xf32>
    %broadcast_in_dim3A_51 = vector.shape_cast %get3A_50 : vector<128xf32> to vector<1x128xf32>
    %add3A_52 = vector.broadcast %broadcast_in_dim3A_51 : vector<1x128xf32> to vector<10000x128xf32>
    %add3A_53 = arith.addf %mul3A_48, %add3A_52 : vector<10000x128xf32>
    %max3A = arith.constant 0.000000e+00 : f32
    %max3A_54 = vector.broadcast %max3A : f32 to vector<10000x128xf32>
    %max3A_55 = arith.maximumf %add3A_53, %max3A_54 : vector<10000x128xf32>
    %add3A_56 = arith.addf %get3A_1, %max3A_55 : vector<10000x128xf32>
    %swap3A = arith.constant 0 : index
    %swap3A_57 = arith.constant 0 : index
    %swap3A_58 = vector.load %arg10[%swap3A, %swap3A_57] : memref<10000x128xf32, #tpu.memory_space<vmem>>, vector<10000x128xf32>
    tpu.vector_store %arg10[%swap3A, %swap3A_57], %add3A_56 {strides = array<i32>} : memref<10000x128xf32, #tpu.memory_space<vmem>>, vector<10000x128xf32>,
    %get3A_59 = arith.constant 0 : index
    %get3A_60 = arith.constant 0 : index
    %get3A_61 = vector.load %arg8[%get3A_59, %get3A_60] : memref<128x128xf32, #tpu.memory_space<vmem>>, vector<128x128xf32>
    %dot_general3A = arith.constant dense<0.000000e+00> : vector<10000x128xf32>
    %dot_general3A_62 = tpu.matmul %add3A_56, %get3A_61, %dot_general3A {dimension_numbers = #tpu.dot_dimension_numbers<[1], [0], [0], [1], [0, 0, 1, 1], [], []>, transpose_lhs_hint = false} : vector<10000x128xf32>, vector<128x128xf32>, vector<10000x128xf32> -> vector<10000x128xf32>
    %get3A_63 = arith.constant 0 : index
    %get3A_64 = arith.constant 0 : index
    %get3A_65 = vector.load %arg7[%get3A_63, %get3A_64] : memref<10240x1xf32, #tpu.memory_space<vmem>>, vector<10000x1xf32>
    %mul3A_66 = vector.broadcast %get3A_65 : vector<10000x1xf32> to vector<10000x128xf32>
    %mul3A_67 = arith.mulf %dot_general3A_62, %mul3A_66 : vector<10000x128xf32>
    %swap3A_68 = arith.constant 0 : index
    %swap3A_69 = arith.constant 0 : index
    %swap3A_70 = vector.load %arg9[%swap3A_68, %swap3A_69] : memref<10240x128xf32, #tpu.memory_space<vmem>>, vector<10000x128xf32>
    tpu.vector_store %arg9[%swap3A_68, %swap3A_69], %mul3A_67 {strides = array<i32>} : memref<10240x128xf32, #tpu.memory_space<vmem>>, vector<10000x128xf32>,
    %broadcast_in_dim3A_71 = arith.constant 0.000000e+00 : f32
    %broadcast_in_dim3A_72 = vector.broadcast %broadcast_in_dim3A_71 : f32 to vector<240x128xf32>
    %swap3A_73 = arith.constant 10000 : index
    %swap3A_74 = arith.constant 0 : index
    %swap3A_75 = vector.load %arg9[%swap3A_73, %swap3A_74] : memref<10240x128xf32, #tpu.memory_space<vmem>>, vector<240x128xf32>
    tpu.vector_store %arg9[%swap3A_73, %swap3A_74], %broadcast_in_dim3A_72 {strides = array<i32>} : memref<10240x128xf32, #tpu.memory_space<vmem>>, vector<240x128xf32>,
    return
  }
}

module attributes {stable_mosaic.version = 14 : i64} {
  func.func @_final_body(%arg0: memref<2x10240x128xf32, #tpu.memory_space<vmem>>, %arg1: memref<10240x1xf32, #tpu.memory_space<vmem>>, %arg2: memref<10000x1xf32, #tpu.memory_space<vmem>>, %arg3: memref<128xf32, #tpu.memory_space<vmem>>, %arg4: memref<128xf32, #tpu.memory_space<vmem>>, %arg5: memref<128xf32, #tpu.memory_space<vmem>>, %arg6: memref<10000x128xf32, #tpu.memory_space<vmem>>, %arg7: memref<1x128xf32, #tpu.memory_space<vmem>>) attributes {dimension_semantics = [], scalar_prefetch = 0 : i64, scratch_operands = 0 : i64, tpu.core_type = #tpu.core_type<tc>} {
    %get3A = arith.constant 0 : index
    %get3A_0 = arith.constant 0 : index
    %get3A_1 = vector.load %arg6[%get3A, %get3A_0] : memref<10000x128xf32, #tpu.memory_space<vmem>>, vector<10000x128xf32>
    %get3A_2 = arith.constant 0 : index
    %get3A_3 = arith.constant 0 : index
    %get3A_4 = arith.constant 0 : index
    %get3A_5 = vector.load %arg0[%get3A_2, %get3A_3, %get3A_4] : memref<2x10240x128xf32, #tpu.memory_space<vmem>>, vector<1x10000x128xf32>
    %get3A_6 = vector.shape_cast %get3A_5 : vector<1x10000x128xf32> to vector<10000x128xf32>
    %get3A_7 = arith.constant 1 : index
    %get3A_8 = arith.constant 0 : index
    %get3A_9 = arith.constant 0 : index
    %get3A_10 = vector.load %arg0[%get3A_7, %get3A_8, %get3A_9] : memref<2x10240x128xf32, #tpu.memory_space<vmem>>, vector<1x10000x128xf32>
    %get3A_11 = vector.shape_cast %get3A_10 : vector<1x10000x128xf32> to vector<10000x128xf32>
    %add3A = arith.addf %get3A_6, %get3A_11 : vector<10000x128xf32>
    %get3A_12 = arith.constant 0 : index
    %get3A_13 = arith.constant 0 : index
    %get3A_14 = vector.load %arg1[%get3A_12, %get3A_13] : memref<10240x1xf32, #tpu.memory_space<vmem>>, vector<10000x1xf32>
    %mul3A = vector.broadcast %get3A_14 : vector<10000x1xf32> to vector<10000x128xf32>
    %mul3A_15 = arith.mulf %add3A, %mul3A : vector<10000x128xf32>
    %get3A_16 = arith.constant 0 : index
    %get3A_17 = vector.load %arg3[%get3A_16] : memref<128xf32, #tpu.memory_space<vmem>>, vector<128xf32>
    %broadcast_in_dim3A = vector.shape_cast %get3A_17 : vector<128xf32> to vector<1x128xf32>
    %add3A_18 = vector.broadcast %broadcast_in_dim3A : vector<1x128xf32> to vector<10000x128xf32>
    %add3A_19 = arith.addf %mul3A_15, %add3A_18 : vector<10000x128xf32>
    %get3A_20 = arith.constant 0 : index
    %get3A_21 = arith.constant 0 : index
    %get3A_22 = vector.load %arg2[%get3A_20, %get3A_21] : memref<10000x1xf32, #tpu.memory_space<vmem>>, vector<10000x1xf32>
    %mul3A_23 = vector.broadcast %get3A_22 : vector<10000x1xf32> to vector<10000x128xf32>
    %mul3A_24 = arith.mulf %add3A_19, %mul3A_23 : vector<10000x128xf32>
    %reduce_sum3A = arith.constant dense<0.000000e+00> : vector<128xf32>
    %reduce_sum3A_25 = vector.multi_reduction <add>, %mul3A_24, %reduce_sum3A [0] : vector<10000x128xf32> to vector<128xf32>
    %div3A = arith.constant 1.000000e+04 : f32
    %div3A_26 = vector.broadcast %div3A : f32 to vector<128xf32>
    %div3A_27 = arith.divf %reduce_sum3A_25, %div3A_26 : vector<128xf32>
    %broadcast_in_dim3A_28 = vector.shape_cast %div3A_27 : vector<128xf32> to vector<1x128xf32>
    %sub3A = vector.broadcast %broadcast_in_dim3A_28 : vector<1x128xf32> to vector<10000x128xf32>
    %sub3A_29 = arith.subf %mul3A_24, %sub3A : vector<10000x128xf32>
    %integer_pow3A = arith.mulf %sub3A_29, %sub3A_29 : vector<10000x128xf32>
    %reduce_sum3A_30 = arith.constant dense<0.000000e+00> : vector<128xf32>
    %reduce_sum3A_31 = vector.multi_reduction <add>, %integer_pow3A, %reduce_sum3A_30 [0] : vector<10000x128xf32> to vector<128xf32>
    %div3A_32 = arith.constant 1.000000e+04 : f32
    %div3A_33 = vector.broadcast %div3A_32 : f32 to vector<128xf32>
    %div3A_34 = arith.divf %reduce_sum3A_31, %div3A_33 : vector<128xf32>
    %broadcast_in_dim3A_35 = vector.shape_cast %div3A_27 : vector<128xf32> to vector<1x128xf32>
    %sub3A_36 = vector.broadcast %broadcast_in_dim3A_35 : vector<1x128xf32> to vector<10000x128xf32>
    %sub3A_37 = arith.subf %mul3A_24, %sub3A_36 : vector<10000x128xf32>
    %add3A_38 = arith.constant 9.99999974E-6 : f32
    %add3A_39 = vector.broadcast %add3A_38 : f32 to vector<128xf32>
    %add3A_40 = arith.addf %div3A_34, %add3A_39 : vector<128xf32>
    %rsqrt3A = math.rsqrt %add3A_40 : vector<128xf32>
    %broadcast_in_dim3A_41 = vector.shape_cast %rsqrt3A : vector<128xf32> to vector<1x128xf32>
    %mul3A_42 = vector.broadcast %broadcast_in_dim3A_41 : vector<1x128xf32> to vector<10000x128xf32>
    %mul3A_43 = arith.mulf %sub3A_37, %mul3A_42 : vector<10000x128xf32>
    %get3A_44 = arith.constant 0 : index
    %get3A_45 = vector.load %arg4[%get3A_44] : memref<128xf32, #tpu.memory_space<vmem>>, vector<128xf32>
    %broadcast_in_dim3A_46 = vector.shape_cast %get3A_45 : vector<128xf32> to vector<1x128xf32>
    %mul3A_47 = vector.broadcast %broadcast_in_dim3A_46 : vector<1x128xf32> to vector<10000x128xf32>
    %mul3A_48 = arith.mulf %mul3A_43, %mul3A_47 : vector<10000x128xf32>
    %get3A_49 = arith.constant 0 : index
    %get3A_50 = vector.load %arg5[%get3A_49] : memref<128xf32, #tpu.memory_space<vmem>>, vector<128xf32>
    %broadcast_in_dim3A_51 = vector.shape_cast %get3A_50 : vector<128xf32> to vector<1x128xf32>
    %add3A_52 = vector.broadcast %broadcast_in_dim3A_51 : vector<1x128xf32> to vector<10000x128xf32>
    %add3A_53 = arith.addf %mul3A_48, %add3A_52 : vector<10000x128xf32>
    %max3A = arith.constant 0.000000e+00 : f32
    %max3A_54 = vector.broadcast %max3A : f32 to vector<10000x128xf32>
    %max3A_55 = arith.maximumf %add3A_53, %max3A_54 : vector<10000x128xf32>
    %add3A_56 = arith.addf %get3A_1, %max3A_55 : vector<10000x128xf32>
    %reduce_sum3A_57 = arith.constant dense<0.000000e+00> : vector<128xf32>
    %reduce_sum3A_58 = vector.multi_reduction <add>, %add3A_56, %reduce_sum3A_57 [0] : vector<10000x128xf32> to vector<128xf32>
    %broadcast_in_dim3A_59 = vector.shape_cast %reduce_sum3A_58 : vector<128xf32> to vector<1x128xf32>
    %div3A_60 = arith.constant 1.000000e+04 : f32
    %div3A_61 = vector.broadcast %div3A_60 : f32 to vector<1x128xf32>
    %div3A_62 = arith.divf %broadcast_in_dim3A_59, %div3A_61 : vector<1x128xf32>
    %swap3A = arith.constant 0 : index
    %swap3A_63 = arith.constant 0 : index
    %swap3A_64 = vector.load %arg7[%swap3A, %swap3A_63] : memref<1x128xf32, #tpu.memory_space<vmem>>, vector<1x128xf32>
    tpu.vector_store %arg7[%swap3A, %swap3A_63], %div3A_62 {strides = array<i32>} : memref<1x128xf32, #tpu.memory_space<vmem>>, vector<1x128xf32>,
    return
  }
}

</mosaic_0001>

<sc_bundles>
// kernel: kernel.10.cloned.1.call-start
scs
__scs_entry_jumppad:
0x0: {  	(pc) =	sbr.rel $0x88, $3  }
0x1: {  	(tag) =	ssettag $0x0;
	lr =	simm.s32 $0x1  }
0x2: {  	[smem:$0x3F96] =	sst lr;
	_ =	strace $0xD0000000  }
0x3: {  	_ = 	snop  }
0x4: {  	_ = 	snop  }
0x5: {  	_ = 	snop  }
0x6: {  	_ = 	snop  }
0x7: {  	_ = 	snop  }
__scs_overlays_trampoline_lowered:
0x8: {  	[smem:$0x3FA5] =	sst s0  }
0x9: {  	[smem:$0x3FA6] =	sst s1  }
0xa: {  	[smem:$0x3FA7] =	sst s2  }
0xb: {  	[smem:$0x3FA8] =	sst s3  }
0xc: {  	[smem:$0x3FA9] =	sst s4  }
0xd: {  	[smem:$0x3FAA] =	sst s5  }
0xe: {  	[smem:$0x3FAB] =	sst s6  }
0xf: {  	[smem:$0x3FAC] =	sst s7  }
0x10: {  	[smem:$0x3FAD] =	sst s8  }
0x11: {  	[smem:$0x3FAE] =	sst s9;
	s0 =	simm.s32 @!p0 $0x0  }
0x12: {  	s1 =	sld [smem:$0x3F94];
	s0 =	simm.s32 @p0 $0x1  }
0x13: {  	[smem:$0x3FAF] =	sst s0;
	s0 =	simm.s32 @!p1 $0x0  }
0x14: {  	s2 =	sld [smem:$0x3F93];
	s0 =	simm.s32 @p1 $0x1  }
0x15: {  	[smem:$0x3FB0] =	sst s0;
	s0 =	simm.s32 @!p2 $0x0  }
0x16: {  	s3 =	sld [smem:$0x3FDB];
	s0 =	simm.s32 @p2 $0x1  }
0x17: {  	s4 =	simm.s32 $0x1BF5;
	[smem:$0x3FB2] =	sst s0  }
0x18: {  	s0 =	sld [smem:$0x3F95];
	_ =	swait.ge [sflag:s4], $0x0  }
0x19: {  	s7 =	sld [smem:$0x3F96]  }
0x1a: {  	s8 =	sadd.s32 $0xFFFFE003, lr  }
0x1b: {  	s9 =	sadd.s32 $0xFFFFFEF7, lr;
	s5 =	simm.s32 $0xFFFFFFFF;
	p2 =	slt.u32 s8, $0xFFFFF086  }
0x1c: {  	p1 =	slt.u32 s9, $0xF7A;
	s5 =	simm.s32 @!p2 $0x0  }
0x1d: {  	s5 =	simm.s32 @p1 $0x1;
	p0 =	seq.s32 s7, s2  }
0x1e: {  	s7 =	smul.u32 @!p0 $0xF7A, s2;
	p2 =	seq.s32 @!p0 s5, $0x0  }
0x1f: {  	s9 =	smul.u32 $0xF7A, s1;
	s8 =	simm.s32 @!p0 $0x1BF5;
	p2 =	por !p2, p0  }
0x20: {  	[sflag:s8] =	ssyncset.s32 @!p0 $0xFFFFF086;
	s6 =	sadd.s32 @!p0 s3, s7;
	s7 =	simm.s32 @!p0 $0x108  }
0x21: {  	s3 =	sadd.s32 s3, s9;
	s6 =	sadd.s32 @!p0 $0x88, s6;
	s7 =	simm.s32 @p2 $0x1082  }
0x22: {  	[simem:s7], [sflag:s8] =	dma.local @!p0 [hbm:s6], $0xF7A  }
0x23: {  	s9 =	sor.u32 $0xD0000000, s2;
	s6 =	simm.s32 $0x108;
	_ =	swait.ge @!p0 [sflag:s8], $0x0  }
0x24: {  	s3 =	sadd.s32 $0x88, s3;
	s6 =	simm.s32 @!p1 $0x1082;
	[sflag:s4] =	ssyncset.s32 $0xFFFFF086  }
0x25: {  	[simem:s6], [sflag:s4] =	dma.local [hbm:s3], $0xF7A  }
0x26: {  	[smem:$0x3F96] =	sst s1;
	(tag) =	ssettag s2;
	_ =	strace s9  }
0x27: {  	s1 =	sld [smem:$0x3FA6]  }
0x28: {  	s2 =	sld [smem:$0x3FA7]  }
0x29: {  	s4 =	sld [smem:$0x3FA9]  }
0x2a: {  	p0 =	seq.s32 s5, $0x0;
	s5 =	sld [smem:$0x3FAA]  }
0x2b: {  	s6 =	sld [smem:$0x3FAB]  }
0x2c: {  	s7 =	sld [smem:$0x3FAC]  }
0x2d: {  	s3 =	simm.s32 $0x108;
	s8 =	sld [smem:$0x3FAD]  }
0x2e: {  	s3 =	simm.s32 @!p0 $0x1082;
	s9 =	sld [smem:$0x3FAE]  }
0x2f: {  	lr =	sadd.s32 s0, s3;
	s0 =	sld [smem:$0x3FA5]  }
0x30: {  	s3 =	sld [smem:$0x3FA8]  }
0x31: {  	[smem:$0x3FB1] =	sst s10  }
0x32: {  	s10 =	sld [smem:$0x3FAF];
	_ =	sdelay $0x3  }
0x33: {  	p0 =	seq.s32 s10, $0x1;
	s10 =	sld [smem:$0x3FB1];
	_ =	sdelay $0x3  }
0x34: {  	[smem:$0x3FB1] =	sst s10  }
0x35: {  	s10 =	sld [smem:$0x3FB0];
	_ =	sdelay $0x3  }
0x36: {  	p1 =	seq.s32 s10, $0x1;
	s10 =	sld [smem:$0x3FB1];
	_ =	sdelay $0x3  }
0x37: {  	[smem:$0x3FB1] =	sst s10  }
0x38: {  	s10 =	sld [smem:$0x3FB2]  }
0x39: {  	_ = 	snop;
	(pc) =	sbr.ind lr, $3  }
0x3a: {  	_ = 	snop  }
0x3b: {  	_ = 	snop  }
0x3c: {  	p2 =	seq.s32 s10, $0x1;
	s10 =	sld [smem:$0x3FB1]  }
0x3d: {  	_ =	shalt  }
0x3e: {  	_ =	shalt  }
0x3f: {  	_ =	shalt  }
0x40: {  	_ =	shalt  }
0x41: {  	_ =	shalt  }
0x42: {  	_ =	shalt  }
0x43: {  	_ =	shalt  }
0x44: {  	_ =	shalt  }
0x45: {  	_ =	shalt  }
0x46: {  	_ =	shalt  }
0x47: {  	_ =	shalt  }
0x48: {  	_ =	shalt  }
0x49: {  	_ =	shalt  }
0x4a: {  	_ =	shalt  }
0x4b: {  	_ =	shalt  }
0x4c: {  	_ =	shalt  }
0x4d: {  	_ =	shalt  }
0x4e: {  	_ =	shalt  }
0x4f: {  	_ =	shalt  }
0x50: {  	_ =	shalt  }
0x51: {  	_ =	shalt  }
0x52: {  	_ =	shalt  }
0x53: {  	_ =	shalt  }
0x54: {  	_ =	shalt  }
0x55: {  	_ =	shalt  }
0x56: {  	_ =	shalt  }
0x57: {  	_ =	shalt  }
0x58: {  	_ =	shalt  }
0x59: {  	_ =	shalt  }
0x5a: {  	_ =	shalt  }
0x5b: {  	_ =	shalt  }
0x5c: {  	_ =	shalt  }
0x5d: {  	_ =	shalt  }
0x5e: {  	_ =	shalt  }
0x5f: {  	_ =	shalt  }
0x60: {  	_ =	shalt  }
0x61: {  	_ =	shalt  }
0x62: {  	_ =	shalt  }
0x63: {  	_ =	shalt  }
0x64: {  	_ =	shalt  }
0x65: {  	_ =	shalt  }
0x66: {  	_ =	shalt  }
0x67: {  	_ =	shalt  }
0x68: {  	_ =	shalt  }
0x69: {  	_ =	shalt  }
0x6a: {  	_ =	shalt  }
0x6b: {  	_ =	shalt  }
0x6c: {  	_ =	shalt  }
0x6d: {  	_ =	shalt  }
0x6e: {  	_ =	shalt  }
0x6f: {  	_ =	shalt  }
0x70: {  	_ =	shalt  }
0x71: {  	_ =	shalt  }
0x72: {  	_ =	shalt  }
0x73: {  	_ =	shalt  }
0x74: {  	_ =	shalt  }
0x75: {  	_ =	shalt  }
0x76: {  	_ =	shalt  }
0x77: {  	_ =	shalt  }
0x78: {  	_ =	shalt  }
0x79: {  	_ =	shalt  }
0x7a: {  	_ =	shalt  }
0x7b: {  	_ =	shalt  }
0x7c: {  	_ =	shalt  }
0x7d: {  	_ =	shalt  }
0x7e: {  	_ =	shalt  }
0x7f: {  	_ =	shalt  }
0x80: {  	_ =	shalt  }
0x81: {  	_ =	shalt  }
0x82: {  	_ =	shalt  }
0x83: {  	_ =	shalt  }
0x84: {  	_ =	shalt  }
0x85: {  	_ =	shalt  }
0x86: {  	_ =	shalt  }
0x87: {  	_ =	shalt  }
.Lfunc_end0:
.L_simem_size_0:
called_computation_lowered:
.L_overlay_start_0:
0x88: {  	s2 =	sld [smem:$0x3FD9]  }
0x89: {  	s3 =	sld [smem:$0x3FFE];
	_ =	sdelay $0x1  }
0x8a: {  	s1 =	srdreg.scid  }
0x8b: {  	s0 =	sand.u32 $0x1, s1  }
0x8c: {  	s16 =	sshll.u32 s0, $0xA;
	s2 =	sadd.s32 s3, s2  }
0x8d: {  	s2 =	sadd.s32 s2, s16  }
0x8e: {  	[smem:$0x3FBD] =	sst s2  }
0x8f: {  	_ = 	snop  }
0x90: {  	(tm) =	ssettm $0x1  }
0x91: {  	s17 =	sld [smem:$0x3FFB];
	_ =	sdelay $0x3  }
0x92: {  	_ =	strace s17  }
0x93: {  	s2 =	sld [smem:$0x3FFC];
	_ =	sdelay $0x3  }
0x94: {  	_ =	strace s2  }
0x95: {  	s2 =	sld [smem:$0x3FFD];
	_ =	sdelay $0x3  }
0x96: {  	_ =	strace s2  }
0x97: {  	_ =	strace $0x8FFFFFFF  }
0x98: {  	s18 =	sld [smem:$0x3FDB];
	_ =	sdelay $0x1  }
0x99: {  	s19 =	simm.s32 $_scs_section_size  }
0x9a: {  	s4 =	simm.s32 $_size__tile_overlayer_lowered;
	s5 =	simm.s32 $_tile_overlayer_lowered  }
0x9b: {  	s22 =	simm.s32 $0x1BFF;
	s21 =	sshll.u32 s5, $0x1;
	s2 =	sadd.s32 s19, s18  }
0x9c: {  	s6 =	simm.s32 $0x0;
	s20 =	sshll.u32 s4, $0x1;
	s4 =	sadd.s32 s21, s2  }
0x9d: {  	[timem:s6], [sflag:s22] =	dma.local [hbm:s4], s20  }
0x9e: {  	_ =	swait.ge [sflag:s22], s20  }
0x9f: {  	s3 =	ssub.s32 $0x0, s20;
	[sflag:s22] =	ssyncset.done $0x0  }
0xa0: {  	[sflag:s22] =	ssyncadd.s32 s3;
	_ =	sdelay $0x1  }
0xa1: {  	s23 =	simm.s32 $0x1B8B  }
0xa2: {  	_ =	swait.ge [sflag:s23], $0x1  }
0xa3: {  	[sflag:s23] =	ssyncset.done $0x0  }
0xa4: {  	s25 =	simm.s32 $0x1B8E;
	s24 =	sld [smem:$0x3FFE];
	[sflag:s23] =	ssyncadd.s32 $0xFFFFFFFF  }
0xa5: {  	s26 =	simm.s32 $execute0_lowered;
	[smem:$0x3FD2] =	sst s25  }
0xa6: {  	s4 =	sshll.u32 s26, $0x1;
	_ =	strace $0x80000046;
	[dreg:$0x1] =	wrdreg $0xFFFFFFFF  }
0xa7: {  	s28 =	simm.s32 $_size_execute0_lowered;
	s2 =	sadd.s32 s2, s4;
	[dreg:$0x0] =	wrdreg $0x0  }
0xa8: {  	s4 =	sshll.u32 s28, $0x1;
	[dreg:$0x2] =	wrdreg s2  }
0xa9: {  	[dreg:$0x3] =	wrdreg s4  }
0xaa: {  	[dreg:$0x4] =	wrdreg $0xC0  }
0xab: {  	_ =	task [dreg:s6], $0x5FFFF  }
0xac: {  	[dreg:$0x1] =	wrdreg $0xFFFFFFFF  }
0xad: {  	[dreg:$0x0] =	wrdreg $0x60  }
0xae: {  	[dreg:$0x2] =	wrdreg s24  }
0xaf: {  	[dreg:$0x3] =	wrdreg $0x9  }
0xb0: {  	_ =	task.clear_ibuf [dreg:s6], $0x4FFFF;
	_ =	strace $0x90000046  }
0xb1: {  	s29 =	simm.s32 $0x9;
	_ =	strace $0x80000048  }
0xb2: {  	_ =	swait.ge [sflag:s29], $0x1  }
0xb3: {  	[sflag:s29] =	ssyncadd.s32 $0xFFFFFFFF  }
0xb4: {  	_ =	strace $0x90000048  }
0xb5: {  	_ =	sfence  }
0xb6: {  	s30 =	sld [smem:$0x0];
	_ =	sdelay $0x2  }
0xb7: {  	s31 =	sshll.u32 s1, $0xD;
	s1 =	sshrl.u32 s1, $0x2  }
0xb8: {  	s3 =	sand.u32 $0x4000, s31;
	s1 =	sadd.s32 s1, s30  }
0xb9: {  	s0 =	sor.u32 s3, s0;
	s1 =	sshll.u32 s1, $0x11  }
0xba: {  	s0 =	sor.u32 s1, s0  }
0xbb: {  	s0 =	sadd.s32 $0x8F2B, s0  }
0xbc: {  	[sflag:s0] =	ssyncadd.remote.s32 $0x1  }
0xbd: {  	_ =	sfence.sel $0xFFFF  }
0xbe: {  	[dreg:$0x0] =	wrdreg $0xFFFFFFFF;
	(pc) =	sbr.abs _section_cstart, $3  }
0xbf: {  	[dreg:$0x1] =	wrdreg $0xFFFFFFFF  }
0xc0: {  	_ =	task.clear_ibuf [dreg:s6], $0x2FFFF;
	_ =	strace $0x9FFFFFFF  }
0xc1: {  	(tm) =	ssettm $0x7FFFFFFF  }
tec
execute0_lowered:
.L_overlay_start_1:
0x0: {  	(tag) =	ssettag $0x1  }
0x1: {  	s0 =	srdreg.scid  }
0x2: {  	s4 =	rddreg [dreg:$0x0];
	s2 =	simm.s32 $0x0;
	s8 =	simm.s32 $0x1  }
0x3: {  	s9 =	simm.s32 $0x2780;
	s10 =	simm.s32 $0x4F00;
	s3 =	sand.u32 $0x1, s0  }
0x4: {  	s11 =	simm.s32 $0x7700;
	s0 =	stileid.u32;
	s1 =	sshll.u32 s3, $0x4  }
0x5: {  	s12 =	simm.s32 $0x80;
	s13 =	simm.s32 $0x400;
	s5 =	sor.u32 s0, s1  }
0x6: {  	s14 =	simm.s32 $0x0;
	[smem:$0x7FF] =	sst s2;
	s6 =	sshrl.u32 s5, $0x3  }
0x7: {  	s7 =	sshll.u32 s0, $0x7;
	s3 =	ssub.s32 $0x2, s3;
	s6 =	smul.u32 $0x14000, s6  }
0x8: {  	s1 =	rddreg [dreg:$0x1];
	s7 =	sand.u32 $0x380, s7;
	s5 =	smul.u32 $0x4E2, s5  }
0x9: {  	_ =	strace $0x80000047;
	s31 =	sshrl.u32 s3, $0x1;
	s6 =	sor.u32 s7, s6  }
0xa: {  	s5 =	sadd.s32 s5, s4;
	s7 =	ssub.s32 s3, s31;
	s6 =	sshrl.u32 s6, $0x3  }
0xb: {  	s3 =	sadd.s32 $0xDA00, s5;
	s7 =	smax.u32 s7, $0x1;
	s6 =	sadd.s32 s6, s4  }
0xc: {  	v0 =	vimm.f32 $0.0e+00;
	v1 =	vimm.f32 $1.000000000e+00;
	s4 =	sadd.s32 $0x3C00, s5;
	s5 =	sadd.s32 $0x17800, s6;
	s6 =	sadd.s32 $0x21800, s6  }
.LBB2_1:
0xd: {  	s16 =	simm.s32 $0x4F20  }
0xe: {  	s15 =	simm.s32 $0x7720;
	[tilespmem:s16+$0xFFFFFFE0] =	vst v0  }
0xf: {  	[tilespmem:s15+$0xFFFFFFE0] =	vst v0  }
0x10: {  	[tilespmem:s16+$0xFFFFFFF0] =	vst v0  }
0x11: {  	[tilespmem:s15+$0xFFFFFFF0] =	vst v0  }
0x12: {  	[tilespmem:s16+$0x0] =	vst v0  }
0x13: {  	[tilespmem:s15+$0x0] =	vst v0  }
0x14: {  	[tilespmem:s16+$0x10] =	vst v0  }
0x15: {  	s17 =	simm.s32 $0x4F60;
	s16 =	simm.s32 $0x0;
	[tilespmem:s15+$0x10] =	vst v0  }
.LBB2_2:
0x16: {  	[tilespmem:s17+$0xFFFFFFE0] =	vst v0;
	s15 =	sadd.s32 $0x40, s15  }
0x17: {  	s16 =	sadd.s32 $0x4, s16;
	[tilespmem:s15+$0xFFFFFFE0] =	vst v0  }
0x18: {  	p0 =	slt.u32 s16, $0x27C;
	[tilespmem:s17+$0xFFFFFFF0] =	vst v0  }
.Ltmp0:
0x19: {  	[tilespmem:s15+$0xFFFFFFF0] =	vst v0;
	(pc) =	sbr.rel @p0 .LBB2_2-.Ltmp0, $4  }
0x1a: {  	[tilespmem:s17+$0x0] =	vst v0  }
0x1b: {  	[tilespmem:s15+$0x0] =	vst v0  }
0x1c: {  	[tilespmem:s17+$0x10] =	vst v0  }
0x1d: {  	s17 =	sadd.s32 $0x40, s17;
	[tilespmem:s15+$0x10] =	vst v0  }
0x1e: {  	[tilespmem:s2], [sflag:$0x1] =	stream.linear.gather [hbm4b:s3+s2], $0x2710, $0x38;
	[tilespmem:$0x9F00] =	vst v63  }
0x1f: {  	_ =	swait.ge [sflag:s8], $0x2710  }
0x20: {  	[sflag:s8] =	ssyncset.done $0x0  }
0x21: {  	[sflag:s8] =	ssyncadd.s32 $0xFFFFD8F0  }
0x22: {  	[tilespmem:s9], [sflag:$0x1] =	stream.linear.gather [hbm4b:s4+s2], $0x2710, $0x38;
	[tilespmem:$0x9F00] =	vst v63  }
0x23: {  	_ =	swait.ge [sflag:s8], $0x2710  }
0x24: {  	s15 =	simm.s32 $0xFFFFFFFC;
	[sflag:s8] =	ssyncset.done $0x0  }
0x25: {  	s16 =	simm.s32 $0x27A0;
	s17 =	simm.s32 $0x20;
	[sflag:s8] =	ssyncadd.s32 $0xFFFFD8F0  }
.LBB2_4:
0x26: {  	v2 =	vld [tilespmem:s17+$0xFFFFFFE0];
	_ =	sdelay $0x7  }
0x27: {  	[tilespmem:v2+s10+$0x0] =	vst.idx.add.f32.msk $0xffff, v1  }
0x28: {  	v2 =	vld [tilespmem:s16+$0xFFFFFFE0];
	_ =	sdelay $0x7  }
0x29: {  	[tilespmem:v2+s11+$0x0] =	vst.idx.add.f32.msk $0xffff, v1  }
0x2a: {  	v2 =	vld [tilespmem:s17+$0xFFFFFFF0];
	_ =	sdelay $0x7  }
0x2b: {  	[tilespmem:v2+s10+$0x0] =	vst.idx.add.f32.msk $0xffff, v1  }
0x2c: {  	v2 =	vld [tilespmem:s16+$0xFFFFFFF0];
	_ =	sdelay $0x7  }
0x2d: {  	[tilespmem:v2+s11+$0x0] =	vst.idx.add.f32.msk $0xffff, v1  }
0x2e: {  	v2 =	vld [tilespmem:s17+$0x0];
	_ =	sdelay $0x7  }
0x2f: {  	[tilespmem:v2+s10+$0x0] =	vst.idx.add.f32.msk $0xffff, v1  }
0x30: {  	v2 =	vld [tilespmem:s16+$0x0];
	_ =	sdelay $0x7  }
0x31: {  	[tilespmem:v2+s11+$0x0] =	vst.idx.add.f32.msk $0xffff, v1  }
0x32: {  	v2 =	vld [tilespmem:s17+$0x10];
	_ =	sdelay $0x7  }
0x33: {  	[tilespmem:v2+s10+$0x0] =	vst.idx.add.f32.msk $0xffff, v1  }
0x34: {  	v2 =	vld [tilespmem:s16+$0x10];
	_ =	sdelay $0x1  }
0x35: {  	s15 =	sadd.s32 $0x4, s15  }
0x36: {  	p0 =	slt.u32 s15, $0x26C  }
.Ltmp1:
0x37: {  	_ = 	snop;
	(pc) =	sbr.rel @p0 .LBB2_4-.Ltmp1, $2  }
0x38: {  	_ =	sdelay $0x2  }
0x39: {  	s17 =	sadd.s32 $0x40, s17;
	s16 =	sadd.s32 $0x40, s16;
	[tilespmem:v2+s11+$0x0] =	vst.idx.add.f32.msk $0xffff, v1  }
0x3a: {  	v2 =	vld [tilespmem:$0x2700];
	_ =	sdelay $0x7  }
0x3b: {  	[tilespmem:v2+s10+$0x0] =	vst.idx.add.f32.msk $0xffff, v1  }
0x3c: {  	v2 =	vld [tilespmem:$0x4E80];
	_ =	sdelay $0x7  }
0x3d: {  	[tilespmem:v2+s11+$0x0] =	vst.idx.add.f32.msk $0xffff, v1  }
0x3e: {  	[hbm4b:s5+s12] =	stream.strided.scatter [tilespmem:s10], [sflag:$0x1], $0x2800, s13, s12, $0x38;
	[tilespmem:$0x9F00] =	vst v63  }
0x3f: {  	s14 =	sadd.s32 $0x1, s14;
	_ =	swait.ge [sflag:s8], $0x2800  }
0x40: {  	p0 =	sne.s32 s14, s7;
	[sflag:s8] =	ssyncset.done $0x0  }
.Ltmp2:
0x41: {  	[sflag:s8] =	ssyncadd.s32 $0xFFFFD800;
	(pc) =	sbr.rel @p0 .LBB2_1-.Ltmp2, $4  }
0x42: {  	[hbm4b:s6+s12] =	stream.strided.scatter [tilespmem:s11], [sflag:$0x1], $0x2800, s13, s12, $0x38;
	[tilespmem:$0x9F00] =	vst v63  }
0x43: {  	_ =	swait.ge [sflag:s8], $0x2800  }
0x44: {  	[sflag:s8] =	ssyncset.done $0x0  }
0x45: {  	[sflag:s8] =	ssyncadd.s32 $0xFFFFD800  }
0x46: {  	_ =	sfence.sel $0x180000  }
0x47: {  	[bflag:$0x0] =	sbarrier.arrive $0xFFFF  }
0x48: {  	p0 =	sne.s32 s0, $0x0;
	_ =	strace $0x90000047  }
0x49: {  	s0 =	sadd.s32 @!p0 $0x100000, s1;
	[bflag:$0x2] =	sbarrier.arrive $0xFFFF  }
0x4a: {  	[sflag:s0] =	ssyncadd.tile.s32 @!p0 $0x1;
	_ =	shalt  }
.Lfunc_end2:
_tile_overlayer_lowered:
.L_overlay_start_2:
0x4b: {  	(tag) =	ssettag $0x2  }
0x4c: {  	s0 =	rddreg [dreg:$0x0];
	s2 =	stileid.u32  }
0x4d: {  	s1 =	rddreg [dreg:$0x1];
	p0 =	sne.s32 s2, $0x0  }
0x4e: {  	s3 =	rddreg [dreg:$0x2];
	[bflag:$0x3] =	sbarrier.arrive $0xFFFF;
	s2 =	simm.s32 @!p0 $0x1C01  }
0x4f: {  	[timem:s3], [sflag:s2] =	dma.local @!p0 [hbm:s0], s1  }
0x50: {  	s0 =	simm.s32 @!p0 $0x1  }
0x51: {  	_ =	swait.ge @!p0 [sflag:s0], s1  }
0x52: {  	s1 =	ssub.s32 @!p0 $0x0, s1;
	[sflag:s0] =	ssyncset.done @!p0 $0x0  }
0x53: {  	[sflag:s0] =	ssyncadd.s32 @!p0 s1  }
0x54: {  	[bflag:$0x3] =	sbarrier.arrive $0xFFFF  }
0x55: {  	_ =	shalt  }

// kernel: kernel.13.cloned.1.call-start
scs
__scs_entry_jumppad:
0x0: {  	(pc) =	sbr.rel $0x88, $3  }
0x1: {  	(tag) =	ssettag $0x0;
	lr =	simm.s32 $0x1  }
0x2: {  	[smem:$0x3F96] =	sst lr;
	_ =	strace $0xD0000000  }
0x3: {  	_ = 	snop  }
0x4: {  	_ = 	snop  }
0x5: {  	_ = 	snop  }
0x6: {  	_ = 	snop  }
0x7: {  	_ = 	snop  }
__scs_overlays_trampoline_lowered:
0x8: {  	[smem:$0x3FA5] =	sst s0  }
0x9: {  	[smem:$0x3FA6] =	sst s1  }
0xa: {  	[smem:$0x3FA7] =	sst s2  }
0xb: {  	[smem:$0x3FA8] =	sst s3  }
0xc: {  	[smem:$0x3FA9] =	sst s4  }
0xd: {  	[smem:$0x3FAA] =	sst s5  }
0xe: {  	[smem:$0x3FAB] =	sst s6  }
0xf: {  	[smem:$0x3FAC] =	sst s7  }
0x10: {  	[smem:$0x3FAD] =	sst s8  }
0x11: {  	[smem:$0x3FAE] =	sst s9;
	s0 =	simm.s32 @!p0 $0x0  }
0x12: {  	s1 =	sld [smem:$0x3F94];
	s0 =	simm.s32 @p0 $0x1  }
0x13: {  	[smem:$0x3FAF] =	sst s0;
	s0 =	simm.s32 @!p1 $0x0  }
0x14: {  	s2 =	sld [smem:$0x3F93];
	s0 =	simm.s32 @p1 $0x1  }
0x15: {  	[smem:$0x3FB0] =	sst s0;
	s0 =	simm.s32 @!p2 $0x0  }
0x16: {  	s3 =	sld [smem:$0x3FDB];
	s0 =	simm.s32 @p2 $0x1  }
0x17: {  	s4 =	simm.s32 $0x1BF5;
	[smem:$0x3FB2] =	sst s0  }
0x18: {  	s0 =	sld [smem:$0x3F95];
	_ =	swait.ge [sflag:s4], $0x0  }
0x19: {  	s7 =	sld [smem:$0x3F96]  }
0x1a: {  	s8 =	sadd.s32 $0xFFFFE003, lr  }
0x1b: {  	s9 =	sadd.s32 $0xFFFFFEF7, lr;
	s5 =	simm.s32 $0xFFFFFFFF;
	p2 =	slt.u32 s8, $0xFFFFF086  }
0x1c: {  	p1 =	slt.u32 s9, $0xF7A;
	s5 =	simm.s32 @!p2 $0x0  }
0x1d: {  	s5 =	simm.s32 @p1 $0x1;
	p0 =	seq.s32 s7, s2  }
0x1e: {  	s7 =	smul.u32 @!p0 $0xF7A, s2;
	p2 =	seq.s32 @!p0 s5, $0x0  }
0x1f: {  	s9 =	smul.u32 $0xF7A, s1;
	s8 =	simm.s32 @!p0 $0x1BF5;
	p2 =	por !p2, p0  }
0x20: {  	[sflag:s8] =	ssyncset.s32 @!p0 $0xFFFFF086;
	s6 =	sadd.s32 @!p0 s3, s7;
	s7 =	simm.s32 @!p0 $0x108  }
0x21: {  	s3 =	sadd.s32 s3, s9;
	s6 =	sadd.s32 @!p0 $0x88, s6;
	s7 =	simm.s32 @p2 $0x1082  }
0x22: {  	[simem:s7], [sflag:s8] =	dma.local @!p0 [hbm:s6], $0xF7A  }
0x23: {  	s9 =	sor.u32 $0xD0000000, s2;
	s6 =	simm.s32 $0x108;
	_ =	swait.ge @!p0 [sflag:s8], $0x0  }
0x24: {  	s3 =	sadd.s32 $0x88, s3;
	s6 =	simm.s32 @!p1 $0x1082;
	[sflag:s4] =	ssyncset.s32 $0xFFFFF086  }
0x25: {  	[simem:s6], [sflag:s4] =	dma.local [hbm:s3], $0xF7A  }
0x26: {  	[smem:$0x3F96] =	sst s1;
	(tag) =	ssettag s2;
	_ =	strace s9  }
0x27: {  	s1 =	sld [smem:$0x3FA6]  }
0x28: {  	s2 =	sld [smem:$0x3FA7]  }
0x29: {  	s4 =	sld [smem:$0x3FA9]  }
0x2a: {  	p0 =	seq.s32 s5, $0x0;
	s5 =	sld [smem:$0x3FAA]  }
0x2b: {  	s6 =	sld [smem:$0x3FAB]  }
0x2c: {  	s7 =	sld [smem:$0x3FAC]  }
0x2d: {  	s3 =	simm.s32 $0x108;
	s8 =	sld [smem:$0x3FAD]  }
0x2e: {  	s3 =	simm.s32 @!p0 $0x1082;
	s9 =	sld [smem:$0x3FAE]  }
0x2f: {  	lr =	sadd.s32 s0, s3;
	s0 =	sld [smem:$0x3FA5]  }
0x30: {  	s3 =	sld [smem:$0x3FA8]  }
0x31: {  	[smem:$0x3FB1] =	sst s10  }
0x32: {  	s10 =	sld [smem:$0x3FAF];
	_ =	sdelay $0x3  }
0x33: {  	p0 =	seq.s32 s10, $0x1;
	s10 =	sld [smem:$0x3FB1];
	_ =	sdelay $0x3  }
0x34: {  	[smem:$0x3FB1] =	sst s10  }
0x35: {  	s10 =	sld [smem:$0x3FB0];
	_ =	sdelay $0x3  }
0x36: {  	p1 =	seq.s32 s10, $0x1;
	s10 =	sld [smem:$0x3FB1];
	_ =	sdelay $0x3  }
0x37: {  	[smem:$0x3FB1] =	sst s10  }
0x38: {  	s10 =	sld [smem:$0x3FB2]  }
0x39: {  	_ = 	snop;
	(pc) =	sbr.ind lr, $3  }
0x3a: {  	_ = 	snop  }
0x3b: {  	_ = 	snop  }
0x3c: {  	p2 =	seq.s32 s10, $0x1;
	s10 =	sld [smem:$0x3FB1]  }
0x3d: {  	_ =	shalt  }
0x3e: {  	_ =	shalt  }
0x3f: {  	_ =	shalt  }
0x40: {  	_ =	shalt  }
0x41: {  	_ =	shalt  }
0x42: {  	_ =	shalt  }
0x43: {  	_ =	shalt  }
0x44: {  	_ =	shalt  }
0x45: {  	_ =	shalt  }
0x46: {  	_ =	shalt  }
0x47: {  	_ =	shalt  }
0x48: {  	_ =	shalt  }
0x49: {  	_ =	shalt  }
0x4a: {  	_ =	shalt  }
0x4b: {  	_ =	shalt  }
0x4c: {  	_ =	shalt  }
0x4d: {  	_ =	shalt  }
0x4e: {  	_ =	shalt  }
0x4f: {  	_ =	shalt  }
0x50: {  	_ =	shalt  }
0x51: {  	_ =	shalt  }
0x52: {  	_ =	shalt  }
0x53: {  	_ =	shalt  }
0x54: {  	_ =	shalt  }
0x55: {  	_ =	shalt  }
0x56: {  	_ =	shalt  }
0x57: {  	_ =	shalt  }
0x58: {  	_ =	shalt  }
0x59: {  	_ =	shalt  }
0x5a: {  	_ =	shalt  }
0x5b: {  	_ =	shalt  }
0x5c: {  	_ =	shalt  }
0x5d: {  	_ =	shalt  }
0x5e: {  	_ =	shalt  }
0x5f: {  	_ =	shalt  }
0x60: {  	_ =	shalt  }
0x61: {  	_ =	shalt  }
0x62: {  	_ =	shalt  }
0x63: {  	_ =	shalt  }
0x64: {  	_ =	shalt  }
0x65: {  	_ =	shalt  }
0x66: {  	_ =	shalt  }
0x67: {  	_ =	shalt  }
0x68: {  	_ =	shalt  }
0x69: {  	_ =	shalt  }
0x6a: {  	_ =	shalt  }
0x6b: {  	_ =	shalt  }
0x6c: {  	_ =	shalt  }
0x6d: {  	_ =	shalt  }
0x6e: {  	_ =	shalt  }
0x6f: {  	_ =	shalt  }
0x70: {  	_ =	shalt  }
0x71: {  	_ =	shalt  }
0x72: {  	_ =	shalt  }
0x73: {  	_ =	shalt  }
0x74: {  	_ =	shalt  }
0x75: {  	_ =	shalt  }
0x76: {  	_ =	shalt  }
0x77: {  	_ =	shalt  }
0x78: {  	_ =	shalt  }
0x79: {  	_ =	shalt  }
0x7a: {  	_ =	shalt  }
0x7b: {  	_ =	shalt  }
0x7c: {  	_ =	shalt  }
0x7d: {  	_ =	shalt  }
0x7e: {  	_ =	shalt  }
0x7f: {  	_ =	shalt  }
0x80: {  	_ =	shalt  }
0x81: {  	_ =	shalt  }
0x82: {  	_ =	shalt  }
0x83: {  	_ =	shalt  }
0x84: {  	_ =	shalt  }
0x85: {  	_ =	shalt  }
0x86: {  	_ =	shalt  }
0x87: {  	_ =	shalt  }
.Lfunc_end0:
.L_simem_size_0:
called_computation.1_lowered:
.L_overlay_start_0:
0x88: {  	s2 =	sld [smem:$0x3FD9]  }
0x89: {  	s3 =	sld [smem:$0x3FFE];
	_ =	sdelay $0x1  }
0x8a: {  	s1 =	srdreg.scid  }
0x8b: {  	s0 =	sand.u32 $0x1, s1  }
0x8c: {  	s16 =	sshll.u32 s0, $0xA;
	s2 =	sadd.s32 s3, s2  }
0x8d: {  	s2 =	sadd.s32 s2, s16  }
0x8e: {  	[smem:$0x3FBD] =	sst s2  }
0x8f: {  	_ = 	snop  }
0x90: {  	(tm) =	ssettm $0x1  }
0x91: {  	s17 =	sld [smem:$0x3FFB];
	_ =	sdelay $0x3  }
0x92: {  	_ =	strace s17  }
0x93: {  	s2 =	sld [smem:$0x3FFC];
	_ =	sdelay $0x3  }
0x94: {  	_ =	strace s2  }
0x95: {  	s2 =	sld [smem:$0x3FFD];
	_ =	sdelay $0x3  }
0x96: {  	_ =	strace s2  }
0x97: {  	_ =	strace $0x8FFFFFFF  }
0x98: {  	s18 =	sld [smem:$0x3FDB];
	_ =	sdelay $0x1  }
0x99: {  	s19 =	simm.s32 $_scs_section_size  }
0x9a: {  	s4 =	simm.s32 $_size__tile_overlayer_lowered;
	s5 =	simm.s32 $_tile_overlayer_lowered  }
0x9b: {  	s22 =	simm.s32 $0x1BFF;
	s21 =	sshll.u32 s5, $0x1;
	s2 =	sadd.s32 s19, s18  }
0x9c: {  	s6 =	simm.s32 $0x0;
	s20 =	sshll.u32 s4, $0x1;
	s4 =	sadd.s32 s21, s2  }
0x9d: {  	[timem:s6], [sflag:s22] =	dma.local [hbm:s4], s20  }
0x9e: {  	_ =	swait.ge [sflag:s22], s20  }
0x9f: {  	s3 =	ssub.s32 $0x0, s20;
	[sflag:s22] =	ssyncset.done $0x0  }
0xa0: {  	[sflag:s22] =	ssyncadd.s32 s3;
	_ =	sdelay $0x1  }
0xa1: {  	s23 =	simm.s32 $0x1B8B  }
0xa2: {  	_ =	swait.ge [sflag:s23], $0x1  }
0xa3: {  	[sflag:s23] =	ssyncset.done $0x0  }
0xa4: {  	s25 =	simm.s32 $0x1B8E;
	s24 =	sld [smem:$0x3FFE];
	[sflag:s23] =	ssyncadd.s32 $0xFFFFFFFF  }
0xa5: {  	s26 =	simm.s32 $execute0_lowered;
	[smem:$0x3FD2] =	sst s25  }
0xa6: {  	s4 =	sshll.u32 s26, $0x1;
	_ =	strace $0x80000049;
	[dreg:$0x1] =	wrdreg $0xFFFFFFFF  }
0xa7: {  	s28 =	simm.s32 $_size_execute0_lowered;
	s2 =	sadd.s32 s2, s4;
	[dreg:$0x0] =	wrdreg $0x0  }
0xa8: {  	s4 =	sshll.u32 s28, $0x1;
	[dreg:$0x2] =	wrdreg s2  }
0xa9: {  	[dreg:$0x3] =	wrdreg s4  }
0xaa: {  	[dreg:$0x4] =	wrdreg $0xC0  }
0xab: {  	_ =	task [dreg:s6], $0x5FFFF  }
0xac: {  	[dreg:$0x1] =	wrdreg $0xFFFFFFFF  }
0xad: {  	[dreg:$0x0] =	wrdreg $0x60  }
0xae: {  	[dreg:$0x2] =	wrdreg s24  }
0xaf: {  	[dreg:$0x3] =	wrdreg $0xA8000  }
0xb0: {  	[dreg:$0x4] =	wrdreg $0x9  }
0xb1: {  	_ =	task.clear_ibuf [dreg:s6], $0x5FFFF;
	_ =	strace $0x90000049  }
0xb2: {  	s29 =	simm.s32 $0x9;
	_ =	strace $0x8000004B  }
0xb3: {  	_ =	swait.ge [sflag:s29], $0x1  }
0xb4: {  	[sflag:s29] =	ssyncadd.s32 $0xFFFFFFFF  }
0xb5: {  	_ =	strace $0x9000004B  }
0xb6: {  	_ =	sfence  }
0xb7: {  	s30 =	sld [smem:$0x0];
	_ =	sdelay $0x2  }
0xb8: {  	s31 =	sshll.u32 s1, $0xD;
	s1 =	sshrl.u32 s1, $0x2  }
0xb9: {  	s3 =	sand.u32 $0x4000, s31;
	s1 =	sadd.s32 s1, s30  }
0xba: {  	s0 =	sor.u32 s3, s0;
	s1 =	sshll.u32 s1, $0x11  }
0xbb: {  	s0 =	sor.u32 s1, s0  }
0xbc: {  	s0 =	sadd.s32 $0x8F2B, s0  }
0xbd: {  	[sflag:s0] =	ssyncadd.remote.s32 $0x1  }
0xbe: {  	_ =	sfence.sel $0xFFFF  }
0xbf: {  	[dreg:$0x0] =	wrdreg $0xFFFFFFFF;
	(pc) =	sbr.abs _section_cstart, $3  }
0xc0: {  	[dreg:$0x1] =	wrdreg $0xFFFFFFFF  }
0xc1: {  	_ =	task.clear_ibuf [dreg:s6], $0x2FFFF;
	_ =	strace $0x9FFFFFFF  }
0xc2: {  	(tm) =	ssettm $0x7FFFFFFF  }
0xc3: {  	_ =	shalt  }
tec
execute0_lowered:
.L_overlay_start_1:
0x0: {  	(tag) =	ssettag $0x1  }
0x1: {  	s0 =	rddreg [dreg:$0x0]  }
0x2: {  	s3 =	srdreg.scid;
	s12 =	stileid.u32  }
0x3: {  	s1 =	rddreg [dreg:$0x1];
	s3 =	sand.u32 $0x1, s3;
	s9 =	smul.u32 $0x50000, s12  }
0x4: {  	s7 =	smul.u32 $0x28000, s3;
	s6 =	sshll.u32 s3, $0x4;
	s3 =	ssub.s32 $0x2, s3  }
0x5: {  	s2 =	simm.s32 $0x0;
	s10 =	sshrl.u32 s3, $0x1;
	s9 =	sshrl.u32 s9, $0x2  }
0x6: {  	[smem:$0x7FF] =	sst s2;
	s3 =	ssub.s32 s3, s10;
	s25 =	sadd.s32 s9, s1  }
0x7: {  	_ =	strace $0x8000004A;
	s3 =	smax.u32 s3, $0x1;
	[dreg:$0x3] =	wrdreg s25  }
0x8: {  	s9 =	sadd.s32 $0x800, s25;
	[dreg:$0x6] =	wrdreg s3  }
0x9: {  	s10 =	sadd.s32 $0x1000, s25;
	[dreg:$0x7] =	wrdreg s9  }
0xa: {  	s13 =	sadd.s32 $0x2800, s25;
	[dreg:$0x8] =	wrdreg s10  }
0xb: {  	s14 =	sadd.s32 $0x3000, s25;
	[dreg:$0xb] =	wrdreg s13  }
0xc: {  	s15 =	sadd.s32 $0x3800, s25;
	[dreg:$0xc] =	wrdreg s14  }
0xd: {  	s16 =	sadd.s32 $0x4000, s25;
	[dreg:$0xd] =	wrdreg s15  }
0xe: {  	s4 =	sadd.s32 $0x3F800, s0;
	s17 =	sadd.s32 $0x4800, s25;
	[dreg:$0xe] =	wrdreg s16  }
0xf: {  	s5 =	sadd.s32 $0x35800, s0;
	s18 =	sadd.s32 $0x5000, s25;
	[dreg:$0xf] =	wrdreg s17  }
0x10: {  	s8 =	sor.u32 s12, s6;
	s19 =	sadd.s32 $0x5800, s25;
	[dreg:$0x10] =	wrdreg s18  }
0x11: {  	s6 =	sadd.s32 $0x2B800, s0;
	s20 =	sadd.s32 $0x6000, s25;
	[dreg:$0x11] =	wrdreg s19  }
0x12: {  	s11 =	smul.u32 $0x50, s8;
	s21 =	sadd.s32 $0x6800, s25;
	[dreg:$0x13] =	wrdreg s20  }
0x13: {  	s8 =	smul.u32 $0x500, s8;
	s22 =	sadd.s32 $0x7000, s25;
	[dreg:$0x14] =	wrdreg s21  }
0x14: {  	s0 =	sadd.s32 s7, s0;
	s7 =	sadd.s32 $0xA000, s25;
	[dreg:$0x15] =	wrdreg s22  }
0x15: {  	s23 =	sadd.s32 s5, s8;
	[dreg:$0x1b] =	wrdreg s7  }
0x16: {  	s24 =	sadd.s32 s6, s8;
	[dreg:$0x4] =	wrdreg s23  }
0x17: {  	s26 =	sadd.s32 $0x10, s11;
	[dreg:$0x5] =	wrdreg s24  }
0x18: {  	s29 =	sadd.s32 $0x20, s11;
	[smem:$0x7ED] =	sst s26  }
0x19: {  	s11 =	sadd.s32 $0x1800, s25;
	[smem:$0x7EE] =	sst s29  }
0x1a: {  	s8 =	smul.u32 $0x2800, s12;
	s12 =	sadd.s32 $0x2000, s25;
	[dreg:$0x9] =	wrdreg s11  }
0x1b: {  	s3 =	sadd.s32 $0x9800, s25;
	[dreg:$0xa] =	wrdreg s12  }
0x1c: {  	s9 =	sadd.s32 $0xB000, s25;
	[dreg:$0x1a] =	wrdreg s3  }
0x1d: {  	s10 =	sadd.s32 $0xB800, s25;
	[dreg:$0x1d] =	wrdreg s9  }
0x1e: {  	s13 =	sadd.s32 $0xD000, s25;
	[dreg:$0x1e] =	wrdreg s10  }
0x1f: {  	s14 =	sadd.s32 $0xD800, s25;
	[smem:$0x7F0] =	sst s13  }
0x20: {  	s15 =	sadd.s32 $0xE000, s25;
	[smem:$0x7F1] =	sst s14  }
0x21: {  	s16 =	sadd.s32 $0xE800, s25;
	[smem:$0x7F2] =	sst s15  }
0x22: {  	s17 =	sadd.s32 $0xF000, s25;
	[smem:$0x7F3] =	sst s16  }
0x23: {  	s30 =	simm.s32 $0x1D80;
	s18 =	sadd.s32 $0xF800, s25;
	[smem:$0x7F4] =	sst s17  }
0x24: {  	s31 =	simm.s32 $0x1780;
	s19 =	sadd.s32 $0x10000, s25;
	[smem:$0x7F5] =	sst s18  }
0x25: {  	s28 =	simm.s32 $0x1F80;
	s20 =	sadd.s32 $0x10800, s25;
	[smem:$0x7F6] =	sst s19  }
0x26: {  	s0 =	sadd.s32 $0x67800, s0;
	s21 =	sadd.s32 $0x11000, s25;
	[smem:$0x7F7] =	sst s20  }
0x27: {  	s22 =	sadd.s32 $0x11800, s25;
	s23 =	sadd.s32 $0x7800, s25;
	[smem:$0x7F8] =	sst s21  }
0x28: {  	s24 =	sadd.s32 $0x8000, s25;
	s26 =	sadd.s32 $0x8800, s25;
	[smem:$0x7F9] =	sst s22  }
0x29: {  	s29 =	sadd.s32 $0x9000, s25;
	s11 =	sadd.s32 $0xC000, s25;
	[dreg:$0x16] =	wrdreg s23  }
0x2a: {  	s12 =	sadd.s32 $0xC800, s25;
	s3 =	simm.s32 $0x5;
	[dreg:$0x17] =	wrdreg s24  }
0x2b: {  	s13 =	simm.s32 $0x80;
	s14 =	simm.s32 $0x2000;
	[dreg:$0x18] =	wrdreg s26  }
0x2c: {  	s15 =	simm.s32 $0x6000;
	s16 =	simm.s32 $0x1;
	[dreg:$0x19] =	wrdreg s29  }
0x2d: {  	s17 =	simm.s32 $0x6;
	s19 =	simm.s32 $0x2;
	[dreg:$0x1f] =	wrdreg s11  }
0x2e: {  	s9 =	simm.s32 $0x1000;
	s0 =	sadd.s32 s8, s0;
	[smem:$0x7EF] =	sst s12  }
0x2f: {  	s10 =	simm.s32 $0x800;
	s8 =	sadd.s32 $0xA800, s25;
	[dreg:$0x12] =	wrdreg s0  }
0x30: {  	s22 =	simm.s32 $0x1600;
	s23 =	sadd.s32 $0x12000, s25;
	[dreg:$0x1c] =	wrdreg s8  }
0x31: {  	s21 =	simm.s32 $0x1680;
	s24 =	sadd.s32 $0x12800, s25;
	[smem:$0x7FA] =	sst s23  }
0x32: {  	s20 =	simm.s32 $0x1700;
	s26 =	sadd.s32 $0x13000, s25;
	[smem:$0x7FB] =	sst s24  }
0x33: {  	s29 =	sadd.s32 $0x13800, s25;
	s12 =	simm.s32 $0x3;
	[smem:$0x7FC] =	sst s26  }
0x34: {  	[smem:$0x7FD] =	sst s29;
	s0 =	simm.s32 $0x800;
	s24 =	simm.s32 $0x4  }
0x35: {  	v0 =	vimm.f32 $0.0e+00;
	s8 =	simm.s32 $0x0;
	s26 =	simm.s32 $0x1E00;
	s23 =	simm.s32 $0x1F00  }
.LBB2_1:
0x36: {  	[tilespmem:$0xA000] =	vst v0  }
0x37: {  	[tilespmem:$0xA010] =	vst v0  }
0x38: {  	[tilespmem:$0xA020] =	vst v0  }
0x39: {  	[tilespmem:$0xA030] =	vst v0  }
0x3a: {  	[tilespmem:$0xA040] =	vst v0  }
0x3b: {  	[tilespmem:$0xA050] =	vst v0  }
0x3c: {  	[tilespmem:$0xA060] =	vst v0  }
0x3d: {  	[tilespmem:$0xA070] =	vst v0  }
0x3e: {  	[tilespmem:$0xA080] =	vst v0  }
0x3f: {  	[tilespmem:$0xA090] =	vst v0  }
0x40: {  	[tilespmem:$0xA0A0] =	vst v0  }
0x41: {  	[tilespmem:$0xA0B0] =	vst v0  }
0x42: {  	[tilespmem:$0xA0C0] =	vst v0  }
0x43: {  	[tilespmem:$0xA0D0] =	vst v0  }
0x44: {  	[tilespmem:$0xA0E0] =	vst v0  }
0x45: {  	[tilespmem:$0xA0F0] =	vst v0  }
0x46: {  	[tilespmem:$0xA100] =	vst v0  }
0x47: {  	[tilespmem:$0xA110] =	vst v0  }
0x48: {  	[tilespmem:$0xA120] =	vst v0  }
0x49: {  	[tilespmem:$0xA130] =	vst v0  }
0x4a: {  	[tilespmem:$0xA140] =	vst v0  }
0x4b: {  	[tilespmem:$0xA150] =	vst v0  }
0x4c: {  	[tilespmem:$0xA160] =	vst v0  }
0x4d: {  	[tilespmem:$0xA170] =	vst v0  }
0x4e: {  	[tilespmem:$0xA180] =	vst v0  }
0x4f: {  	[tilespmem:$0xA190] =	vst v0  }
0x50: {  	[tilespmem:$0xA1A0] =	vst v0  }
0x51: {  	[tilespmem:$0xA1B0] =	vst v0  }
0x52: {  	[tilespmem:$0xA1C0] =	vst v0  }
0x53: {  	[tilespmem:$0xA1D0] =	vst v0  }
0x54: {  	[tilespmem:$0xA1E0] =	vst v0  }
0x55: {  	[tilespmem:$0xA1F0] =	vst v0  }
0x56: {  	[tilespmem:$0xA200] =	vst v0  }
0x57: {  	[tilespmem:$0xA210] =	vst v0  }
0x58: {  	[tilespmem:$0xA220] =	vst v0  }
0x59: {  	[tilespmem:$0xA230] =	vst v0  }
0x5a: {  	[tilespmem:$0xA240] =	vst v0  }
0x5b: {  	[tilespmem:$0xA250] =	vst v0  }
0x5c: {  	[tilespmem:$0xA260] =	vst v0  }
0x5d: {  	[tilespmem:$0xA270] =	vst v0  }
0x5e: {  	[tilespmem:$0xA280] =	vst v0  }
0x5f: {  	[tilespmem:$0xA290] =	vst v0  }
0x60: {  	[tilespmem:$0xA2A0] =	vst v0  }
0x61: {  	[tilespmem:$0xA2B0] =	vst v0  }
0x62: {  	[tilespmem:$0xA2C0] =	vst v0  }
0x63: {  	[tilespmem:$0xA2D0] =	vst v0  }
0x64: {  	[tilespmem:$0xA2E0] =	vst v0  }
0x65: {  	[tilespmem:$0xA2F0] =	vst v0  }
0x66: {  	[tilespmem:$0xA300] =	vst v0  }
0x67: {  	[tilespmem:$0xA310] =	vst v0  }
0x68: {  	[tilespmem:$0xA320] =	vst v0  }
0x69: {  	[tilespmem:$0xA330] =	vst v0  }
0x6a: {  	[tilespmem:$0xA340] =	vst v0  }
0x6b: {  	[tilespmem:$0xA350] =	vst v0  }
0x6c: {  	[tilespmem:$0xA360] =	vst v0  }
0x6d: {  	[tilespmem:$0xA370] =	vst v0  }
0x6e: {  	[tilespmem:$0xA380] =	vst v0  }
0x6f: {  	[tilespmem:$0xA390] =	vst v0  }
0x70: {  	[tilespmem:$0xA3A0] =	vst v0  }
0x71: {  	[tilespmem:$0xA3B0] =	vst v0  }
0x72: {  	[tilespmem:$0xA3C0] =	vst v0  }
0x73: {  	[tilespmem:$0xA3D0] =	vst v0  }
0x74: {  	[tilespmem:$0xA3E0] =	vst v0  }
0x75: {  	[tilespmem:$0xA3F0] =	vst v0  }
0x76: {  	[tilespmem:$0xA400] =	vst v0  }
0x77: {  	[tilespmem:$0xA410] =	vst v0  }
0x78: {  	[tilespmem:$0xA420] =	vst v0  }
0x79: {  	[tilespmem:$0xA430] =	vst v0  }
0x7a: {  	[tilespmem:$0xA440] =	vst v0  }
0x7b: {  	[tilespmem:$0xA450] =	vst v0  }
0x7c: {  	[tilespmem:$0xA460] =	vst v0  }
0x7d: {  	[tilespmem:$0xA470] =	vst v0  }
0x7e: {  	[tilespmem:$0xA480] =	vst v0  }
0x7f: {  	[tilespmem:$0xA490] =	vst v0  }
0x80: {  	[tilespmem:$0xA4A0] =	vst v0  }
0x81: {  	[tilespmem:$0xA4B0] =	vst v0  }
0x82: {  	[tilespmem:$0xA4C0] =	vst v0  }
0x83: {  	[tilespmem:$0xA4D0] =	vst v0  }
0x84: {  	[tilespmem:$0xA4E0] =	vst v0  }
0x85: {  	[tilespmem:$0xA4F0] =	vst v0  }
0x86: {  	[tilespmem:$0xA500] =	vst v0  }
0x87: {  	[tilespmem:$0xA510] =	vst v0  }
0x88: {  	[tilespmem:$0xA520] =	vst v0  }
0x89: {  	[tilespmem:$0xA530] =	vst v0  }
0x8a: {  	[tilespmem:$0xA540] =	vst v0  }
0x8b: {  	[tilespmem:$0xA550] =	vst v0  }
0x8c: {  	[tilespmem:$0xA560] =	vst v0  }
0x8d: {  	[tilespmem:$0xA570] =	vst v0  }
0x8e: {  	[tilespmem:$0xA580] =	vst v0  }
0x8f: {  	[tilespmem:$0xA590] =	vst v0  }
0x90: {  	[tilespmem:$0xA5A0] =	vst v0  }
0x91: {  	[tilespmem:$0xA5B0] =	vst v0  }
0x92: {  	[tilespmem:$0xA5C0] =	vst v0  }
0x93: {  	[tilespmem:$0xA5D0] =	vst v0  }
0x94: {  	[tilespmem:$0xA5E0] =	vst v0  }
0x95: {  	[tilespmem:$0xA5F0] =	vst v0  }
0x96: {  	[tilespmem:$0xA600] =	vst v0  }
0x97: {  	[tilespmem:$0xA610] =	vst v0  }
0x98: {  	[tilespmem:$0xA620] =	vst v0  }
0x99: {  	[tilespmem:$0xA630] =	vst v0  }
0x9a: {  	[tilespmem:$0xA640] =	vst v0  }
0x9b: {  	[tilespmem:$0xA650] =	vst v0  }
0x9c: {  	[tilespmem:$0xA660] =	vst v0  }
0x9d: {  	[tilespmem:$0xA670] =	vst v0  }
0x9e: {  	[tilespmem:$0xA680] =	vst v0  }
0x9f: {  	[tilespmem:$0xA690] =	vst v0  }
0xa0: {  	[tilespmem:$0xA6A0] =	vst v0  }
0xa1: {  	[tilespmem:$0xA6B0] =	vst v0  }
0xa2: {  	[tilespmem:$0xA6C0] =	vst v0  }
0xa3: {  	[tilespmem:$0xA6D0] =	vst v0  }
0xa4: {  	[tilespmem:$0xA6E0] =	vst v0  }
0xa5: {  	[tilespmem:$0xA6F0] =	vst v0  }
0xa6: {  	[tilespmem:$0xA700] =	vst v0  }
0xa7: {  	[tilespmem:$0xA710] =	vst v0  }
0xa8: {  	[tilespmem:$0xA720] =	vst v0  }
0xa9: {  	[tilespmem:$0xA730] =	vst v0  }
0xaa: {  	[tilespmem:$0xA740] =	vst v0  }
0xab: {  	[tilespmem:$0xA750] =	vst v0  }
0xac: {  	[tilespmem:$0xA760] =	vst v0  }
0xad: {  	[tilespmem:$0xA770] =	vst v0  }
0xae: {  	[tilespmem:$0xA780] =	vst v0  }
0xaf: {  	[tilespmem:$0xA790] =	vst v0  }
0xb0: {  	[tilespmem:$0xA7A0] =	vst v0  }
0xb1: {  	[tilespmem:$0xA7B0] =	vst v0  }
0xb2: {  	[tilespmem:$0xA7C0] =	vst v0  }
0xb3: {  	[tilespmem:$0xA7D0] =	vst v0  }
0xb4: {  	[smem:$0x7EC] =	sst s8;
	[tilespmem:$0xA7E0] =	vst v0  }
0xb5: {  	[tilespmem:$0xA7F0] =	vst v0;
	s18 =	simm.s32 $0xA000;
	s7 =	rddreg [dreg:$0x7]  }
0xb6: {  	[spmem:s25] =	stream.linear.scatter [tilespmem:s18], [sflag:$0x5], $0x800, $0x38;
	[tilespmem:$0x1E800] =	vst v63  }
0xb7: {  	s8 =	rddreg [dreg:$0x8]  }
0xb8: {  	[spmem:s7] =	stream.linear.scatter [tilespmem:s18], [sflag:$0x5], $0x800, $0x38;
	[tilespmem:$0x1E800] =	vst v63  }
0xb9: {  	s11 =	rddreg [dreg:$0x9]  }
0xba: {  	[spmem:s8] =	stream.linear.scatter [tilespmem:s18], [sflag:$0x5], $0x800, $0x38;
	[tilespmem:$0x1E800] =	vst v63  }
0xbb: {  	s29 =	rddreg [dreg:$0xb]  }
0xbc: {  	[spmem:s11] =	stream.linear.scatter [tilespmem:s18], [sflag:$0x5], $0x800, $0x38;
	[tilespmem:$0x1E800] =	vst v63  }
0xbd: {  	s25 =	rddreg [dreg:$0xa]  }
0xbe: {  	[spmem:s25] =	stream.linear.scatter [tilespmem:s18], [sflag:$0x5], $0x800, $0x38;
	[tilespmem:$0x1E800] =	vst v63  }
0xbf: {  	s8 =	rddreg [dreg:$0xc]  }
0xc0: {  	[spmem:s29] =	stream.linear.scatter [tilespmem:s18], [sflag:$0x5], $0x800, $0x38;
	[tilespmem:$0x1E800] =	vst v63  }
0xc1: {  	s11 =	rddreg [dreg:$0xd]  }
0xc2: {  	[spmem:s8] =	stream.linear.scatter [tilespmem:s18], [sflag:$0x5], $0x800, $0x38;
	[tilespmem:$0x1E800] =	vst v63  }
0xc3: {  	s25 =	rddreg [dreg:$0xe]  }
0xc4: {  	[spmem:s11] =	stream.linear.scatter [tilespmem:s18], [sflag:$0x5], $0x800, $0x38;
	[tilespmem:$0x1E800] =	vst v63  }
0xc5: {  	s29 =	rddreg [dreg:$0xf]  }
0xc6: {  	[spmem:s25] =	stream.linear.scatter [tilespmem:s18], [sflag:$0x5], $0x800, $0x38;
	[tilespmem:$0x1E800] =	vst v63  }
0xc7: {  	s8 =	rddreg [dreg:$0x10]  }
0xc8: {  	[spmem:s29] =	stream.linear.scatter [tilespmem:s18], [sflag:$0x5], $0x800, $0x38;
	[tilespmem:$0x1E800] =	vst v63  }
0xc9: {  	s11 =	rddreg [dreg:$0x11]  }
0xca: {  	[spmem:s8] =	stream.linear.scatter [tilespmem:s18], [sflag:$0x5], $0x800, $0x38;
	[tilespmem:$0x1E800] =	vst v63  }
0xcb: {  	s25 =	rddreg [dreg:$0x13]  }
0xcc: {  	[spmem:s11] =	stream.linear.scatter [tilespmem:s18], [sflag:$0x5], $0x800, $0x38;
	[tilespmem:$0x1E800] =	vst v63  }
0xcd: {  	s29 =	rddreg [dreg:$0x14]  }
0xce: {  	[spmem:s25] =	stream.linear.scatter [tilespmem:s18], [sflag:$0x5], $0x800, $0x38;
	[tilespmem:$0x1E800] =	vst v63  }
0xcf: {  	s8 =	rddreg [dreg:$0x15]  }
0xd0: {  	[spmem:s29] =	stream.linear.scatter [tilespmem:s18], [sflag:$0x5], $0x800, $0x38;
	[tilespmem:$0x1E800] =	vst v63  }
0xd1: {  	s11 =	rddreg [dreg:$0x16]  }
0xd2: {  	[spmem:s8] =	stream.linear.scatter [tilespmem:s18], [sflag:$0x5], $0x800, $0x38;
	[tilespmem:$0x1E800] =	vst v63  }
0xd3: {  	s25 =	rddreg [dreg:$0x17]  }
0xd4: {  	[spmem:s11] =	stream.linear.scatter [tilespmem:s18], [sflag:$0x5], $0x800, $0x38;
	[tilespmem:$0x1E800] =	vst v63  }
0xd5: {  	s29 =	rddreg [dreg:$0x18]  }
0xd6: {  	[spmem:s25] =	stream.linear.scatter [tilespmem:s18], [sflag:$0x5], $0x800, $0x38;
	[tilespmem:$0x1E800] =	vst v63  }
0xd7: {  	s8 =	rddreg [dreg:$0x19]  }
0xd8: {  	[spmem:s29] =	stream.linear.scatter [tilespmem:s18], [sflag:$0x5], $0x800, $0x38;
	[tilespmem:$0x1E800] =	vst v63  }
0xd9: {  	s11 =	rddreg [dreg:$0x1a]  }
0xda: {  	[spmem:s8] =	stream.linear.scatter [tilespmem:s18], [sflag:$0x5], $0x800, $0x38;
	[tilespmem:$0x1E800] =	vst v63  }
0xdb: {  	s25 =	rddreg [dreg:$0x1b]  }
0xdc: {  	[spmem:s11] =	stream.linear.scatter [tilespmem:s18], [sflag:$0x5], $0x800, $0x38;
	[tilespmem:$0x1E800] =	vst v63  }
0xdd: {  	s29 =	rddreg [dreg:$0x1c]  }
0xde: {  	[spmem:s25] =	stream.linear.scatter [tilespmem:s18], [sflag:$0x5], $0x800, $0x38;
	[tilespmem:$0x1E800] =	vst v63  }
0xdf: {  	s8 =	rddreg [dreg:$0x1d]  }
0xe0: {  	[spmem:s29] =	stream.linear.scatter [tilespmem:s18], [sflag:$0x5], $0x800, $0x38;
	[tilespmem:$0x1E800] =	vst v63  }
0xe1: {  	s11 =	rddreg [dreg:$0x1e]  }
0xe2: {  	[spmem:s8] =	stream.linear.scatter [tilespmem:s18], [sflag:$0x5], $0x800, $0x38;
	[tilespmem:$0x1E800] =	vst v63  }
0xe3: {  	s25 =	rddreg [dreg:$0x1f]  }
0xe4: {  	[spmem:s11] =	stream.linear.scatter [tilespmem:s18], [sflag:$0x5], $0x800, $0x38;
	[tilespmem:$0x1E800] =	vst v63  }
0xe5: {  	s29 =	sld [smem:$0x7EF]  }
0xe6: {  	[spmem:s25] =	stream.linear.scatter [tilespmem:s18], [sflag:$0x5], $0x800, $0x38;
	[tilespmem:$0x1E800] =	vst v63  }
0xe7: {  	s8 =	sld [smem:$0x7F0]  }
0xe8: {  	[spmem:s29] =	stream.linear.scatter [tilespmem:s18], [sflag:$0x5], $0x800, $0x38;
	[tilespmem:$0x1E800] =	vst v63  }
0xe9: {  	s11 =	sld [smem:$0x7F1]  }
0xea: {  	[spmem:s8] =	stream.linear.scatter [tilespmem:s18], [sflag:$0x5], $0x800, $0x38;
	[tilespmem:$0x1E800] =	vst v63  }
0xeb: {  	s25 =	sld [smem:$0x7F2]  }
0xec: {  	[spmem:s11] =	stream.linear.scatter [tilespmem:s18], [sflag:$0x5], $0x800, $0x38;
	[tilespmem:$0x1E800] =	vst v63  }
0xed: {  	s29 =	sld [smem:$0x7F3]  }
0xee: {  	[spmem:s25] =	stream.linear.scatter [tilespmem:s18], [sflag:$0x5], $0x800, $0x38;
	[tilespmem:$0x1E800] =	vst v63  }
0xef: {  	s8 =	sld [smem:$0x7F4]  }
0xf0: {  	[spmem:s29] =	stream.linear.scatter [tilespmem:s18], [sflag:$0x5], $0x800, $0x38;
	[tilespmem:$0x1E800] =	vst v63  }
0xf1: {  	s11 =	sld [smem:$0x7F5]  }
0xf2: {  	[spmem:s8] =	stream.linear.scatter [tilespmem:s18], [sflag:$0x5], $0x800, $0x38;
	[tilespmem:$0x1E800] =	vst v63  }
0xf3: {  	s25 =	sld [smem:$0x7F6]  }
0xf4: {  	[spmem:s11] =	stream.linear.scatter [tilespmem:s18], [sflag:$0x5], $0x800, $0x38;
	[tilespmem:$0x1E800] =	vst v63  }
0xf5: {  	s29 =	sld [smem:$0x7F7]  }
0xf6: {  	[spmem:s25] =	stream.linear.scatter [tilespmem:s18], [sflag:$0x5], $0x800, $0x38;
	[tilespmem:$0x1E800] =	vst v63  }
0xf7: {  	s8 =	sld [smem:$0x7F8]  }
0xf8: {  	[spmem:s29] =	stream.linear.scatter [tilespmem:s18], [sflag:$0x5], $0x800, $0x38;
	[tilespmem:$0x1E800] =	vst v63  }
0xf9: {  	s11 =	sld [smem:$0x7F9]  }
0xfa: {  	[spmem:s8] =	stream.linear.scatter [tilespmem:s18], [sflag:$0x5], $0x800, $0x38;
	[tilespmem:$0x1E800] =	vst v63  }
0xfb: {  	s25 =	sld [smem:$0x7FA]  }
0xfc: {  	[spmem:s11] =	stream.linear.scatter [tilespmem:s18], [sflag:$0x5], $0x800, $0x38;
	[tilespmem:$0x1E800] =	vst v63  }
0xfd: {  	s29 =	sld [smem:$0x7FB]  }
0xfe: {  	[spmem:s25] =	stream.linear.scatter [tilespmem:s18], [sflag:$0x5], $0x800, $0x38;
	[tilespmem:$0x1E800] =	vst v63  }
0xff: {  	s8 =	sld [smem:$0x7FC]  }
0x100: {  	[spmem:s29] =	stream.linear.scatter [tilespmem:s18], [sflag:$0x5], $0x800, $0x38;
	[tilespmem:$0x1E800] =	vst v63  }
0x101: {  	s11 =	sld [smem:$0x7FD]  }
0x102: {  	[spmem:s8] =	stream.linear.scatter [tilespmem:s18], [sflag:$0x5], $0x800, $0x38;
	[tilespmem:$0x1E800] =	vst v63  }
0x103: {  	_ = 	snop  }
0x104: {  	[spmem:s11] =	stream.linear.scatter [tilespmem:s18], [sflag:$0x5], $0x800, $0x38;
	[tilespmem:$0x1E800] =	vst v63  }
0x105: {  	s25 =	rddreg [dreg:$0x4]  }
0x106: {  	[tilespmem:s2], [sflag:$0x3] =	stream.linear.gather [hbm4b:s25+s2], $0x800, $0x38;
	[tilespmem:$0x1E800] =	vst v63  }
0x107: {  	s29 =	rddreg [dreg:$0x5]  }
0x108: {  	[tilespmem:s0], [sflag:$0x3] =	stream.linear.gather [hbm4b:s29+s2], $0x800, $0x38;
	[tilespmem:$0x1E800] =	vst v63  }
0x109: {  	_ =	swait.ge [sflag:s3], $0x800  }
0x10a: {  	s7 =	simm.s32 $0x27;
	[sflag:s3] =	ssyncset.done $0x0  }
.LBB2_2:
0x10b: {  	p0 =	sne.s32 s7, $0x1;
	s7 =	sadd.s32 $0xFFFFFFFF, s7;
	[sflag:s3] =	ssyncadd.s32 $0xFFFFF800  }
.Ltmp0:
0x10c: {  	(pc) =	sbr.rel @p0 .LBB2_2-.Ltmp0, $3  }
0x10d: {  	_ =	sdelay $0x1  }
0x10e: {  	_ =	swait.ge [sflag:s3], $0x800  }
0x10f: {  	[sflag:s3] =	ssyncset.done $0x0  }
0x110: {  	[sflag:s3] =	ssyncadd.s32 $0xFFFFF800  }
0x111: {  	[bflag:$0x0] =	sbarrier.arrive $0xFFFF  }
0x112: {  	s11 =	sld [smem:$0x7ED]  }
0x113: {  	s7 =	simm.s32 $0x0;
	p0 =	por $0x1, $0x1  }
0x114: {  	s0 =	simm.s32 $0x1800;
	s29 =	simm.s32 $0x1E80;
	s8 =	sld [smem:$0x7EE]  }
.LBB2_4:
0x115: {  	s25 =	sadd.s32 s7, s11  }
0x116: {  	s25 =	sshll.u32 s25, $0x4  }
0x117: {  	s18 =	sadd.s32 s5, s25  }
0x118: {  	[tilespmem:s9], [sflag:$0x4] =	stream.linear.gather [hbm4b:s18+s2], $0x800, $0x38;
	[tilespmem:$0x1E800] =	vst v63  }
0x119: {  	s18 =	sadd.s32 s6, s25  }
0x11a: {  	[tilespmem:s0], [sflag:$0x4] =	stream.linear.gather [hbm4b:s18+s2], $0x800, $0x38;
	[tilespmem:$0x1E800] =	vst v63  }
0x11b: {  	_ =	swait.ge [sflag:s12], $0x800  }
0x11c: {  	[sflag:s12] =	ssyncset.done $0x0  }
0x11d: {  	[sflag:s12] =	ssyncadd.s32 $0xFFFFF800  }
0x11e: {  	_ =	swait.ge [sflag:s12], $0x800  }
0x11f: {  	[sflag:s12] =	ssyncset.done $0x0  }
0x120: {  	[sflag:s12] =	ssyncadd.s32 $0xFFFFF800  }
0x121: {  	[tilespmem:s14], [sflag:$0x1] =	stream.indirect.gather [hbm4b:s4+s13], $0x80, s2, s13, $0xb8;
	[tilespmem:$0x1E800] =	vst v63  }
0x122: {  	_ = 	snop  }
0x123: {  	[tilespmem:s15], [sflag:$0x2] =	stream.indirect.gather [hbm4b:s4+s13], $0x80, s13, s13, $0xb8;
	[tilespmem:$0x1E800] =	vst v63  }
0x124: {  	_ =	swait.ge [sflag:s16], $0x4000  }
0x125: {  	[sflag:s16] =	ssyncset.done $0x0  }
0x126: {  	[sflag:s16] =	ssyncadd.s32 $0xFFFFC000  }
0x127: {  	[spmem:s1] =	stream.indirect.scatter.add.f32 [tilespmem:s14], [sflag:$0x6], $0x80, s10, s13, $0xb8;
	[tilespmem:$0x1E800] =	vst v63  }
0x128: {  	_ =	swait.ge [sflag:s17], $0x4000  }
0x129: {  	[sflag:s17] =	ssyncset.done $0x0  }
0x12a: {  	s18 =	simm.s32 $0x100;
	[sflag:s17] =	ssyncadd.s32 $0xFFFFC000  }
0x12b: {  	[tilespmem:s14], [sflag:$0x1] =	stream.indirect.gather [hbm4b:s4+s13], $0x80, s18, s13, $0xb8;
	[tilespmem:$0x1E800] =	vst v63  }
0x12c: {  	_ =	swait.ge [sflag:s19], $0x4000  }
0x12d: {  	[sflag:s19] =	ssyncset.done $0x0  }
0x12e: {  	s25 =	simm.s32 $0x880;
	[sflag:s19] =	ssyncadd.s32 $0xFFFFC000  }
0x12f: {  	[spmem:s1] =	stream.indirect.scatter.add.f32 [tilespmem:s15], [sflag:$0x6], $0x80, s25, s13, $0xb8;
	[tilespmem:$0x1E800] =	vst v63  }
0x130: {  	_ =	swait.ge [sflag:s17], $0x4000  }
0x131: {  	[sflag:s17] =	ssyncset.done $0x0  }
0x132: {  	s18 =	simm.s32 $0x180;
	[sflag:s17] =	ssyncadd.s32 $0xFFFFC000  }
0x133: {  	[tilespmem:s15], [sflag:$0x2] =	stream.indirect.gather [hbm4b:s4+s13], $0x80, s18, s13, $0xb8;
	[tilespmem:$0x1E800] =	vst v63  }
0x134: {  	_ =	swait.ge [sflag:s16], $0x4000  }
0x135: {  	[sflag:s16] =	ssyncset.done $0x0  }
0x136: {  	s18 =	simm.s32 $0x900;
	[sflag:s16] =	ssyncadd.s32 $0xFFFFC000  }
0x137: {  	[spmem:s1] =	stream.indirect.scatter.add.f32 [tilespmem:s14], [sflag:$0x6], $0x80, s18, s13, $0xb8;
	[tilespmem:$0x1E800] =	vst v63  }
0x138: {  	_ =	swait.ge [sflag:s17], $0x4000  }
0x139: {  	[sflag:s17] =	ssyncset.done $0x0  }
0x13a: {  	s18 =	simm.s32 $0x200;
	[sflag:s17] =	ssyncadd.s32 $0xFFFFC000  }
0x13b: {  	[tilespmem:s14], [sflag:$0x1] =	stream.indirect.gather [hbm4b:s4+s13], $0x80, s18, s13, $0xb8;
	[tilespmem:$0x1E800] =	vst v63  }
0x13c: {  	_ =	swait.ge [sflag:s19], $0x4000  }
0x13d: {  	[sflag:s19] =	ssyncset.done $0x0  }
0x13e: {  	s18 =	simm.s32 $0x980;
	[sflag:s19] =	ssyncadd.s32 $0xFFFFC000  }
0x13f: {  	[spmem:s1] =	stream.indirect.scatter.add.f32 [tilespmem:s15], [sflag:$0x6], $0x80, s18, s13, $0xb8;
	[tilespmem:$0x1E800] =	vst v63  }
0x140: {  	_ =	swait.ge [sflag:s17], $0x4000  }
0x141: {  	[sflag:s17] =	ssyncset.done $0x0  }
0x142: {  	s18 =	simm.s32 $0x280;
	[sflag:s17] =	ssyncadd.s32 $0xFFFFC000  }
0x143: {  	[tilespmem:s15], [sflag:$0x2] =	stream.indirect.gather [hbm4b:s4+s13], $0x80, s18, s13, $0xb8;
	[tilespmem:$0x1E800] =	vst v63  }
0x144: {  	_ =	swait.ge [sflag:s16], $0x4000  }
0x145: {  	[sflag:s16] =	ssyncset.done $0x0  }
0x146: {  	s18 =	simm.s32 $0xA00;
	[sflag:s16] =	ssyncadd.s32 $0xFFFFC000  }
0x147: {  	[spmem:s1] =	stream.indirect.scatter.add.f32 [tilespmem:s14], [sflag:$0x6], $0x80, s18, s13, $0xb8;
	[tilespmem:$0x1E800] =	vst v63  }
0x148: {  	_ =	swait.ge [sflag:s17], $0x4000  }
0x149: {  	[sflag:s17] =	ssyncset.done $0x0  }
0x14a: {  	s18 =	simm.s32 $0x300;
	[sflag:s17] =	ssyncadd.s32 $0xFFFFC000  }
0x14b: {  	[tilespmem:s14], [sflag:$0x1] =	stream.indirect.gather [hbm4b:s4+s13], $0x80, s18, s13, $0xb8;
	[tilespmem:$0x1E800] =	vst v63  }
0x14c: {  	_ =	swait.ge [sflag:s19], $0x4000  }
0x14d: {  	[sflag:s19] =	ssyncset.done $0x0  }
0x14e: {  	s18 =	simm.s32 $0xA80;
	[sflag:s19] =	ssyncadd.s32 $0xFFFFC000  }
0x14f: {  	[spmem:s1] =	stream.indirect.scatter.add.f32 [tilespmem:s15], [sflag:$0x6], $0x80, s18, s13, $0xb8;
	[tilespmem:$0x1E800] =	vst v63  }
0x150: {  	_ =	swait.ge [sflag:s17], $0x4000  }
0x151: {  	[sflag:s17] =	ssyncset.done $0x0  }
0x152: {  	s18 =	simm.s32 $0x380;
	[sflag:s17] =	ssyncadd.s32 $0xFFFFC000  }
0x153: {  	[tilespmem:s15], [sflag:$0x2] =	stream.indirect.gather [hbm4b:s4+s13], $0x80, s18, s13, $0xb8;
	[tilespmem:$0x1E800] =	vst v63  }
0x154: {  	_ =	swait.ge [sflag:s16], $0x4000  }
0x155: {  	[sflag:s16] =	ssyncset.done $0x0  }
0x156: {  	s18 =	simm.s32 $0xB00;
	[sflag:s16] =	ssyncadd.s32 $0xFFFFC000  }
0x157: {  	[spmem:s1] =	stream.indirect.scatter.add.f32 [tilespmem:s14], [sflag:$0x6], $0x80, s18, s13, $0xb8;
	[tilespmem:$0x1E800] =	vst v63  }
0x158: {  	_ =	swait.ge [sflag:s17], $0x4000  }
0x159: {  	[sflag:s17] =	ssyncset.done $0x0  }
0x15a: {  	s18 =	simm.s32 $0x400;
	[sflag:s17] =	ssyncadd.s32 $0xFFFFC000  }
0x15b: {  	[tilespmem:s14], [sflag:$0x1] =	stream.indirect.gather [hbm4b:s4+s13], $0x80, s18, s13, $0xb8;
	[tilespmem:$0x1E800] =	vst v63  }
0x15c: {  	_ =	swait.ge [sflag:s19], $0x4000  }
0x15d: {  	[sflag:s19] =	ssyncset.done $0x0  }
0x15e: {  	s18 =	simm.s32 $0xB80;
	[sflag:s19] =	ssyncadd.s32 $0xFFFFC000  }
0x15f: {  	[spmem:s1] =	stream.indirect.scatter.add.f32 [tilespmem:s15], [sflag:$0x6], $0x80, s18, s13, $0xb8;
	[tilespmem:$0x1E800] =	vst v63  }
0x160: {  	_ =	swait.ge [sflag:s17], $0x4000  }
0x161: {  	[sflag:s17] =	ssyncset.done $0x0  }
0x162: {  	s18 =	simm.s32 $0x480;
	[sflag:s17] =	ssyncadd.s32 $0xFFFFC000  }
0x163: {  	[tilespmem:s15], [sflag:$0x2] =	stream.indirect.gather [hbm4b:s4+s13], $0x80, s18, s13, $0xb8;
	[tilespmem:$0x1E800] =	vst v63  }
0x164: {  	_ =	swait.ge [sflag:s16], $0x4000  }
0x165: {  	[sflag:s16] =	ssyncset.done $0x0  }
0x166: {  	s18 =	simm.s32 $0xC00;
	[sflag:s16] =	ssyncadd.s32 $0xFFFFC000  }
0x167: {  	[spmem:s1] =	stream.indirect.scatter.add.f32 [tilespmem:s14], [sflag:$0x6], $0x80, s18, s13, $0xb8;
	[tilespmem:$0x1E800] =	vst v63  }
0x168: {  	_ =	swait.ge [sflag:s17], $0x4000  }
0x169: {  	[sflag:s17] =	ssyncset.done $0x0  }
0x16a: {  	s18 =	simm.s32 $0x500;
	[sflag:s17] =	ssyncadd.s32 $0xFFFFC000  }
0x16b: {  	[tilespmem:s14], [sflag:$0x1] =	stream.indirect.gather [hbm4b:s4+s13], $0x80, s18, s13, $0xb8;
	[tilespmem:$0x1E800] =	vst v63  }
0x16c: {  	_ =	swait.ge [sflag:s19], $0x4000  }
0x16d: {  	[sflag:s19] =	ssyncset.done $0x0  }
0x16e: {  	s18 =	simm.s32 $0xC80;
	[sflag:s19] =	ssyncadd.s32 $0xFFFFC000  }
0x16f: {  	[spmem:s1] =	stream.indirect.scatter.add.f32 [tilespmem:s15], [sflag:$0x6], $0x80, s18, s13, $0xb8;
	[tilespmem:$0x1E800] =	vst v63  }
0x170: {  	_ =	swait.ge [sflag:s17], $0x4000  }
0x171: {  	[sflag:s17] =	ssyncset.done $0x0  }
0x172: {  	s18 =	simm.s32 $0x580;
	[sflag:s17] =	ssyncadd.s32 $0xFFFFC000  }
0x173: {  	[tilespmem:s15], [sflag:$0x2] =	stream.indirect.gather [hbm4b:s4+s13], $0x80, s18, s13, $0xb8;
	[tilespmem:$0x1E800] =	vst v63  }
0x174: {  	_ =	swait.ge [sflag:s16], $0x4000  }
0x175: {  	[sflag:s16] =	ssyncset.done $0x0  }
0x176: {  	s18 =	simm.s32 $0xD00;
	[sflag:s16] =	ssyncadd.s32 $0xFFFFC000  }
0x177: {  	[spmem:s1] =	stream.indirect.scatter.add.f32 [tilespmem:s14], [sflag:$0x6], $0x80, s18, s13, $0xb8;
	[tilespmem:$0x1E800] =	vst v63  }
0x178: {  	_ =	swait.ge [sflag:s17], $0x4000  }
0x179: {  	[sflag:s17] =	ssyncset.done $0x0  }
0x17a: {  	s18 =	simm.s32 $0x600;
	[sflag:s17] =	ssyncadd.s32 $0xFFFFC000  }
0x17b: {  	[tilespmem:s14], [sflag:$0x1] =	stream.indirect.gather [hbm4b:s4+s13], $0x80, s18, s13, $0xb8;
	[tilespmem:$0x1E800] =	vst v63  }
0x17c: {  	_ =	swait.ge [sflag:s19], $0x4000  }
0x17d: {  	[sflag:s19] =	ssyncset.done $0x0  }
0x17e: {  	s18 =	simm.s32 $0xD80;
	[sflag:s19] =	ssyncadd.s32 $0xFFFFC000  }
0x17f: {  	[spmem:s1] =	stream.indirect.scatter.add.f32 [tilespmem:s15], [sflag:$0x6], $0x80, s18, s13, $0xb8;
	[tilespmem:$0x1E800] =	vst v63  }
0x180: {  	_ =	swait.ge [sflag:s17], $0x4000  }
0x181: {  	[sflag:s17] =	ssyncset.done $0x0  }
0x182: {  	s18 =	simm.s32 $0x680;
	[sflag:s17] =	ssyncadd.s32 $0xFFFFC000  }
0x183: {  	[tilespmem:s15], [sflag:$0x2] =	stream.indirect.gather [hbm4b:s4+s13], $0x80, s18, s13, $0xb8;
	[tilespmem:$0x1E800] =	vst v63  }
0x184: {  	_ =	swait.ge [sflag:s16], $0x4000  }
0x185: {  	[sflag:s16] =	ssyncset.done $0x0  }
0x186: {  	s18 =	simm.s32 $0xE00;
	[sflag:s16] =	ssyncadd.s32 $0xFFFFC000  }
0x187: {  	[spmem:s1] =	stream.indirect.scatter.add.f32 [tilespmem:s14], [sflag:$0x6], $0x80, s18, s13, $0xb8;
	[tilespmem:$0x1E800] =	vst v63  }
0x188: {  	_ =	swait.ge [sflag:s17], $0x4000  }
0x189: {  	[sflag:s17] =	ssyncset.done $0x0  }
0x18a: {  	s18 =	simm.s32 $0x700;
	[sflag:s17] =	ssyncadd.s32 $0xFFFFC000  }
0x18b: {  	[tilespmem:s14], [sflag:$0x1] =	stream.indirect.gather [hbm4b:s4+s13], $0x80, s18, s13, $0xb8;
	[tilespmem:$0x1E800] =	vst v63  }
0x18c: {  	_ =	swait.ge [sflag:s19], $0x4000  }
0x18d: {  	[sflag:s19] =	ssyncset.done $0x0  }
0x18e: {  	s18 =	simm.s32 $0xE80;
	[sflag:s19] =	ssyncadd.s32 $0xFFFFC000  }
0x18f: {  	[spmem:s1] =	stream.indirect.scatter.add.f32 [tilespmem:s15], [sflag:$0x6], $0x80, s18, s13, $0xb8;
	[tilespmem:$0x1E800] =	vst v63  }
0x190: {  	_ =	swait.ge [sflag:s17], $0x4000  }
0x191: {  	[sflag:s17] =	ssyncset.done $0x0  }
0x192: {  	s18 =	simm.s32 $0x780;
	[sflag:s17] =	ssyncadd.s32 $0xFFFFC000  }
0x193: {  	[tilespmem:s15], [sflag:$0x2] =	stream.indirect.gather [hbm4b:s4+s13], $0x80, s18, s13, $0xb8;
	[tilespmem:$0x1E800] =	vst v63  }
0x194: {  	_ =	swait.ge [sflag:s16], $0x4000  }
0x195: {  	[sflag:s16] =	ssyncset.done $0x0  }
0x196: {  	s18 =	simm.s32 $0xF00;
	[sflag:s16] =	ssyncadd.s32 $0xFFFFC000  }
0x197: {  	[spmem:s1] =	stream.indirect.scatter.add.f32 [tilespmem:s14], [sflag:$0x6], $0x80, s18, s13, $0xb8;
	[tilespmem:$0x1E800] =	vst v63  }
0x198: {  	_ =	swait.ge [sflag:s17], $0x4000  }
0x199: {  	[sflag:s17] =	ssyncset.done $0x0  }
0x19a: {  	[sflag:s17] =	ssyncadd.s32 $0xFFFFC000  }
0x19b: {  	_ =	swait.ge [sflag:s19], $0x4000  }
0x19c: {  	[sflag:s19] =	ssyncset.done $0x0  }
0x19d: {  	s18 =	simm.s32 $0xF80;
	[sflag:s19] =	ssyncadd.s32 $0xFFFFC000  }
0x19e: {  	[spmem:s1] =	stream.indirect.scatter.add.f32 [tilespmem:s15], [sflag:$0x6], $0x80, s18, s13, $0xb8;
	[tilespmem:$0x1E800] =	vst v63  }
0x19f: {  	s18 =	sadd.s32 s7, s8;
	_ =	swait.ge [sflag:s17], $0x4000  }
0x1a0: {  	s7 =	sshll.u32 s18, $0x4;
	[sflag:s17] =	ssyncset.done $0x0  }
0x1a1: {  	s18 =	sadd.s32 s5, s7;
	[sflag:s17] =	ssyncadd.s32 $0xFFFFC000  }
0x1a2: {  	[tilespmem:s2], [sflag:$0x3] =	stream.linear.gather [hbm4b:s18+s2], $0x800, $0x38;
	[tilespmem:$0x1E800] =	vst v63  }
0x1a3: {  	s7 =	sadd.s32 s6, s7  }
0x1a4: {  	[tilespmem:s10], [sflag:$0x3] =	stream.linear.gather [hbm4b:s7+s2], $0x800, $0x38;
	[tilespmem:$0x1E800] =	vst v63  }
0x1a5: {  	_ =	swait.ge [sflag:s24], $0x800  }
0x1a6: {  	[sflag:s24] =	ssyncset.done $0x0  }
0x1a7: {  	[sflag:s24] =	ssyncadd.s32 $0xFFFFF800  }
0x1a8: {  	_ =	swait.ge [sflag:s24], $0x800  }
0x1a9: {  	[sflag:s24] =	ssyncset.done $0x0  }
0x1aa: {  	[sflag:s24] =	ssyncadd.s32 $0xFFFFF800  }
0x1ab: {  	[tilespmem:s14], [sflag:$0x1] =	stream.indirect.gather [hbm4b:s4+s13], $0x80, s9, s13, $0xb8;
	[tilespmem:$0x1E800] =	vst v63  }
0x1ac: {  	s18 =	simm.s32 $0x1080  }
0x1ad: {  	[tilespmem:s15], [sflag:$0x2] =	stream.indirect.gather [hbm4b:s4+s13], $0x80, s18, s13, $0xb8;
	[tilespmem:$0x1E800] =	vst v63  }
0x1ae: {  	_ =	swait.ge [sflag:s16], $0x4000  }
0x1af: {  	[sflag:s16] =	ssyncset.done $0x0  }
0x1b0: {  	[sflag:s16] =	ssyncadd.s32 $0xFFFFC000  }
0x1b1: {  	[spmem:s1] =	stream.indirect.scatter.add.f32 [tilespmem:s14], [sflag:$0x6], $0x80, s0, s13, $0xb8;
	[tilespmem:$0x1E800] =	vst v63  }
0x1b2: {  	_ =	swait.ge [sflag:s17], $0x4000  }
0x1b3: {  	[sflag:s17] =	ssyncset.done $0x0  }
0x1b4: {  	s18 =	simm.s32 $0x1100;
	[sflag:s17] =	ssyncadd.s32 $0xFFFFC000  }
0x1b5: {  	[tilespmem:s14], [sflag:$0x1] =	stream.indirect.gather [hbm4b:s4+s13], $0x80, s18, s13, $0xb8;
	[tilespmem:$0x1E800] =	vst v63  }
0x1b6: {  	_ =	swait.ge [sflag:s19], $0x4000  }
0x1b7: {  	[sflag:s19] =	ssyncset.done $0x0  }
0x1b8: {  	s18 =	simm.s32 $0x1880;
	[sflag:s19] =	ssyncadd.s32 $0xFFFFC000  }
0x1b9: {  	[spmem:s1] =	stream.indirect.scatter.add.f32 [tilespmem:s15], [sflag:$0x6], $0x80, s18, s13, $0xb8;
	[tilespmem:$0x1E800] =	vst v63  }
0x1ba: {  	_ =	swait.ge [sflag:s17], $0x4000  }
0x1bb: {  	[sflag:s17] =	ssyncset.done $0x0  }
0x1bc: {  	s18 =	simm.s32 $0x1180;
	[sflag:s17] =	ssyncadd.s32 $0xFFFFC000  }
0x1bd: {  	[tilespmem:s15], [sflag:$0x2] =	stream.indirect.gather [hbm4b:s4+s13], $0x80, s18, s13, $0xb8;
	[tilespmem:$0x1E800] =	vst v63  }
0x1be: {  	_ =	swait.ge [sflag:s16], $0x4000  }
0x1bf: {  	[sflag:s16] =	ssyncset.done $0x0  }
0x1c0: {  	s18 =	simm.s32 $0x1900;
	[sflag:s16] =	ssyncadd.s32 $0xFFFFC000  }
0x1c1: {  	[spmem:s1] =	stream.indirect.scatter.add.f32 [tilespmem:s14], [sflag:$0x6], $0x80, s18, s13, $0xb8;
	[tilespmem:$0x1E800] =	vst v63  }
0x1c2: {  	_ =	swait.ge [sflag:s17], $0x4000  }
0x1c3: {  	[sflag:s17] =	ssyncset.done $0x0  }
0x1c4: {  	s18 =	simm.s32 $0x1200;
	[sflag:s17] =	ssyncadd.s32 $0xFFFFC000  }
0x1c5: {  	[tilespmem:s14], [sflag:$0x1] =	stream.indirect.gather [hbm4b:s4+s13], $0x80, s18, s13, $0xb8;
	[tilespmem:$0x1E800] =	vst v63  }
0x1c6: {  	_ =	swait.ge [sflag:s19], $0x4000  }
0x1c7: {  	[sflag:s19] =	ssyncset.done $0x0  }
0x1c8: {  	s18 =	simm.s32 $0x1980;
	[sflag:s19] =	ssyncadd.s32 $0xFFFFC000  }
0x1c9: {  	[spmem:s1] =	stream.indirect.scatter.add.f32 [tilespmem:s15], [sflag:$0x6], $0x80, s18, s13, $0xb8;
	[tilespmem:$0x1E800] =	vst v63  }
0x1ca: {  	_ =	swait.ge [sflag:s17], $0x4000  }
0x1cb: {  	[sflag:s17] =	ssyncset.done $0x0  }
0x1cc: {  	s18 =	simm.s32 $0x1280;
	[sflag:s17] =	ssyncadd.s32 $0xFFFFC000  }
0x1cd: {  	[tilespmem:s15], [sflag:$0x2] =	stream.indirect.gather [hbm4b:s4+s13], $0x80, s18, s13, $0xb8;
	[tilespmem:$0x1E800] =	vst v63  }
0x1ce: {  	_ =	swait.ge [sflag:s16], $0x4000  }
0x1cf: {  	[sflag:s16] =	ssyncset.done $0x0  }
0x1d0: {  	s18 =	simm.s32 $0x1A00;
	[sflag:s16] =	ssyncadd.s32 $0xFFFFC000  }
0x1d1: {  	[spmem:s1] =	stream.indirect.scatter.add.f32 [tilespmem:s14], [sflag:$0x6], $0x80, s18, s13, $0xb8;
	[tilespmem:$0x1E800] =	vst v63  }
0x1d2: {  	_ =	swait.ge [sflag:s17], $0x4000  }
0x1d3: {  	[sflag:s17] =	ssyncset.done $0x0  }
0x1d4: {  	s18 =	simm.s32 $0x1300;
	[sflag:s17] =	ssyncadd.s32 $0xFFFFC000  }
0x1d5: {  	[tilespmem:s14], [sflag:$0x1] =	stream.indirect.gather [hbm4b:s4+s13], $0x80, s18, s13, $0xb8;
	[tilespmem:$0x1E800] =	vst v63  }
0x1d6: {  	_ =	swait.ge [sflag:s19], $0x4000  }
0x1d7: {  	[sflag:s19] =	ssyncset.done $0x0  }
0x1d8: {  	s18 =	simm.s32 $0x1A80;
	[sflag:s19] =	ssyncadd.s32 $0xFFFFC000  }
0x1d9: {  	[spmem:s1] =	stream.indirect.scatter.add.f32 [tilespmem:s15], [sflag:$0x6], $0x80, s18, s13, $0xb8;
	[tilespmem:$0x1E800] =	vst v63  }
0x1da: {  	_ =	swait.ge [sflag:s17], $0x4000  }
0x1db: {  	[sflag:s17] =	ssyncset.done $0x0  }
0x1dc: {  	s18 =	simm.s32 $0x1380;
	[sflag:s17] =	ssyncadd.s32 $0xFFFFC000  }
0x1dd: {  	[tilespmem:s15], [sflag:$0x2] =	stream.indirect.gather [hbm4b:s4+s13], $0x80, s18, s13, $0xb8;
	[tilespmem:$0x1E800] =	vst v63  }
0x1de: {  	_ =	swait.ge [sflag:s16], $0x4000  }
0x1df: {  	[sflag:s16] =	ssyncset.done $0x0  }
0x1e0: {  	s18 =	simm.s32 $0x1B00;
	[sflag:s16] =	ssyncadd.s32 $0xFFFFC000  }
0x1e1: {  	[spmem:s1] =	stream.indirect.scatter.add.f32 [tilespmem:s14], [sflag:$0x6], $0x80, s18, s13, $0xb8;
	[tilespmem:$0x1E800] =	vst v63  }
0x1e2: {  	_ =	swait.ge [sflag:s17], $0x4000  }
0x1e3: {  	[sflag:s17] =	ssyncset.done $0x0  }
0x1e4: {  	s18 =	simm.s32 $0x1400;
	[sflag:s17] =	ssyncadd.s32 $0xFFFFC000  }
0x1e5: {  	[tilespmem:s14], [sflag:$0x1] =	stream.indirect.gather [hbm4b:s4+s13], $0x80, s18, s13, $0xb8;
	[tilespmem:$0x1E800] =	vst v63  }
0x1e6: {  	_ =	swait.ge [sflag:s19], $0x4000  }
0x1e7: {  	[sflag:s19] =	ssyncset.done $0x0  }
0x1e8: {  	s18 =	simm.s32 $0x1B80;
	[sflag:s19] =	ssyncadd.s32 $0xFFFFC000  }
0x1e9: {  	[spmem:s1] =	stream.indirect.scatter.add.f32 [tilespmem:s15], [sflag:$0x6], $0x80, s18, s13, $0xb8;
	[tilespmem:$0x1E800] =	vst v63  }
0x1ea: {  	_ =	swait.ge [sflag:s17], $0x4000  }
0x1eb: {  	[sflag:s17] =	ssyncset.done $0x0  }
0x1ec: {  	s18 =	simm.s32 $0x1480;
	[sflag:s17] =	ssyncadd.s32 $0xFFFFC000  }
0x1ed: {  	[tilespmem:s15], [sflag:$0x2] =	stream.indirect.gather [hbm4b:s4+s13], $0x80, s18, s13, $0xb8;
	[tilespmem:$0x1E800] =	vst v63  }
0x1ee: {  	_ =	swait.ge [sflag:s16], $0x4000  }
0x1ef: {  	[sflag:s16] =	ssyncset.done $0x0  }
0x1f0: {  	s18 =	simm.s32 $0x1C00;
	[sflag:s16] =	ssyncadd.s32 $0xFFFFC000  }
0x1f1: {  	[spmem:s1] =	stream.indirect.scatter.add.f32 [tilespmem:s14], [sflag:$0x6], $0x80, s18, s13, $0xb8;
	[tilespmem:$0x1E800] =	vst v63  }
0x1f2: {  	_ =	swait.ge [sflag:s17], $0x4000  }
0x1f3: {  	[sflag:s17] =	ssyncset.done $0x0  }
0x1f4: {  	s18 =	simm.s32 $0x1500;
	[sflag:s17] =	ssyncadd.s32 $0xFFFFC000  }
0x1f5: {  	[tilespmem:s14], [sflag:$0x1] =	stream.indirect.gather [hbm4b:s4+s13], $0x80, s18, s13, $0xb8;
	[tilespmem:$0x1E800] =	vst v63  }
0x1f6: {  	_ =	swait.ge [sflag:s19], $0x4000  }
0x1f7: {  	[sflag:s19] =	ssyncset.done $0x0  }
0x1f8: {  	s18 =	simm.s32 $0x1C80;
	[sflag:s19] =	ssyncadd.s32 $0xFFFFC000  }
0x1f9: {  	[spmem:s1] =	stream.indirect.scatter.add.f32 [tilespmem:s15], [sflag:$0x6], $0x80, s18, s13, $0xb8;
	[tilespmem:$0x1E800] =	vst v63  }
0x1fa: {  	_ =	swait.ge [sflag:s17], $0x4000  }
0x1fb: {  	[sflag:s17] =	ssyncset.done $0x0  }
0x1fc: {  	s18 =	simm.s32 $0x1580;
	[sflag:s17] =	ssyncadd.s32 $0xFFFFC000  }
0x1fd: {  	[tilespmem:s15], [sflag:$0x2] =	stream.indirect.gather [hbm4b:s4+s13], $0x80, s18, s13, $0xb8;
	[tilespmem:$0x1E800] =	vst v63  }
0x1fe: {  	_ =	swait.ge [sflag:s16], $0x4000  }
0x1ff: {  	[sflag:s16] =	ssyncset.done $0x0  }
0x200: {  	s18 =	simm.s32 $0x1D00;
	[sflag:s16] =	ssyncadd.s32 $0xFFFFC000  }
0x201: {  	[spmem:s1] =	stream.indirect.scatter.add.f32 [tilespmem:s14], [sflag:$0x6], $0x80, s18, s13, $0xb8;
	[tilespmem:$0x1E800] =	vst v63  }
0x202: {  	_ =	swait.ge [sflag:s17], $0x4000  }
0x203: {  	[sflag:s17] =	ssyncset.done $0x0  }
0x204: {  	[sflag:s17] =	ssyncadd.s32 $0xFFFFC000  }
0x205: {  	[tilespmem:s14], [sflag:$0x1] =	stream.indirect.gather [hbm4b:s4+s13], $0x80, s22, s13, $0xb8;
	[tilespmem:$0x1E800] =	vst v63  }
0x206: {  	_ =	swait.ge [sflag:s19], $0x4000  }
0x207: {  	[sflag:s19] =	ssyncset.done $0x0  }
0x208: {  	[sflag:s19] =	ssyncadd.s32 $0xFFFFC000  }
0x209: {  	[spmem:s1] =	stream.indirect.scatter.add.f32 [tilespmem:s15], [sflag:$0x6], $0x80, s30, s13, $0xb8;
	[tilespmem:$0x1E800] =	vst v63  }
0x20a: {  	_ =	swait.ge [sflag:s17], $0x4000  }
0x20b: {  	[sflag:s17] =	ssyncset.done $0x0  }
0x20c: {  	[sflag:s17] =	ssyncadd.s32 $0xFFFFC000  }
0x20d: {  	[tilespmem:s15], [sflag:$0x2] =	stream.indirect.gather [hbm4b:s4+s13], $0x80, s21, s13, $0xb8;
	[tilespmem:$0x1E800] =	vst v63  }
0x20e: {  	_ =	swait.ge [sflag:s16], $0x4000  }
0x20f: {  	[sflag:s16] =	ssyncset.done $0x0  }
0x210: {  	[sflag:s16] =	ssyncadd.s32 $0xFFFFC000  }
0x211: {  	[spmem:s1] =	stream.indirect.scatter.add.f32 [tilespmem:s14], [sflag:$0x6], $0x80, s26, s13, $0xb8;
	[tilespmem:$0x1E800] =	vst v63  }
0x212: {  	_ =	swait.ge [sflag:s17], $0x4000  }
0x213: {  	[sflag:s17] =	ssyncset.done $0x0  }
0x214: {  	[sflag:s17] =	ssyncadd.s32 $0xFFFFC000  }
0x215: {  	[tilespmem:s14], [sflag:$0x1] =	stream.indirect.gather [hbm4b:s4+s13], $0x80, s20, s13, $0xb8;
	[tilespmem:$0x1E800] =	vst v63  }
0x216: {  	_ =	swait.ge [sflag:s19], $0x4000  }
0x217: {  	[sflag:s19] =	ssyncset.done $0x0  }
0x218: {  	[sflag:s19] =	ssyncadd.s32 $0xFFFFC000  }
0x219: {  	[spmem:s1] =	stream.indirect.scatter.add.f32 [tilespmem:s15], [sflag:$0x6], $0x80, s29, s13, $0xb8;
	[tilespmem:$0x1E800] =	vst v63  }
0x21a: {  	_ =	swait.ge [sflag:s17], $0x4000  }
0x21b: {  	[sflag:s17] =	ssyncset.done $0x0  }
0x21c: {  	[sflag:s17] =	ssyncadd.s32 $0xFFFFC000  }
0x21d: {  	[tilespmem:s15], [sflag:$0x2] =	stream.indirect.gather [hbm4b:s4+s13], $0x80, s31, s13, $0xb8;
	[tilespmem:$0x1E800] =	vst v63  }
0x21e: {  	_ =	swait.ge [sflag:s16], $0x4000  }
0x21f: {  	[sflag:s16] =	ssyncset.done $0x0  }
0x220: {  	[sflag:s16] =	ssyncadd.s32 $0xFFFFC000  }
0x221: {  	[spmem:s1] =	stream.indirect.scatter.add.f32 [tilespmem:s14], [sflag:$0x6], $0x80, s23, s13, $0xb8;
	[tilespmem:$0x1E800] =	vst v63  }
0x222: {  	_ =	swait.ge [sflag:s17], $0x4000  }
0x223: {  	[sflag:s17] =	ssyncset.done $0x0  }
0x224: {  	[sflag:s17] =	ssyncadd.s32 $0xFFFFC000  }
0x225: {  	_ =	swait.ge [sflag:s19], $0x4000  }
0x226: {  	p1 =	por p0, p0;
	[sflag:s19] =	ssyncset.done $0x0  }
.Ltmp1:
0x227: {  	[sflag:s19] =	ssyncadd.s32 $0xFFFFC000;
	(pc) =	sbr.rel @p1 .LBB2_4-.Ltmp1, $4  }
0x228: {  	[spmem:s1] =	stream.indirect.scatter.add.f32 [tilespmem:s15], [sflag:$0x6], $0x80, s28, s13, $0xb8;
	[tilespmem:$0x1E800] =	vst v63  }
0x229: {  	_ =	swait.ge [sflag:s17], $0x4000  }
0x22a: {  	[sflag:s17] =	ssyncset.done $0x0  }
0x22b: {  	p0 =	por $0x0, $0x0;
	s7 =	simm.s32 $0x20;
	[sflag:s17] =	ssyncadd.s32 $0xFFFFC000  }
0x22c: {  	_ =	swait.ge [sflag:s12], $0x800  }
0x22d: {  	[sflag:s12] =	ssyncset.done $0x0  }
0x22e: {  	[sflag:s12] =	ssyncadd.s32 $0xFFFFF800  }
0x22f: {  	_ =	swait.ge [sflag:s12], $0x800  }
0x230: {  	[sflag:s12] =	ssyncset.done $0x0  }
0x231: {  	[sflag:s12] =	ssyncadd.s32 $0xFFFFF800  }
0x232: {  	[tilespmem:s14], [sflag:$0x1] =	stream.indirect.gather [hbm4b:s4+s13], $0x80, s2, s13, $0xb8;
	[tilespmem:$0x1E800] =	vst v63  }
0x233: {  	_ = 	snop  }
0x234: {  	[tilespmem:s15], [sflag:$0x2] =	stream.indirect.gather [hbm4b:s4+s13], $0x80, s13, s13, $0xb8;
	[tilespmem:$0x1E800] =	vst v63  }
0x235: {  	_ =	swait.ge [sflag:s16], $0x4000  }
0x236: {  	[sflag:s16] =	ssyncset.done $0x0  }
0x237: {  	[sflag:s16] =	ssyncadd.s32 $0xFFFFC000  }
0x238: {  	[spmem:s1] =	stream.indirect.scatter.add.f32 [tilespmem:s14], [sflag:$0x6], $0x80, s10, s13, $0xb8;
	[tilespmem:$0x1E800] =	vst v63  }
0x239: {  	_ =	swait.ge [sflag:s17], $0x4000  }
0x23a: {  	[sflag:s17] =	ssyncset.done $0x0  }
0x23b: {  	s0 =	simm.s32 $0x100;
	[sflag:s17] =	ssyncadd.s32 $0xFFFFC000  }
0x23c: {  	[tilespmem:s14], [sflag:$0x1] =	stream.indirect.gather [hbm4b:s4+s13], $0x80, s0, s13, $0xb8;
	[tilespmem:$0x1E800] =	vst v63  }
0x23d: {  	_ =	swait.ge [sflag:s19], $0x4000  }
0x23e: {  	[sflag:s19] =	ssyncset.done $0x0  }
0x23f: {  	[sflag:s19] =	ssyncadd.s32 $0xFFFFC000  }
0x240: {  	[spmem:s1] =	stream.indirect.scatter.add.f32 [tilespmem:s15], [sflag:$0x6], $0x80, s25, s13, $0xb8;
	[tilespmem:$0x1E800] =	vst v63  }
0x241: {  	_ =	swait.ge [sflag:s17], $0x4000  }
0x242: {  	[sflag:s17] =	ssyncset.done $0x0  }
0x243: {  	s11 =	simm.s32 $0x180;
	[sflag:s17] =	ssyncadd.s32 $0xFFFFC000  }
0x244: {  	[tilespmem:s15], [sflag:$0x2] =	stream.indirect.gather [hbm4b:s4+s13], $0x80, s11, s13, $0xb8;
	[tilespmem:$0x1E800] =	vst v63  }
0x245: {  	_ =	swait.ge [sflag:s16], $0x4000  }
0x246: {  	[sflag:s16] =	ssyncset.done $0x0  }
0x247: {  	s18 =	simm.s32 $0x900;
	[sflag:s16] =	ssyncadd.s32 $0xFFFFC000  }
0x248: {  	[spmem:s1] =	stream.indirect.scatter.add.f32 [tilespmem:s14], [sflag:$0x6], $0x80, s18, s13, $0xb8;
	[tilespmem:$0x1E800] =	vst v63  }
0x249: {  	_ =	swait.ge [sflag:s17], $0x4000  }
0x24a: {  	[sflag:s17] =	ssyncset.done $0x0  }
0x24b: {  	s25 =	simm.s32 $0x200;
	[sflag:s17] =	ssyncadd.s32 $0xFFFFC000  }
0x24c: {  	[tilespmem:s14], [sflag:$0x1] =	stream.indirect.gather [hbm4b:s4+s13], $0x80, s25, s13, $0xb8;
	[tilespmem:$0x1E800] =	vst v63  }
0x24d: {  	_ =	swait.ge [sflag:s19], $0x4000  }
0x24e: {  	[sflag:s19] =	ssyncset.done $0x0  }
0x24f: {  	s29 =	simm.s32 $0x980;
	[sflag:s19] =	ssyncadd.s32 $0xFFFFC000  }
0x250: {  	[spmem:s1] =	stream.indirect.scatter.add.f32 [tilespmem:s15], [sflag:$0x6], $0x80, s29, s13, $0xb8;
	[tilespmem:$0x1E800] =	vst v63  }
0x251: {  	_ =	swait.ge [sflag:s17], $0x4000  }
0x252: {  	[sflag:s17] =	ssyncset.done $0x0  }
0x253: {  	s7 =	simm.s32 $0x280;
	[sflag:s17] =	ssyncadd.s32 $0xFFFFC000  }
0x254: {  	[tilespmem:s15], [sflag:$0x2] =	stream.indirect.gather [hbm4b:s4+s13], $0x80, s7, s13, $0xb8;
	[tilespmem:$0x1E800] =	vst v63  }
0x255: {  	_ =	swait.ge [sflag:s16], $0x4000  }
0x256: {  	[sflag:s16] =	ssyncset.done $0x0  }
0x257: {  	s8 =	simm.s32 $0xA00;
	[sflag:s16] =	ssyncadd.s32 $0xFFFFC000  }
0x258: {  	[spmem:s1] =	stream.indirect.scatter.add.f32 [tilespmem:s14], [sflag:$0x6], $0x80, s8, s13, $0xb8;
	[tilespmem:$0x1E800] =	vst v63  }
0x259: {  	_ =	swait.ge [sflag:s17], $0x4000  }
0x25a: {  	[sflag:s17] =	ssyncset.done $0x0  }
0x25b: {  	s11 =	simm.s32 $0x300;
	[sflag:s17] =	ssyncadd.s32 $0xFFFFC000  }
0x25c: {  	[tilespmem:s14], [sflag:$0x1] =	stream.indirect.gather [hbm4b:s4+s13], $0x80, s11, s13, $0xb8;
	[tilespmem:$0x1E800] =	vst v63  }
0x25d: {  	_ =	swait.ge [sflag:s19], $0x4000  }
0x25e: {  	[sflag:s19] =	ssyncset.done $0x0  }
0x25f: {  	s18 =	simm.s32 $0xA80;
	[sflag:s19] =	ssyncadd.s32 $0xFFFFC000  }
0x260: {  	[spmem:s1] =	stream.indirect.scatter.add.f32 [tilespmem:s15], [sflag:$0x6], $0x80, s18, s13, $0xb8;
	[tilespmem:$0x1E800] =	vst v63  }
0x261: {  	_ =	swait.ge [sflag:s17], $0x4000  }
0x262: {  	[sflag:s17] =	ssyncset.done $0x0  }
0x263: {  	s25 =	simm.s32 $0x380;
	[sflag:s17] =	ssyncadd.s32 $0xFFFFC000  }
0x264: {  	[tilespmem:s15], [sflag:$0x2] =	stream.indirect.gather [hbm4b:s4+s13], $0x80, s25, s13, $0xb8;
	[tilespmem:$0x1E800] =	vst v63  }
0x265: {  	_ =	swait.ge [sflag:s16], $0x4000  }
0x266: {  	[sflag:s16] =	ssyncset.done $0x0  }
0x267: {  	s29 =	simm.s32 $0xB00;
	[sflag:s16] =	ssyncadd.s32 $0xFFFFC000  }
0x268: {  	[spmem:s1] =	stream.indirect.scatter.add.f32 [tilespmem:s14], [sflag:$0x6], $0x80, s29, s13, $0xb8;
	[tilespmem:$0x1E800] =	vst v63  }
0x269: {  	_ =	swait.ge [sflag:s17], $0x4000  }
0x26a: {  	[sflag:s17] =	ssyncset.done $0x0  }
0x26b: {  	s7 =	simm.s32 $0x400;
	[sflag:s17] =	ssyncadd.s32 $0xFFFFC000  }
0x26c: {  	[tilespmem:s14], [sflag:$0x1] =	stream.indirect.gather [hbm4b:s4+s13], $0x80, s7, s13, $0xb8;
	[tilespmem:$0x1E800] =	vst v63  }
0x26d: {  	_ =	swait.ge [sflag:s19], $0x4000  }
0x26e: {  	[sflag:s19] =	ssyncset.done $0x0  }
0x26f: {  	s8 =	simm.s32 $0xB80;
	[sflag:s19] =	ssyncadd.s32 $0xFFFFC000  }
0x270: {  	[spmem:s1] =	stream.indirect.scatter.add.f32 [tilespmem:s15], [sflag:$0x6], $0x80, s8, s13, $0xb8;
	[tilespmem:$0x1E800] =	vst v63  }
0x271: {  	_ =	swait.ge [sflag:s17], $0x4000  }
0x272: {  	[sflag:s17] =	ssyncset.done $0x0  }
0x273: {  	s11 =	simm.s32 $0x480;
	[sflag:s17] =	ssyncadd.s32 $0xFFFFC000  }
0x274: {  	[tilespmem:s15], [sflag:$0x2] =	stream.indirect.gather [hbm4b:s4+s13], $0x80, s11, s13, $0xb8;
	[tilespmem:$0x1E800] =	vst v63  }
0x275: {  	_ =	swait.ge [sflag:s16], $0x4000  }
0x276: {  	[sflag:s16] =	ssyncset.done $0x0  }
0x277: {  	s18 =	simm.s32 $0xC00;
	[sflag:s16] =	ssyncadd.s32 $0xFFFFC000  }
0x278: {  	[spmem:s1] =	stream.indirect.scatter.add.f32 [tilespmem:s14], [sflag:$0x6], $0x80, s18, s13, $0xb8;
	[tilespmem:$0x1E800] =	vst v63  }
0x279: {  	_ =	swait.ge [sflag:s17], $0x4000  }
0x27a: {  	[sflag:s17] =	ssyncset.done $0x0  }
0x27b: {  	s25 =	simm.s32 $0x500;
	[sflag:s17] =	ssyncadd.s32 $0xFFFFC000  }
0x27c: {  	[tilespmem:s14], [sflag:$0x1] =	stream.indirect.gather [hbm4b:s4+s13], $0x80, s25, s13, $0xb8;
	[tilespmem:$0x1E800] =	vst v63  }
0x27d: {  	_ =	swait.ge [sflag:s19], $0x4000  }
0x27e: {  	[sflag:s19] =	ssyncset.done $0x0  }
0x27f: {  	s29 =	simm.s32 $0xC80;
	[sflag:s19] =	ssyncadd.s32 $0xFFFFC000  }
0x280: {  	[spmem:s1] =	stream.indirect.scatter.add.f32 [tilespmem:s15], [sflag:$0x6], $0x80, s29, s13, $0xb8;
	[tilespmem:$0x1E800] =	vst v63  }
0x281: {  	_ =	swait.ge [sflag:s17], $0x4000  }
0x282: {  	[sflag:s17] =	ssyncset.done $0x0  }
0x283: {  	s7 =	simm.s32 $0x580;
	[sflag:s17] =	ssyncadd.s32 $0xFFFFC000  }
0x284: {  	[tilespmem:s15], [sflag:$0x2] =	stream.indirect.gather [hbm4b:s4+s13], $0x80, s7, s13, $0xb8;
	[tilespmem:$0x1E800] =	vst v63  }
0x285: {  	_ =	swait.ge [sflag:s16], $0x4000  }
0x286: {  	[sflag:s16] =	ssyncset.done $0x0  }
0x287: {  	s8 =	simm.s32 $0xD00;
	[sflag:s16] =	ssyncadd.s32 $0xFFFFC000  }
0x288: {  	[spmem:s1] =	stream.indirect.scatter.add.f32 [tilespmem:s14], [sflag:$0x6], $0x80, s8, s13, $0xb8;
	[tilespmem:$0x1E800] =	vst v63  }
0x289: {  	_ =	swait.ge [sflag:s17], $0x4000  }
0x28a: {  	[sflag:s17] =	ssyncset.done $0x0  }
0x28b: {  	s11 =	simm.s32 $0x600;
	[sflag:s17] =	ssyncadd.s32 $0xFFFFC000  }
0x28c: {  	[tilespmem:s14], [sflag:$0x1] =	stream.indirect.gather [hbm4b:s4+s13], $0x80, s11, s13, $0xb8;
	[tilespmem:$0x1E800] =	vst v63  }
0x28d: {  	_ =	swait.ge [sflag:s19], $0x4000  }
0x28e: {  	[sflag:s19] =	ssyncset.done $0x0  }
0x28f: {  	s18 =	simm.s32 $0xD80;
	[sflag:s19] =	ssyncadd.s32 $0xFFFFC000  }
0x290: {  	[spmem:s1] =	stream.indirect.scatter.add.f32 [tilespmem:s15], [sflag:$0x6], $0x80, s18, s13, $0xb8;
	[tilespmem:$0x1E800] =	vst v63  }
0x291: {  	_ =	swait.ge [sflag:s17], $0x4000  }
0x292: {  	[sflag:s17] =	ssyncset.done $0x0  }
0x293: {  	s25 =	simm.s32 $0x680;
	[sflag:s17] =	ssyncadd.s32 $0xFFFFC000  }
0x294: {  	[tilespmem:s15], [sflag:$0x2] =	stream.indirect.gather [hbm4b:s4+s13], $0x80, s25, s13, $0xb8;
	[tilespmem:$0x1E800] =	vst v63  }
0x295: {  	_ =	swait.ge [sflag:s16], $0x4000  }
0x296: {  	[sflag:s16] =	ssyncset.done $0x0  }
0x297: {  	s29 =	simm.s32 $0xE00;
	[sflag:s16] =	ssyncadd.s32 $0xFFFFC000  }
0x298: {  	[spmem:s1] =	stream.indirect.scatter.add.f32 [tilespmem:s14], [sflag:$0x6], $0x80, s29, s13, $0xb8;
	[tilespmem:$0x1E800] =	vst v63  }
0x299: {  	_ =	swait.ge [sflag:s17], $0x4000  }
0x29a: {  	[sflag:s17] =	ssyncset.done $0x0  }
0x29b: {  	s7 =	simm.s32 $0x700;
	[sflag:s17] =	ssyncadd.s32 $0xFFFFC000  }
0x29c: {  	[tilespmem:s14], [sflag:$0x1] =	stream.indirect.gather [hbm4b:s4+s13], $0x80, s7, s13, $0xb8;
	[tilespmem:$0x1E800] =	vst v63  }
0x29d: {  	_ =	swait.ge [sflag:s19], $0x4000  }
0x29e: {  	[sflag:s19] =	ssyncset.done $0x0  }
0x29f: {  	s8 =	simm.s32 $0xE80;
	[sflag:s19] =	ssyncadd.s32 $0xFFFFC000  }
0x2a0: {  	[spmem:s1] =	stream.indirect.scatter.add.f32 [tilespmem:s15], [sflag:$0x6], $0x80, s8, s13, $0xb8;
	[tilespmem:$0x1E800] =	vst v63  }
0x2a1: {  	_ =	swait.ge [sflag:s17], $0x4000  }
0x2a2: {  	[sflag:s17] =	ssyncset.done $0x0  }
0x2a3: {  	s11 =	simm.s32 $0x780;
	[sflag:s17] =	ssyncadd.s32 $0xFFFFC000  }
0x2a4: {  	[tilespmem:s15], [sflag:$0x2] =	stream.indirect.gather [hbm4b:s4+s13], $0x80, s11, s13, $0xb8;
	[tilespmem:$0x1E800] =	vst v63  }
0x2a5: {  	_ =	swait.ge [sflag:s16], $0x4000  }
0x2a6: {  	[sflag:s16] =	ssyncset.done $0x0  }
0x2a7: {  	s18 =	simm.s32 $0xF00;
	[sflag:s16] =	ssyncadd.s32 $0xFFFFC000  }
0x2a8: {  	[spmem:s1] =	stream.indirect.scatter.add.f32 [tilespmem:s14], [sflag:$0x6], $0x80, s18, s13, $0xb8;
	[tilespmem:$0x1E800] =	vst v63  }
0x2a9: {  	_ =	swait.ge [sflag:s17], $0x4000  }
0x2aa: {  	[sflag:s17] =	ssyncset.done $0x0  }
0x2ab: {  	[sflag:s17] =	ssyncadd.s32 $0xFFFFC000  }
0x2ac: {  	_ =	swait.ge [sflag:s19], $0x4000  }
0x2ad: {  	[sflag:s19] =	ssyncset.done $0x0  }
0x2ae: {  	s25 =	simm.s32 $0xF80;
	[sflag:s19] =	ssyncadd.s32 $0xFFFFC000  }
0x2af: {  	[spmem:s1] =	stream.indirect.scatter.add.f32 [tilespmem:s15], [sflag:$0x6], $0x80, s25, s13, $0xb8;
	[tilespmem:$0x1E800] =	vst v63  }
0x2b0: {  	_ =	swait.ge [sflag:s17], $0x4000  }
0x2b1: {  	[sflag:s17] =	ssyncset.done $0x0  }
0x2b2: {  	[sflag:s17] =	ssyncadd.s32 $0xFFFFC000  }
0x2b3: {  	s7 =	stileid.u32;
	[bflag:$0x0] =	sbarrier.arrive $0xFFFF  }
0x2b4: {  	s7 =	sshll.u32 s7, $0x6;
	s25 =	rddreg [dreg:$0x3]  }
0x2b5: {  	s7 =	sor.u32 $0x1C06, s7;
	s29 =	rddreg [dreg:$0x12];
	s18 =	sshrl.u32 s25, $0x3  }
0x2b6: {  	[hbm:s29], [sflag:s7] =	dma.local [spmem:s18], $0x2800  }
0x2b7: {  	_ =	swait.ge [sflag:s17], $0x2800  }
0x2b8: {  	s8 =	sld [smem:$0x7EC];
	_ =	sdelay $0x2  }
0x2b9: {  	s29 =	rddreg [dreg:$0x6];
	s8 =	sadd.s32 $0x1, s8  }
0x2ba: {  	p0 =	sne.s32 s8, s29  }
.Ltmp2:
0x2bb: {  	_ = 	snop;
	(pc) =	sbr.rel @p0 .LBB2_1-.Ltmp2, $3  }
0x2bc: {  	_ =	sdelay $0x1  }
0x2bd: {  	[sflag:s17] =	ssyncset.done $0x0  }
0x2be: {  	s0 =	simm.s32 $0x800;
	[sflag:s17] =	ssyncadd.s32 $0xFFFFD800  }
0x2bf: {  	_ =	sfence.sel $0x180000  }
0x2c0: {  	[bflag:$0x0] =	sbarrier.arrive $0xFFFF  }
0x2c1: {  	_ =	strace $0x9000004A  }
0x2c2: {  	s0 =	stileid.u32;
	[bflag:$0x2] =	sbarrier.arrive $0xFFFF  }
0x2c3: {  	p0 =	sne.s32 s0, $0x0;
	s0 =	rddreg [dreg:$0x2]  }
0x2c4: {  	s0 =	sadd.s32 @!p0 $0x100000, s0  }
0x2c5: {  	[sflag:s0] =	ssyncadd.tile.s32 @!p0 $0x1;
	_ =	shalt  }
.Lfunc_end2:
_tile_overlayer_lowered:
.L_overlay_start_2:
0x2c6: {  	(tag) =	ssettag $0x2  }
0x2c7: {  	s0 =	rddreg [dreg:$0x0];
	s2 =	stileid.u32  }
0x2c8: {  	s1 =	rddreg [dreg:$0x1];
	p0 =	sne.s32 s2, $0x0  }
0x2c9: {  	s3 =	rddreg [dreg:$0x2];
	[bflag:$0x3] =	sbarrier.arrive $0xFFFF;
	s2 =	simm.s32 @!p0 $0x1C06  }
0x2ca: {  	[timem:s3], [sflag:s2] =	dma.local @!p0 [hbm:s0], s1  }
0x2cb: {  	s0 =	simm.s32 @!p0 $0x6  }
0x2cc: {  	_ =	swait.ge @!p0 [sflag:s0], s1  }
0x2cd: {  	s1 =	ssub.s32 @!p0 $0x0, s1;
	[sflag:s0] =	ssyncset.done @!p0 $0x0  }
0x2ce: {  	[sflag:s0] =	ssyncadd.s32 @!p0 s1  }
0x2cf: {  	[bflag:$0x3] =	sbarrier.arrive $0xFFFF  }
0x2d0: {  	_ =	shalt  }

// kernel: kernel.16.cloned.1.call-start
scs
__scs_entry_jumppad:
0x0: {  	(pc) =	sbr.rel $0x88, $3  }
0x1: {  	(tag) =	ssettag $0x0;
	lr =	simm.s32 $0x1  }
0x2: {  	[smem:$0x3F96] =	sst lr;
	_ =	strace $0xD0000000  }
0x3: {  	_ = 	snop  }
0x4: {  	_ = 	snop  }
0x5: {  	_ = 	snop  }
0x6: {  	_ = 	snop  }
0x7: {  	_ = 	snop  }
__scs_overlays_trampoline_lowered:
0x8: {  	[smem:$0x3FA5] =	sst s0  }
0x9: {  	[smem:$0x3FA6] =	sst s1  }
0xa: {  	[smem:$0x3FA7] =	sst s2  }
0xb: {  	[smem:$0x3FA8] =	sst s3  }
0xc: {  	[smem:$0x3FA9] =	sst s4  }
0xd: {  	[smem:$0x3FAA] =	sst s5  }
0xe: {  	[smem:$0x3FAB] =	sst s6  }
0xf: {  	[smem:$0x3FAC] =	sst s7  }
0x10: {  	[smem:$0x3FAD] =	sst s8  }
0x11: {  	[smem:$0x3FAE] =	sst s9;
	s0 =	simm.s32 @!p0 $0x0  }
0x12: {  	s1 =	sld [smem:$0x3F94];
	s0 =	simm.s32 @p0 $0x1  }
0x13: {  	[smem:$0x3FAF] =	sst s0;
	s0 =	simm.s32 @!p1 $0x0  }
0x14: {  	s2 =	sld [smem:$0x3F93];
	s0 =	simm.s32 @p1 $0x1  }
0x15: {  	[smem:$0x3FB0] =	sst s0;
	s0 =	simm.s32 @!p2 $0x0  }
0x16: {  	s3 =	sld [smem:$0x3FDB];
	s0 =	simm.s32 @p2 $0x1  }
0x17: {  	s4 =	simm.s32 $0x1BF5;
	[smem:$0x3FB2] =	sst s0  }
0x18: {  	s0 =	sld [smem:$0x3F95];
	_ =	swait.ge [sflag:s4], $0x0  }
0x19: {  	s7 =	sld [smem:$0x3F96]  }
0x1a: {  	s8 =	sadd.s32 $0xFFFFE003, lr  }
0x1b: {  	s9 =	sadd.s32 $0xFFFFFEF7, lr;
	s5 =	simm.s32 $0xFFFFFFFF;
	p2 =	slt.u32 s8, $0xFFFFF086  }
0x1c: {  	p1 =	slt.u32 s9, $0xF7A;
	s5 =	simm.s32 @!p2 $0x0  }
0x1d: {  	s5 =	simm.s32 @p1 $0x1;
	p0 =	seq.s32 s7, s2  }
0x1e: {  	s7 =	smul.u32 @!p0 $0xF7A, s2;
	p2 =	seq.s32 @!p0 s5, $0x0  }
0x1f: {  	s9 =	smul.u32 $0xF7A, s1;
	s8 =	simm.s32 @!p0 $0x1BF5;
	p2 =	por !p2, p0  }
0x20: {  	[sflag:s8] =	ssyncset.s32 @!p0 $0xFFFFF086;
	s6 =	sadd.s32 @!p0 s3, s7;
	s7 =	simm.s32 @!p0 $0x108  }
0x21: {  	s3 =	sadd.s32 s3, s9;
	s6 =	sadd.s32 @!p0 $0x88, s6;
	s7 =	simm.s32 @p2 $0x1082  }
0x22: {  	[simem:s7], [sflag:s8] =	dma.local @!p0 [hbm:s6], $0xF7A  }
0x23: {  	s9 =	sor.u32 $0xD0000000, s2;
	s6 =	simm.s32 $0x108;
	_ =	swait.ge @!p0 [sflag:s8], $0x0  }
0x24: {  	s3 =	sadd.s32 $0x88, s3;
	s6 =	simm.s32 @!p1 $0x1082;
	[sflag:s4] =	ssyncset.s32 $0xFFFFF086  }
0x25: {  	[simem:s6], [sflag:s4] =	dma.local [hbm:s3], $0xF7A  }
0x26: {  	[smem:$0x3F96] =	sst s1;
	(tag) =	ssettag s2;
	_ =	strace s9  }
0x27: {  	s1 =	sld [smem:$0x3FA6]  }
0x28: {  	s2 =	sld [smem:$0x3FA7]  }
0x29: {  	s4 =	sld [smem:$0x3FA9]  }
0x2a: {  	p0 =	seq.s32 s5, $0x0;
	s5 =	sld [smem:$0x3FAA]  }
0x2b: {  	s6 =	sld [smem:$0x3FAB]  }
0x2c: {  	s7 =	sld [smem:$0x3FAC]  }
0x2d: {  	s3 =	simm.s32 $0x108;
	s8 =	sld [smem:$0x3FAD]  }
0x2e: {  	s3 =	simm.s32 @!p0 $0x1082;
	s9 =	sld [smem:$0x3FAE]  }
0x2f: {  	lr =	sadd.s32 s0, s3;
	s0 =	sld [smem:$0x3FA5]  }
0x30: {  	s3 =	sld [smem:$0x3FA8]  }
0x31: {  	[smem:$0x3FB1] =	sst s10  }
0x32: {  	s10 =	sld [smem:$0x3FAF];
	_ =	sdelay $0x3  }
0x33: {  	p0 =	seq.s32 s10, $0x1;
	s10 =	sld [smem:$0x3FB1];
	_ =	sdelay $0x3  }
0x34: {  	[smem:$0x3FB1] =	sst s10  }
0x35: {  	s10 =	sld [smem:$0x3FB0];
	_ =	sdelay $0x3  }
0x36: {  	p1 =	seq.s32 s10, $0x1;
	s10 =	sld [smem:$0x3FB1];
	_ =	sdelay $0x3  }
0x37: {  	[smem:$0x3FB1] =	sst s10  }
0x38: {  	s10 =	sld [smem:$0x3FB2]  }
0x39: {  	_ = 	snop;
	(pc) =	sbr.ind lr, $3  }
0x3a: {  	_ = 	snop  }
0x3b: {  	_ = 	snop  }
0x3c: {  	p2 =	seq.s32 s10, $0x1;
	s10 =	sld [smem:$0x3FB1]  }
0x3d: {  	_ =	shalt  }
0x3e: {  	_ =	shalt  }
0x3f: {  	_ =	shalt  }
0x40: {  	_ =	shalt  }
0x41: {  	_ =	shalt  }
0x42: {  	_ =	shalt  }
0x43: {  	_ =	shalt  }
0x44: {  	_ =	shalt  }
0x45: {  	_ =	shalt  }
0x46: {  	_ =	shalt  }
0x47: {  	_ =	shalt  }
0x48: {  	_ =	shalt  }
0x49: {  	_ =	shalt  }
0x4a: {  	_ =	shalt  }
0x4b: {  	_ =	shalt  }
0x4c: {  	_ =	shalt  }
0x4d: {  	_ =	shalt  }
0x4e: {  	_ =	shalt  }
0x4f: {  	_ =	shalt  }
0x50: {  	_ =	shalt  }
0x51: {  	_ =	shalt  }
0x52: {  	_ =	shalt  }
0x53: {  	_ =	shalt  }
0x54: {  	_ =	shalt  }
0x55: {  	_ =	shalt  }
0x56: {  	_ =	shalt  }
0x57: {  	_ =	shalt  }
0x58: {  	_ =	shalt  }
0x59: {  	_ =	shalt  }
0x5a: {  	_ =	shalt  }
0x5b: {  	_ =	shalt  }
0x5c: {  	_ =	shalt  }
0x5d: {  	_ =	shalt  }
0x5e: {  	_ =	shalt  }
0x5f: {  	_ =	shalt  }
0x60: {  	_ =	shalt  }
0x61: {  	_ =	shalt  }
0x62: {  	_ =	shalt  }
0x63: {  	_ =	shalt  }
0x64: {  	_ =	shalt  }
0x65: {  	_ =	shalt  }
0x66: {  	_ =	shalt  }
0x67: {  	_ =	shalt  }
0x68: {  	_ =	shalt  }
0x69: {  	_ =	shalt  }
0x6a: {  	_ =	shalt  }
0x6b: {  	_ =	shalt  }
0x6c: {  	_ =	shalt  }
0x6d: {  	_ =	shalt  }
0x6e: {  	_ =	shalt  }
0x6f: {  	_ =	shalt  }
0x70: {  	_ =	shalt  }
0x71: {  	_ =	shalt  }
0x72: {  	_ =	shalt  }
0x73: {  	_ =	shalt  }
0x74: {  	_ =	shalt  }
0x75: {  	_ =	shalt  }
0x76: {  	_ =	shalt  }
0x77: {  	_ =	shalt  }
0x78: {  	_ =	shalt  }
0x79: {  	_ =	shalt  }
0x7a: {  	_ =	shalt  }
0x7b: {  	_ =	shalt  }
0x7c: {  	_ =	shalt  }
0x7d: {  	_ =	shalt  }
0x7e: {  	_ =	shalt  }
0x7f: {  	_ =	shalt  }
0x80: {  	_ =	shalt  }
0x81: {  	_ =	shalt  }
0x82: {  	_ =	shalt  }
0x83: {  	_ =	shalt  }
0x84: {  	_ =	shalt  }
0x85: {  	_ =	shalt  }
0x86: {  	_ =	shalt  }
0x87: {  	_ =	shalt  }
.Lfunc_end0:
.L_simem_size_0:
called_computation.2_lowered:
.L_overlay_start_0:
0x88: {  	s2 =	sld [smem:$0x3FD9]  }
0x89: {  	s3 =	sld [smem:$0x3FFE];
	_ =	sdelay $0x1  }
0x8a: {  	s1 =	srdreg.scid  }
0x8b: {  	s0 =	sand.u32 $0x1, s1  }
0x8c: {  	s16 =	sshll.u32 s0, $0xA;
	s2 =	sadd.s32 s3, s2  }
0x8d: {  	s2 =	sadd.s32 s2, s16  }
0x8e: {  	[smem:$0x3FBD] =	sst s2  }
0x8f: {  	_ = 	snop  }
0x90: {  	(tm) =	ssettm $0x1  }
0x91: {  	s17 =	sld [smem:$0x3FFB];
	_ =	sdelay $0x3  }
0x92: {  	_ =	strace s17  }
0x93: {  	s2 =	sld [smem:$0x3FFC];
	_ =	sdelay $0x3  }
0x94: {  	_ =	strace s2  }
0x95: {  	s2 =	sld [smem:$0x3FFD];
	_ =	sdelay $0x3  }
0x96: {  	_ =	strace s2  }
0x97: {  	_ =	strace $0x8FFFFFFF  }
0x98: {  	s18 =	sld [smem:$0x3FDB];
	_ =	sdelay $0x1  }
0x99: {  	s19 =	simm.s32 $_scs_section_size  }
0x9a: {  	s4 =	simm.s32 $_size__tile_overlayer_lowered;
	s5 =	simm.s32 $_tile_overlayer_lowered  }
0x9b: {  	s22 =	simm.s32 $0x1BFF;
	s21 =	sshll.u32 s5, $0x1;
	s2 =	sadd.s32 s19, s18  }
0x9c: {  	s6 =	simm.s32 $0x0;
	s20 =	sshll.u32 s4, $0x1;
	s4 =	sadd.s32 s21, s2  }
0x9d: {  	[timem:s6], [sflag:s22] =	dma.local [hbm:s4], s20  }
0x9e: {  	_ =	swait.ge [sflag:s22], s20  }
0x9f: {  	s3 =	ssub.s32 $0x0, s20;
	[sflag:s22] =	ssyncset.done $0x0  }
0xa0: {  	[sflag:s22] =	ssyncadd.s32 s3;
	_ =	sdelay $0x1  }
0xa1: {  	s23 =	simm.s32 $0x1B8B  }
0xa2: {  	_ =	swait.ge [sflag:s23], $0x1  }
0xa3: {  	[sflag:s23] =	ssyncset.done $0x0  }
0xa4: {  	s25 =	simm.s32 $0x1B8E;
	s24 =	sld [smem:$0x3FFE];
	[sflag:s23] =	ssyncadd.s32 $0xFFFFFFFF  }
0xa5: {  	s26 =	simm.s32 $execute0_lowered;
	[smem:$0x3FD2] =	sst s25  }
0xa6: {  	s4 =	sshll.u32 s26, $0x1;
	_ =	strace $0x8000004C;
	[dreg:$0x1] =	wrdreg $0xFFFFFFFF  }
0xa7: {  	s28 =	simm.s32 $_size_execute0_lowered;
	s2 =	sadd.s32 s2, s4;
	[dreg:$0x0] =	wrdreg $0x0  }
0xa8: {  	s4 =	sshll.u32 s28, $0x1;
	[dreg:$0x2] =	wrdreg s2  }
0xa9: {  	[dreg:$0x3] =	wrdreg s4  }
0xaa: {  	[dreg:$0x4] =	wrdreg $0xC0  }
0xab: {  	_ =	task [dreg:s6], $0x5FFFF  }
0xac: {  	[dreg:$0x1] =	wrdreg $0xFFFFFFFF  }
0xad: {  	[dreg:$0x0] =	wrdreg $0x60  }
0xae: {  	[dreg:$0x2] =	wrdreg s24  }
0xaf: {  	[dreg:$0x3] =	wrdreg $0xA8000  }
0xb0: {  	[dreg:$0x4] =	wrdreg $0x9  }
0xb1: {  	_ =	task.clear_ibuf [dreg:s6], $0x5FFFF;
	_ =	strace $0x9000004C  }
0xb2: {  	s29 =	simm.s32 $0x9;
	_ =	strace $0x8000004E  }
0xb3: {  	_ =	swait.ge [sflag:s29], $0x1  }
0xb4: {  	[sflag:s29] =	ssyncadd.s32 $0xFFFFFFFF  }
0xb5: {  	_ =	strace $0x9000004E  }
0xb6: {  	_ =	sfence  }
0xb7: {  	s30 =	sld [smem:$0x0];
	_ =	sdelay $0x2  }
0xb8: {  	s31 =	sshll.u32 s1, $0xD;
	s1 =	sshrl.u32 s1, $0x2  }
0xb9: {  	s3 =	sand.u32 $0x4000, s31;
	s1 =	sadd.s32 s1, s30  }
0xba: {  	s0 =	sor.u32 s3, s0;
	s1 =	sshll.u32 s1, $0x11  }
0xbb: {  	s0 =	sor.u32 s1, s0  }
0xbc: {  	s0 =	sadd.s32 $0x8F2B, s0  }
0xbd: {  	[sflag:s0] =	ssyncadd.remote.s32 $0x1  }
0xbe: {  	_ =	sfence.sel $0xFFFF  }
0xbf: {  	[dreg:$0x0] =	wrdreg $0xFFFFFFFF;
	(pc) =	sbr.abs _section_cstart, $3  }
0xc0: {  	[dreg:$0x1] =	wrdreg $0xFFFFFFFF  }
0xc1: {  	_ =	task.clear_ibuf [dreg:s6], $0x2FFFF;
	_ =	strace $0x9FFFFFFF  }
0xc2: {  	(tm) =	ssettm $0x7FFFFFFF  }
0xc3: {  	_ =	shalt  }
tec
execute0_lowered:
.L_overlay_start_1:
0x0: {  	(tag) =	ssettag $0x1  }
0x1: {  	s0 =	rddreg [dreg:$0x0]  }
0x2: {  	s3 =	srdreg.scid;
	s12 =	stileid.u32  }
0x3: {  	s1 =	rddreg [dreg:$0x1];
	s3 =	sand.u32 $0x1, s3;
	s9 =	smul.u32 $0x50000, s12  }
0x4: {  	s7 =	smul.u32 $0x28000, s3;
	s6 =	sshll.u32 s3, $0x4;
	s3 =	ssub.s32 $0x2, s3  }
0x5: {  	s2 =	simm.s32 $0x0;
	s10 =	sshrl.u32 s3, $0x1;
	s9 =	sshrl.u32 s9, $0x2  }
0x6: {  	[smem:$0x7FF] =	sst s2;
	s3 =	ssub.s32 s3, s10;
	s25 =	sadd.s32 s9, s1  }
0x7: {  	_ =	strace $0x8000004D;
	s3 =	smax.u32 s3, $0x1;
	[dreg:$0x3] =	wrdreg s25  }
0x8: {  	s9 =	sadd.s32 $0x800, s25;
	[dreg:$0x6] =	wrdreg s3  }
0x9: {  	s10 =	sadd.s32 $0x1000, s25;
	[dreg:$0x7] =	wrdreg s9  }
0xa: {  	s13 =	sadd.s32 $0x2800, s25;
	[dreg:$0x8] =	wrdreg s10  }
0xb: {  	s14 =	sadd.s32 $0x3000, s25;
	[dreg:$0xb] =	wrdreg s13  }
0xc: {  	s15 =	sadd.s32 $0x3800, s25;
	[dreg:$0xc] =	wrdreg s14  }
0xd: {  	s16 =	sadd.s32 $0x4000, s25;
	[dreg:$0xd] =	wrdreg s15  }
0xe: {  	s4 =	sadd.s32 $0x3F800, s0;
	s17 =	sadd.s32 $0x4800, s25;
	[dreg:$0xe] =	wrdreg s16  }
0xf: {  	s5 =	sadd.s32 $0x35800, s0;
	s18 =	sadd.s32 $0x5000, s25;
	[dreg:$0xf] =	wrdreg s17  }
0x10: {  	s8 =	sor.u32 s12, s6;
	s19 =	sadd.s32 $0x5800, s25;
	[dreg:$0x10] =	wrdreg s18  }
0x11: {  	s6 =	sadd.s32 $0x2B800, s0;
	s20 =	sadd.s32 $0x6000, s25;
	[dreg:$0x11] =	wrdreg s19  }
0x12: {  	s11 =	smul.u32 $0x50, s8;
	s21 =	sadd.s32 $0x6800, s25;
	[dreg:$0x13] =	wrdreg s20  }
0x13: {  	s8 =	smul.u32 $0x500, s8;
	s22 =	sadd.s32 $0x7000, s25;
	[dreg:$0x14] =	wrdreg s21  }
0x14: {  	s0 =	sadd.s32 s7, s0;
	s7 =	sadd.s32 $0xA000, s25;
	[dreg:$0x15] =	wrdreg s22  }
0x15: {  	s23 =	sadd.s32 s5, s8;
	[dreg:$0x1b] =	wrdreg s7  }
0x16: {  	s24 =	sadd.s32 s6, s8;
	[dreg:$0x4] =	wrdreg s23  }
0x17: {  	s26 =	sadd.s32 $0x10, s11;
	[dreg:$0x5] =	wrdreg s24  }
0x18: {  	s29 =	sadd.s32 $0x20, s11;
	[smem:$0x7ED] =	sst s26  }
0x19: {  	s11 =	sadd.s32 $0x1800, s25;
	[smem:$0x7EE] =	sst s29  }
0x1a: {  	s8 =	smul.u32 $0x2800, s12;
	s12 =	sadd.s32 $0x2000, s25;
	[dreg:$0x9] =	wrdreg s11  }
0x1b: {  	s3 =	sadd.s32 $0x9800, s25;
	[dreg:$0xa] =	wrdreg s12  }
0x1c: {  	s9 =	sadd.s32 $0xB000, s25;
	[dreg:$0x1a] =	wrdreg s3  }
0x1d: {  	s10 =	sadd.s32 $0xB800, s25;
	[dreg:$0x1d] =	wrdreg s9  }
0x1e: {  	s13 =	sadd.s32 $0xD000, s25;
	[dreg:$0x1e] =	wrdreg s10  }
0x1f: {  	s14 =	sadd.s32 $0xD800, s25;
	[smem:$0x7F0] =	sst s13  }
0x20: {  	s15 =	sadd.s32 $0xE000, s25;
	[smem:$0x7F1] =	sst s14  }
0x21: {  	s16 =	sadd.s32 $0xE800, s25;
	[smem:$0x7F2] =	sst s15  }
0x22: {  	s17 =	sadd.s32 $0xF000, s25;
	[smem:$0x7F3] =	sst s16  }
0x23: {  	s30 =	simm.s32 $0x1D80;
	s18 =	sadd.s32 $0xF800, s25;
	[smem:$0x7F4] =	sst s17  }
0x24: {  	s31 =	simm.s32 $0x1780;
	s19 =	sadd.s32 $0x10000, s25;
	[smem:$0x7F5] =	sst s18  }
0x25: {  	s28 =	simm.s32 $0x1F80;
	s20 =	sadd.s32 $0x10800, s25;
	[smem:$0x7F6] =	sst s19  }
0x26: {  	s0 =	sadd.s32 $0x67800, s0;
	s21 =	sadd.s32 $0x11000, s25;
	[smem:$0x7F7] =	sst s20  }
0x27: {  	s22 =	sadd.s32 $0x11800, s25;
	s23 =	sadd.s32 $0x7800, s25;
	[smem:$0x7F8] =	sst s21  }
0x28: {  	s24 =	sadd.s32 $0x8000, s25;
	s26 =	sadd.s32 $0x8800, s25;
	[smem:$0x7F9] =	sst s22  }
0x29: {  	s29 =	sadd.s32 $0x9000, s25;
	s11 =	sadd.s32 $0xC000, s25;
	[dreg:$0x16] =	wrdreg s23  }
0x2a: {  	s12 =	sadd.s32 $0xC800, s25;
	s3 =	simm.s32 $0x5;
	[dreg:$0x17] =	wrdreg s24  }
0x2b: {  	s13 =	simm.s32 $0x80;
	s14 =	simm.s32 $0x2000;
	[dreg:$0x18] =	wrdreg s26  }
0x2c: {  	s15 =	simm.s32 $0x6000;
	s16 =	simm.s32 $0x1;
	[dreg:$0x19] =	wrdreg s29  }
0x2d: {  	s17 =	simm.s32 $0x6;
	s19 =	simm.s32 $0x2;
	[dreg:$0x1f] =	wrdreg s11  }
0x2e: {  	s9 =	simm.s32 $0x1000;
	s0 =	sadd.s32 s8, s0;
	[smem:$0x7EF] =	sst s12  }
0x2f: {  	s10 =	simm.s32 $0x800;
	s8 =	sadd.s32 $0xA800, s25;
	[dreg:$0x12] =	wrdreg s0  }
0x30: {  	s22 =	simm.s32 $0x1600;
	s23 =	sadd.s32 $0x12000, s25;
	[dreg:$0x1c] =	wrdreg s8  }
0x31: {  	s21 =	simm.s32 $0x1680;
	s24 =	sadd.s32 $0x12800, s25;
	[smem:$0x7FA] =	sst s23  }
0x32: {  	s20 =	simm.s32 $0x1700;
	s26 =	sadd.s32 $0x13000, s25;
	[smem:$0x7FB] =	sst s24  }
0x33: {  	s29 =	sadd.s32 $0x13800, s25;
	s12 =	simm.s32 $0x3;
	[smem:$0x7FC] =	sst s26  }
0x34: {  	[smem:$0x7FD] =	sst s29;
	s0 =	simm.s32 $0x800;
	s24 =	simm.s32 $0x4  }
0x35: {  	v0 =	vimm.f32 $0.0e+00;
	s8 =	simm.s32 $0x0;
	s26 =	simm.s32 $0x1E00;
	s23 =	simm.s32 $0x1F00  }
.LBB2_1:
0x36: {  	[tilespmem:$0xA000] =	vst v0  }
0x37: {  	[tilespmem:$0xA010] =	vst v0  }
0x38: {  	[tilespmem:$0xA020] =	vst v0  }
0x39: {  	[tilespmem:$0xA030] =	vst v0  }
0x3a: {  	[tilespmem:$0xA040] =	vst v0  }
0x3b: {  	[tilespmem:$0xA050] =	vst v0  }
0x3c: {  	[tilespmem:$0xA060] =	vst v0  }
0x3d: {  	[tilespmem:$0xA070] =	vst v0  }
0x3e: {  	[tilespmem:$0xA080] =	vst v0  }
0x3f: {  	[tilespmem:$0xA090] =	vst v0  }
0x40: {  	[tilespmem:$0xA0A0] =	vst v0  }
0x41: {  	[tilespmem:$0xA0B0] =	vst v0  }
0x42: {  	[tilespmem:$0xA0C0] =	vst v0  }
0x43: {  	[tilespmem:$0xA0D0] =	vst v0  }
0x44: {  	[tilespmem:$0xA0E0] =	vst v0  }
0x45: {  	[tilespmem:$0xA0F0] =	vst v0  }
0x46: {  	[tilespmem:$0xA100] =	vst v0  }
0x47: {  	[tilespmem:$0xA110] =	vst v0  }
0x48: {  	[tilespmem:$0xA120] =	vst v0  }
0x49: {  	[tilespmem:$0xA130] =	vst v0  }
0x4a: {  	[tilespmem:$0xA140] =	vst v0  }
0x4b: {  	[tilespmem:$0xA150] =	vst v0  }
0x4c: {  	[tilespmem:$0xA160] =	vst v0  }
0x4d: {  	[tilespmem:$0xA170] =	vst v0  }
0x4e: {  	[tilespmem:$0xA180] =	vst v0  }
0x4f: {  	[tilespmem:$0xA190] =	vst v0  }
0x50: {  	[tilespmem:$0xA1A0] =	vst v0  }
0x51: {  	[tilespmem:$0xA1B0] =	vst v0  }
0x52: {  	[tilespmem:$0xA1C0] =	vst v0  }
0x53: {  	[tilespmem:$0xA1D0] =	vst v0  }
0x54: {  	[tilespmem:$0xA1E0] =	vst v0  }
0x55: {  	[tilespmem:$0xA1F0] =	vst v0  }
0x56: {  	[tilespmem:$0xA200] =	vst v0  }
0x57: {  	[tilespmem:$0xA210] =	vst v0  }
0x58: {  	[tilespmem:$0xA220] =	vst v0  }
0x59: {  	[tilespmem:$0xA230] =	vst v0  }
0x5a: {  	[tilespmem:$0xA240] =	vst v0  }
0x5b: {  	[tilespmem:$0xA250] =	vst v0  }
0x5c: {  	[tilespmem:$0xA260] =	vst v0  }
0x5d: {  	[tilespmem:$0xA270] =	vst v0  }
0x5e: {  	[tilespmem:$0xA280] =	vst v0  }
0x5f: {  	[tilespmem:$0xA290] =	vst v0  }
0x60: {  	[tilespmem:$0xA2A0] =	vst v0  }
0x61: {  	[tilespmem:$0xA2B0] =	vst v0  }
0x62: {  	[tilespmem:$0xA2C0] =	vst v0  }
0x63: {  	[tilespmem:$0xA2D0] =	vst v0  }
0x64: {  	[tilespmem:$0xA2E0] =	vst v0  }
0x65: {  	[tilespmem:$0xA2F0] =	vst v0  }
0x66: {  	[tilespmem:$0xA300] =	vst v0  }
0x67: {  	[tilespmem:$0xA310] =	vst v0  }
0x68: {  	[tilespmem:$0xA320] =	vst v0  }
0x69: {  	[tilespmem:$0xA330] =	vst v0  }
0x6a: {  	[tilespmem:$0xA340] =	vst v0  }
0x6b: {  	[tilespmem:$0xA350] =	vst v0  }
0x6c: {  	[tilespmem:$0xA360] =	vst v0  }
0x6d: {  	[tilespmem:$0xA370] =	vst v0  }
0x6e: {  	[tilespmem:$0xA380] =	vst v0  }
0x6f: {  	[tilespmem:$0xA390] =	vst v0  }
0x70: {  	[tilespmem:$0xA3A0] =	vst v0  }
0x71: {  	[tilespmem:$0xA3B0] =	vst v0  }
0x72: {  	[tilespmem:$0xA3C0] =	vst v0  }
0x73: {  	[tilespmem:$0xA3D0] =	vst v0  }
0x74: {  	[tilespmem:$0xA3E0] =	vst v0  }
0x75: {  	[tilespmem:$0xA3F0] =	vst v0  }
0x76: {  	[tilespmem:$0xA400] =	vst v0  }
0x77: {  	[tilespmem:$0xA410] =	vst v0  }
0x78: {  	[tilespmem:$0xA420] =	vst v0  }
0x79: {  	[tilespmem:$0xA430] =	vst v0  }
0x7a: {  	[tilespmem:$0xA440] =	vst v0  }
0x7b: {  	[tilespmem:$0xA450] =	vst v0  }
0x7c: {  	[tilespmem:$0xA460] =	vst v0  }
0x7d: {  	[tilespmem:$0xA470] =	vst v0  }
0x7e: {  	[tilespmem:$0xA480] =	vst v0  }
0x7f: {  	[tilespmem:$0xA490] =	vst v0  }
0x80: {  	[tilespmem:$0xA4A0] =	vst v0  }
0x81: {  	[tilespmem:$0xA4B0] =	vst v0  }
0x82: {  	[tilespmem:$0xA4C0] =	vst v0  }
0x83: {  	[tilespmem:$0xA4D0] =	vst v0  }
0x84: {  	[tilespmem:$0xA4E0] =	vst v0  }
0x85: {  	[tilespmem:$0xA4F0] =	vst v0  }
0x86: {  	[tilespmem:$0xA500] =	vst v0  }
0x87: {  	[tilespmem:$0xA510] =	vst v0  }
0x88: {  	[tilespmem:$0xA520] =	vst v0  }
0x89: {  	[tilespmem:$0xA530] =	vst v0  }
0x8a: {  	[tilespmem:$0xA540] =	vst v0  }
0x8b: {  	[tilespmem:$0xA550] =	vst v0  }
0x8c: {  	[tilespmem:$0xA560] =	vst v0  }
0x8d: {  	[tilespmem:$0xA570] =	vst v0  }
0x8e: {  	[tilespmem:$0xA580] =	vst v0  }
0x8f: {  	[tilespmem:$0xA590] =	vst v0  }
0x90: {  	[tilespmem:$0xA5A0] =	vst v0  }
0x91: {  	[tilespmem:$0xA5B0] =	vst v0  }
0x92: {  	[tilespmem:$0xA5C0] =	vst v0  }
0x93: {  	[tilespmem:$0xA5D0] =	vst v0  }
0x94: {  	[tilespmem:$0xA5E0] =	vst v0  }
0x95: {  	[tilespmem:$0xA5F0] =	vst v0  }
0x96: {  	[tilespmem:$0xA600] =	vst v0  }
0x97: {  	[tilespmem:$0xA610] =	vst v0  }
0x98: {  	[tilespmem:$0xA620] =	vst v0  }
0x99: {  	[tilespmem:$0xA630] =	vst v0  }
0x9a: {  	[tilespmem:$0xA640] =	vst v0  }
0x9b: {  	[tilespmem:$0xA650] =	vst v0  }
0x9c: {  	[tilespmem:$0xA660] =	vst v0  }
0x9d: {  	[tilespmem:$0xA670] =	vst v0  }
0x9e: {  	[tilespmem:$0xA680] =	vst v0  }
0x9f: {  	[tilespmem:$0xA690] =	vst v0  }
0xa0: {  	[tilespmem:$0xA6A0] =	vst v0  }
0xa1: {  	[tilespmem:$0xA6B0] =	vst v0  }
0xa2: {  	[tilespmem:$0xA6C0] =	vst v0  }
0xa3: {  	[tilespmem:$0xA6D0] =	vst v0  }
0xa4: {  	[tilespmem:$0xA6E0] =	vst v0  }
0xa5: {  	[tilespmem:$0xA6F0] =	vst v0  }
0xa6: {  	[tilespmem:$0xA700] =	vst v0  }
0xa7: {  	[tilespmem:$0xA710] =	vst v0  }
0xa8: {  	[tilespmem:$0xA720] =	vst v0  }
0xa9: {  	[tilespmem:$0xA730] =	vst v0  }
0xaa: {  	[tilespmem:$0xA740] =	vst v0  }
0xab: {  	[tilespmem:$0xA750] =	vst v0  }
0xac: {  	[tilespmem:$0xA760] =	vst v0  }
0xad: {  	[tilespmem:$0xA770] =	vst v0  }
0xae: {  	[tilespmem:$0xA780] =	vst v0  }
0xaf: {  	[tilespmem:$0xA790] =	vst v0  }
0xb0: {  	[tilespmem:$0xA7A0] =	vst v0  }
0xb1: {  	[tilespmem:$0xA7B0] =	vst v0  }
0xb2: {  	[tilespmem:$0xA7C0] =	vst v0  }
0xb3: {  	[tilespmem:$0xA7D0] =	vst v0  }
0xb4: {  	[smem:$0x7EC] =	sst s8;
	[tilespmem:$0xA7E0] =	vst v0  }
0xb5: {  	[tilespmem:$0xA7F0] =	vst v0;
	s18 =	simm.s32 $0xA000;
	s7 =	rddreg [dreg:$0x7]  }
0xb6: {  	[spmem:s25] =	stream.linear.scatter [tilespmem:s18], [sflag:$0x5], $0x800, $0x38;
	[tilespmem:$0x1E800] =	vst v63  }
0xb7: {  	s8 =	rddreg [dreg:$0x8]  }
0xb8: {  	[spmem:s7] =	stream.linear.scatter [tilespmem:s18], [sflag:$0x5], $0x800, $0x38;
	[tilespmem:$0x1E800] =	vst v63  }
0xb9: {  	s11 =	rddreg [dreg:$0x9]  }
0xba: {  	[spmem:s8] =	stream.linear.scatter [tilespmem:s18], [sflag:$0x5], $0x800, $0x38;
	[tilespmem:$0x1E800] =	vst v63  }
0xbb: {  	s29 =	rddreg [dreg:$0xb]  }
0xbc: {  	[spmem:s11] =	stream.linear.scatter [tilespmem:s18], [sflag:$0x5], $0x800, $0x38;
	[tilespmem:$0x1E800] =	vst v63  }
0xbd: {  	s25 =	rddreg [dreg:$0xa]  }
0xbe: {  	[spmem:s25] =	stream.linear.scatter [tilespmem:s18], [sflag:$0x5], $0x800, $0x38;
	[tilespmem:$0x1E800] =	vst v63  }
0xbf: {  	s8 =	rddreg [dreg:$0xc]  }
0xc0: {  	[spmem:s29] =	stream.linear.scatter [tilespmem:s18], [sflag:$0x5], $0x800, $0x38;
	[tilespmem:$0x1E800] =	vst v63  }
0xc1: {  	s11 =	rddreg [dreg:$0xd]  }
0xc2: {  	[spmem:s8] =	stream.linear.scatter [tilespmem:s18], [sflag:$0x5], $0x800, $0x38;
	[tilespmem:$0x1E800] =	vst v63  }
0xc3: {  	s25 =	rddreg [dreg:$0xe]  }
0xc4: {  	[spmem:s11] =	stream.linear.scatter [tilespmem:s18], [sflag:$0x5], $0x800, $0x38;
	[tilespmem:$0x1E800] =	vst v63  }
0xc5: {  	s29 =	rddreg [dreg:$0xf]  }
0xc6: {  	[spmem:s25] =	stream.linear.scatter [tilespmem:s18], [sflag:$0x5], $0x800, $0x38;
	[tilespmem:$0x1E800] =	vst v63  }
0xc7: {  	s8 =	rddreg [dreg:$0x10]  }
0xc8: {  	[spmem:s29] =	stream.linear.scatter [tilespmem:s18], [sflag:$0x5], $0x800, $0x38;
	[tilespmem:$0x1E800] =	vst v63  }
0xc9: {  	s11 =	rddreg [dreg:$0x11]  }
0xca: {  	[spmem:s8] =	stream.linear.scatter [tilespmem:s18], [sflag:$0x5], $0x800, $0x38;
	[tilespmem:$0x1E800] =	vst v63  }
0xcb: {  	s25 =	rddreg [dreg:$0x13]  }
0xcc: {  	[spmem:s11] =	stream.linear.scatter [tilespmem:s18], [sflag:$0x5], $0x800, $0x38;
	[tilespmem:$0x1E800] =	vst v63  }
0xcd: {  	s29 =	rddreg [dreg:$0x14]  }
0xce: {  	[spmem:s25] =	stream.linear.scatter [tilespmem:s18], [sflag:$0x5], $0x800, $0x38;
	[tilespmem:$0x1E800] =	vst v63  }
0xcf: {  	s8 =	rddreg [dreg:$0x15]  }
0xd0: {  	[spmem:s29] =	stream.linear.scatter [tilespmem:s18], [sflag:$0x5], $0x800, $0x38;
	[tilespmem:$0x1E800] =	vst v63  }
0xd1: {  	s11 =	rddreg [dreg:$0x16]  }
0xd2: {  	[spmem:s8] =	stream.linear.scatter [tilespmem:s18], [sflag:$0x5], $0x800, $0x38;
	[tilespmem:$0x1E800] =	vst v63  }
0xd3: {  	s25 =	rddreg [dreg:$0x17]  }
0xd4: {  	[spmem:s11] =	stream.linear.scatter [tilespmem:s18], [sflag:$0x5], $0x800, $0x38;
	[tilespmem:$0x1E800] =	vst v63  }
0xd5: {  	s29 =	rddreg [dreg:$0x18]  }
0xd6: {  	[spmem:s25] =	stream.linear.scatter [tilespmem:s18], [sflag:$0x5], $0x800, $0x38;
	[tilespmem:$0x1E800] =	vst v63  }
0xd7: {  	s8 =	rddreg [dreg:$0x19]  }
0xd8: {  	[spmem:s29] =	stream.linear.scatter [tilespmem:s18], [sflag:$0x5], $0x800, $0x38;
	[tilespmem:$0x1E800] =	vst v63  }
0xd9: {  	s11 =	rddreg [dreg:$0x1a]  }
0xda: {  	[spmem:s8] =	stream.linear.scatter [tilespmem:s18], [sflag:$0x5], $0x800, $0x38;
	[tilespmem:$0x1E800] =	vst v63  }
0xdb: {  	s25 =	rddreg [dreg:$0x1b]  }
0xdc: {  	[spmem:s11] =	stream.linear.scatter [tilespmem:s18], [sflag:$0x5], $0x800, $0x38;
	[tilespmem:$0x1E800] =	vst v63  }
0xdd: {  	s29 =	rddreg [dreg:$0x1c]  }
0xde: {  	[spmem:s25] =	stream.linear.scatter [tilespmem:s18], [sflag:$0x5], $0x800, $0x38;
	[tilespmem:$0x1E800] =	vst v63  }
0xdf: {  	s8 =	rddreg [dreg:$0x1d]  }
0xe0: {  	[spmem:s29] =	stream.linear.scatter [tilespmem:s18], [sflag:$0x5], $0x800, $0x38;
	[tilespmem:$0x1E800] =	vst v63  }
0xe1: {  	s11 =	rddreg [dreg:$0x1e]  }
0xe2: {  	[spmem:s8] =	stream.linear.scatter [tilespmem:s18], [sflag:$0x5], $0x800, $0x38;
	[tilespmem:$0x1E800] =	vst v63  }
0xe3: {  	s25 =	rddreg [dreg:$0x1f]  }
0xe4: {  	[spmem:s11] =	stream.linear.scatter [tilespmem:s18], [sflag:$0x5], $0x800, $0x38;
	[tilespmem:$0x1E800] =	vst v63  }
0xe5: {  	s29 =	sld [smem:$0x7EF]  }
0xe6: {  	[spmem:s25] =	stream.linear.scatter [tilespmem:s18], [sflag:$0x5], $0x800, $0x38;
	[tilespmem:$0x1E800] =	vst v63  }
0xe7: {  	s8 =	sld [smem:$0x7F0]  }
0xe8: {  	[spmem:s29] =	stream.linear.scatter [tilespmem:s18], [sflag:$0x5], $0x800, $0x38;
	[tilespmem:$0x1E800] =	vst v63  }
0xe9: {  	s11 =	sld [smem:$0x7F1]  }
0xea: {  	[spmem:s8] =	stream.linear.scatter [tilespmem:s18], [sflag:$0x5], $0x800, $0x38;
	[tilespmem:$0x1E800] =	vst v63  }
0xeb: {  	s25 =	sld [smem:$0x7F2]  }
0xec: {  	[spmem:s11] =	stream.linear.scatter [tilespmem:s18], [sflag:$0x5], $0x800, $0x38;
	[tilespmem:$0x1E800] =	vst v63  }
0xed: {  	s29 =	sld [smem:$0x7F3]  }
0xee: {  	[spmem:s25] =	stream.linear.scatter [tilespmem:s18], [sflag:$0x5], $0x800, $0x38;
	[tilespmem:$0x1E800] =	vst v63  }
0xef: {  	s8 =	sld [smem:$0x7F4]  }
0xf0: {  	[spmem:s29] =	stream.linear.scatter [tilespmem:s18], [sflag:$0x5], $0x800, $0x38;
	[tilespmem:$0x1E800] =	vst v63  }
0xf1: {  	s11 =	sld [smem:$0x7F5]  }
0xf2: {  	[spmem:s8] =	stream.linear.scatter [tilespmem:s18], [sflag:$0x5], $0x800, $0x38;
	[tilespmem:$0x1E800] =	vst v63  }
0xf3: {  	s25 =	sld [smem:$0x7F6]  }
0xf4: {  	[spmem:s11] =	stream.linear.scatter [tilespmem:s18], [sflag:$0x5], $0x800, $0x38;
	[tilespmem:$0x1E800] =	vst v63  }
0xf5: {  	s29 =	sld [smem:$0x7F7]  }
0xf6: {  	[spmem:s25] =	stream.linear.scatter [tilespmem:s18], [sflag:$0x5], $0x800, $0x38;
	[tilespmem:$0x1E800] =	vst v63  }
0xf7: {  	s8 =	sld [smem:$0x7F8]  }
0xf8: {  	[spmem:s29] =	stream.linear.scatter [tilespmem:s18], [sflag:$0x5], $0x800, $0x38;
	[tilespmem:$0x1E800] =	vst v63  }
0xf9: {  	s11 =	sld [smem:$0x7F9]  }
0xfa: {  	[spmem:s8] =	stream.linear.scatter [tilespmem:s18], [sflag:$0x5], $0x800, $0x38;
	[tilespmem:$0x1E800] =	vst v63  }
0xfb: {  	s25 =	sld [smem:$0x7FA]  }
0xfc: {  	[spmem:s11] =	stream.linear.scatter [tilespmem:s18], [sflag:$0x5], $0x800, $0x38;
	[tilespmem:$0x1E800] =	vst v63  }
0xfd: {  	s29 =	sld [smem:$0x7FB]  }
0xfe: {  	[spmem:s25] =	stream.linear.scatter [tilespmem:s18], [sflag:$0x5], $0x800, $0x38;
	[tilespmem:$0x1E800] =	vst v63  }
0xff: {  	s8 =	sld [smem:$0x7FC]  }
0x100: {  	[spmem:s29] =	stream.linear.scatter [tilespmem:s18], [sflag:$0x5], $0x800, $0x38;
	[tilespmem:$0x1E800] =	vst v63  }
0x101: {  	s11 =	sld [smem:$0x7FD]  }
0x102: {  	[spmem:s8] =	stream.linear.scatter [tilespmem:s18], [sflag:$0x5], $0x800, $0x38;
	[tilespmem:$0x1E800] =	vst v63  }
0x103: {  	_ = 	snop  }
0x104: {  	[spmem:s11] =	stream.linear.scatter [tilespmem:s18], [sflag:$0x5], $0x800, $0x38;
	[tilespmem:$0x1E800] =	vst v63  }
0x105: {  	s25 =	rddreg [dreg:$0x4]  }
0x106: {  	[tilespmem:s2], [sflag:$0x3] =	stream.linear.gather [hbm4b:s25+s2], $0x800, $0x38;
	[tilespmem:$0x1E800] =	vst v63  }
0x107: {  	s29 =	rddreg [dreg:$0x5]  }
0x108: {  	[tilespmem:s0], [sflag:$0x3] =	stream.linear.gather [hbm4b:s29+s2], $0x800, $0x38;
	[tilespmem:$0x1E800] =	vst v63  }
0x109: {  	_ =	swait.ge [sflag:s3], $0x800  }
0x10a: {  	s7 =	simm.s32 $0x27;
	[sflag:s3] =	ssyncset.done $0x0  }
.LBB2_2:
0x10b: {  	p0 =	sne.s32 s7, $0x1;
	s7 =	sadd.s32 $0xFFFFFFFF, s7;
	[sflag:s3] =	ssyncadd.s32 $0xFFFFF800  }
.Ltmp0:
0x10c: {  	(pc) =	sbr.rel @p0 .LBB2_2-.Ltmp0, $3  }
0x10d: {  	_ =	sdelay $0x1  }
0x10e: {  	_ =	swait.ge [sflag:s3], $0x800  }
0x10f: {  	[sflag:s3] =	ssyncset.done $0x0  }
0x110: {  	[sflag:s3] =	ssyncadd.s32 $0xFFFFF800  }
0x111: {  	[bflag:$0x0] =	sbarrier.arrive $0xFFFF  }
0x112: {  	s11 =	sld [smem:$0x7ED]  }
0x113: {  	s7 =	simm.s32 $0x0;
	p0 =	por $0x1, $0x1  }
0x114: {  	s0 =	simm.s32 $0x1800;
	s29 =	simm.s32 $0x1E80;
	s8 =	sld [smem:$0x7EE]  }
.LBB2_4:
0x115: {  	s25 =	sadd.s32 s7, s11  }
0x116: {  	s25 =	sshll.u32 s25, $0x4  }
0x117: {  	s18 =	sadd.s32 s5, s25  }
0x118: {  	[tilespmem:s9], [sflag:$0x4] =	stream.linear.gather [hbm4b:s18+s2], $0x800, $0x38;
	[tilespmem:$0x1E800] =	vst v63  }
0x119: {  	s18 =	sadd.s32 s6, s25  }
0x11a: {  	[tilespmem:s0], [sflag:$0x4] =	stream.linear.gather [hbm4b:s18+s2], $0x800, $0x38;
	[tilespmem:$0x1E800] =	vst v63  }
0x11b: {  	_ =	swait.ge [sflag:s12], $0x800  }
0x11c: {  	[sflag:s12] =	ssyncset.done $0x0  }
0x11d: {  	[sflag:s12] =	ssyncadd.s32 $0xFFFFF800  }
0x11e: {  	_ =	swait.ge [sflag:s12], $0x800  }
0x11f: {  	[sflag:s12] =	ssyncset.done $0x0  }
0x120: {  	[sflag:s12] =	ssyncadd.s32 $0xFFFFF800  }
0x121: {  	[tilespmem:s14], [sflag:$0x1] =	stream.indirect.gather [hbm4b:s4+s13], $0x80, s2, s13, $0xb8;
	[tilespmem:$0x1E800] =	vst v63  }
0x122: {  	_ = 	snop  }
0x123: {  	[tilespmem:s15], [sflag:$0x2] =	stream.indirect.gather [hbm4b:s4+s13], $0x80, s13, s13, $0xb8;
	[tilespmem:$0x1E800] =	vst v63  }
0x124: {  	_ =	swait.ge [sflag:s16], $0x4000  }
0x125: {  	[sflag:s16] =	ssyncset.done $0x0  }
0x126: {  	[sflag:s16] =	ssyncadd.s32 $0xFFFFC000  }
0x127: {  	[spmem:s1] =	stream.indirect.scatter.add.f32 [tilespmem:s14], [sflag:$0x6], $0x80, s10, s13, $0xb8;
	[tilespmem:$0x1E800] =	vst v63  }
0x128: {  	_ =	swait.ge [sflag:s17], $0x4000  }
0x129: {  	[sflag:s17] =	ssyncset.done $0x0  }
0x12a: {  	s18 =	simm.s32 $0x100;
	[sflag:s17] =	ssyncadd.s32 $0xFFFFC000  }
0x12b: {  	[tilespmem:s14], [sflag:$0x1] =	stream.indirect.gather [hbm4b:s4+s13], $0x80, s18, s13, $0xb8;
	[tilespmem:$0x1E800] =	vst v63  }
0x12c: {  	_ =	swait.ge [sflag:s19], $0x4000  }
0x12d: {  	[sflag:s19] =	ssyncset.done $0x0  }
0x12e: {  	s25 =	simm.s32 $0x880;
	[sflag:s19] =	ssyncadd.s32 $0xFFFFC000  }
0x12f: {  	[spmem:s1] =	stream.indirect.scatter.add.f32 [tilespmem:s15], [sflag:$0x6], $0x80, s25, s13, $0xb8;
	[tilespmem:$0x1E800] =	vst v63  }
0x130: {  	_ =	swait.ge [sflag:s17], $0x4000  }
0x131: {  	[sflag:s17] =	ssyncset.done $0x0  }
0x132: {  	s18 =	simm.s32 $0x180;
	[sflag:s17] =	ssyncadd.s32 $0xFFFFC000  }
0x133: {  	[tilespmem:s15], [sflag:$0x2] =	stream.indirect.gather [hbm4b:s4+s13], $0x80, s18, s13, $0xb8;
	[tilespmem:$0x1E800] =	vst v63  }
0x134: {  	_ =	swait.ge [sflag:s16], $0x4000  }
0x135: {  	[sflag:s16] =	ssyncset.done $0x0  }
0x136: {  	s18 =	simm.s32 $0x900;
	[sflag:s16] =	ssyncadd.s32 $0xFFFFC000  }
0x137: {  	[spmem:s1] =	stream.indirect.scatter.add.f32 [tilespmem:s14], [sflag:$0x6], $0x80, s18, s13, $0xb8;
	[tilespmem:$0x1E800] =	vst v63  }
0x138: {  	_ =	swait.ge [sflag:s17], $0x4000  }
0x139: {  	[sflag:s17] =	ssyncset.done $0x0  }
0x13a: {  	s18 =	simm.s32 $0x200;
	[sflag:s17] =	ssyncadd.s32 $0xFFFFC000  }
0x13b: {  	[tilespmem:s14], [sflag:$0x1] =	stream.indirect.gather [hbm4b:s4+s13], $0x80, s18, s13, $0xb8;
	[tilespmem:$0x1E800] =	vst v63  }
0x13c: {  	_ =	swait.ge [sflag:s19], $0x4000  }
0x13d: {  	[sflag:s19] =	ssyncset.done $0x0  }
0x13e: {  	s18 =	simm.s32 $0x980;
	[sflag:s19] =	ssyncadd.s32 $0xFFFFC000  }
0x13f: {  	[spmem:s1] =	stream.indirect.scatter.add.f32 [tilespmem:s15], [sflag:$0x6], $0x80, s18, s13, $0xb8;
	[tilespmem:$0x1E800] =	vst v63  }
0x140: {  	_ =	swait.ge [sflag:s17], $0x4000  }
0x141: {  	[sflag:s17] =	ssyncset.done $0x0  }
0x142: {  	s18 =	simm.s32 $0x280;
	[sflag:s17] =	ssyncadd.s32 $0xFFFFC000  }
0x143: {  	[tilespmem:s15], [sflag:$0x2] =	stream.indirect.gather [hbm4b:s4+s13], $0x80, s18, s13, $0xb8;
	[tilespmem:$0x1E800] =	vst v63  }
0x144: {  	_ =	swait.ge [sflag:s16], $0x4000  }
0x145: {  	[sflag:s16] =	ssyncset.done $0x0  }
0x146: {  	s18 =	simm.s32 $0xA00;
	[sflag:s16] =	ssyncadd.s32 $0xFFFFC000  }
0x147: {  	[spmem:s1] =	stream.indirect.scatter.add.f32 [tilespmem:s14], [sflag:$0x6], $0x80, s18, s13, $0xb8;
	[tilespmem:$0x1E800] =	vst v63  }
0x148: {  	_ =	swait.ge [sflag:s17], $0x4000  }
0x149: {  	[sflag:s17] =	ssyncset.done $0x0  }
0x14a: {  	s18 =	simm.s32 $0x300;
	[sflag:s17] =	ssyncadd.s32 $0xFFFFC000  }
0x14b: {  	[tilespmem:s14], [sflag:$0x1] =	stream.indirect.gather [hbm4b:s4+s13], $0x80, s18, s13, $0xb8;
	[tilespmem:$0x1E800] =	vst v63  }
0x14c: {  	_ =	swait.ge [sflag:s19], $0x4000  }
0x14d: {  	[sflag:s19] =	ssyncset.done $0x0  }
0x14e: {  	s18 =	simm.s32 $0xA80;
	[sflag:s19] =	ssyncadd.s32 $0xFFFFC000  }
0x14f: {  	[spmem:s1] =	stream.indirect.scatter.add.f32 [tilespmem:s15], [sflag:$0x6], $0x80, s18, s13, $0xb8;
	[tilespmem:$0x1E800] =	vst v63  }
0x150: {  	_ =	swait.ge [sflag:s17], $0x4000  }
0x151: {  	[sflag:s17] =	ssyncset.done $0x0  }
0x152: {  	s18 =	simm.s32 $0x380;
	[sflag:s17] =	ssyncadd.s32 $0xFFFFC000  }
0x153: {  	[tilespmem:s15], [sflag:$0x2] =	stream.indirect.gather [hbm4b:s4+s13], $0x80, s18, s13, $0xb8;
	[tilespmem:$0x1E800] =	vst v63  }
0x154: {  	_ =	swait.ge [sflag:s16], $0x4000  }
0x155: {  	[sflag:s16] =	ssyncset.done $0x0  }
0x156: {  	s18 =	simm.s32 $0xB00;
	[sflag:s16] =	ssyncadd.s32 $0xFFFFC000  }
0x157: {  	[spmem:s1] =	stream.indirect.scatter.add.f32 [tilespmem:s14], [sflag:$0x6], $0x80, s18, s13, $0xb8;
	[tilespmem:$0x1E800] =	vst v63  }
0x158: {  	_ =	swait.ge [sflag:s17], $0x4000  }
0x159: {  	[sflag:s17] =	ssyncset.done $0x0  }
0x15a: {  	s18 =	simm.s32 $0x400;
	[sflag:s17] =	ssyncadd.s32 $0xFFFFC000  }
0x15b: {  	[tilespmem:s14], [sflag:$0x1] =	stream.indirect.gather [hbm4b:s4+s13], $0x80, s18, s13, $0xb8;
	[tilespmem:$0x1E800] =	vst v63  }
0x15c: {  	_ =	swait.ge [sflag:s19], $0x4000  }
0x15d: {  	[sflag:s19] =	ssyncset.done $0x0  }
0x15e: {  	s18 =	simm.s32 $0xB80;
	[sflag:s19] =	ssyncadd.s32 $0xFFFFC000  }
0x15f: {  	[spmem:s1] =	stream.indirect.scatter.add.f32 [tilespmem:s15], [sflag:$0x6], $0x80, s18, s13, $0xb8;
	[tilespmem:$0x1E800] =	vst v63  }
0x160: {  	_ =	swait.ge [sflag:s17], $0x4000  }
0x161: {  	[sflag:s17] =	ssyncset.done $0x0  }
0x162: {  	s18 =	simm.s32 $0x480;
	[sflag:s17] =	ssyncadd.s32 $0xFFFFC000  }
0x163: {  	[tilespmem:s15], [sflag:$0x2] =	stream.indirect.gather [hbm4b:s4+s13], $0x80, s18, s13, $0xb8;
	[tilespmem:$0x1E800] =	vst v63  }
0x164: {  	_ =	swait.ge [sflag:s16], $0x4000  }
0x165: {  	[sflag:s16] =	ssyncset.done $0x0  }
0x166: {  	s18 =	simm.s32 $0xC00;
	[sflag:s16] =	ssyncadd.s32 $0xFFFFC000  }
0x167: {  	[spmem:s1] =	stream.indirect.scatter.add.f32 [tilespmem:s14], [sflag:$0x6], $0x80, s18, s13, $0xb8;
	[tilespmem:$0x1E800] =	vst v63  }
0x168: {  	_ =	swait.ge [sflag:s17], $0x4000  }
0x169: {  	[sflag:s17] =	ssyncset.done $0x0  }
0x16a: {  	s18 =	simm.s32 $0x500;
	[sflag:s17] =	ssyncadd.s32 $0xFFFFC000  }
0x16b: {  	[tilespmem:s14], [sflag:$0x1] =	stream.indirect.gather [hbm4b:s4+s13], $0x80, s18, s13, $0xb8;
	[tilespmem:$0x1E800] =	vst v63  }
0x16c: {  	_ =	swait.ge [sflag:s19], $0x4000  }
0x16d: {  	[sflag:s19] =	ssyncset.done $0x0  }
0x16e: {  	s18 =	simm.s32 $0xC80;
	[sflag:s19] =	ssyncadd.s32 $0xFFFFC000  }
0x16f: {  	[spmem:s1] =	stream.indirect.scatter.add.f32 [tilespmem:s15], [sflag:$0x6], $0x80, s18, s13, $0xb8;
	[tilespmem:$0x1E800] =	vst v63  }
0x170: {  	_ =	swait.ge [sflag:s17], $0x4000  }
0x171: {  	[sflag:s17] =	ssyncset.done $0x0  }
0x172: {  	s18 =	simm.s32 $0x580;
	[sflag:s17] =	ssyncadd.s32 $0xFFFFC000  }
0x173: {  	[tilespmem:s15], [sflag:$0x2] =	stream.indirect.gather [hbm4b:s4+s13], $0x80, s18, s13, $0xb8;
	[tilespmem:$0x1E800] =	vst v63  }
0x174: {  	_ =	swait.ge [sflag:s16], $0x4000  }
0x175: {  	[sflag:s16] =	ssyncset.done $0x0  }
0x176: {  	s18 =	simm.s32 $0xD00;
	[sflag:s16] =	ssyncadd.s32 $0xFFFFC000  }
0x177: {  	[spmem:s1] =	stream.indirect.scatter.add.f32 [tilespmem:s14], [sflag:$0x6], $0x80, s18, s13, $0xb8;
	[tilespmem:$0x1E800] =	vst v63  }
0x178: {  	_ =	swait.ge [sflag:s17], $0x4000  }
0x179: {  	[sflag:s17] =	ssyncset.done $0x0  }
0x17a: {  	s18 =	simm.s32 $0x600;
	[sflag:s17] =	ssyncadd.s32 $0xFFFFC000  }
0x17b: {  	[tilespmem:s14], [sflag:$0x1] =	stream.indirect.gather [hbm4b:s4+s13], $0x80, s18, s13, $0xb8;
	[tilespmem:$0x1E800] =	vst v63  }
0x17c: {  	_ =	swait.ge [sflag:s19], $0x4000  }
0x17d: {  	[sflag:s19] =	ssyncset.done $0x0  }
0x17e: {  	s18 =	simm.s32 $0xD80;
	[sflag:s19] =	ssyncadd.s32 $0xFFFFC000  }
0x17f: {  	[spmem:s1] =	stream.indirect.scatter.add.f32 [tilespmem:s15], [sflag:$0x6], $0x80, s18, s13, $0xb8;
	[tilespmem:$0x1E800] =	vst v63  }
0x180: {  	_ =	swait.ge [sflag:s17], $0x4000  }
0x181: {  	[sflag:s17] =	ssyncset.done $0x0  }
0x182: {  	s18 =	simm.s32 $0x680;
	[sflag:s17] =	ssyncadd.s32 $0xFFFFC000  }
0x183: {  	[tilespmem:s15], [sflag:$0x2] =	stream.indirect.gather [hbm4b:s4+s13], $0x80, s18, s13, $0xb8;
	[tilespmem:$0x1E800] =	vst v63  }
0x184: {  	_ =	swait.ge [sflag:s16], $0x4000  }
0x185: {  	[sflag:s16] =	ssyncset.done $0x0  }
0x186: {  	s18 =	simm.s32 $0xE00;
	[sflag:s16] =	ssyncadd.s32 $0xFFFFC000  }
0x187: {  	[spmem:s1] =	stream.indirect.scatter.add.f32 [tilespmem:s14], [sflag:$0x6], $0x80, s18, s13, $0xb8;
	[tilespmem:$0x1E800] =	vst v63  }
0x188: {  	_ =	swait.ge [sflag:s17], $0x4000  }
0x189: {  	[sflag:s17] =	ssyncset.done $0x0  }
0x18a: {  	s18 =	simm.s32 $0x700;
	[sflag:s17] =	ssyncadd.s32 $0xFFFFC000  }
0x18b: {  	[tilespmem:s14], [sflag:$0x1] =	stream.indirect.gather [hbm4b:s4+s13], $0x80, s18, s13, $0xb8;
	[tilespmem:$0x1E800] =	vst v63  }
0x18c: {  	_ =	swait.ge [sflag:s19], $0x4000  }
0x18d: {  	[sflag:s19] =	ssyncset.done $0x0  }
0x18e: {  	s18 =	simm.s32 $0xE80;
	[sflag:s19] =	ssyncadd.s32 $0xFFFFC000  }
0x18f: {  	[spmem:s1] =	stream.indirect.scatter.add.f32 [tilespmem:s15], [sflag:$0x6], $0x80, s18, s13, $0xb8;
	[tilespmem:$0x1E800] =	vst v63  }
0x190: {  	_ =	swait.ge [sflag:s17], $0x4000  }
0x191: {  	[sflag:s17] =	ssyncset.done $0x0  }
0x192: {  	s18 =	simm.s32 $0x780;
	[sflag:s17] =	ssyncadd.s32 $0xFFFFC000  }
0x193: {  	[tilespmem:s15], [sflag:$0x2] =	stream.indirect.gather [hbm4b:s4+s13], $0x80, s18, s13, $0xb8;
	[tilespmem:$0x1E800] =	vst v63  }
0x194: {  	_ =	swait.ge [sflag:s16], $0x4000  }
0x195: {  	[sflag:s16] =	ssyncset.done $0x0  }
0x196: {  	s18 =	simm.s32 $0xF00;
	[sflag:s16] =	ssyncadd.s32 $0xFFFFC000  }
0x197: {  	[spmem:s1] =	stream.indirect.scatter.add.f32 [tilespmem:s14], [sflag:$0x6], $0x80, s18, s13, $0xb8;
	[tilespmem:$0x1E800] =	vst v63  }
0x198: {  	_ =	swait.ge [sflag:s17], $0x4000  }
0x199: {  	[sflag:s17] =	ssyncset.done $0x0  }
0x19a: {  	[sflag:s17] =	ssyncadd.s32 $0xFFFFC000  }
0x19b: {  	_ =	swait.ge [sflag:s19], $0x4000  }
0x19c: {  	[sflag:s19] =	ssyncset.done $0x0  }
0x19d: {  	s18 =	simm.s32 $0xF80;
	[sflag:s19] =	ssyncadd.s32 $0xFFFFC000  }
0x19e: {  	[spmem:s1] =	stream.indirect.scatter.add.f32 [tilespmem:s15], [sflag:$0x6], $0x80, s18, s13, $0xb8;
	[tilespmem:$0x1E800] =	vst v63  }
0x19f: {  	s18 =	sadd.s32 s7, s8;
	_ =	swait.ge [sflag:s17], $0x4000  }
0x1a0: {  	s7 =	sshll.u32 s18, $0x4;
	[sflag:s17] =	ssyncset.done $0x0  }
0x1a1: {  	s18 =	sadd.s32 s5, s7;
	[sflag:s17] =	ssyncadd.s32 $0xFFFFC000  }
0x1a2: {  	[tilespmem:s2], [sflag:$0x3] =	stream.linear.gather [hbm4b:s18+s2], $0x800, $0x38;
	[tilespmem:$0x1E800] =	vst v63  }
0x1a3: {  	s7 =	sadd.s32 s6, s7  }
0x1a4: {  	[tilespmem:s10], [sflag:$0x3] =	stream.linear.gather [hbm4b:s7+s2], $0x800, $0x38;
	[tilespmem:$0x1E800] =	vst v63  }
0x1a5: {  	_ =	swait.ge [sflag:s24], $0x800  }
0x1a6: {  	[sflag:s24] =	ssyncset.done $0x0  }
0x1a7: {  	[sflag:s24] =	ssyncadd.s32 $0xFFFFF800  }
0x1a8: {  	_ =	swait.ge [sflag:s24], $0x800  }
0x1a9: {  	[sflag:s24] =	ssyncset.done $0x0  }
0x1aa: {  	[sflag:s24] =	ssyncadd.s32 $0xFFFFF800  }
0x1ab: {  	[tilespmem:s14], [sflag:$0x1] =	stream.indirect.gather [hbm4b:s4+s13], $0x80, s9, s13, $0xb8;
	[tilespmem:$0x1E800] =	vst v63  }
0x1ac: {  	s18 =	simm.s32 $0x1080  }
0x1ad: {  	[tilespmem:s15], [sflag:$0x2] =	stream.indirect.gather [hbm4b:s4+s13], $0x80, s18, s13, $0xb8;
	[tilespmem:$0x1E800] =	vst v63  }
0x1ae: {  	_ =	swait.ge [sflag:s16], $0x4000  }
0x1af: {  	[sflag:s16] =	ssyncset.done $0x0  }
0x1b0: {  	[sflag:s16] =	ssyncadd.s32 $0xFFFFC000  }
0x1b1: {  	[spmem:s1] =	stream.indirect.scatter.add.f32 [tilespmem:s14], [sflag:$0x6], $0x80, s0, s13, $0xb8;
	[tilespmem:$0x1E800] =	vst v63  }
0x1b2: {  	_ =	swait.ge [sflag:s17], $0x4000  }
0x1b3: {  	[sflag:s17] =	ssyncset.done $0x0  }
0x1b4: {  	s18 =	simm.s32 $0x1100;
	[sflag:s17] =	ssyncadd.s32 $0xFFFFC000  }
0x1b5: {  	[tilespmem:s14], [sflag:$0x1] =	stream.indirect.gather [hbm4b:s4+s13], $0x80, s18, s13, $0xb8;
	[tilespmem:$0x1E800] =	vst v63  }
0x1b6: {  	_ =	swait.ge [sflag:s19], $0x4000  }
0x1b7: {  	[sflag:s19] =	ssyncset.done $0x0  }
0x1b8: {  	s18 =	simm.s32 $0x1880;
	[sflag:s19] =	ssyncadd.s32 $0xFFFFC000  }
0x1b9: {  	[spmem:s1] =	stream.indirect.scatter.add.f32 [tilespmem:s15], [sflag:$0x6], $0x80, s18, s13, $0xb8;
	[tilespmem:$0x1E800] =	vst v63  }
0x1ba: {  	_ =	swait.ge [sflag:s17], $0x4000  }
0x1bb: {  	[sflag:s17] =	ssyncset.done $0x0  }
0x1bc: {  	s18 =	simm.s32 $0x1180;
	[sflag:s17] =	ssyncadd.s32 $0xFFFFC000  }
0x1bd: {  	[tilespmem:s15], [sflag:$0x2] =	stream.indirect.gather [hbm4b:s4+s13], $0x80, s18, s13, $0xb8;
	[tilespmem:$0x1E800] =	vst v63  }
0x1be: {  	_ =	swait.ge [sflag:s16], $0x4000  }
0x1bf: {  	[sflag:s16] =	ssyncset.done $0x0  }
0x1c0: {  	s18 =	simm.s32 $0x1900;
	[sflag:s16] =	ssyncadd.s32 $0xFFFFC000  }
0x1c1: {  	[spmem:s1] =	stream.indirect.scatter.add.f32 [tilespmem:s14], [sflag:$0x6], $0x80, s18, s13, $0xb8;
	[tilespmem:$0x1E800] =	vst v63  }
0x1c2: {  	_ =	swait.ge [sflag:s17], $0x4000  }
0x1c3: {  	[sflag:s17] =	ssyncset.done $0x0  }
0x1c4: {  	s18 =	simm.s32 $0x1200;
	[sflag:s17] =	ssyncadd.s32 $0xFFFFC000  }
0x1c5: {  	[tilespmem:s14], [sflag:$0x1] =	stream.indirect.gather [hbm4b:s4+s13], $0x80, s18, s13, $0xb8;
	[tilespmem:$0x1E800] =	vst v63  }
0x1c6: {  	_ =	swait.ge [sflag:s19], $0x4000  }
0x1c7: {  	[sflag:s19] =	ssyncset.done $0x0  }
0x1c8: {  	s18 =	simm.s32 $0x1980;
	[sflag:s19] =	ssyncadd.s32 $0xFFFFC000  }
0x1c9: {  	[spmem:s1] =	stream.indirect.scatter.add.f32 [tilespmem:s15], [sflag:$0x6], $0x80, s18, s13, $0xb8;
	[tilespmem:$0x1E800] =	vst v63  }
0x1ca: {  	_ =	swait.ge [sflag:s17], $0x4000  }
0x1cb: {  	[sflag:s17] =	ssyncset.done $0x0  }
0x1cc: {  	s18 =	simm.s32 $0x1280;
	[sflag:s17] =	ssyncadd.s32 $0xFFFFC000  }
0x1cd: {  	[tilespmem:s15], [sflag:$0x2] =	stream.indirect.gather [hbm4b:s4+s13], $0x80, s18, s13, $0xb8;
	[tilespmem:$0x1E800] =	vst v63  }
0x1ce: {  	_ =	swait.ge [sflag:s16], $0x4000  }
0x1cf: {  	[sflag:s16] =	ssyncset.done $0x0  }
0x1d0: {  	s18 =	simm.s32 $0x1A00;
	[sflag:s16] =	ssyncadd.s32 $0xFFFFC000  }
0x1d1: {  	[spmem:s1] =	stream.indirect.scatter.add.f32 [tilespmem:s14], [sflag:$0x6], $0x80, s18, s13, $0xb8;
	[tilespmem:$0x1E800] =	vst v63  }
0x1d2: {  	_ =	swait.ge [sflag:s17], $0x4000  }
0x1d3: {  	[sflag:s17] =	ssyncset.done $0x0  }
0x1d4: {  	s18 =	simm.s32 $0x1300;
	[sflag:s17] =	ssyncadd.s32 $0xFFFFC000  }
0x1d5: {  	[tilespmem:s14], [sflag:$0x1] =	stream.indirect.gather [hbm4b:s4+s13], $0x80, s18, s13, $0xb8;
	[tilespmem:$0x1E800] =	vst v63  }
0x1d6: {  	_ =	swait.ge [sflag:s19], $0x4000  }
0x1d7: {  	[sflag:s19] =	ssyncset.done $0x0  }
0x1d8: {  	s18 =	simm.s32 $0x1A80;
	[sflag:s19] =	ssyncadd.s32 $0xFFFFC000  }
0x1d9: {  	[spmem:s1] =	stream.indirect.scatter.add.f32 [tilespmem:s15], [sflag:$0x6], $0x80, s18, s13, $0xb8;
	[tilespmem:$0x1E800] =	vst v63  }
0x1da: {  	_ =	swait.ge [sflag:s17], $0x4000  }
0x1db: {  	[sflag:s17] =	ssyncset.done $0x0  }
0x1dc: {  	s18 =	simm.s32 $0x1380;
	[sflag:s17] =	ssyncadd.s32 $0xFFFFC000  }
0x1dd: {  	[tilespmem:s15], [sflag:$0x2] =	stream.indirect.gather [hbm4b:s4+s13], $0x80, s18, s13, $0xb8;
	[tilespmem:$0x1E800] =	vst v63  }
0x1de: {  	_ =	swait.ge [sflag:s16], $0x4000  }
0x1df: {  	[sflag:s16] =	ssyncset.done $0x0  }
0x1e0: {  	s18 =	simm.s32 $0x1B00;
	[sflag:s16] =	ssyncadd.s32 $0xFFFFC000  }
0x1e1: {  	[spmem:s1] =	stream.indirect.scatter.add.f32 [tilespmem:s14], [sflag:$0x6], $0x80, s18, s13, $0xb8;
	[tilespmem:$0x1E800] =	vst v63  }
0x1e2: {  	_ =	swait.ge [sflag:s17], $0x4000  }
0x1e3: {  	[sflag:s17] =	ssyncset.done $0x0  }
0x1e4: {  	s18 =	simm.s32 $0x1400;
	[sflag:s17] =	ssyncadd.s32 $0xFFFFC000  }
0x1e5: {  	[tilespmem:s14], [sflag:$0x1] =	stream.indirect.gather [hbm4b:s4+s13], $0x80, s18, s13, $0xb8;
	[tilespmem:$0x1E800] =	vst v63  }
0x1e6: {  	_ =	swait.ge [sflag:s19], $0x4000  }
0x1e7: {  	[sflag:s19] =	ssyncset.done $0x0  }
0x1e8: {  	s18 =	simm.s32 $0x1B80;
	[sflag:s19] =	ssyncadd.s32 $0xFFFFC000  }
0x1e9: {  	[spmem:s1] =	stream.indirect.scatter.add.f32 [tilespmem:s15], [sflag:$0x6], $0x80, s18, s13, $0xb8;
	[tilespmem:$0x1E800] =	vst v63  }
0x1ea: {  	_ =	swait.ge [sflag:s17], $0x4000  }
0x1eb: {  	[sflag:s17] =	ssyncset.done $0x0  }
0x1ec: {  	s18 =	simm.s32 $0x1480;
	[sflag:s17] =	ssyncadd.s32 $0xFFFFC000  }
0x1ed: {  	[tilespmem:s15], [sflag:$0x2] =	stream.indirect.gather [hbm4b:s4+s13], $0x80, s18, s13, $0xb8;
	[tilespmem:$0x1E800] =	vst v63  }
0x1ee: {  	_ =	swait.ge [sflag:s16], $0x4000  }
0x1ef: {  	[sflag:s16] =	ssyncset.done $0x0  }
0x1f0: {  	s18 =	simm.s32 $0x1C00;
	[sflag:s16] =	ssyncadd.s32 $0xFFFFC000  }
0x1f1: {  	[spmem:s1] =	stream.indirect.scatter.add.f32 [tilespmem:s14], [sflag:$0x6], $0x80, s18, s13, $0xb8;
	[tilespmem:$0x1E800] =	vst v63  }
0x1f2: {  	_ =	swait.ge [sflag:s17], $0x4000  }
0x1f3: {  	[sflag:s17] =	ssyncset.done $0x0  }
0x1f4: {  	s18 =	simm.s32 $0x1500;
	[sflag:s17] =	ssyncadd.s32 $0xFFFFC000  }
0x1f5: {  	[tilespmem:s14], [sflag:$0x1] =	stream.indirect.gather [hbm4b:s4+s13], $0x80, s18, s13, $0xb8;
	[tilespmem:$0x1E800] =	vst v63  }
0x1f6: {  	_ =	swait.ge [sflag:s19], $0x4000  }
0x1f7: {  	[sflag:s19] =	ssyncset.done $0x0  }
0x1f8: {  	s18 =	simm.s32 $0x1C80;
	[sflag:s19] =	ssyncadd.s32 $0xFFFFC000  }
0x1f9: {  	[spmem:s1] =	stream.indirect.scatter.add.f32 [tilespmem:s15], [sflag:$0x6], $0x80, s18, s13, $0xb8;
	[tilespmem:$0x1E800] =	vst v63  }
0x1fa: {  	_ =	swait.ge [sflag:s17], $0x4000  }
0x1fb: {  	[sflag:s17] =	ssyncset.done $0x0  }
0x1fc: {  	s18 =	simm.s32 $0x1580;
	[sflag:s17] =	ssyncadd.s32 $0xFFFFC000  }
0x1fd: {  	[tilespmem:s15], [sflag:$0x2] =	stream.indirect.gather [hbm4b:s4+s13], $0x80, s18, s13, $0xb8;
	[tilespmem:$0x1E800] =	vst v63  }
0x1fe: {  	_ =	swait.ge [sflag:s16], $0x4000  }
0x1ff: {  	[sflag:s16] =	ssyncset.done $0x0  }
0x200: {  	s18 =	simm.s32 $0x1D00;
	[sflag:s16] =	ssyncadd.s32 $0xFFFFC000  }
0x201: {  	[spmem:s1] =	stream.indirect.scatter.add.f32 [tilespmem:s14], [sflag:$0x6], $0x80, s18, s13, $0xb8;
	[tilespmem:$0x1E800] =	vst v63  }
0x202: {  	_ =	swait.ge [sflag:s17], $0x4000  }
0x203: {  	[sflag:s17] =	ssyncset.done $0x0  }
0x204: {  	[sflag:s17] =	ssyncadd.s32 $0xFFFFC000  }
0x205: {  	[tilespmem:s14], [sflag:$0x1] =	stream.indirect.gather [hbm4b:s4+s13], $0x80, s22, s13, $0xb8;
	[tilespmem:$0x1E800] =	vst v63  }
0x206: {  	_ =	swait.ge [sflag:s19], $0x4000  }
0x207: {  	[sflag:s19] =	ssyncset.done $0x0  }
0x208: {  	[sflag:s19] =	ssyncadd.s32 $0xFFFFC000  }
0x209: {  	[spmem:s1] =	stream.indirect.scatter.add.f32 [tilespmem:s15], [sflag:$0x6], $0x80, s30, s13, $0xb8;
	[tilespmem:$0x1E800] =	vst v63  }
0x20a: {  	_ =	swait.ge [sflag:s17], $0x4000  }
0x20b: {  	[sflag:s17] =	ssyncset.done $0x0  }
0x20c: {  	[sflag:s17] =	ssyncadd.s32 $0xFFFFC000  }
0x20d: {  	[tilespmem:s15], [sflag:$0x2] =	stream.indirect.gather [hbm4b:s4+s13], $0x80, s21, s13, $0xb8;
	[tilespmem:$0x1E800] =	vst v63  }
0x20e: {  	_ =	swait.ge [sflag:s16], $0x4000  }
0x20f: {  	[sflag:s16] =	ssyncset.done $0x0  }
0x210: {  	[sflag:s16] =	ssyncadd.s32 $0xFFFFC000  }
0x211: {  	[spmem:s1] =	stream.indirect.scatter.add.f32 [tilespmem:s14], [sflag:$0x6], $0x80, s26, s13, $0xb8;
	[tilespmem:$0x1E800] =	vst v63  }
0x212: {  	_ =	swait.ge [sflag:s17], $0x4000  }
0x213: {  	[sflag:s17] =	ssyncset.done $0x0  }
0x214: {  	[sflag:s17] =	ssyncadd.s32 $0xFFFFC000  }
0x215: {  	[tilespmem:s14], [sflag:$0x1] =	stream.indirect.gather [hbm4b:s4+s13], $0x80, s20, s13, $0xb8;
	[tilespmem:$0x1E800] =	vst v63  }
0x216: {  	_ =	swait.ge [sflag:s19], $0x4000  }
0x217: {  	[sflag:s19] =	ssyncset.done $0x0  }
0x218: {  	[sflag:s19] =	ssyncadd.s32 $0xFFFFC000  }
0x219: {  	[spmem:s1] =	stream.indirect.scatter.add.f32 [tilespmem:s15], [sflag:$0x6], $0x80, s29, s13, $0xb8;
	[tilespmem:$0x1E800] =	vst v63  }
0x21a: {  	_ =	swait.ge [sflag:s17], $0x4000  }
0x21b: {  	[sflag:s17] =	ssyncset.done $0x0  }
0x21c: {  	[sflag:s17] =	ssyncadd.s32 $0xFFFFC000  }
0x21d: {  	[tilespmem:s15], [sflag:$0x2] =	stream.indirect.gather [hbm4b:s4+s13], $0x80, s31, s13, $0xb8;
	[tilespmem:$0x1E800] =	vst v63  }
0x21e: {  	_ =	swait.ge [sflag:s16], $0x4000  }
0x21f: {  	[sflag:s16] =	ssyncset.done $0x0  }
0x220: {  	[sflag:s16] =	ssyncadd.s32 $0xFFFFC000  }
0x221: {  	[spmem:s1] =	stream.indirect.scatter.add.f32 [tilespmem:s14], [sflag:$0x6], $0x80, s23, s13, $0xb8;
	[tilespmem:$0x1E800] =	vst v63  }
0x222: {  	_ =	swait.ge [sflag:s17], $0x4000  }
0x223: {  	[sflag:s17] =	ssyncset.done $0x0  }
0x224: {  	[sflag:s17] =	ssyncadd.s32 $0xFFFFC000  }
0x225: {  	_ =	swait.ge [sflag:s19], $0x4000  }
0x226: {  	p1 =	por p0, p0;
	[sflag:s19] =	ssyncset.done $0x0  }
.Ltmp1:
0x227: {  	[sflag:s19] =	ssyncadd.s32 $0xFFFFC000;
	(pc) =	sbr.rel @p1 .LBB2_4-.Ltmp1, $4  }
0x228: {  	[spmem:s1] =	stream.indirect.scatter.add.f32 [tilespmem:s15], [sflag:$0x6], $0x80, s28, s13, $0xb8;
	[tilespmem:$0x1E800] =	vst v63  }
0x229: {  	_ =	swait.ge [sflag:s17], $0x4000  }
0x22a: {  	[sflag:s17] =	ssyncset.done $0x0  }
0x22b: {  	p0 =	por $0x0, $0x0;
	s7 =	simm.s32 $0x20;
	[sflag:s17] =	ssyncadd.s32 $0xFFFFC000  }
0x22c: {  	_ =	swait.ge [sflag:s12], $0x800  }
0x22d: {  	[sflag:s12] =	ssyncset.done $0x0  }
0x22e: {  	[sflag:s12] =	ssyncadd.s32 $0xFFFFF800  }
0x22f: {  	_ =	swait.ge [sflag:s12], $0x800  }
0x230: {  	[sflag:s12] =	ssyncset.done $0x0  }
0x231: {  	[sflag:s12] =	ssyncadd.s32 $0xFFFFF800  }
0x232: {  	[tilespmem:s14], [sflag:$0x1] =	stream.indirect.gather [hbm4b:s4+s13], $0x80, s2, s13, $0xb8;
	[tilespmem:$0x1E800] =	vst v63  }
0x233: {  	_ = 	snop  }
0x234: {  	[tilespmem:s15], [sflag:$0x2] =	stream.indirect.gather [hbm4b:s4+s13], $0x80, s13, s13, $0xb8;
	[tilespmem:$0x1E800] =	vst v63  }
0x235: {  	_ =	swait.ge [sflag:s16], $0x4000  }
0x236: {  	[sflag:s16] =	ssyncset.done $0x0  }
0x237: {  	[sflag:s16] =	ssyncadd.s32 $0xFFFFC000  }
0x238: {  	[spmem:s1] =	stream.indirect.scatter.add.f32 [tilespmem:s14], [sflag:$0x6], $0x80, s10, s13, $0xb8;
	[tilespmem:$0x1E800] =	vst v63  }
0x239: {  	_ =	swait.ge [sflag:s17], $0x4000  }
0x23a: {  	[sflag:s17] =	ssyncset.done $0x0  }
0x23b: {  	s0 =	simm.s32 $0x100;
	[sflag:s17] =	ssyncadd.s32 $0xFFFFC000  }
0x23c: {  	[tilespmem:s14], [sflag:$0x1] =	stream.indirect.gather [hbm4b:s4+s13], $0x80, s0, s13, $0xb8;
	[tilespmem:$0x1E800] =	vst v63  }
0x23d: {  	_ =	swait.ge [sflag:s19], $0x4000  }
0x23e: {  	[sflag:s19] =	ssyncset.done $0x0  }
0x23f: {  	[sflag:s19] =	ssyncadd.s32 $0xFFFFC000  }
0x240: {  	[spmem:s1] =	stream.indirect.scatter.add.f32 [tilespmem:s15], [sflag:$0x6], $0x80, s25, s13, $0xb8;
	[tilespmem:$0x1E800] =	vst v63  }
0x241: {  	_ =	swait.ge [sflag:s17], $0x4000  }
0x242: {  	[sflag:s17] =	ssyncset.done $0x0  }
0x243: {  	s11 =	simm.s32 $0x180;
	[sflag:s17] =	ssyncadd.s32 $0xFFFFC000  }
0x244: {  	[tilespmem:s15], [sflag:$0x2] =	stream.indirect.gather [hbm4b:s4+s13], $0x80, s11, s13, $0xb8;
	[tilespmem:$0x1E800] =	vst v63  }
0x245: {  	_ =	swait.ge [sflag:s16], $0x4000  }
0x246: {  	[sflag:s16] =	ssyncset.done $0x0  }
0x247: {  	s18 =	simm.s32 $0x900;
	[sflag:s16] =	ssyncadd.s32 $0xFFFFC000  }
0x248: {  	[spmem:s1] =	stream.indirect.scatter.add.f32 [tilespmem:s14], [sflag:$0x6], $0x80, s18, s13, $0xb8;
	[tilespmem:$0x1E800] =	vst v63  }
0x249: {  	_ =	swait.ge [sflag:s17], $0x4000  }
0x24a: {  	[sflag:s17] =	ssyncset.done $0x0  }
0x24b: {  	s25 =	simm.s32 $0x200;
	[sflag:s17] =	ssyncadd.s32 $0xFFFFC000  }
0x24c: {  	[tilespmem:s14], [sflag:$0x1] =	stream.indirect.gather [hbm4b:s4+s13], $0x80, s25, s13, $0xb8;
	[tilespmem:$0x1E800] =	vst v63  }
0x24d: {  	_ =	swait.ge [sflag:s19], $0x4000  }
0x24e: {  	[sflag:s19] =	ssyncset.done $0x0  }
0x24f: {  	s29 =	simm.s32 $0x980;
	[sflag:s19] =	ssyncadd.s32 $0xFFFFC000  }
0x250: {  	[spmem:s1] =	stream.indirect.scatter.add.f32 [tilespmem:s15], [sflag:$0x6], $0x80, s29, s13, $0xb8;
	[tilespmem:$0x1E800] =	vst v63  }
0x251: {  	_ =	swait.ge [sflag:s17], $0x4000  }
0x252: {  	[sflag:s17] =	ssyncset.done $0x0  }
0x253: {  	s7 =	simm.s32 $0x280;
	[sflag:s17] =	ssyncadd.s32 $0xFFFFC000  }
0x254: {  	[tilespmem:s15], [sflag:$0x2] =	stream.indirect.gather [hbm4b:s4+s13], $0x80, s7, s13, $0xb8;
	[tilespmem:$0x1E800] =	vst v63  }
0x255: {  	_ =	swait.ge [sflag:s16], $0x4000  }
0x256: {  	[sflag:s16] =	ssyncset.done $0x0  }
0x257: {  	s8 =	simm.s32 $0xA00;
	[sflag:s16] =	ssyncadd.s32 $0xFFFFC000  }
0x258: {  	[spmem:s1] =	stream.indirect.scatter.add.f32 [tilespmem:s14], [sflag:$0x6], $0x80, s8, s13, $0xb8;
	[tilespmem:$0x1E800] =	vst v63  }
0x259: {  	_ =	swait.ge [sflag:s17], $0x4000  }
0x25a: {  	[sflag:s17] =	ssyncset.done $0x0  }
0x25b: {  	s11 =	simm.s32 $0x300;
	[sflag:s17] =	ssyncadd.s32 $0xFFFFC000  }
0x25c: {  	[tilespmem:s14], [sflag:$0x1] =	stream.indirect.gather [hbm4b:s4+s13], $0x80, s11, s13, $0xb8;
	[tilespmem:$0x1E800] =	vst v63  }
0x25d: {  	_ =	swait.ge [sflag:s19], $0x4000  }
0x25e: {  	[sflag:s19] =	ssyncset.done $0x0  }
0x25f: {  	s18 =	simm.s32 $0xA80;
	[sflag:s19] =	ssyncadd.s32 $0xFFFFC000  }
0x260: {  	[spmem:s1] =	stream.indirect.scatter.add.f32 [tilespmem:s15], [sflag:$0x6], $0x80, s18, s13, $0xb8;
	[tilespmem:$0x1E800] =	vst v63  }
0x261: {  	_ =	swait.ge [sflag:s17], $0x4000  }
0x262: {  	[sflag:s17] =	ssyncset.done $0x0  }
0x263: {  	s25 =	simm.s32 $0x380;
	[sflag:s17] =	ssyncadd.s32 $0xFFFFC000  }
0x264: {  	[tilespmem:s15], [sflag:$0x2] =	stream.indirect.gather [hbm4b:s4+s13], $0x80, s25, s13, $0xb8;
	[tilespmem:$0x1E800] =	vst v63  }
0x265: {  	_ =	swait.ge [sflag:s16], $0x4000  }
0x266: {  	[sflag:s16] =	ssyncset.done $0x0  }
0x267: {  	s29 =	simm.s32 $0xB00;
	[sflag:s16] =	ssyncadd.s32 $0xFFFFC000  }
0x268: {  	[spmem:s1] =	stream.indirect.scatter.add.f32 [tilespmem:s14], [sflag:$0x6], $0x80, s29, s13, $0xb8;
	[tilespmem:$0x1E800] =	vst v63  }
0x269: {  	_ =	swait.ge [sflag:s17], $0x4000  }
0x26a: {  	[sflag:s17] =	ssyncset.done $0x0  }
0x26b: {  	s7 =	simm.s32 $0x400;
	[sflag:s17] =	ssyncadd.s32 $0xFFFFC000  }
0x26c: {  	[tilespmem:s14], [sflag:$0x1] =	stream.indirect.gather [hbm4b:s4+s13], $0x80, s7, s13, $0xb8;
	[tilespmem:$0x1E800] =	vst v63  }
0x26d: {  	_ =	swait.ge [sflag:s19], $0x4000  }
0x26e: {  	[sflag:s19] =	ssyncset.done $0x0  }
0x26f: {  	s8 =	simm.s32 $0xB80;
	[sflag:s19] =	ssyncadd.s32 $0xFFFFC000  }
0x270: {  	[spmem:s1] =	stream.indirect.scatter.add.f32 [tilespmem:s15], [sflag:$0x6], $0x80, s8, s13, $0xb8;
	[tilespmem:$0x1E800] =	vst v63  }
0x271: {  	_ =	swait.ge [sflag:s17], $0x4000  }
0x272: {  	[sflag:s17] =	ssyncset.done $0x0  }
0x273: {  	s11 =	simm.s32 $0x480;
	[sflag:s17] =	ssyncadd.s32 $0xFFFFC000  }
0x274: {  	[tilespmem:s15], [sflag:$0x2] =	stream.indirect.gather [hbm4b:s4+s13], $0x80, s11, s13, $0xb8;
	[tilespmem:$0x1E800] =	vst v63  }
0x275: {  	_ =	swait.ge [sflag:s16], $0x4000  }
0x276: {  	[sflag:s16] =	ssyncset.done $0x0  }
0x277: {  	s18 =	simm.s32 $0xC00;
	[sflag:s16] =	ssyncadd.s32 $0xFFFFC000  }
0x278: {  	[spmem:s1] =	stream.indirect.scatter.add.f32 [tilespmem:s14], [sflag:$0x6], $0x80, s18, s13, $0xb8;
	[tilespmem:$0x1E800] =	vst v63  }
0x279: {  	_ =	swait.ge [sflag:s17], $0x4000  }
0x27a: {  	[sflag:s17] =	ssyncset.done $0x0  }
0x27b: {  	s25 =	simm.s32 $0x500;
	[sflag:s17] =	ssyncadd.s32 $0xFFFFC000  }
0x27c: {  	[tilespmem:s14], [sflag:$0x1] =	stream.indirect.gather [hbm4b:s4+s13], $0x80, s25, s13, $0xb8;
	[tilespmem:$0x1E800] =	vst v63  }
0x27d: {  	_ =	swait.ge [sflag:s19], $0x4000  }
0x27e: {  	[sflag:s19] =	ssyncset.done $0x0  }
0x27f: {  	s29 =	simm.s32 $0xC80;
	[sflag:s19] =	ssyncadd.s32 $0xFFFFC000  }
0x280: {  	[spmem:s1] =	stream.indirect.scatter.add.f32 [tilespmem:s15], [sflag:$0x6], $0x80, s29, s13, $0xb8;
	[tilespmem:$0x1E800] =	vst v63  }
0x281: {  	_ =	swait.ge [sflag:s17], $0x4000  }
0x282: {  	[sflag:s17] =	ssyncset.done $0x0  }
0x283: {  	s7 =	simm.s32 $0x580;
	[sflag:s17] =	ssyncadd.s32 $0xFFFFC000  }
0x284: {  	[tilespmem:s15], [sflag:$0x2] =	stream.indirect.gather [hbm4b:s4+s13], $0x80, s7, s13, $0xb8;
	[tilespmem:$0x1E800] =	vst v63  }
0x285: {  	_ =	swait.ge [sflag:s16], $0x4000  }
0x286: {  	[sflag:s16] =	ssyncset.done $0x0  }
0x287: {  	s8 =	simm.s32 $0xD00;
	[sflag:s16] =	ssyncadd.s32 $0xFFFFC000  }
0x288: {  	[spmem:s1] =	stream.indirect.scatter.add.f32 [tilespmem:s14], [sflag:$0x6], $0x80, s8, s13, $0xb8;
	[tilespmem:$0x1E800] =	vst v63  }
0x289: {  	_ =	swait.ge [sflag:s17], $0x4000  }
0x28a: {  	[sflag:s17] =	ssyncset.done $0x0  }
0x28b: {  	s11 =	simm.s32 $0x600;
	[sflag:s17] =	ssyncadd.s32 $0xFFFFC000  }
0x28c: {  	[tilespmem:s14], [sflag:$0x1] =	stream.indirect.gather [hbm4b:s4+s13], $0x80, s11, s13, $0xb8;
	[tilespmem:$0x1E800] =	vst v63  }
0x28d: {  	_ =	swait.ge [sflag:s19], $0x4000  }
0x28e: {  	[sflag:s19] =	ssyncset.done $0x0  }
0x28f: {  	s18 =	simm.s32 $0xD80;
	[sflag:s19] =	ssyncadd.s32 $0xFFFFC000  }
0x290: {  	[spmem:s1] =	stream.indirect.scatter.add.f32 [tilespmem:s15], [sflag:$0x6], $0x80, s18, s13, $0xb8;
	[tilespmem:$0x1E800] =	vst v63  }
0x291: {  	_ =	swait.ge [sflag:s17], $0x4000  }
0x292: {  	[sflag:s17] =	ssyncset.done $0x0  }
0x293: {  	s25 =	simm.s32 $0x680;
	[sflag:s17] =	ssyncadd.s32 $0xFFFFC000  }
0x294: {  	[tilespmem:s15], [sflag:$0x2] =	stream.indirect.gather [hbm4b:s4+s13], $0x80, s25, s13, $0xb8;
	[tilespmem:$0x1E800] =	vst v63  }
0x295: {  	_ =	swait.ge [sflag:s16], $0x4000  }
0x296: {  	[sflag:s16] =	ssyncset.done $0x0  }
0x297: {  	s29 =	simm.s32 $0xE00;
	[sflag:s16] =	ssyncadd.s32 $0xFFFFC000  }
0x298: {  	[spmem:s1] =	stream.indirect.scatter.add.f32 [tilespmem:s14], [sflag:$0x6], $0x80, s29, s13, $0xb8;
	[tilespmem:$0x1E800] =	vst v63  }
0x299: {  	_ =	swait.ge [sflag:s17], $0x4000  }
0x29a: {  	[sflag:s17] =	ssyncset.done $0x0  }
0x29b: {  	s7 =	simm.s32 $0x700;
	[sflag:s17] =	ssyncadd.s32 $0xFFFFC000  }
0x29c: {  	[tilespmem:s14], [sflag:$0x1] =	stream.indirect.gather [hbm4b:s4+s13], $0x80, s7, s13, $0xb8;
	[tilespmem:$0x1E800] =	vst v63  }
0x29d: {  	_ =	swait.ge [sflag:s19], $0x4000  }
0x29e: {  	[sflag:s19] =	ssyncset.done $0x0  }
0x29f: {  	s8 =	simm.s32 $0xE80;
	[sflag:s19] =	ssyncadd.s32 $0xFFFFC000  }
0x2a0: {  	[spmem:s1] =	stream.indirect.scatter.add.f32 [tilespmem:s15], [sflag:$0x6], $0x80, s8, s13, $0xb8;
	[tilespmem:$0x1E800] =	vst v63  }
0x2a1: {  	_ =	swait.ge [sflag:s17], $0x4000  }
0x2a2: {  	[sflag:s17] =	ssyncset.done $0x0  }
0x2a3: {  	s11 =	simm.s32 $0x780;
	[sflag:s17] =	ssyncadd.s32 $0xFFFFC000  }
0x2a4: {  	[tilespmem:s15], [sflag:$0x2] =	stream.indirect.gather [hbm4b:s4+s13], $0x80, s11, s13, $0xb8;
	[tilespmem:$0x1E800] =	vst v63  }
0x2a5: {  	_ =	swait.ge [sflag:s16], $0x4000  }
0x2a6: {  	[sflag:s16] =	ssyncset.done $0x0  }
0x2a7: {  	s18 =	simm.s32 $0xF00;
	[sflag:s16] =	ssyncadd.s32 $0xFFFFC000  }
0x2a8: {  	[spmem:s1] =	stream.indirect.scatter.add.f32 [tilespmem:s14], [sflag:$0x6], $0x80, s18, s13, $0xb8;
	[tilespmem:$0x1E800] =	vst v63  }
0x2a9: {  	_ =	swait.ge [sflag:s17], $0x4000  }
0x2aa: {  	[sflag:s17] =	ssyncset.done $0x0  }
0x2ab: {  	[sflag:s17] =	ssyncadd.s32 $0xFFFFC000  }
0x2ac: {  	_ =	swait.ge [sflag:s19], $0x4000  }
0x2ad: {  	[sflag:s19] =	ssyncset.done $0x0  }
0x2ae: {  	s25 =	simm.s32 $0xF80;
	[sflag:s19] =	ssyncadd.s32 $0xFFFFC000  }
0x2af: {  	[spmem:s1] =	stream.indirect.scatter.add.f32 [tilespmem:s15], [sflag:$0x6], $0x80, s25, s13, $0xb8;
	[tilespmem:$0x1E800] =	vst v63  }
0x2b0: {  	_ =	swait.ge [sflag:s17], $0x4000  }
0x2b1: {  	[sflag:s17] =	ssyncset.done $0x0  }
0x2b2: {  	[sflag:s17] =	ssyncadd.s32 $0xFFFFC000  }
0x2b3: {  	s7 =	stileid.u32;
	[bflag:$0x0] =	sbarrier.arrive $0xFFFF  }
0x2b4: {  	s7 =	sshll.u32 s7, $0x6;
	s25 =	rddreg [dreg:$0x3]  }
0x2b5: {  	s7 =	sor.u32 $0x1C06, s7;
	s29 =	rddreg [dreg:$0x12];
	s18 =	sshrl.u32 s25, $0x3  }
0x2b6: {  	[hbm:s29], [sflag:s7] =	dma.local [spmem:s18], $0x2800  }
0x2b7: {  	_ =	swait.ge [sflag:s17], $0x2800  }
0x2b8: {  	s8 =	sld [smem:$0x7EC];
	_ =	sdelay $0x2  }
0x2b9: {  	s29 =	rddreg [dreg:$0x6];
	s8 =	sadd.s32 $0x1, s8  }
0x2ba: {  	p0 =	sne.s32 s8, s29  }
.Ltmp2:
0x2bb: {  	_ = 	snop;
	(pc) =	sbr.rel @p0 .LBB2_1-.Ltmp2, $3  }
0x2bc: {  	_ =	sdelay $0x1  }
0x2bd: {  	[sflag:s17] =	ssyncset.done $0x0  }
0x2be: {  	s0 =	simm.s32 $0x800;
	[sflag:s17] =	ssyncadd.s32 $0xFFFFD800  }
0x2bf: {  	_ =	sfence.sel $0x180000  }
0x2c0: {  	[bflag:$0x0] =	sbarrier.arrive $0xFFFF  }
0x2c1: {  	_ =	strace $0x9000004D  }
0x2c2: {  	s0 =	stileid.u32;
	[bflag:$0x2] =	sbarrier.arrive $0xFFFF  }
0x2c3: {  	p0 =	sne.s32 s0, $0x0;
	s0 =	rddreg [dreg:$0x2]  }
0x2c4: {  	s0 =	sadd.s32 @!p0 $0x100000, s0  }
0x2c5: {  	[sflag:s0] =	ssyncadd.tile.s32 @!p0 $0x1;
	_ =	shalt  }
.Lfunc_end2:
_tile_overlayer_lowered:
.L_overlay_start_2:
0x2c6: {  	(tag) =	ssettag $0x2  }
0x2c7: {  	s0 =	rddreg [dreg:$0x0];
	s2 =	stileid.u32  }
0x2c8: {  	s1 =	rddreg [dreg:$0x1];
	p0 =	sne.s32 s2, $0x0  }
0x2c9: {  	s3 =	rddreg [dreg:$0x2];
	[bflag:$0x3] =	sbarrier.arrive $0xFFFF;
	s2 =	simm.s32 @!p0 $0x1C06  }
0x2ca: {  	[timem:s3], [sflag:s2] =	dma.local @!p0 [hbm:s0], s1  }
0x2cb: {  	s0 =	simm.s32 @!p0 $0x6  }
0x2cc: {  	_ =	swait.ge @!p0 [sflag:s0], s1  }
0x2cd: {  	s1 =	ssub.s32 @!p0 $0x0, s1;
	[sflag:s0] =	ssyncset.done @!p0 $0x0  }
0x2ce: {  	[sflag:s0] =	ssyncadd.s32 @!p0 s1  }
0x2cf: {  	[bflag:$0x3] =	sbarrier.arrive $0xFFFF  }
0x2d0: {  	_ =	shalt  }

</sc_bundles>
